<compile_context>
chip_gen: v7x
topology: tpu7x:2x2x1
jax: 0.10.2.dev20260603
libtpu: 0.0.44.dev20260713+nightly
codegen_flags: <defaults>
</compile_context>

<pallas_src>
import jax
import jax.numpy as jnp
from jax import lax
from jax.experimental import pallas as pl
from jax.experimental.pallas import tpu as pltpu
from jax.experimental.pallas import tpu_sc as plsc

VOCAB = 1000000
D = 32
B, T = 4096, 200
NW = 32
G = 128
NBT = B // G
UNITS = T * NBT
PER_W = UNITS // NW
KU = 8
N_CHUNKS = PER_W // KU
PACK = G // D
DT8 = D // 8

_LANES = 16
_UNROLL = 8
CHUNK = 1024
SUBG = CHUNK // G
PER_W_ROWS = CHUNK * 25


VB = 4096
TQ = VB // PACK


def _tanh16(x):
    t = jnp.exp(x * -2.0)
    return 2.0 / (1.0 + t) - 1.0



def _eye32():
    r = lax.broadcasted_iota(jnp.int32, (D, D), 0)
    c = lax.broadcasted_iota(jnp.int32, (D, D), 1)
    return jnp.where(r == c, 1.0, 0.0).astype(jnp.float32)


def _fmt_body(tt_ref, t4_ref):
    x = tt_ref[...]
    xt = lax.dot_general(x, _eye32(), (((0,), (0,)), ((), ())),
                         preferred_element_type=jnp.float32)
    x3 = xt.reshape(TQ, PACK, D)
    t4_ref[...] = jnp.concatenate([x3[:, j, :] for j in range(PACK)], axis=1)


def _format_table(table):
    return pl.pallas_call(
        _fmt_body,
        grid=(pl.cdiv(VOCAB, VB),),
        in_specs=[pl.BlockSpec((D, VB), lambda g: (0, g))],
        out_specs=pl.BlockSpec((TQ, G), lambda g: (g, 0)),
        out_shape=jax.ShapeDtypeStruct((VOCAB // PACK, G), jnp.float32),
    )(table.T)


def _unt_body(m_ref, z_ref):
    eye = _eye32()
    for bt in range(NBT):
        x = m_ref[0, bt * D:(bt + 1) * D, :]
        y2 = lax.dot_general(x, eye, (((0,), (0,)), ((), ())),
                             preferred_element_type=jnp.float32)
        z2 = jnp.concatenate(
            [y2[D * j:D * (j + 1), :] for j in range(PACK)], axis=1)
        z_ref[0, :, bt] = z2.reshape(DT8, 8, G)


def _untile_out(m2):
    return pl.pallas_call(
        _unt_body,
        grid=(T,),
        in_specs=[pl.BlockSpec((1, NBT * D, G), lambda t: (t, 0, 0))],
        out_specs=pl.BlockSpec(
            (1, DT8, NBT, 8, G), lambda t: (t, 0, 0, 0, 0)),
        out_shape=jax.ShapeDtypeStruct((T, DT8, NBT, 8, G), jnp.float32),
    )(m2)



def _body(table_hbm, idx_hbm, out_hbm, idx_v, rows_v,
          g0, g1, g2, s0, s1, s2):
    gs = (g0, g1, g2)
    ss = (s0, s1, s2)
    wid = lax.axis_index("s") * 2 + lax.axis_index("c")
    w_base = wid * PER_W_ROWS
    w_irow = wid * PER_W

    def load_chunk(c, b):
        pltpu.sync_copy(idx_hbm.at[pl.ds(w_irow + c * SUBG, SUBG)],
                        idx_v.at[b])
        for j in range(SUBG):
            pltpu.async_copy(
                table_hbm.at[idx_v.at[b, j]],
                rows_v.at[b, pl.ds(j * G, G)],
                gs[b],
            )

    def wait_gathers(c, b):
        pltpu.make_async_copy(
            out_hbm.at[pl.ds(w_base + c * CHUNK, CHUNK)],
            rows_v.at[b], gs[b],
        ).wait()

    def store_chunk(c, b):
        pltpu.async_copy(
            rows_v.at[b],
            out_hbm.at[pl.ds(w_base + c * CHUNK, CHUNK)], ss[b],
        )

    def wait_store(c, b):
        pltpu.make_async_copy(
            rows_v.at[b],
            out_hbm.at[pl.ds(w_base + c * CHUNK, CHUNK)], ss[b],
        ).wait()

    def compute(b):
        def row_step(i, _):
            r0 = i * _UNROLL
            for u in range(_UNROLL):
                for h in range(D // _LANES):
                    sl = pl.ds(h * _LANES, _LANES)
                    rows_v[b, r0 + u, sl] = _tanh16(rows_v[b, r0 + u, sl])
            return 0

        lax.fori_loop(0, CHUNK // _UNROLL, row_step, 0)

    def substep(c, b, bn):
        @pl.when(c >= 2)
        def _():
            wait_store(c - 2, bn)

        load_chunk(c + 1, bn)
        wait_gathers(c, b)
        compute(b)
        store_chunk(c, b)

    load_chunk(0, 0)

    def trip(k, _):
        c0 = k * 3
        substep(c0, 0, 1)
        substep(c0 + 1, 1, 2)
        substep(c0 + 2, 2, 0)
        return 0

    lax.fori_loop(0, (N_CHUNKS - 1) // 3, trip, 0)
    wait_store(N_CHUNKS - 3, 1)
    wait_gathers(N_CHUNKS - 1, 0)
    compute(0)
    store_chunk(N_CHUNKS - 1, 0)
    wait_store(N_CHUNKS - 2, 2)
    wait_store(N_CHUNKS - 1, 0)


@jax.jit
def kernel(input_ids, table):
    t4 = _format_table(table)
    tab = t4.reshape(VOCAB, D)
    idxq = (input_ids.astype(jnp.int32).T.reshape(UNITS, PACK, D)
            .transpose(0, 2, 1).reshape(UNITS, G))
    mesh = plsc.VectorSubcoreMesh(core_axis_name="c", subcore_axis_name="s")
    y = pl.kernel(
        _body,
        out_type=jax.ShapeDtypeStruct((UNITS * G, D), jnp.float32),
        mesh=mesh,
        compiler_params=pltpu.CompilerParams(use_tc_tiling_on_sc=False),
        scratch_types=[
            pltpu.VMEM((3, SUBG, G), jnp.int32),
            pltpu.VMEM((3, CHUNK, D), jnp.float32),
        ] + [pltpu.SemaphoreType.DMA] * 6,
    )(tab, idxq)
    m2 = y.reshape(T, NBT * D, G)
    z = _untile_out(m2)
    out = z.transpose(0, 1, 3, 2, 4).reshape(T, D, B).transpose(2, 0, 1)
    return out

# --- scband reference (transcript-rebuilt; emitter-appended) ---
"""Pipeline reference for scband-basic-embedder-14465449853203 (READ-ONLY COPY).

The authoritative reference and input builder live on the scoring server;
editing this copy changes nothing except your own understanding.
"""

import jax, jax.numpy as jnp
import numpy as np

VOCAB_SIZE = 1000000
EMBD_DIM = 32


def setup_inputs(seed: int = 0) -> dict:
    key = jax.random.key(seed)
    k_ids, k_tab = jax.random.split(key)
    input_ids = jax.random.randint(k_ids, (4096, 200), 0, VOCAB_SIZE, dtype=jnp.int64)
    table = jax.random.normal(k_tab, (VOCAB_SIZE, EMBD_DIM), dtype=jnp.float32) * 0.02
    # padding_idx=0 -> row 0 is zeros (nn.Embedding zeroes the padding row at init)
    table = table.at[0].set(0.0)
    return {"input_ids": input_ids, "table": table}


def reference(input_ids, table):
    # BasicEmbedder.forward: embds = tanh(embedding(input_ids))
    embds = jnp.take(table, input_ids, axis=0)
    return jnp.tanh(embds)

if __name__ == "__main__":
    import jax
    _d = setup_inputs()
    print(jax.jit(kernel)(*tuple(_d.values())))

</pallas_src>

<mosaic_0001>
#map = affine_map<(d0, d1) -> (0, 0)>
module attributes {stable_mosaic.version = 14 : i64} {
  func.func @_body(%arg0: i32, %arg1: i32, %arg2: memref<1000000x32xf32, #tpu.memory_space<hbm>>, %arg3: memref<6400x128xi32, #tpu.memory_space<hbm>>, %arg4: memref<819200x32xf32, #tpu.memory_space<hbm>>, %arg5: memref<3x8x128xi32, #tpu.memory_space<vmem>>, %arg6: memref<3x1024x32xf32, #tpu.memory_space<vmem>>, %arg7: memref<!tpu.dma_semaphore, #tpu.memory_space<semaphore_mem>>, %arg8: memref<!tpu.dma_semaphore, #tpu.memory_space<semaphore_mem>>, %arg9: memref<!tpu.dma_semaphore, #tpu.memory_space<semaphore_mem>>, %arg10: memref<!tpu.dma_semaphore, #tpu.memory_space<semaphore_mem>>, %arg11: memref<!tpu.dma_semaphore, #tpu.memory_space<semaphore_mem>>, %arg12: memref<!tpu.dma_semaphore, #tpu.memory_space<semaphore_mem>>) attributes {dimension_semantics = [#tpu.dimension_semantics<core_parallel>, #tpu.dimension_semantics<subcore_parallel>], iteration_bounds = array<i64: 2, 16>, scalar_prefetch = 0 : i64, scratch_operands = 8 : i64, tpu.core_type = #tpu.core_type<sc_vector_subcore>, window_params = [{transform_indices = #map}, {transform_indices = #map}, {transform_indices = #map}]} {
    %mul3A = arith.constant 2 : i32
    %mul3A_0 = arith.muli %arg1, %mul3A : i32
    %add3A = arith.addi %mul3A_0, %arg0 : i32
    %mul3A_1 = arith.constant 25600 : i32
    %mul3A_2 = arith.muli %add3A, %mul3A_1 : i32
    %mul3A_3 = arith.constant 200 : i32
    %mul3A_4 = arith.muli %add3A, %mul3A_3 : i32
    %add3A_5 = arith.constant 0 : i32
    %add3A_6 = arith.addi %mul3A_4, %add3A_5 : i32
    %run_scoped3A = arith.constant 0 : i32
    "tpu.region"() ({
      %run_scoped3A_197 = tpu.sem_alloc : memref<!tpu.dma_semaphore, #tpu.memory_space<semaphore_mem>>
      %dma_start3A_198 = arith.constant 0 : i32
      %dma_start3A_199 = arith.constant 0 : i32
      %dma_start3A_200 = tpu.memref_slice %arg5[%run_scoped3A, %dma_start3A_198, %dma_start3A_199] : memref<3x8x128xi32, #tpu.memory_space<vmem>> -> memref<1x8x128xi32, #tpu.memory_space<vmem>>
      %dma_start3A_201 = tpu.memref_squeeze %dma_start3A_200 : memref<1x8x128xi32, #tpu.memory_space<vmem>> -> memref<8x128xi32, #tpu.memory_space<vmem>>
      %dma_start3A_202 = arith.constant 0 : i32
      %dma_start3A_203 = tpu.memref_slice %arg3[%add3A_6, %dma_start3A_202] : memref<6400x128xi32, #tpu.memory_space<hbm>> -> memref<8x128xi32, #tpu.memory_space<hbm>>
      %dma_start3A_204 = arith.constant 0 : i32
      %dma_start3A_205 = arith.constant 0 : i32
      %dma_start3A_206 = tpu.memref_slice %arg5[%run_scoped3A, %dma_start3A_204, %dma_start3A_205] : memref<3x8x128xi32, #tpu.memory_space<vmem>> -> memref<1x8x128xi32, #tpu.memory_space<vmem>>
      %dma_start3A_207 = tpu.memref_squeeze %dma_start3A_206 : memref<1x8x128xi32, #tpu.memory_space<vmem>> -> memref<8x128xi32, #tpu.memory_space<vmem>>
      %dma_start3A_208 = arith.constant 0 : i32
      %dma_start3A_209 = tpu.memref_slice %arg3[%add3A_6, %dma_start3A_208] : memref<6400x128xi32, #tpu.memory_space<hbm>> -> memref<8x128xi32, #tpu.memory_space<hbm>>
      tpu.enqueue_dma source(%dma_start3A_209 : memref<8x128xi32, #tpu.memory_space<hbm>>) target(%dma_start3A_207 : memref<8x128xi32, #tpu.memory_space<vmem>>) target_semaphore(%run_scoped3A_197 : memref<!tpu.dma_semaphore, #tpu.memory_space<semaphore_mem>>)
      %dma_wait3A_210 = arith.constant 0 : i32
      %dma_wait3A_211 = arith.constant 0 : i32
      %dma_wait3A_212 = tpu.memref_slice %arg5[%run_scoped3A, %dma_wait3A_210, %dma_wait3A_211] : memref<3x8x128xi32, #tpu.memory_space<vmem>> -> memref<1x8x128xi32, #tpu.memory_space<vmem>>
      %dma_wait3A_213 = tpu.memref_squeeze %dma_wait3A_212 : memref<1x8x128xi32, #tpu.memory_space<vmem>> -> memref<8x128xi32, #tpu.memory_space<vmem>>
      %dma_wait3A_214 = arith.constant 0 : i32
      %dma_wait3A_215 = tpu.memref_slice %arg3[%add3A_6, %dma_wait3A_214] : memref<6400x128xi32, #tpu.memory_space<hbm>> -> memref<8x128xi32, #tpu.memory_space<hbm>>
      %dma_wait3A_216 = arith.constant 0 : i32
      %dma_wait3A_217 = arith.constant 0 : i32
      %dma_wait3A_218 = tpu.memref_slice %arg5[%run_scoped3A, %dma_wait3A_216, %dma_wait3A_217] : memref<3x8x128xi32, #tpu.memory_space<vmem>> -> memref<1x8x128xi32, #tpu.memory_space<vmem>>
      %dma_wait3A_219 = tpu.memref_squeeze %dma_wait3A_218 : memref<1x8x128xi32, #tpu.memory_space<vmem>> -> memref<8x128xi32, #tpu.memory_space<vmem>>
      %dma_wait3A_220 = arith.constant 0 : i32
      %dma_wait3A_221 = tpu.memref_slice %arg3[%add3A_6, %dma_wait3A_220] : memref<6400x128xi32, #tpu.memory_space<hbm>> -> memref<8x128xi32, #tpu.memory_space<hbm>>
      tpu.wait_dma2 semaphore(%run_scoped3A_197 : memref<!tpu.dma_semaphore, #tpu.memory_space<semaphore_mem>>) src(%dma_wait3A_221 : memref<8x128xi32, #tpu.memory_space<hbm>>) dst(%dma_wait3A_219 : memref<8x128xi32, #tpu.memory_space<vmem>>)
      tpu.yield
    }) : () -> ()
    %dma_start3A = arith.constant 0 : i32
    %dma_start3A_7 = arith.constant 0 : i32
    %dma_start3A_8 = arith.constant 0 : i32
    %dma_start3A_9 = arith.constant 0 : i32
    %dma_start3A_10 = arith.constant 0 : i32
    %dma_start3A_11 = tpu.memref_slice %arg6[%dma_start3A_8, %dma_start3A_9, %dma_start3A_10] : memref<3x1024x32xf32, #tpu.memory_space<vmem>> -> memref<1x128x32xf32, #tpu.memory_space<vmem>>
    %dma_start3A_12 = tpu.memref_squeeze %dma_start3A_11 : memref<1x128x32xf32, #tpu.memory_space<vmem>> -> memref<128x32xf32, #tpu.memory_space<vmem>>
    %dma_start3A_13 = arith.constant 0 : i32
    %dma_start3A_14 = tpu.memref_slice %arg5[%dma_start3A, %dma_start3A_7, %dma_start3A_13] : memref<3x8x128xi32, #tpu.memory_space<vmem>> -> memref<1x1x128xi32, #tpu.memory_space<vmem>>
    %dma_start3A_15 = tpu.memref_squeeze %dma_start3A_14 : memref<1x1x128xi32, #tpu.memory_space<vmem>> -> memref<128xi32, #tpu.memory_space<vmem>>
    %dma_start3A_16 = arith.constant 0 : i32
    %dma_start3A_17 = arith.constant 0 : i32
    %dma_start3A_18 = tpu.memref_slice %arg2[%dma_start3A_16, %dma_start3A_17] : memref<1000000x32xf32, #tpu.memory_space<hbm>> -> memref<1000000x32xf32, #tpu.memory_space<hbm>>
    tpu.enqueue_indirect_dma source(%dma_start3A_18 : memref<1000000x32xf32, #tpu.memory_space<hbm>>) target(%dma_start3A_12 : memref<128x32xf32, #tpu.memory_space<vmem>>) offsets(%dma_start3A_15 : memref<128xi32, #tpu.memory_space<vmem>>) semaphore(%arg7 : memref<!tpu.dma_semaphore, #tpu.memory_space<semaphore_mem>>)
    %dma_start3A_19 = arith.constant 0 : i32
    %dma_start3A_20 = arith.constant 1 : i32
    %dma_start3A_21 = arith.constant 0 : i32
    %dma_start3A_22 = arith.constant 128 : i32
    %dma_start3A_23 = arith.constant 0 : i32
    %dma_start3A_24 = tpu.memref_slice %arg6[%dma_start3A_21, %dma_start3A_22, %dma_start3A_23] : memref<3x1024x32xf32, #tpu.memory_space<vmem>> -> memref<1x128x32xf32, #tpu.memory_space<vmem>>
    %dma_start3A_25 = tpu.memref_squeeze %dma_start3A_24 : memref<1x128x32xf32, #tpu.memory_space<vmem>> -> memref<128x32xf32, #tpu.memory_space<vmem>>
    %dma_start3A_26 = arith.constant 0 : i32
    %dma_start3A_27 = tpu.memref_slice %arg5[%dma_start3A_19, %dma_start3A_20, %dma_start3A_26] : memref<3x8x128xi32, #tpu.memory_space<vmem>> -> memref<1x1x128xi32, #tpu.memory_space<vmem>>
    %dma_start3A_28 = tpu.memref_squeeze %dma_start3A_27 : memref<1x1x128xi32, #tpu.memory_space<vmem>> -> memref<128xi32, #tpu.memory_space<vmem>>
    %dma_start3A_29 = arith.constant 0 : i32
    %dma_start3A_30 = arith.constant 0 : i32
    %dma_start3A_31 = tpu.memref_slice %arg2[%dma_start3A_29, %dma_start3A_30] : memref<1000000x32xf32, #tpu.memory_space<hbm>> -> memref<1000000x32xf32, #tpu.memory_space<hbm>>
    tpu.enqueue_indirect_dma source(%dma_start3A_31 : memref<1000000x32xf32, #tpu.memory_space<hbm>>) target(%dma_start3A_25 : memref<128x32xf32, #tpu.memory_space<vmem>>) offsets(%dma_start3A_28 : memref<128xi32, #tpu.memory_space<vmem>>) semaphore(%arg7 : memref<!tpu.dma_semaphore, #tpu.memory_space<semaphore_mem>>)
    %dma_start3A_32 = arith.constant 0 : i32
    %dma_start3A_33 = arith.constant 2 : i32
    %dma_start3A_34 = arith.constant 0 : i32
    %dma_start3A_35 = arith.constant 256 : i32
    %dma_start3A_36 = arith.constant 0 : i32
    %dma_start3A_37 = tpu.memref_slice %arg6[%dma_start3A_34, %dma_start3A_35, %dma_start3A_36] : memref<3x1024x32xf32, #tpu.memory_space<vmem>> -> memref<1x128x32xf32, #tpu.memory_space<vmem>>
    %dma_start3A_38 = tpu.memref_squeeze %dma_start3A_37 : memref<1x128x32xf32, #tpu.memory_space<vmem>> -> memref<128x32xf32, #tpu.memory_space<vmem>>
    %dma_start3A_39 = arith.constant 0 : i32
    %dma_start3A_40 = tpu.memref_slice %arg5[%dma_start3A_32, %dma_start3A_33, %dma_start3A_39] : memref<3x8x128xi32, #tpu.memory_space<vmem>> -> memref<1x1x128xi32, #tpu.memory_space<vmem>>
    %dma_start3A_41 = tpu.memref_squeeze %dma_start3A_40 : memref<1x1x128xi32, #tpu.memory_space<vmem>> -> memref<128xi32, #tpu.memory_space<vmem>>
    %dma_start3A_42 = arith.constant 0 : i32
    %dma_start3A_43 = arith.constant 0 : i32
    %dma_start3A_44 = tpu.memref_slice %arg2[%dma_start3A_42, %dma_start3A_43] : memref<1000000x32xf32, #tpu.memory_space<hbm>> -> memref<1000000x32xf32, #tpu.memory_space<hbm>>
    tpu.enqueue_indirect_dma source(%dma_start3A_44 : memref<1000000x32xf32, #tpu.memory_space<hbm>>) target(%dma_start3A_38 : memref<128x32xf32, #tpu.memory_space<vmem>>) offsets(%dma_start3A_41 : memref<128xi32, #tpu.memory_space<vmem>>) semaphore(%arg7 : memref<!tpu.dma_semaphore, #tpu.memory_space<semaphore_mem>>)
    %dma_start3A_45 = arith.constant 0 : i32
    %dma_start3A_46 = arith.constant 3 : i32
    %dma_start3A_47 = arith.constant 0 : i32
    %dma_start3A_48 = arith.constant 384 : i32
    %dma_start3A_49 = arith.constant 0 : i32
    %dma_start3A_50 = tpu.memref_slice %arg6[%dma_start3A_47, %dma_start3A_48, %dma_start3A_49] : memref<3x1024x32xf32, #tpu.memory_space<vmem>> -> memref<1x128x32xf32, #tpu.memory_space<vmem>>
    %dma_start3A_51 = tpu.memref_squeeze %dma_start3A_50 : memref<1x128x32xf32, #tpu.memory_space<vmem>> -> memref<128x32xf32, #tpu.memory_space<vmem>>
    %dma_start3A_52 = arith.constant 0 : i32
    %dma_start3A_53 = tpu.memref_slice %arg5[%dma_start3A_45, %dma_start3A_46, %dma_start3A_52] : memref<3x8x128xi32, #tpu.memory_space<vmem>> -> memref<1x1x128xi32, #tpu.memory_space<vmem>>
    %dma_start3A_54 = tpu.memref_squeeze %dma_start3A_53 : memref<1x1x128xi32, #tpu.memory_space<vmem>> -> memref<128xi32, #tpu.memory_space<vmem>>
    %dma_start3A_55 = arith.constant 0 : i32
    %dma_start3A_56 = arith.constant 0 : i32
    %dma_start3A_57 = tpu.memref_slice %arg2[%dma_start3A_55, %dma_start3A_56] : memref<1000000x32xf32, #tpu.memory_space<hbm>> -> memref<1000000x32xf32, #tpu.memory_space<hbm>>
    tpu.enqueue_indirect_dma source(%dma_start3A_57 : memref<1000000x32xf32, #tpu.memory_space<hbm>>) target(%dma_start3A_51 : memref<128x32xf32, #tpu.memory_space<vmem>>) offsets(%dma_start3A_54 : memref<128xi32, #tpu.memory_space<vmem>>) semaphore(%arg7 : memref<!tpu.dma_semaphore, #tpu.memory_space<semaphore_mem>>)
    %dma_start3A_58 = arith.constant 0 : i32
    %dma_start3A_59 = arith.constant 4 : i32
    %dma_start3A_60 = arith.constant 0 : i32
    %dma_start3A_61 = arith.constant 512 : i32
    %dma_start3A_62 = arith.constant 0 : i32
    %dma_start3A_63 = tpu.memref_slice %arg6[%dma_start3A_60, %dma_start3A_61, %dma_start3A_62] : memref<3x1024x32xf32, #tpu.memory_space<vmem>> -> memref<1x128x32xf32, #tpu.memory_space<vmem>>
    %dma_start3A_64 = tpu.memref_squeeze %dma_start3A_63 : memref<1x128x32xf32, #tpu.memory_space<vmem>> -> memref<128x32xf32, #tpu.memory_space<vmem>>
    %dma_start3A_65 = arith.constant 0 : i32
    %dma_start3A_66 = tpu.memref_slice %arg5[%dma_start3A_58, %dma_start3A_59, %dma_start3A_65] : memref<3x8x128xi32, #tpu.memory_space<vmem>> -> memref<1x1x128xi32, #tpu.memory_space<vmem>>
    %dma_start3A_67 = tpu.memref_squeeze %dma_start3A_66 : memref<1x1x128xi32, #tpu.memory_space<vmem>> -> memref<128xi32, #tpu.memory_space<vmem>>
    %dma_start3A_68 = arith.constant 0 : i32
    %dma_start3A_69 = arith.constant 0 : i32
    %dma_start3A_70 = tpu.memref_slice %arg2[%dma_start3A_68, %dma_start3A_69] : memref<1000000x32xf32, #tpu.memory_space<hbm>> -> memref<1000000x32xf32, #tpu.memory_space<hbm>>
    tpu.enqueue_indirect_dma source(%dma_start3A_70 : memref<1000000x32xf32, #tpu.memory_space<hbm>>) target(%dma_start3A_64 : memref<128x32xf32, #tpu.memory_space<vmem>>) offsets(%dma_start3A_67 : memref<128xi32, #tpu.memory_space<vmem>>) semaphore(%arg7 : memref<!tpu.dma_semaphore, #tpu.memory_space<semaphore_mem>>)
    %dma_start3A_71 = arith.constant 0 : i32
    %dma_start3A_72 = arith.constant 5 : i32
    %dma_start3A_73 = arith.constant 0 : i32
    %dma_start3A_74 = arith.constant 640 : i32
    %dma_start3A_75 = arith.constant 0 : i32
    %dma_start3A_76 = tpu.memref_slice %arg6[%dma_start3A_73, %dma_start3A_74, %dma_start3A_75] : memref<3x1024x32xf32, #tpu.memory_space<vmem>> -> memref<1x128x32xf32, #tpu.memory_space<vmem>>
    %dma_start3A_77 = tpu.memref_squeeze %dma_start3A_76 : memref<1x128x32xf32, #tpu.memory_space<vmem>> -> memref<128x32xf32, #tpu.memory_space<vmem>>
    %dma_start3A_78 = arith.constant 0 : i32
    %dma_start3A_79 = tpu.memref_slice %arg5[%dma_start3A_71, %dma_start3A_72, %dma_start3A_78] : memref<3x8x128xi32, #tpu.memory_space<vmem>> -> memref<1x1x128xi32, #tpu.memory_space<vmem>>
    %dma_start3A_80 = tpu.memref_squeeze %dma_start3A_79 : memref<1x1x128xi32, #tpu.memory_space<vmem>> -> memref<128xi32, #tpu.memory_space<vmem>>
    %dma_start3A_81 = arith.constant 0 : i32
    %dma_start3A_82 = arith.constant 0 : i32
    %dma_start3A_83 = tpu.memref_slice %arg2[%dma_start3A_81, %dma_start3A_82] : memref<1000000x32xf32, #tpu.memory_space<hbm>> -> memref<1000000x32xf32, #tpu.memory_space<hbm>>
    tpu.enqueue_indirect_dma source(%dma_start3A_83 : memref<1000000x32xf32, #tpu.memory_space<hbm>>) target(%dma_start3A_77 : memref<128x32xf32, #tpu.memory_space<vmem>>) offsets(%dma_start3A_80 : memref<128xi32, #tpu.memory_space<vmem>>) semaphore(%arg7 : memref<!tpu.dma_semaphore, #tpu.memory_space<semaphore_mem>>)
    %dma_start3A_84 = arith.constant 0 : i32
    %dma_start3A_85 = arith.constant 6 : i32
    %dma_start3A_86 = arith.constant 0 : i32
    %dma_start3A_87 = arith.constant 768 : i32
    %dma_start3A_88 = arith.constant 0 : i32
    %dma_start3A_89 = tpu.memref_slice %arg6[%dma_start3A_86, %dma_start3A_87, %dma_start3A_88] : memref<3x1024x32xf32, #tpu.memory_space<vmem>> -> memref<1x128x32xf32, #tpu.memory_space<vmem>>
    %dma_start3A_90 = tpu.memref_squeeze %dma_start3A_89 : memref<1x128x32xf32, #tpu.memory_space<vmem>> -> memref<128x32xf32, #tpu.memory_space<vmem>>
    %dma_start3A_91 = arith.constant 0 : i32
    %dma_start3A_92 = tpu.memref_slice %arg5[%dma_start3A_84, %dma_start3A_85, %dma_start3A_91] : memref<3x8x128xi32, #tpu.memory_space<vmem>> -> memref<1x1x128xi32, #tpu.memory_space<vmem>>
    %dma_start3A_93 = tpu.memref_squeeze %dma_start3A_92 : memref<1x1x128xi32, #tpu.memory_space<vmem>> -> memref<128xi32, #tpu.memory_space<vmem>>
    %dma_start3A_94 = arith.constant 0 : i32
    %dma_start3A_95 = arith.constant 0 : i32
    %dma_start3A_96 = tpu.memref_slice %arg2[%dma_start3A_94, %dma_start3A_95] : memref<1000000x32xf32, #tpu.memory_space<hbm>> -> memref<1000000x32xf32, #tpu.memory_space<hbm>>
    tpu.enqueue_indirect_dma source(%dma_start3A_96 : memref<1000000x32xf32, #tpu.memory_space<hbm>>) target(%dma_start3A_90 : memref<128x32xf32, #tpu.memory_space<vmem>>) offsets(%dma_start3A_93 : memref<128xi32, #tpu.memory_space<vmem>>) semaphore(%arg7 : memref<!tpu.dma_semaphore, #tpu.memory_space<semaphore_mem>>)
    %dma_start3A_97 = arith.constant 0 : i32
    %dma_start3A_98 = arith.constant 7 : i32
    %dma_start3A_99 = arith.constant 0 : i32
    %dma_start3A_100 = arith.constant 896 : i32
    %dma_start3A_101 = arith.constant 0 : i32
    %dma_start3A_102 = tpu.memref_slice %arg6[%dma_start3A_99, %dma_start3A_100, %dma_start3A_101] : memref<3x1024x32xf32, #tpu.memory_space<vmem>> -> memref<1x128x32xf32, #tpu.memory_space<vmem>>
    %dma_start3A_103 = tpu.memref_squeeze %dma_start3A_102 : memref<1x128x32xf32, #tpu.memory_space<vmem>> -> memref<128x32xf32, #tpu.memory_space<vmem>>
    %dma_start3A_104 = arith.constant 0 : i32
    %dma_start3A_105 = tpu.memref_slice %arg5[%dma_start3A_97, %dma_start3A_98, %dma_start3A_104] : memref<3x8x128xi32, #tpu.memory_space<vmem>> -> memref<1x1x128xi32, #tpu.memory_space<vmem>>
    %dma_start3A_106 = tpu.memref_squeeze %dma_start3A_105 : memref<1x1x128xi32, #tpu.memory_space<vmem>> -> memref<128xi32, #tpu.memory_space<vmem>>
    %dma_start3A_107 = arith.constant 0 : i32
    %dma_start3A_108 = arith.constant 0 : i32
    %dma_start3A_109 = tpu.memref_slice %arg2[%dma_start3A_107, %dma_start3A_108] : memref<1000000x32xf32, #tpu.memory_space<hbm>> -> memref<1000000x32xf32, #tpu.memory_space<hbm>>
    tpu.enqueue_indirect_dma source(%dma_start3A_109 : memref<1000000x32xf32, #tpu.memory_space<hbm>>) target(%dma_start3A_103 : memref<128x32xf32, #tpu.memory_space<vmem>>) offsets(%dma_start3A_106 : memref<128xi32, #tpu.memory_space<vmem>>) semaphore(%arg7 : memref<!tpu.dma_semaphore, #tpu.memory_space<semaphore_mem>>)
    %scan3A = arith.constant 0 : i32
    %scan3A_110 = arith.constant 0 : i32
    %scan3A_111 = arith.constant 8 : i32
    %scan3A_112 = arith.addi %scan3A_110, %scan3A_111 : i32
    %scan3A_113 = arith.constant 1 : i32
    %scan3A_114 = scf.for %scan3A_197 = %scan3A_110 to %scan3A_112 step %scan3A_113 iter_args(%scan3A_198 = %scan3A) -> (i32)  : i32 {
      %mul3A_199 = arith.constant 3 : i32
      %mul3A_200 = arith.muli %scan3A_197, %mul3A_199 : i32
      %ge3A = arith.constant 2 : i32
      %ge3A_201 = arith.cmpi sge, %mul3A_200, %ge3A : i32
      %convert_element_type3A = arith.extui %ge3A_201 : i1 to i32
      %cond3A = arith.constant 0 : i32
      %cond3A_202 = arith.cmpi ne, %convert_element_type3A, %cond3A : i32
      scf.if %cond3A_202 {
        %sub3A = arith.constant 2 : i32
        %sub3A_665 = arith.subi %mul3A_200, %sub3A : i32
        %mul3A_666 = arith.constant 1024 : i32
        %mul3A_667 = arith.muli %sub3A_665, %mul3A_666 : i32
        %add3A_668 = arith.addi %mul3A_2, %mul3A_667 : i32
        %dma_wait3A_669 = arith.constant 1 : i32
        %dma_wait3A_670 = arith.constant 0 : i32
        %dma_wait3A_671 = arith.constant 0 : i32
        %dma_wait3A_672 = tpu.memref_slice %arg6[%dma_wait3A_669, %dma_wait3A_670, %dma_wait3A_671] : memref<3x1024x32xf32, #tpu.memory_space<vmem>> -> memref<1x1024x32xf32, #tpu.memory_space<vmem>>
        %dma_wait3A_673 = tpu.memref_squeeze %dma_wait3A_672 : memref<1x1024x32xf32, #tpu.memory_space<vmem>> -> memref<1024x32xf32, #tpu.memory_space<vmem>>
        %dma_wait3A_674 = arith.constant 0 : i32
        %dma_wait3A_675 = tpu.memref_slice %arg4[%add3A_668, %dma_wait3A_674] : memref<819200x32xf32, #tpu.memory_space<hbm>> -> memref<1024x32xf32, #tpu.memory_space<hbm>>
        %dma_wait3A_676 = arith.constant 0 : i32
        %dma_wait3A_677 = tpu.memref_slice %arg4[%add3A_668, %dma_wait3A_676] : memref<819200x32xf32, #tpu.memory_space<hbm>> -> memref<1024x32xf32, #tpu.memory_space<hbm>>
        %dma_wait3A_678 = arith.constant 0 : i32
        %dma_wait3A_679 = arith.constant 0 : i32
        %dma_wait3A_680 = tpu.memref_slice %arg6[%dma_wait3A_669, %dma_wait3A_678, %dma_wait3A_679] : memref<3x1024x32xf32, #tpu.memory_space<vmem>> -> memref<1x1024x32xf32, #tpu.memory_space<vmem>>
        %dma_wait3A_681 = tpu.memref_squeeze %dma_wait3A_680 : memref<1x1024x32xf32, #tpu.memory_space<vmem>> -> memref<1024x32xf32, #tpu.memory_space<vmem>>
        tpu.wait_dma2 semaphore(%arg11 : memref<!tpu.dma_semaphore, #tpu.memory_space<semaphore_mem>>) src(%dma_wait3A_681 : memref<1024x32xf32, #tpu.memory_space<vmem>>) dst(%dma_wait3A_677 : memref<1024x32xf32, #tpu.memory_space<hbm>>)
      } else {
      }
      %add3A_203 = arith.constant 1 : i32
      %add3A_204 = arith.addi %mul3A_200, %add3A_203 : i32
      %mul3A_205 = arith.constant 8 : i32
      %mul3A_206 = arith.muli %add3A_204, %mul3A_205 : i32
      %add3A_207 = arith.addi %mul3A_4, %mul3A_206 : i32
      %run_scoped3A_208 = arith.constant 1 : i32
      "tpu.region"() ({
        %run_scoped3A_665 = tpu.sem_alloc : memref<!tpu.dma_semaphore, #tpu.memory_space<semaphore_mem>>
        %dma_start3A_666 = arith.constant 0 : i32
        %dma_start3A_667 = arith.constant 0 : i32
        %dma_start3A_668 = tpu.memref_slice %arg5[%run_scoped3A_208, %dma_start3A_666, %dma_start3A_667] : memref<3x8x128xi32, #tpu.memory_space<vmem>> -> memref<1x8x128xi32, #tpu.memory_space<vmem>>
        %dma_start3A_669 = tpu.memref_squeeze %dma_start3A_668 : memref<1x8x128xi32, #tpu.memory_space<vmem>> -> memref<8x128xi32, #tpu.memory_space<vmem>>
        %dma_start3A_670 = arith.constant 0 : i32
        %dma_start3A_671 = tpu.memref_slice %arg3[%add3A_207, %dma_start3A_670] : memref<6400x128xi32, #tpu.memory_space<hbm>> -> memref<8x128xi32, #tpu.memory_space<hbm>>
        %dma_start3A_672 = arith.constant 0 : i32
        %dma_start3A_673 = arith.constant 0 : i32
        %dma_start3A_674 = tpu.memref_slice %arg5[%run_scoped3A_208, %dma_start3A_672, %dma_start3A_673] : memref<3x8x128xi32, #tpu.memory_space<vmem>> -> memref<1x8x128xi32, #tpu.memory_space<vmem>>
        %dma_start3A_675 = tpu.memref_squeeze %dma_start3A_674 : memref<1x8x128xi32, #tpu.memory_space<vmem>> -> memref<8x128xi32, #tpu.memory_space<vmem>>
        %dma_start3A_676 = arith.constant 0 : i32
        %dma_start3A_677 = tpu.memref_slice %arg3[%add3A_207, %dma_start3A_676] : memref<6400x128xi32, #tpu.memory_space<hbm>> -> memref<8x128xi32, #tpu.memory_space<hbm>>
        tpu.enqueue_dma source(%dma_start3A_677 : memref<8x128xi32, #tpu.memory_space<hbm>>) target(%dma_start3A_675 : memref<8x128xi32, #tpu.memory_space<vmem>>) target_semaphore(%run_scoped3A_665 : memref<!tpu.dma_semaphore, #tpu.memory_space<semaphore_mem>>)
        %dma_wait3A_678 = arith.constant 0 : i32
        %dma_wait3A_679 = arith.constant 0 : i32
        %dma_wait3A_680 = tpu.memref_slice %arg5[%run_scoped3A_208, %dma_wait3A_678, %dma_wait3A_679] : memref<3x8x128xi32, #tpu.memory_space<vmem>> -> memref<1x8x128xi32, #tpu.memory_space<vmem>>
        %dma_wait3A_681 = tpu.memref_squeeze %dma_wait3A_680 : memref<1x8x128xi32, #tpu.memory_space<vmem>> -> memref<8x128xi32, #tpu.memory_space<vmem>>
        %dma_wait3A_682 = arith.constant 0 : i32
        %dma_wait3A_683 = tpu.memref_slice %arg3[%add3A_207, %dma_wait3A_682] : memref<6400x128xi32, #tpu.memory_space<hbm>> -> memref<8x128xi32, #tpu.memory_space<hbm>>
        %dma_wait3A_684 = arith.constant 0 : i32
        %dma_wait3A_685 = arith.constant 0 : i32
        %dma_wait3A_686 = tpu.memref_slice %arg5[%run_scoped3A_208, %dma_wait3A_684, %dma_wait3A_685] : memref<3x8x128xi32, #tpu.memory_space<vmem>> -> memref<1x8x128xi32, #tpu.memory_space<vmem>>
        %dma_wait3A_687 = tpu.memref_squeeze %dma_wait3A_686 : memref<1x8x128xi32, #tpu.memory_space<vmem>> -> memref<8x128xi32, #tpu.memory_space<vmem>>
        %dma_wait3A_688 = arith.constant 0 : i32
        %dma_wait3A_689 = tpu.memref_slice %arg3[%add3A_207, %dma_wait3A_688] : memref<6400x128xi32, #tpu.memory_space<hbm>> -> memref<8x128xi32, #tpu.memory_space<hbm>>
        tpu.wait_dma2 semaphore(%run_scoped3A_665 : memref<!tpu.dma_semaphore, #tpu.memory_space<semaphore_mem>>) src(%dma_wait3A_689 : memref<8x128xi32, #tpu.memory_space<hbm>>) dst(%dma_wait3A_687 : memref<8x128xi32, #tpu.memory_space<vmem>>)
        tpu.yield
      }) : () -> ()
      %dma_start3A_209 = arith.constant 1 : i32
      %dma_start3A_210 = arith.constant 0 : i32
      %dma_start3A_211 = arith.constant 1 : i32
      %dma_start3A_212 = arith.constant 0 : i32
      %dma_start3A_213 = arith.constant 0 : i32
      %dma_start3A_214 = tpu.memref_slice %arg6[%dma_start3A_211, %dma_start3A_212, %dma_start3A_213] : memref<3x1024x32xf32, #tpu.memory_space<vmem>> -> memref<1x128x32xf32, #tpu.memory_space<vmem>>
      %dma_start3A_215 = tpu.memref_squeeze %dma_start3A_214 : memref<1x128x32xf32, #tpu.memory_space<vmem>> -> memref<128x32xf32, #tpu.memory_space<vmem>>
      %dma_start3A_216 = arith.constant 0 : i32
      %dma_start3A_217 = tpu.memref_slice %arg5[%dma_start3A_209, %dma_start3A_210, %dma_start3A_216] : memref<3x8x128xi32, #tpu.memory_space<vmem>> -> memref<1x1x128xi32, #tpu.memory_space<vmem>>
      %dma_start3A_218 = tpu.memref_squeeze %dma_start3A_217 : memref<1x1x128xi32, #tpu.memory_space<vmem>> -> memref<128xi32, #tpu.memory_space<vmem>>
      %dma_start3A_219 = arith.constant 0 : i32
      %dma_start3A_220 = arith.constant 0 : i32
      %dma_start3A_221 = tpu.memref_slice %arg2[%dma_start3A_219, %dma_start3A_220] : memref<1000000x32xf32, #tpu.memory_space<hbm>> -> memref<1000000x32xf32, #tpu.memory_space<hbm>>
      tpu.enqueue_indirect_dma source(%dma_start3A_221 : memref<1000000x32xf32, #tpu.memory_space<hbm>>) target(%dma_start3A_215 : memref<128x32xf32, #tpu.memory_space<vmem>>) offsets(%dma_start3A_218 : memref<128xi32, #tpu.memory_space<vmem>>) semaphore(%arg8 : memref<!tpu.dma_semaphore, #tpu.memory_space<semaphore_mem>>)
      %dma_start3A_222 = arith.constant 1 : i32
      %dma_start3A_223 = arith.constant 1 : i32
      %dma_start3A_224 = arith.constant 1 : i32
      %dma_start3A_225 = arith.constant 128 : i32
      %dma_start3A_226 = arith.constant 0 : i32
      %dma_start3A_227 = tpu.memref_slice %arg6[%dma_start3A_224, %dma_start3A_225, %dma_start3A_226] : memref<3x1024x32xf32, #tpu.memory_space<vmem>> -> memref<1x128x32xf32, #tpu.memory_space<vmem>>
      %dma_start3A_228 = tpu.memref_squeeze %dma_start3A_227 : memref<1x128x32xf32, #tpu.memory_space<vmem>> -> memref<128x32xf32, #tpu.memory_space<vmem>>
      %dma_start3A_229 = arith.constant 0 : i32
      %dma_start3A_230 = tpu.memref_slice %arg5[%dma_start3A_222, %dma_start3A_223, %dma_start3A_229] : memref<3x8x128xi32, #tpu.memory_space<vmem>> -> memref<1x1x128xi32, #tpu.memory_space<vmem>>
      %dma_start3A_231 = tpu.memref_squeeze %dma_start3A_230 : memref<1x1x128xi32, #tpu.memory_space<vmem>> -> memref<128xi32, #tpu.memory_space<vmem>>
      %dma_start3A_232 = arith.constant 0 : i32
      %dma_start3A_233 = arith.constant 0 : i32
      %dma_start3A_234 = tpu.memref_slice %arg2[%dma_start3A_232, %dma_start3A_233] : memref<1000000x32xf32, #tpu.memory_space<hbm>> -> memref<1000000x32xf32, #tpu.memory_space<hbm>>
      tpu.enqueue_indirect_dma source(%dma_start3A_234 : memref<1000000x32xf32, #tpu.memory_space<hbm>>) target(%dma_start3A_228 : memref<128x32xf32, #tpu.memory_space<vmem>>) offsets(%dma_start3A_231 : memref<128xi32, #tpu.memory_space<vmem>>) semaphore(%arg8 : memref<!tpu.dma_semaphore, #tpu.memory_space<semaphore_mem>>)
      %dma_start3A_235 = arith.constant 1 : i32
      %dma_start3A_236 = arith.constant 2 : i32
      %dma_start3A_237 = arith.constant 1 : i32
      %dma_start3A_238 = arith.constant 256 : i32
      %dma_start3A_239 = arith.constant 0 : i32
      %dma_start3A_240 = tpu.memref_slice %arg6[%dma_start3A_237, %dma_start3A_238, %dma_start3A_239] : memref<3x1024x32xf32, #tpu.memory_space<vmem>> -> memref<1x128x32xf32, #tpu.memory_space<vmem>>
      %dma_start3A_241 = tpu.memref_squeeze %dma_start3A_240 : memref<1x128x32xf32, #tpu.memory_space<vmem>> -> memref<128x32xf32, #tpu.memory_space<vmem>>
      %dma_start3A_242 = arith.constant 0 : i32
      %dma_start3A_243 = tpu.memref_slice %arg5[%dma_start3A_235, %dma_start3A_236, %dma_start3A_242] : memref<3x8x128xi32, #tpu.memory_space<vmem>> -> memref<1x1x128xi32, #tpu.memory_space<vmem>>
      %dma_start3A_244 = tpu.memref_squeeze %dma_start3A_243 : memref<1x1x128xi32, #tpu.memory_space<vmem>> -> memref<128xi32, #tpu.memory_space<vmem>>
      %dma_start3A_245 = arith.constant 0 : i32
      %dma_start3A_246 = arith.constant 0 : i32
      %dma_start3A_247 = tpu.memref_slice %arg2[%dma_start3A_245, %dma_start3A_246] : memref<1000000x32xf32, #tpu.memory_space<hbm>> -> memref<1000000x32xf32, #tpu.memory_space<hbm>>
      tpu.enqueue_indirect_dma source(%dma_start3A_247 : memref<1000000x32xf32, #tpu.memory_space<hbm>>) target(%dma_start3A_241 : memref<128x32xf32, #tpu.memory_space<vmem>>) offsets(%dma_start3A_244 : memref<128xi32, #tpu.memory_space<vmem>>) semaphore(%arg8 : memref<!tpu.dma_semaphore, #tpu.memory_space<semaphore_mem>>)
      %dma_start3A_248 = arith.constant 1 : i32
      %dma_start3A_249 = arith.constant 3 : i32
      %dma_start3A_250 = arith.constant 1 : i32
      %dma_start3A_251 = arith.constant 384 : i32
      %dma_start3A_252 = arith.constant 0 : i32
      %dma_start3A_253 = tpu.memref_slice %arg6[%dma_start3A_250, %dma_start3A_251, %dma_start3A_252] : memref<3x1024x32xf32, #tpu.memory_space<vmem>> -> memref<1x128x32xf32, #tpu.memory_space<vmem>>
      %dma_start3A_254 = tpu.memref_squeeze %dma_start3A_253 : memref<1x128x32xf32, #tpu.memory_space<vmem>> -> memref<128x32xf32, #tpu.memory_space<vmem>>
      %dma_start3A_255 = arith.constant 0 : i32
      %dma_start3A_256 = tpu.memref_slice %arg5[%dma_start3A_248, %dma_start3A_249, %dma_start3A_255] : memref<3x8x128xi32, #tpu.memory_space<vmem>> -> memref<1x1x128xi32, #tpu.memory_space<vmem>>
      %dma_start3A_257 = tpu.memref_squeeze %dma_start3A_256 : memref<1x1x128xi32, #tpu.memory_space<vmem>> -> memref<128xi32, #tpu.memory_space<vmem>>
      %dma_start3A_258 = arith.constant 0 : i32
      %dma_start3A_259 = arith.constant 0 : i32
      %dma_start3A_260 = tpu.memref_slice %arg2[%dma_start3A_258, %dma_start3A_259] : memref<1000000x32xf32, #tpu.memory_space<hbm>> -> memref<1000000x32xf32, #tpu.memory_space<hbm>>
      tpu.enqueue_indirect_dma source(%dma_start3A_260 : memref<1000000x32xf32, #tpu.memory_space<hbm>>) target(%dma_start3A_254 : memref<128x32xf32, #tpu.memory_space<vmem>>) offsets(%dma_start3A_257 : memref<128xi32, #tpu.memory_space<vmem>>) semaphore(%arg8 : memref<!tpu.dma_semaphore, #tpu.memory_space<semaphore_mem>>)
      %dma_start3A_261 = arith.constant 1 : i32
      %dma_start3A_262 = arith.constant 4 : i32
      %dma_start3A_263 = arith.constant 1 : i32
      %dma_start3A_264 = arith.constant 512 : i32
      %dma_start3A_265 = arith.constant 0 : i32
      %dma_start3A_266 = tpu.memref_slice %arg6[%dma_start3A_263, %dma_start3A_264, %dma_start3A_265] : memref<3x1024x32xf32, #tpu.memory_space<vmem>> -> memref<1x128x32xf32, #tpu.memory_space<vmem>>
      %dma_start3A_267 = tpu.memref_squeeze %dma_start3A_266 : memref<1x128x32xf32, #tpu.memory_space<vmem>> -> memref<128x32xf32, #tpu.memory_space<vmem>>
      %dma_start3A_268 = arith.constant 0 : i32
      %dma_start3A_269 = tpu.memref_slice %arg5[%dma_start3A_261, %dma_start3A_262, %dma_start3A_268] : memref<3x8x128xi32, #tpu.memory_space<vmem>> -> memref<1x1x128xi32, #tpu.memory_space<vmem>>
      %dma_start3A_270 = tpu.memref_squeeze %dma_start3A_269 : memref<1x1x128xi32, #tpu.memory_space<vmem>> -> memref<128xi32, #tpu.memory_space<vmem>>
      %dma_start3A_271 = arith.constant 0 : i32
      %dma_start3A_272 = arith.constant 0 : i32
      %dma_start3A_273 = tpu.memref_slice %arg2[%dma_start3A_271, %dma_start3A_272] : memref<1000000x32xf32, #tpu.memory_space<hbm>> -> memref<1000000x32xf32, #tpu.memory_space<hbm>>
      tpu.enqueue_indirect_dma source(%dma_start3A_273 : memref<1000000x32xf32, #tpu.memory_space<hbm>>) target(%dma_start3A_267 : memref<128x32xf32, #tpu.memory_space<vmem>>) offsets(%dma_start3A_270 : memref<128xi32, #tpu.memory_space<vmem>>) semaphore(%arg8 : memref<!tpu.dma_semaphore, #tpu.memory_space<semaphore_mem>>)
      %dma_start3A_274 = arith.constant 1 : i32
      %dma_start3A_275 = arith.constant 5 : i32
      %dma_start3A_276 = arith.constant 1 : i32
      %dma_start3A_277 = arith.constant 640 : i32
      %dma_start3A_278 = arith.constant 0 : i32
      %dma_start3A_279 = tpu.memref_slice %arg6[%dma_start3A_276, %dma_start3A_277, %dma_start3A_278] : memref<3x1024x32xf32, #tpu.memory_space<vmem>> -> memref<1x128x32xf32, #tpu.memory_space<vmem>>
      %dma_start3A_280 = tpu.memref_squeeze %dma_start3A_279 : memref<1x128x32xf32, #tpu.memory_space<vmem>> -> memref<128x32xf32, #tpu.memory_space<vmem>>
      %dma_start3A_281 = arith.constant 0 : i32
      %dma_start3A_282 = tpu.memref_slice %arg5[%dma_start3A_274, %dma_start3A_275, %dma_start3A_281] : memref<3x8x128xi32, #tpu.memory_space<vmem>> -> memref<1x1x128xi32, #tpu.memory_space<vmem>>
      %dma_start3A_283 = tpu.memref_squeeze %dma_start3A_282 : memref<1x1x128xi32, #tpu.memory_space<vmem>> -> memref<128xi32, #tpu.memory_space<vmem>>
      %dma_start3A_284 = arith.constant 0 : i32
      %dma_start3A_285 = arith.constant 0 : i32
      %dma_start3A_286 = tpu.memref_slice %arg2[%dma_start3A_284, %dma_start3A_285] : memref<1000000x32xf32, #tpu.memory_space<hbm>> -> memref<1000000x32xf32, #tpu.memory_space<hbm>>
      tpu.enqueue_indirect_dma source(%dma_start3A_286 : memref<1000000x32xf32, #tpu.memory_space<hbm>>) target(%dma_start3A_280 : memref<128x32xf32, #tpu.memory_space<vmem>>) offsets(%dma_start3A_283 : memref<128xi32, #tpu.memory_space<vmem>>) semaphore(%arg8 : memref<!tpu.dma_semaphore, #tpu.memory_space<semaphore_mem>>)
      %dma_start3A_287 = arith.constant 1 : i32
      %dma_start3A_288 = arith.constant 6 : i32
      %dma_start3A_289 = arith.constant 1 : i32
      %dma_start3A_290 = arith.constant 768 : i32
      %dma_start3A_291 = arith.constant 0 : i32
      %dma_start3A_292 = tpu.memref_slice %arg6[%dma_start3A_289, %dma_start3A_290, %dma_start3A_291] : memref<3x1024x32xf32, #tpu.memory_space<vmem>> -> memref<1x128x32xf32, #tpu.memory_space<vmem>>
      %dma_start3A_293 = tpu.memref_squeeze %dma_start3A_292 : memref<1x128x32xf32, #tpu.memory_space<vmem>> -> memref<128x32xf32, #tpu.memory_space<vmem>>
      %dma_start3A_294 = arith.constant 0 : i32
      %dma_start3A_295 = tpu.memref_slice %arg5[%dma_start3A_287, %dma_start3A_288, %dma_start3A_294] : memref<3x8x128xi32, #tpu.memory_space<vmem>> -> memref<1x1x128xi32, #tpu.memory_space<vmem>>
      %dma_start3A_296 = tpu.memref_squeeze %dma_start3A_295 : memref<1x1x128xi32, #tpu.memory_space<vmem>> -> memref<128xi32, #tpu.memory_space<vmem>>
      %dma_start3A_297 = arith.constant 0 : i32
      %dma_start3A_298 = arith.constant 0 : i32
      %dma_start3A_299 = tpu.memref_slice %arg2[%dma_start3A_297, %dma_start3A_298] : memref<1000000x32xf32, #tpu.memory_space<hbm>> -> memref<1000000x32xf32, #tpu.memory_space<hbm>>
      tpu.enqueue_indirect_dma source(%dma_start3A_299 : memref<1000000x32xf32, #tpu.memory_space<hbm>>) target(%dma_start3A_293 : memref<128x32xf32, #tpu.memory_space<vmem>>) offsets(%dma_start3A_296 : memref<128xi32, #tpu.memory_space<vmem>>) semaphore(%arg8 : memref<!tpu.dma_semaphore, #tpu.memory_space<semaphore_mem>>)
      %dma_start3A_300 = arith.constant 1 : i32
      %dma_start3A_301 = arith.constant 7 : i32
      %dma_start3A_302 = arith.constant 1 : i32
      %dma_start3A_303 = arith.constant 896 : i32
      %dma_start3A_304 = arith.constant 0 : i32
      %dma_start3A_305 = tpu.memref_slice %arg6[%dma_start3A_302, %dma_start3A_303, %dma_start3A_304] : memref<3x1024x32xf32, #tpu.memory_space<vmem>> -> memref<1x128x32xf32, #tpu.memory_space<vmem>>
      %dma_start3A_306 = tpu.memref_squeeze %dma_start3A_305 : memref<1x128x32xf32, #tpu.memory_space<vmem>> -> memref<128x32xf32, #tpu.memory_space<vmem>>
      %dma_start3A_307 = arith.constant 0 : i32
      %dma_start3A_308 = tpu.memref_slice %arg5[%dma_start3A_300, %dma_start3A_301, %dma_start3A_307] : memref<3x8x128xi32, #tpu.memory_space<vmem>> -> memref<1x1x128xi32, #tpu.memory_space<vmem>>
      %dma_start3A_309 = tpu.memref_squeeze %dma_start3A_308 : memref<1x1x128xi32, #tpu.memory_space<vmem>> -> memref<128xi32, #tpu.memory_space<vmem>>
      %dma_start3A_310 = arith.constant 0 : i32
      %dma_start3A_311 = arith.constant 0 : i32
      %dma_start3A_312 = tpu.memref_slice %arg2[%dma_start3A_310, %dma_start3A_311] : memref<1000000x32xf32, #tpu.memory_space<hbm>> -> memref<1000000x32xf32, #tpu.memory_space<hbm>>
      tpu.enqueue_indirect_dma source(%dma_start3A_312 : memref<1000000x32xf32, #tpu.memory_space<hbm>>) target(%dma_start3A_306 : memref<128x32xf32, #tpu.memory_space<vmem>>) offsets(%dma_start3A_309 : memref<128xi32, #tpu.memory_space<vmem>>) semaphore(%arg8 : memref<!tpu.dma_semaphore, #tpu.memory_space<semaphore_mem>>)
      %mul3A_313 = arith.constant 1024 : i32
      %mul3A_314 = arith.muli %mul3A_200, %mul3A_313 : i32
      %add3A_315 = arith.addi %mul3A_2, %mul3A_314 : i32
      %dma_wait3A_316 = arith.constant 0 : i32
      %dma_wait3A_317 = arith.constant 0 : i32
      %dma_wait3A_318 = arith.constant 0 : i32
      %dma_wait3A_319 = tpu.memref_slice %arg6[%dma_wait3A_316, %dma_wait3A_317, %dma_wait3A_318] : memref<3x1024x32xf32, #tpu.memory_space<vmem>> -> memref<1x1024x32xf32, #tpu.memory_space<vmem>>
      %dma_wait3A_320 = tpu.memref_squeeze %dma_wait3A_319 : memref<1x1024x32xf32, #tpu.memory_space<vmem>> -> memref<1024x32xf32, #tpu.memory_space<vmem>>
      %dma_wait3A_321 = arith.constant 0 : i32
      %dma_wait3A_322 = tpu.memref_slice %arg4[%add3A_315, %dma_wait3A_321] : memref<819200x32xf32, #tpu.memory_space<hbm>> -> memref<1024x32xf32, #tpu.memory_space<hbm>>
      %dma_wait3A_323 = arith.constant 0 : i32
      %dma_wait3A_324 = arith.constant 0 : i32
      %dma_wait3A_325 = tpu.memref_slice %arg6[%dma_wait3A_316, %dma_wait3A_323, %dma_wait3A_324] : memref<3x1024x32xf32, #tpu.memory_space<vmem>> -> memref<1x1024x32xf32, #tpu.memory_space<vmem>>
      %dma_wait3A_326 = tpu.memref_squeeze %dma_wait3A_325 : memref<1x1024x32xf32, #tpu.memory_space<vmem>> -> memref<1024x32xf32, #tpu.memory_space<vmem>>
      %dma_wait3A_327 = arith.constant 0 : i32
      %dma_wait3A_328 = tpu.memref_slice %arg4[%add3A_315, %dma_wait3A_327] : memref<819200x32xf32, #tpu.memory_space<hbm>> -> memref<1024x32xf32, #tpu.memory_space<hbm>>
      tpu.wait_dma2 semaphore(%arg7 : memref<!tpu.dma_semaphore, #tpu.memory_space<semaphore_mem>>) src(%dma_wait3A_328 : memref<1024x32xf32, #tpu.memory_space<hbm>>) dst(%dma_wait3A_326 : memref<1024x32xf32, #tpu.memory_space<vmem>>)
      %scan3A_329 = arith.constant 0 : i32
      %scan3A_330 = arith.constant 0 : i32
      %scan3A_331 = arith.constant 128 : i32
      %scan3A_332 = arith.addi %scan3A_330, %scan3A_331 : i32
      %scan3A_333 = arith.constant 1 : i32
      %scan3A_334 = scf.for %scan3A_665 = %scan3A_330 to %scan3A_332 step %scan3A_333 iter_args(%scan3A_666 = %scan3A_329) -> (i32)  : i32 {
        %mul3A_667 = arith.constant 8 : i32
        %mul3A_668 = arith.muli %scan3A_665, %mul3A_667 : i32
        %add3A_669 = arith.constant 0 : i32
        %add3A_670 = arith.addi %mul3A_668, %add3A_669 : i32
        %get3A = arith.constant 0 : i32
        %get3A_671 = arith.index_cast %get3A : i32 to index
        %get3A_672 = arith.index_cast %add3A_670 : i32 to index
        %get3A_673 = arith.constant 0 : index
        %get3A_674 = tpu.vector_load %arg6[%get3A_671, %get3A_672, %get3A_673] {strides = array<i32>} : memref<3x1024x32xf32, #tpu.memory_space<vmem>>, vector<1x1x16xf32>,
        %get3A_675 = vector.shape_cast %get3A_674 : vector<1x1x16xf32> to vector<16xf32>
        %mul3A_676 = arith.constant -2.000000e+00 : f32
        %mul3A_677 = vector.broadcast %mul3A_676 : f32 to vector<16xf32>
        %mul3A_678 = arith.mulf %get3A_675, %mul3A_677 : vector<16xf32>
        %exp3A = math.exp %mul3A_678 : vector<16xf32>
        %add3A_679 = arith.constant 1.000000e+00 : f32
        %add3A_680 = vector.broadcast %add3A_679 : f32 to vector<16xf32>
        %add3A_681 = arith.addf %add3A_680, %exp3A : vector<16xf32>
        %div3A = arith.constant 2.000000e+00 : f32
        %div3A_682 = vector.broadcast %div3A : f32 to vector<16xf32>
        %div3A_683 = arith.divf %div3A_682, %add3A_681 : vector<16xf32>
        %sub3A = arith.constant 1.000000e+00 : f32
        %sub3A_684 = vector.broadcast %sub3A : f32 to vector<16xf32>
        %sub3A_685 = arith.subf %div3A_683, %sub3A_684 : vector<16xf32>
        %add3A_686 = arith.constant 0 : i32
        %add3A_687 = arith.addi %mul3A_668, %add3A_686 : i32
        %swap3A = arith.constant 0 : i32
        %swap3A_688 = arith.index_cast %swap3A : i32 to index
        %swap3A_689 = arith.index_cast %add3A_687 : i32 to index
        %swap3A_690 = arith.constant 0 : index
        %swap3A_691 = tpu.vector_load %arg6[%swap3A_688, %swap3A_689, %swap3A_690] {strides = array<i32>} : memref<3x1024x32xf32, #tpu.memory_space<vmem>>, vector<1x1x16xf32>,
        %swap3A_692 = vector.shape_cast %swap3A_691 : vector<1x1x16xf32> to vector<16xf32>
        %swap3A_693 = vector.shape_cast %sub3A_685 : vector<16xf32> to vector<1x1x16xf32>
        tpu.vector_store %arg6[%swap3A_688, %swap3A_689, %swap3A_690], %swap3A_693 {strides = array<i32>} : memref<3x1024x32xf32, #tpu.memory_space<vmem>>, vector<1x1x16xf32>,
        %add3A_694 = arith.constant 0 : i32
        %add3A_695 = arith.addi %mul3A_668, %add3A_694 : i32
        %get3A_696 = arith.constant 0 : i32
        %get3A_697 = arith.index_cast %get3A_696 : i32 to index
        %get3A_698 = arith.index_cast %add3A_695 : i32 to index
        %get3A_699 = arith.constant 16 : index
        %get3A_700 = tpu.vector_load %arg6[%get3A_697, %get3A_698, %get3A_699] {strides = array<i32>} : memref<3x1024x32xf32, #tpu.memory_space<vmem>>, vector<1x1x16xf32>,
        %get3A_701 = vector.shape_cast %get3A_700 : vector<1x1x16xf32> to vector<16xf32>
        %mul3A_702 = arith.constant -2.000000e+00 : f32
        %mul3A_703 = vector.broadcast %mul3A_702 : f32 to vector<16xf32>
        %mul3A_704 = arith.mulf %get3A_701, %mul3A_703 : vector<16xf32>
        %exp3A_705 = math.exp %mul3A_704 : vector<16xf32>
        %add3A_706 = arith.constant 1.000000e+00 : f32
        %add3A_707 = vector.broadcast %add3A_706 : f32 to vector<16xf32>
        %add3A_708 = arith.addf %add3A_707, %exp3A_705 : vector<16xf32>
        %div3A_709 = arith.constant 2.000000e+00 : f32
        %div3A_710 = vector.broadcast %div3A_709 : f32 to vector<16xf32>
        %div3A_711 = arith.divf %div3A_710, %add3A_708 : vector<16xf32>
        %sub3A_712 = arith.constant 1.000000e+00 : f32
        %sub3A_713 = vector.broadcast %sub3A_712 : f32 to vector<16xf32>
        %sub3A_714 = arith.subf %div3A_711, %sub3A_713 : vector<16xf32>
        %add3A_715 = arith.constant 0 : i32
        %add3A_716 = arith.addi %mul3A_668, %add3A_715 : i32
        %swap3A_717 = arith.constant 0 : i32
        %swap3A_718 = arith.index_cast %swap3A_717 : i32 to index
        %swap3A_719 = arith.index_cast %add3A_716 : i32 to index
        %swap3A_720 = arith.constant 16 : index
        %swap3A_721 = tpu.vector_load %arg6[%swap3A_718, %swap3A_719, %swap3A_720] {strides = array<i32>} : memref<3x1024x32xf32, #tpu.memory_space<vmem>>, vector<1x1x16xf32>,
        %swap3A_722 = vector.shape_cast %swap3A_721 : vector<1x1x16xf32> to vector<16xf32>
        %swap3A_723 = vector.shape_cast %sub3A_714 : vector<16xf32> to vector<1x1x16xf32>
        tpu.vector_store %arg6[%swap3A_718, %swap3A_719, %swap3A_720], %swap3A_723 {strides = array<i32>} : memref<3x1024x32xf32, #tpu.memory_space<vmem>>, vector<1x1x16xf32>,
        %add3A_724 = arith.constant 1 : i32
        %add3A_725 = arith.addi %mul3A_668, %add3A_724 : i32
        %get3A_726 = arith.constant 0 : i32
        %get3A_727 = arith.index_cast %get3A_726 : i32 to index
        %get3A_728 = arith.index_cast %add3A_725 : i32 to index
        %get3A_729 = arith.constant 0 : index
        %get3A_730 = tpu.vector_load %arg6[%get3A_727, %get3A_728, %get3A_729] {strides = array<i32>} : memref<3x1024x32xf32, #tpu.memory_space<vmem>>, vector<1x1x16xf32>,
        %get3A_731 = vector.shape_cast %get3A_730 : vector<1x1x16xf32> to vector<16xf32>
        %mul3A_732 = arith.constant -2.000000e+00 : f32
        %mul3A_733 = vector.broadcast %mul3A_732 : f32 to vector<16xf32>
        %mul3A_734 = arith.mulf %get3A_731, %mul3A_733 : vector<16xf32>
        %exp3A_735 = math.exp %mul3A_734 : vector<16xf32>
        %add3A_736 = arith.constant 1.000000e+00 : f32
        %add3A_737 = vector.broadcast %add3A_736 : f32 to vector<16xf32>
        %add3A_738 = arith.addf %add3A_737, %exp3A_735 : vector<16xf32>
        %div3A_739 = arith.constant 2.000000e+00 : f32
        %div3A_740 = vector.broadcast %div3A_739 : f32 to vector<16xf32>
        %div3A_741 = arith.divf %div3A_740, %add3A_738 : vector<16xf32>
        %sub3A_742 = arith.constant 1.000000e+00 : f32
        %sub3A_743 = vector.broadcast %sub3A_742 : f32 to vector<16xf32>
        %sub3A_744 = arith.subf %div3A_741, %sub3A_743 : vector<16xf32>
        %add3A_745 = arith.constant 1 : i32
        %add3A_746 = arith.addi %mul3A_668, %add3A_745 : i32
        %swap3A_747 = arith.constant 0 : i32
        %swap3A_748 = arith.index_cast %swap3A_747 : i32 to index
        %swap3A_749 = arith.index_cast %add3A_746 : i32 to index
        %swap3A_750 = arith.constant 0 : index
        %swap3A_751 = tpu.vector_load %arg6[%swap3A_748, %swap3A_749, %swap3A_750] {strides = array<i32>} : memref<3x1024x32xf32, #tpu.memory_space<vmem>>, vector<1x1x16xf32>,
        %swap3A_752 = vector.shape_cast %swap3A_751 : vector<1x1x16xf32> to vector<16xf32>
        %swap3A_753 = vector.shape_cast %sub3A_744 : vector<16xf32> to vector<1x1x16xf32>
        tpu.vector_store %arg6[%swap3A_748, %swap3A_749, %swap3A_750], %swap3A_753 {strides = array<i32>} : memref<3x1024x32xf32, #tpu.memory_space<vmem>>, vector<1x1x16xf32>,
        %add3A_754 = arith.constant 1 : i32
        %add3A_755 = arith.addi %mul3A_668, %add3A_754 : i32
        %get3A_756 = arith.constant 0 : i32
        %get3A_757 = arith.index_cast %get3A_756 : i32 to index
        %get3A_758 = arith.index_cast %add3A_755 : i32 to index
        %get3A_759 = arith.constant 16 : index
        %get3A_760 = tpu.vector_load %arg6[%get3A_757, %get3A_758, %get3A_759] {strides = array<i32>} : memref<3x1024x32xf32, #tpu.memory_space<vmem>>, vector<1x1x16xf32>,
        %get3A_761 = vector.shape_cast %get3A_760 : vector<1x1x16xf32> to vector<16xf32>
        %mul3A_762 = arith.constant -2.000000e+00 : f32
        %mul3A_763 = vector.broadcast %mul3A_762 : f32 to vector<16xf32>
        %mul3A_764 = arith.mulf %get3A_761, %mul3A_763 : vector<16xf32>
        %exp3A_765 = math.exp %mul3A_764 : vector<16xf32>
        %add3A_766 = arith.constant 1.000000e+00 : f32
        %add3A_767 = vector.broadcast %add3A_766 : f32 to vector<16xf32>
        %add3A_768 = arith.addf %add3A_767, %exp3A_765 : vector<16xf32>
        %div3A_769 = arith.constant 2.000000e+00 : f32
        %div3A_770 = vector.broadcast %div3A_769 : f32 to vector<16xf32>
        %div3A_771 = arith.divf %div3A_770, %add3A_768 : vector<16xf32>
        %sub3A_772 = arith.constant 1.000000e+00 : f32
        %sub3A_773 = vector.broadcast %sub3A_772 : f32 to vector<16xf32>
        %sub3A_774 = arith.subf %div3A_771, %sub3A_773 : vector<16xf32>
        %add3A_775 = arith.constant 1 : i32
        %add3A_776 = arith.addi %mul3A_668, %add3A_775 : i32
        %swap3A_777 = arith.constant 0 : i32
        %swap3A_778 = arith.index_cast %swap3A_777 : i32 to index
        %swap3A_779 = arith.index_cast %add3A_776 : i32 to index
        %swap3A_780 = arith.constant 16 : index
        %swap3A_781 = tpu.vector_load %arg6[%swap3A_778, %swap3A_779, %swap3A_780] {strides = array<i32>} : memref<3x1024x32xf32, #tpu.memory_space<vmem>>, vector<1x1x16xf32>,
        %swap3A_782 = vector.shape_cast %swap3A_781 : vector<1x1x16xf32> to vector<16xf32>
        %swap3A_783 = vector.shape_cast %sub3A_774 : vector<16xf32> to vector<1x1x16xf32>
        tpu.vector_store %arg6[%swap3A_778, %swap3A_779, %swap3A_780], %swap3A_783 {strides = array<i32>} : memref<3x1024x32xf32, #tpu.memory_space<vmem>>, vector<1x1x16xf32>,
        %add3A_784 = arith.constant 2 : i32
        %add3A_785 = arith.addi %mul3A_668, %add3A_784 : i32
        %get3A_786 = arith.constant 0 : i32
        %get3A_787 = arith.index_cast %get3A_786 : i32 to index
        %get3A_788 = arith.index_cast %add3A_785 : i32 to index
        %get3A_789 = arith.constant 0 : index
        %get3A_790 = tpu.vector_load %arg6[%get3A_787, %get3A_788, %get3A_789] {strides = array<i32>} : memref<3x1024x32xf32, #tpu.memory_space<vmem>>, vector<1x1x16xf32>,
        %get3A_791 = vector.shape_cast %get3A_790 : vector<1x1x16xf32> to vector<16xf32>
        %mul3A_792 = arith.constant -2.000000e+00 : f32
        %mul3A_793 = vector.broadcast %mul3A_792 : f32 to vector<16xf32>
        %mul3A_794 = arith.mulf %get3A_791, %mul3A_793 : vector<16xf32>
        %exp3A_795 = math.exp %mul3A_794 : vector<16xf32>
        %add3A_796 = arith.constant 1.000000e+00 : f32
        %add3A_797 = vector.broadcast %add3A_796 : f32 to vector<16xf32>
        %add3A_798 = arith.addf %add3A_797, %exp3A_795 : vector<16xf32>
        %div3A_799 = arith.constant 2.000000e+00 : f32
        %div3A_800 = vector.broadcast %div3A_799 : f32 to vector<16xf32>
        %div3A_801 = arith.divf %div3A_800, %add3A_798 : vector<16xf32>
        %sub3A_802 = arith.constant 1.000000e+00 : f32
        %sub3A_803 = vector.broadcast %sub3A_802 : f32 to vector<16xf32>
        %sub3A_804 = arith.subf %div3A_801, %sub3A_803 : vector<16xf32>
        %add3A_805 = arith.constant 2 : i32
        %add3A_806 = arith.addi %mul3A_668, %add3A_805 : i32
        %swap3A_807 = arith.constant 0 : i32
        %swap3A_808 = arith.index_cast %swap3A_807 : i32 to index
        %swap3A_809 = arith.index_cast %add3A_806 : i32 to index
        %swap3A_810 = arith.constant 0 : index
        %swap3A_811 = tpu.vector_load %arg6[%swap3A_808, %swap3A_809, %swap3A_810] {strides = array<i32>} : memref<3x1024x32xf32, #tpu.memory_space<vmem>>, vector<1x1x16xf32>,
        %swap3A_812 = vector.shape_cast %swap3A_811 : vector<1x1x16xf32> to vector<16xf32>
        %swap3A_813 = vector.shape_cast %sub3A_804 : vector<16xf32> to vector<1x1x16xf32>
        tpu.vector_store %arg6[%swap3A_808, %swap3A_809, %swap3A_810], %swap3A_813 {strides = array<i32>} : memref<3x1024x32xf32, #tpu.memory_space<vmem>>, vector<1x1x16xf32>,
        %add3A_814 = arith.constant 2 : i32
        %add3A_815 = arith.addi %mul3A_668, %add3A_814 : i32
        %get3A_816 = arith.constant 0 : i32
        %get3A_817 = arith.index_cast %get3A_816 : i32 to index
        %get3A_818 = arith.index_cast %add3A_815 : i32 to index
        %get3A_819 = arith.constant 16 : index
        %get3A_820 = tpu.vector_load %arg6[%get3A_817, %get3A_818, %get3A_819] {strides = array<i32>} : memref<3x1024x32xf32, #tpu.memory_space<vmem>>, vector<1x1x16xf32>,
        %get3A_821 = vector.shape_cast %get3A_820 : vector<1x1x16xf32> to vector<16xf32>
        %mul3A_822 = arith.constant -2.000000e+00 : f32
        %mul3A_823 = vector.broadcast %mul3A_822 : f32 to vector<16xf32>
        %mul3A_824 = arith.mulf %get3A_821, %mul3A_823 : vector<16xf32>
        %exp3A_825 = math.exp %mul3A_824 : vector<16xf32>
        %add3A_826 = arith.constant 1.000000e+00 : f32
        %add3A_827 = vector.broadcast %add3A_826 : f32 to vector<16xf32>
        %add3A_828 = arith.addf %add3A_827, %exp3A_825 : vector<16xf32>
        %div3A_829 = arith.constant 2.000000e+00 : f32
        %div3A_830 = vector.broadcast %div3A_829 : f32 to vector<16xf32>
        %div3A_831 = arith.divf %div3A_830, %add3A_828 : vector<16xf32>
        %sub3A_832 = arith.constant 1.000000e+00 : f32
        %sub3A_833 = vector.broadcast %sub3A_832 : f32 to vector<16xf32>
        %sub3A_834 = arith.subf %div3A_831, %sub3A_833 : vector<16xf32>
        %add3A_835 = arith.constant 2 : i32
        %add3A_836 = arith.addi %mul3A_668, %add3A_835 : i32
        %swap3A_837 = arith.constant 0 : i32
        %swap3A_838 = arith.index_cast %swap3A_837 : i32 to index
        %swap3A_839 = arith.index_cast %add3A_836 : i32 to index
        %swap3A_840 = arith.constant 16 : index
        %swap3A_841 = tpu.vector_load %arg6[%swap3A_838, %swap3A_839, %swap3A_840] {strides = array<i32>} : memref<3x1024x32xf32, #tpu.memory_space<vmem>>, vector<1x1x16xf32>,
        %swap3A_842 = vector.shape_cast %swap3A_841 : vector<1x1x16xf32> to vector<16xf32>
        %swap3A_843 = vector.shape_cast %sub3A_834 : vector<16xf32> to vector<1x1x16xf32>
        tpu.vector_store %arg6[%swap3A_838, %swap3A_839, %swap3A_840], %swap3A_843 {strides = array<i32>} : memref<3x1024x32xf32, #tpu.memory_space<vmem>>, vector<1x1x16xf32>,
        %add3A_844 = arith.constant 3 : i32
        %add3A_845 = arith.addi %mul3A_668, %add3A_844 : i32
        %get3A_846 = arith.constant 0 : i32
        %get3A_847 = arith.index_cast %get3A_846 : i32 to index
        %get3A_848 = arith.index_cast %add3A_845 : i32 to index
        %get3A_849 = arith.constant 0 : index
        %get3A_850 = tpu.vector_load %arg6[%get3A_847, %get3A_848, %get3A_849] {strides = array<i32>} : memref<3x1024x32xf32, #tpu.memory_space<vmem>>, vector<1x1x16xf32>,
        %get3A_851 = vector.shape_cast %get3A_850 : vector<1x1x16xf32> to vector<16xf32>
        %mul3A_852 = arith.constant -2.000000e+00 : f32
        %mul3A_853 = vector.broadcast %mul3A_852 : f32 to vector<16xf32>
        %mul3A_854 = arith.mulf %get3A_851, %mul3A_853 : vector<16xf32>
        %exp3A_855 = math.exp %mul3A_854 : vector<16xf32>
        %add3A_856 = arith.constant 1.000000e+00 : f32
        %add3A_857 = vector.broadcast %add3A_856 : f32 to vector<16xf32>
        %add3A_858 = arith.addf %add3A_857, %exp3A_855 : vector<16xf32>
        %div3A_859 = arith.constant 2.000000e+00 : f32
        %div3A_860 = vector.broadcast %div3A_859 : f32 to vector<16xf32>
        %div3A_861 = arith.divf %div3A_860, %add3A_858 : vector<16xf32>
        %sub3A_862 = arith.constant 1.000000e+00 : f32
        %sub3A_863 = vector.broadcast %sub3A_862 : f32 to vector<16xf32>
        %sub3A_864 = arith.subf %div3A_861, %sub3A_863 : vector<16xf32>
        %add3A_865 = arith.constant 3 : i32
        %add3A_866 = arith.addi %mul3A_668, %add3A_865 : i32
        %swap3A_867 = arith.constant 0 : i32
        %swap3A_868 = arith.index_cast %swap3A_867 : i32 to index
        %swap3A_869 = arith.index_cast %add3A_866 : i32 to index
        %swap3A_870 = arith.constant 0 : index
        %swap3A_871 = tpu.vector_load %arg6[%swap3A_868, %swap3A_869, %swap3A_870] {strides = array<i32>} : memref<3x1024x32xf32, #tpu.memory_space<vmem>>, vector<1x1x16xf32>,
        %swap3A_872 = vector.shape_cast %swap3A_871 : vector<1x1x16xf32> to vector<16xf32>
        %swap3A_873 = vector.shape_cast %sub3A_864 : vector<16xf32> to vector<1x1x16xf32>
        tpu.vector_store %arg6[%swap3A_868, %swap3A_869, %swap3A_870], %swap3A_873 {strides = array<i32>} : memref<3x1024x32xf32, #tpu.memory_space<vmem>>, vector<1x1x16xf32>,
        %add3A_874 = arith.constant 3 : i32
        %add3A_875 = arith.addi %mul3A_668, %add3A_874 : i32
        %get3A_876 = arith.constant 0 : i32
        %get3A_877 = arith.index_cast %get3A_876 : i32 to index
        %get3A_878 = arith.index_cast %add3A_875 : i32 to index
        %get3A_879 = arith.constant 16 : index
        %get3A_880 = tpu.vector_load %arg6[%get3A_877, %get3A_878, %get3A_879] {strides = array<i32>} : memref<3x1024x32xf32, #tpu.memory_space<vmem>>, vector<1x1x16xf32>,
        %get3A_881 = vector.shape_cast %get3A_880 : vector<1x1x16xf32> to vector<16xf32>
        %mul3A_882 = arith.constant -2.000000e+00 : f32
        %mul3A_883 = vector.broadcast %mul3A_882 : f32 to vector<16xf32>
        %mul3A_884 = arith.mulf %get3A_881, %mul3A_883 : vector<16xf32>
        %exp3A_885 = math.exp %mul3A_884 : vector<16xf32>
        %add3A_886 = arith.constant 1.000000e+00 : f32
        %add3A_887 = vector.broadcast %add3A_886 : f32 to vector<16xf32>
        %add3A_888 = arith.addf %add3A_887, %exp3A_885 : vector<16xf32>
        %div3A_889 = arith.constant 2.000000e+00 : f32
        %div3A_890 = vector.broadcast %div3A_889 : f32 to vector<16xf32>
        %div3A_891 = arith.divf %div3A_890, %add3A_888 : vector<16xf32>
        %sub3A_892 = arith.constant 1.000000e+00 : f32
        %sub3A_893 = vector.broadcast %sub3A_892 : f32 to vector<16xf32>
        %sub3A_894 = arith.subf %div3A_891, %sub3A_893 : vector<16xf32>
        %add3A_895 = arith.constant 3 : i32
        %add3A_896 = arith.addi %mul3A_668, %add3A_895 : i32
        %swap3A_897 = arith.constant 0 : i32
        %swap3A_898 = arith.index_cast %swap3A_897 : i32 to index
        %swap3A_899 = arith.index_cast %add3A_896 : i32 to index
        %swap3A_900 = arith.constant 16 : index
        %swap3A_901 = tpu.vector_load %arg6[%swap3A_898, %swap3A_899, %swap3A_900] {strides = array<i32>} : memref<3x1024x32xf32, #tpu.memory_space<vmem>>, vector<1x1x16xf32>,
        %swap3A_902 = vector.shape_cast %swap3A_901 : vector<1x1x16xf32> to vector<16xf32>
        %swap3A_903 = vector.shape_cast %sub3A_894 : vector<16xf32> to vector<1x1x16xf32>
        tpu.vector_store %arg6[%swap3A_898, %swap3A_899, %swap3A_900], %swap3A_903 {strides = array<i32>} : memref<3x1024x32xf32, #tpu.memory_space<vmem>>, vector<1x1x16xf32>,
        %add3A_904 = arith.constant 4 : i32
        %add3A_905 = arith.addi %mul3A_668, %add3A_904 : i32
        %get3A_906 = arith.constant 0 : i32
        %get3A_907 = arith.index_cast %get3A_906 : i32 to index
        %get3A_908 = arith.index_cast %add3A_905 : i32 to index
        %get3A_909 = arith.constant 0 : index
        %get3A_910 = tpu.vector_load %arg6[%get3A_907, %get3A_908, %get3A_909] {strides = array<i32>} : memref<3x1024x32xf32, #tpu.memory_space<vmem>>, vector<1x1x16xf32>,
        %get3A_911 = vector.shape_cast %get3A_910 : vector<1x1x16xf32> to vector<16xf32>
        %mul3A_912 = arith.constant -2.000000e+00 : f32
        %mul3A_913 = vector.broadcast %mul3A_912 : f32 to vector<16xf32>
        %mul3A_914 = arith.mulf %get3A_911, %mul3A_913 : vector<16xf32>
        %exp3A_915 = math.exp %mul3A_914 : vector<16xf32>
        %add3A_916 = arith.constant 1.000000e+00 : f32
        %add3A_917 = vector.broadcast %add3A_916 : f32 to vector<16xf32>
        %add3A_918 = arith.addf %add3A_917, %exp3A_915 : vector<16xf32>
        %div3A_919 = arith.constant 2.000000e+00 : f32
        %div3A_920 = vector.broadcast %div3A_919 : f32 to vector<16xf32>
        %div3A_921 = arith.divf %div3A_920, %add3A_918 : vector<16xf32>
        %sub3A_922 = arith.constant 1.000000e+00 : f32
        %sub3A_923 = vector.broadcast %sub3A_922 : f32 to vector<16xf32>
        %sub3A_924 = arith.subf %div3A_921, %sub3A_923 : vector<16xf32>
        %add3A_925 = arith.constant 4 : i32
        %add3A_926 = arith.addi %mul3A_668, %add3A_925 : i32
        %swap3A_927 = arith.constant 0 : i32
        %swap3A_928 = arith.index_cast %swap3A_927 : i32 to index
        %swap3A_929 = arith.index_cast %add3A_926 : i32 to index
        %swap3A_930 = arith.constant 0 : index
        %swap3A_931 = tpu.vector_load %arg6[%swap3A_928, %swap3A_929, %swap3A_930] {strides = array<i32>} : memref<3x1024x32xf32, #tpu.memory_space<vmem>>, vector<1x1x16xf32>,
        %swap3A_932 = vector.shape_cast %swap3A_931 : vector<1x1x16xf32> to vector<16xf32>
        %swap3A_933 = vector.shape_cast %sub3A_924 : vector<16xf32> to vector<1x1x16xf32>
        tpu.vector_store %arg6[%swap3A_928, %swap3A_929, %swap3A_930], %swap3A_933 {strides = array<i32>} : memref<3x1024x32xf32, #tpu.memory_space<vmem>>, vector<1x1x16xf32>,
        %add3A_934 = arith.constant 4 : i32
        %add3A_935 = arith.addi %mul3A_668, %add3A_934 : i32
        %get3A_936 = arith.constant 0 : i32
        %get3A_937 = arith.index_cast %get3A_936 : i32 to index
        %get3A_938 = arith.index_cast %add3A_935 : i32 to index
        %get3A_939 = arith.constant 16 : index
        %get3A_940 = tpu.vector_load %arg6[%get3A_937, %get3A_938, %get3A_939] {strides = array<i32>} : memref<3x1024x32xf32, #tpu.memory_space<vmem>>, vector<1x1x16xf32>,
        %get3A_941 = vector.shape_cast %get3A_940 : vector<1x1x16xf32> to vector<16xf32>
        %mul3A_942 = arith.constant -2.000000e+00 : f32
        %mul3A_943 = vector.broadcast %mul3A_942 : f32 to vector<16xf32>
        %mul3A_944 = arith.mulf %get3A_941, %mul3A_943 : vector<16xf32>
        %exp3A_945 = math.exp %mul3A_944 : vector<16xf32>
        %add3A_946 = arith.constant 1.000000e+00 : f32
        %add3A_947 = vector.broadcast %add3A_946 : f32 to vector<16xf32>
        %add3A_948 = arith.addf %add3A_947, %exp3A_945 : vector<16xf32>
        %div3A_949 = arith.constant 2.000000e+00 : f32
        %div3A_950 = vector.broadcast %div3A_949 : f32 to vector<16xf32>
        %div3A_951 = arith.divf %div3A_950, %add3A_948 : vector<16xf32>
        %sub3A_952 = arith.constant 1.000000e+00 : f32
        %sub3A_953 = vector.broadcast %sub3A_952 : f32 to vector<16xf32>
        %sub3A_954 = arith.subf %div3A_951, %sub3A_953 : vector<16xf32>
        %add3A_955 = arith.constant 4 : i32
        %add3A_956 = arith.addi %mul3A_668, %add3A_955 : i32
        %swap3A_957 = arith.constant 0 : i32
        %swap3A_958 = arith.index_cast %swap3A_957 : i32 to index
        %swap3A_959 = arith.index_cast %add3A_956 : i32 to index
        %swap3A_960 = arith.constant 16 : index
        %swap3A_961 = tpu.vector_load %arg6[%swap3A_958, %swap3A_959, %swap3A_960] {strides = array<i32>} : memref<3x1024x32xf32, #tpu.memory_space<vmem>>, vector<1x1x16xf32>,
        %swap3A_962 = vector.shape_cast %swap3A_961 : vector<1x1x16xf32> to vector<16xf32>
        %swap3A_963 = vector.shape_cast %sub3A_954 : vector<16xf32> to vector<1x1x16xf32>
        tpu.vector_store %arg6[%swap3A_958, %swap3A_959, %swap3A_960], %swap3A_963 {strides = array<i32>} : memref<3x1024x32xf32, #tpu.memory_space<vmem>>, vector<1x1x16xf32>,
        %add3A_964 = arith.constant 5 : i32
        %add3A_965 = arith.addi %mul3A_668, %add3A_964 : i32
        %get3A_966 = arith.constant 0 : i32
        %get3A_967 = arith.index_cast %get3A_966 : i32 to index
        %get3A_968 = arith.index_cast %add3A_965 : i32 to index
        %get3A_969 = arith.constant 0 : index
        %get3A_970 = tpu.vector_load %arg6[%get3A_967, %get3A_968, %get3A_969] {strides = array<i32>} : memref<3x1024x32xf32, #tpu.memory_space<vmem>>, vector<1x1x16xf32>,
        %get3A_971 = vector.shape_cast %get3A_970 : vector<1x1x16xf32> to vector<16xf32>
        %mul3A_972 = arith.constant -2.000000e+00 : f32
        %mul3A_973 = vector.broadcast %mul3A_972 : f32 to vector<16xf32>
        %mul3A_974 = arith.mulf %get3A_971, %mul3A_973 : vector<16xf32>
        %exp3A_975 = math.exp %mul3A_974 : vector<16xf32>
        %add3A_976 = arith.constant 1.000000e+00 : f32
        %add3A_977 = vector.broadcast %add3A_976 : f32 to vector<16xf32>
        %add3A_978 = arith.addf %add3A_977, %exp3A_975 : vector<16xf32>
        %div3A_979 = arith.constant 2.000000e+00 : f32
        %div3A_980 = vector.broadcast %div3A_979 : f32 to vector<16xf32>
        %div3A_981 = arith.divf %div3A_980, %add3A_978 : vector<16xf32>
        %sub3A_982 = arith.constant 1.000000e+00 : f32
        %sub3A_983 = vector.broadcast %sub3A_982 : f32 to vector<16xf32>
        %sub3A_984 = arith.subf %div3A_981, %sub3A_983 : vector<16xf32>
        %add3A_985 = arith.constant 5 : i32
        %add3A_986 = arith.addi %mul3A_668, %add3A_985 : i32
        %swap3A_987 = arith.constant 0 : i32
        %swap3A_988 = arith.index_cast %swap3A_987 : i32 to index
        %swap3A_989 = arith.index_cast %add3A_986 : i32 to index
        %swap3A_990 = arith.constant 0 : index
        %swap3A_991 = tpu.vector_load %arg6[%swap3A_988, %swap3A_989, %swap3A_990] {strides = array<i32>} : memref<3x1024x32xf32, #tpu.memory_space<vmem>>, vector<1x1x16xf32>,
        %swap3A_992 = vector.shape_cast %swap3A_991 : vector<1x1x16xf32> to vector<16xf32>
        %swap3A_993 = vector.shape_cast %sub3A_984 : vector<16xf32> to vector<1x1x16xf32>
        tpu.vector_store %arg6[%swap3A_988, %swap3A_989, %swap3A_990], %swap3A_993 {strides = array<i32>} : memref<3x1024x32xf32, #tpu.memory_space<vmem>>, vector<1x1x16xf32>,
        %add3A_994 = arith.constant 5 : i32
        %add3A_995 = arith.addi %mul3A_668, %add3A_994 : i32
        %get3A_996 = arith.constant 0 : i32
        %get3A_997 = arith.index_cast %get3A_996 : i32 to index
        %get3A_998 = arith.index_cast %add3A_995 : i32 to index
        %get3A_999 = arith.constant 16 : index
        %get3A_1000 = tpu.vector_load %arg6[%get3A_997, %get3A_998, %get3A_999] {strides = array<i32>} : memref<3x1024x32xf32, #tpu.memory_space<vmem>>, vector<1x1x16xf32>,
        %get3A_1001 = vector.shape_cast %get3A_1000 : vector<1x1x16xf32> to vector<16xf32>
        %mul3A_1002 = arith.constant -2.000000e+00 : f32
        %mul3A_1003 = vector.broadcast %mul3A_1002 : f32 to vector<16xf32>
        %mul3A_1004 = arith.mulf %get3A_1001, %mul3A_1003 : vector<16xf32>
        %exp3A_1005 = math.exp %mul3A_1004 : vector<16xf32>
        %add3A_1006 = arith.constant 1.000000e+00 : f32
        %add3A_1007 = vector.broadcast %add3A_1006 : f32 to vector<16xf32>
        %add3A_1008 = arith.addf %add3A_1007, %exp3A_1005 : vector<16xf32>
        %div3A_1009 = arith.constant 2.000000e+00 : f32
        %div3A_1010 = vector.broadcast %div3A_1009 : f32 to vector<16xf32>
        %div3A_1011 = arith.divf %div3A_1010, %add3A_1008 : vector<16xf32>
        %sub3A_1012 = arith.constant 1.000000e+00 : f32
        %sub3A_1013 = vector.broadcast %sub3A_1012 : f32 to vector<16xf32>
        %sub3A_1014 = arith.subf %div3A_1011, %sub3A_1013 : vector<16xf32>
        %add3A_1015 = arith.constant 5 : i32
        %add3A_1016 = arith.addi %mul3A_668, %add3A_1015 : i32
        %swap3A_1017 = arith.constant 0 : i32
        %swap3A_1018 = arith.index_cast %swap3A_1017 : i32 to index
        %swap3A_1019 = arith.index_cast %add3A_1016 : i32 to index
        %swap3A_1020 = arith.constant 16 : index
        %swap3A_1021 = tpu.vector_load %arg6[%swap3A_1018, %swap3A_1019, %swap3A_1020] {strides = array<i32>} : memref<3x1024x32xf32, #tpu.memory_space<vmem>>, vector<1x1x16xf32>,
        %swap3A_1022 = vector.shape_cast %swap3A_1021 : vector<1x1x16xf32> to vector<16xf32>
        %swap3A_1023 = vector.shape_cast %sub3A_1014 : vector<16xf32> to vector<1x1x16xf32>
        tpu.vector_store %arg6[%swap3A_1018, %swap3A_1019, %swap3A_1020], %swap3A_1023 {strides = array<i32>} : memref<3x1024x32xf32, #tpu.memory_space<vmem>>, vector<1x1x16xf32>,
        %add3A_1024 = arith.constant 6 : i32
        %add3A_1025 = arith.addi %mul3A_668, %add3A_1024 : i32
        %get3A_1026 = arith.constant 0 : i32
        %get3A_1027 = arith.index_cast %get3A_1026 : i32 to index
        %get3A_1028 = arith.index_cast %add3A_1025 : i32 to index
        %get3A_1029 = arith.constant 0 : index
        %get3A_1030 = tpu.vector_load %arg6[%get3A_1027, %get3A_1028, %get3A_1029] {strides = array<i32>} : memref<3x1024x32xf32, #tpu.memory_space<vmem>>, vector<1x1x16xf32>,
        %get3A_1031 = vector.shape_cast %get3A_1030 : vector<1x1x16xf32> to vector<16xf32>
        %mul3A_1032 = arith.constant -2.000000e+00 : f32
        %mul3A_1033 = vector.broadcast %mul3A_1032 : f32 to vector<16xf32>
        %mul3A_1034 = arith.mulf %get3A_1031, %mul3A_1033 : vector<16xf32>
        %exp3A_1035 = math.exp %mul3A_1034 : vector<16xf32>
        %add3A_1036 = arith.constant 1.000000e+00 : f32
        %add3A_1037 = vector.broadcast %add3A_1036 : f32 to vector<16xf32>
        %add3A_1038 = arith.addf %add3A_1037, %exp3A_1035 : vector<16xf32>
        %div3A_1039 = arith.constant 2.000000e+00 : f32
        %div3A_1040 = vector.broadcast %div3A_1039 : f32 to vector<16xf32>
        %div3A_1041 = arith.divf %div3A_1040, %add3A_1038 : vector<16xf32>
        %sub3A_1042 = arith.constant 1.000000e+00 : f32
        %sub3A_1043 = vector.broadcast %sub3A_1042 : f32 to vector<16xf32>
        %sub3A_1044 = arith.subf %div3A_1041, %sub3A_1043 : vector<16xf32>
        %add3A_1045 = arith.constant 6 : i32
        %add3A_1046 = arith.addi %mul3A_668, %add3A_1045 : i32
        %swap3A_1047 = arith.constant 0 : i32
        %swap3A_1048 = arith.index_cast %swap3A_1047 : i32 to index
        %swap3A_1049 = arith.index_cast %add3A_1046 : i32 to index
        %swap3A_1050 = arith.constant 0 : index
        %swap3A_1051 = tpu.vector_load %arg6[%swap3A_1048, %swap3A_1049, %swap3A_1050] {strides = array<i32>} : memref<3x1024x32xf32, #tpu.memory_space<vmem>>, vector<1x1x16xf32>,
        %swap3A_1052 = vector.shape_cast %swap3A_1051 : vector<1x1x16xf32> to vector<16xf32>
        %swap3A_1053 = vector.shape_cast %sub3A_1044 : vector<16xf32> to vector<1x1x16xf32>
        tpu.vector_store %arg6[%swap3A_1048, %swap3A_1049, %swap3A_1050], %swap3A_1053 {strides = array<i32>} : memref<3x1024x32xf32, #tpu.memory_space<vmem>>, vector<1x1x16xf32>,
        %add3A_1054 = arith.constant 6 : i32
        %add3A_1055 = arith.addi %mul3A_668, %add3A_1054 : i32
        %get3A_1056 = arith.constant 0 : i32
        %get3A_1057 = arith.index_cast %get3A_1056 : i32 to index
        %get3A_1058 = arith.index_cast %add3A_1055 : i32 to index
        %get3A_1059 = arith.constant 16 : index
        %get3A_1060 = tpu.vector_load %arg6[%get3A_1057, %get3A_1058, %get3A_1059] {strides = array<i32>} : memref<3x1024x32xf32, #tpu.memory_space<vmem>>, vector<1x1x16xf32>,
        %get3A_1061 = vector.shape_cast %get3A_1060 : vector<1x1x16xf32> to vector<16xf32>
        %mul3A_1062 = arith.constant -2.000000e+00 : f32
        %mul3A_1063 = vector.broadcast %mul3A_1062 : f32 to vector<16xf32>
        %mul3A_1064 = arith.mulf %get3A_1061, %mul3A_1063 : vector<16xf32>
        %exp3A_1065 = math.exp %mul3A_1064 : vector<16xf32>
        %add3A_1066 = arith.constant 1.000000e+00 : f32
        %add3A_1067 = vector.broadcast %add3A_1066 : f32 to vector<16xf32>
        %add3A_1068 = arith.addf %add3A_1067, %exp3A_1065 : vector<16xf32>
        %div3A_1069 = arith.constant 2.000000e+00 : f32
        %div3A_1070 = vector.broadcast %div3A_1069 : f32 to vector<16xf32>
        %div3A_1071 = arith.divf %div3A_1070, %add3A_1068 : vector<16xf32>
        %sub3A_1072 = arith.constant 1.000000e+00 : f32
        %sub3A_1073 = vector.broadcast %sub3A_1072 : f32 to vector<16xf32>
        %sub3A_1074 = arith.subf %div3A_1071, %sub3A_1073 : vector<16xf32>
        %add3A_1075 = arith.constant 6 : i32
        %add3A_1076 = arith.addi %mul3A_668, %add3A_1075 : i32
        %swap3A_1077 = arith.constant 0 : i32
        %swap3A_1078 = arith.index_cast %swap3A_1077 : i32 to index
        %swap3A_1079 = arith.index_cast %add3A_1076 : i32 to index
        %swap3A_1080 = arith.constant 16 : index
        %swap3A_1081 = tpu.vector_load %arg6[%swap3A_1078, %swap3A_1079, %swap3A_1080] {strides = array<i32>} : memref<3x1024x32xf32, #tpu.memory_space<vmem>>, vector<1x1x16xf32>,
        %swap3A_1082 = vector.shape_cast %swap3A_1081 : vector<1x1x16xf32> to vector<16xf32>
        %swap3A_1083 = vector.shape_cast %sub3A_1074 : vector<16xf32> to vector<1x1x16xf32>
        tpu.vector_store %arg6[%swap3A_1078, %swap3A_1079, %swap3A_1080], %swap3A_1083 {strides = array<i32>} : memref<3x1024x32xf32, #tpu.memory_space<vmem>>, vector<1x1x16xf32>,
        %add3A_1084 = arith.constant 7 : i32
        %add3A_1085 = arith.addi %mul3A_668, %add3A_1084 : i32
        %get3A_1086 = arith.constant 0 : i32
        %get3A_1087 = arith.index_cast %get3A_1086 : i32 to index
        %get3A_1088 = arith.index_cast %add3A_1085 : i32 to index
        %get3A_1089 = arith.constant 0 : index
        %get3A_1090 = tpu.vector_load %arg6[%get3A_1087, %get3A_1088, %get3A_1089] {strides = array<i32>} : memref<3x1024x32xf32, #tpu.memory_space<vmem>>, vector<1x1x16xf32>,
        %get3A_1091 = vector.shape_cast %get3A_1090 : vector<1x1x16xf32> to vector<16xf32>
        %mul3A_1092 = arith.constant -2.000000e+00 : f32
        %mul3A_1093 = vector.broadcast %mul3A_1092 : f32 to vector<16xf32>
        %mul3A_1094 = arith.mulf %get3A_1091, %mul3A_1093 : vector<16xf32>
        %exp3A_1095 = math.exp %mul3A_1094 : vector<16xf32>
        %add3A_1096 = arith.constant 1.000000e+00 : f32
        %add3A_1097 = vector.broadcast %add3A_1096 : f32 to vector<16xf32>
        %add3A_1098 = arith.addf %add3A_1097, %exp3A_1095 : vector<16xf32>
        %div3A_1099 = arith.constant 2.000000e+00 : f32
        %div3A_1100 = vector.broadcast %div3A_1099 : f32 to vector<16xf32>
        %div3A_1101 = arith.divf %div3A_1100, %add3A_1098 : vector<16xf32>
        %sub3A_1102 = arith.constant 1.000000e+00 : f32
        %sub3A_1103 = vector.broadcast %sub3A_1102 : f32 to vector<16xf32>
        %sub3A_1104 = arith.subf %div3A_1101, %sub3A_1103 : vector<16xf32>
        %add3A_1105 = arith.constant 7 : i32
        %add3A_1106 = arith.addi %mul3A_668, %add3A_1105 : i32
        %swap3A_1107 = arith.constant 0 : i32
        %swap3A_1108 = arith.index_cast %swap3A_1107 : i32 to index
        %swap3A_1109 = arith.index_cast %add3A_1106 : i32 to index
        %swap3A_1110 = arith.constant 0 : index
        %swap3A_1111 = tpu.vector_load %arg6[%swap3A_1108, %swap3A_1109, %swap3A_1110] {strides = array<i32>} : memref<3x1024x32xf32, #tpu.memory_space<vmem>>, vector<1x1x16xf32>,
        %swap3A_1112 = vector.shape_cast %swap3A_1111 : vector<1x1x16xf32> to vector<16xf32>
        %swap3A_1113 = vector.shape_cast %sub3A_1104 : vector<16xf32> to vector<1x1x16xf32>
        tpu.vector_store %arg6[%swap3A_1108, %swap3A_1109, %swap3A_1110], %swap3A_1113 {strides = array<i32>} : memref<3x1024x32xf32, #tpu.memory_space<vmem>>, vector<1x1x16xf32>,
        %add3A_1114 = arith.constant 7 : i32
        %add3A_1115 = arith.addi %mul3A_668, %add3A_1114 : i32
        %get3A_1116 = arith.constant 0 : i32
        %get3A_1117 = arith.index_cast %get3A_1116 : i32 to index
        %get3A_1118 = arith.index_cast %add3A_1115 : i32 to index
        %get3A_1119 = arith.constant 16 : index
        %get3A_1120 = tpu.vector_load %arg6[%get3A_1117, %get3A_1118, %get3A_1119] {strides = array<i32>} : memref<3x1024x32xf32, #tpu.memory_space<vmem>>, vector<1x1x16xf32>,
        %get3A_1121 = vector.shape_cast %get3A_1120 : vector<1x1x16xf32> to vector<16xf32>
        %mul3A_1122 = arith.constant -2.000000e+00 : f32
        %mul3A_1123 = vector.broadcast %mul3A_1122 : f32 to vector<16xf32>
        %mul3A_1124 = arith.mulf %get3A_1121, %mul3A_1123 : vector<16xf32>
        %exp3A_1125 = math.exp %mul3A_1124 : vector<16xf32>
        %add3A_1126 = arith.constant 1.000000e+00 : f32
        %add3A_1127 = vector.broadcast %add3A_1126 : f32 to vector<16xf32>
        %add3A_1128 = arith.addf %add3A_1127, %exp3A_1125 : vector<16xf32>
        %div3A_1129 = arith.constant 2.000000e+00 : f32
        %div3A_1130 = vector.broadcast %div3A_1129 : f32 to vector<16xf32>
        %div3A_1131 = arith.divf %div3A_1130, %add3A_1128 : vector<16xf32>
        %sub3A_1132 = arith.constant 1.000000e+00 : f32
        %sub3A_1133 = vector.broadcast %sub3A_1132 : f32 to vector<16xf32>
        %sub3A_1134 = arith.subf %div3A_1131, %sub3A_1133 : vector<16xf32>
        %add3A_1135 = arith.constant 7 : i32
        %add3A_1136 = arith.addi %mul3A_668, %add3A_1135 : i32
        %swap3A_1137 = arith.constant 0 : i32
        %swap3A_1138 = arith.index_cast %swap3A_1137 : i32 to index
        %swap3A_1139 = arith.index_cast %add3A_1136 : i32 to index
        %swap3A_1140 = arith.constant 16 : index
        %swap3A_1141 = tpu.vector_load %arg6[%swap3A_1138, %swap3A_1139, %swap3A_1140] {strides = array<i32>} : memref<3x1024x32xf32, #tpu.memory_space<vmem>>, vector<1x1x16xf32>,
        %swap3A_1142 = vector.shape_cast %swap3A_1141 : vector<1x1x16xf32> to vector<16xf32>
        %swap3A_1143 = vector.shape_cast %sub3A_1134 : vector<16xf32> to vector<1x1x16xf32>
        tpu.vector_store %arg6[%swap3A_1138, %swap3A_1139, %swap3A_1140], %swap3A_1143 {strides = array<i32>} : memref<3x1024x32xf32, #tpu.memory_space<vmem>>, vector<1x1x16xf32>,
        %scan3A_1144 = arith.constant 0 : i32
        scf.yield %scan3A_1144 : i32
      }
      %scan3A_335 = arith.constant 128 : i32
      %mul3A_336 = arith.constant 1024 : i32
      %mul3A_337 = arith.muli %mul3A_200, %mul3A_336 : i32
      %add3A_338 = arith.addi %mul3A_2, %mul3A_337 : i32
      %dma_start3A_339 = arith.constant 0 : i32
      %dma_start3A_340 = arith.constant 0 : i32
      %dma_start3A_341 = arith.constant 0 : i32
      %dma_start3A_342 = tpu.memref_slice %arg6[%dma_start3A_339, %dma_start3A_340, %dma_start3A_341] : memref<3x1024x32xf32, #tpu.memory_space<vmem>> -> memref<1x1024x32xf32, #tpu.memory_space<vmem>>
      %dma_start3A_343 = tpu.memref_squeeze %dma_start3A_342 : memref<1x1024x32xf32, #tpu.memory_space<vmem>> -> memref<1024x32xf32, #tpu.memory_space<vmem>>
      %dma_start3A_344 = arith.constant 0 : i32
      %dma_start3A_345 = tpu.memref_slice %arg4[%add3A_338, %dma_start3A_344] : memref<819200x32xf32, #tpu.memory_space<hbm>> -> memref<1024x32xf32, #tpu.memory_space<hbm>>
      %dma_start3A_346 = arith.constant 0 : i32
      %dma_start3A_347 = tpu.memref_slice %arg4[%add3A_338, %dma_start3A_346] : memref<819200x32xf32, #tpu.memory_space<hbm>> -> memref<1024x32xf32, #tpu.memory_space<hbm>>
      %dma_start3A_348 = arith.constant 0 : i32
      %dma_start3A_349 = arith.constant 0 : i32
      %dma_start3A_350 = tpu.memref_slice %arg6[%dma_start3A_339, %dma_start3A_348, %dma_start3A_349] : memref<3x1024x32xf32, #tpu.memory_space<vmem>> -> memref<1x1024x32xf32, #tpu.memory_space<vmem>>
      %dma_start3A_351 = tpu.memref_squeeze %dma_start3A_350 : memref<1x1024x32xf32, #tpu.memory_space<vmem>> -> memref<1024x32xf32, #tpu.memory_space<vmem>>
      tpu.enqueue_dma source(%dma_start3A_351 : memref<1024x32xf32, #tpu.memory_space<vmem>>) target(%dma_start3A_347 : memref<1024x32xf32, #tpu.memory_space<hbm>>) target_semaphore(%arg10 : memref<!tpu.dma_semaphore, #tpu.memory_space<semaphore_mem>>)
      %add3A_352 = arith.constant 1 : i32
      %add3A_353 = arith.addi %mul3A_200, %add3A_352 : i32
      %ge3A_354 = arith.constant 2 : i32
      %ge3A_355 = arith.cmpi sge, %add3A_353, %ge3A_354 : i32
      %convert_element_type3A_356 = arith.extui %ge3A_355 : i1 to i32
      %cond3A_357 = arith.constant 0 : i32
      %cond3A_358 = arith.cmpi ne, %convert_element_type3A_356, %cond3A_357 : i32
      scf.if %cond3A_358 {
        %sub3A = arith.constant 2 : i32
        %sub3A_665 = arith.subi %add3A_353, %sub3A : i32
        %mul3A_666 = arith.constant 1024 : i32
        %mul3A_667 = arith.muli %sub3A_665, %mul3A_666 : i32
        %add3A_668 = arith.addi %mul3A_2, %mul3A_667 : i32
        %dma_wait3A_669 = arith.constant 2 : i32
        %dma_wait3A_670 = arith.constant 0 : i32
        %dma_wait3A_671 = arith.constant 0 : i32
        %dma_wait3A_672 = tpu.memref_slice %arg6[%dma_wait3A_669, %dma_wait3A_670, %dma_wait3A_671] : memref<3x1024x32xf32, #tpu.memory_space<vmem>> -> memref<1x1024x32xf32, #tpu.memory_space<vmem>>
        %dma_wait3A_673 = tpu.memref_squeeze %dma_wait3A_672 : memref<1x1024x32xf32, #tpu.memory_space<vmem>> -> memref<1024x32xf32, #tpu.memory_space<vmem>>
        %dma_wait3A_674 = arith.constant 0 : i32
        %dma_wait3A_675 = tpu.memref_slice %arg4[%add3A_668, %dma_wait3A_674] : memref<819200x32xf32, #tpu.memory_space<hbm>> -> memref<1024x32xf32, #tpu.memory_space<hbm>>
        %dma_wait3A_676 = arith.constant 0 : i32
        %dma_wait3A_677 = tpu.memref_slice %arg4[%add3A_668, %dma_wait3A_676] : memref<819200x32xf32, #tpu.memory_space<hbm>> -> memref<1024x32xf32, #tpu.memory_space<hbm>>
        %dma_wait3A_678 = arith.constant 0 : i32
        %dma_wait3A_679 = arith.constant 0 : i32
        %dma_wait3A_680 = tpu.memref_slice %arg6[%dma_wait3A_669, %dma_wait3A_678, %dma_wait3A_679] : memref<3x1024x32xf32, #tpu.memory_space<vmem>> -> memref<1x1024x32xf32, #tpu.memory_space<vmem>>
        %dma_wait3A_681 = tpu.memref_squeeze %dma_wait3A_680 : memref<1x1024x32xf32, #tpu.memory_space<vmem>> -> memref<1024x32xf32, #tpu.memory_space<vmem>>
        tpu.wait_dma2 semaphore(%arg12 : memref<!tpu.dma_semaphore, #tpu.memory_space<semaphore_mem>>) src(%dma_wait3A_681 : memref<1024x32xf32, #tpu.memory_space<vmem>>) dst(%dma_wait3A_677 : memref<1024x32xf32, #tpu.memory_space<hbm>>)
      } else {
      }
      %add3A_359 = arith.constant 1 : i32
      %add3A_360 = arith.addi %add3A_353, %add3A_359 : i32
      %mul3A_361 = arith.constant 8 : i32
      %mul3A_362 = arith.muli %add3A_360, %mul3A_361 : i32
      %add3A_363 = arith.addi %mul3A_4, %mul3A_362 : i32
      %run_scoped3A_364 = arith.constant 2 : i32
      "tpu.region"() ({
        %run_scoped3A_665 = tpu.sem_alloc : memref<!tpu.dma_semaphore, #tpu.memory_space<semaphore_mem>>
        %dma_start3A_666 = arith.constant 0 : i32
        %dma_start3A_667 = arith.constant 0 : i32
        %dma_start3A_668 = tpu.memref_slice %arg5[%run_scoped3A_364, %dma_start3A_666, %dma_start3A_667] : memref<3x8x128xi32, #tpu.memory_space<vmem>> -> memref<1x8x128xi32, #tpu.memory_space<vmem>>
        %dma_start3A_669 = tpu.memref_squeeze %dma_start3A_668 : memref<1x8x128xi32, #tpu.memory_space<vmem>> -> memref<8x128xi32, #tpu.memory_space<vmem>>
        %dma_start3A_670 = arith.constant 0 : i32
        %dma_start3A_671 = tpu.memref_slice %arg3[%add3A_363, %dma_start3A_670] : memref<6400x128xi32, #tpu.memory_space<hbm>> -> memref<8x128xi32, #tpu.memory_space<hbm>>
        %dma_start3A_672 = arith.constant 0 : i32
        %dma_start3A_673 = arith.constant 0 : i32
        %dma_start3A_674 = tpu.memref_slice %arg5[%run_scoped3A_364, %dma_start3A_672, %dma_start3A_673] : memref<3x8x128xi32, #tpu.memory_space<vmem>> -> memref<1x8x128xi32, #tpu.memory_space<vmem>>
        %dma_start3A_675 = tpu.memref_squeeze %dma_start3A_674 : memref<1x8x128xi32, #tpu.memory_space<vmem>> -> memref<8x128xi32, #tpu.memory_space<vmem>>
        %dma_start3A_676 = arith.constant 0 : i32
        %dma_start3A_677 = tpu.memref_slice %arg3[%add3A_363, %dma_start3A_676] : memref<6400x128xi32, #tpu.memory_space<hbm>> -> memref<8x128xi32, #tpu.memory_space<hbm>>
        tpu.enqueue_dma source(%dma_start3A_677 : memref<8x128xi32, #tpu.memory_space<hbm>>) target(%dma_start3A_675 : memref<8x128xi32, #tpu.memory_space<vmem>>) target_semaphore(%run_scoped3A_665 : memref<!tpu.dma_semaphore, #tpu.memory_space<semaphore_mem>>)
        %dma_wait3A_678 = arith.constant 0 : i32
        %dma_wait3A_679 = arith.constant 0 : i32
        %dma_wait3A_680 = tpu.memref_slice %arg5[%run_scoped3A_364, %dma_wait3A_678, %dma_wait3A_679] : memref<3x8x128xi32, #tpu.memory_space<vmem>> -> memref<1x8x128xi32, #tpu.memory_space<vmem>>
        %dma_wait3A_681 = tpu.memref_squeeze %dma_wait3A_680 : memref<1x8x128xi32, #tpu.memory_space<vmem>> -> memref<8x128xi32, #tpu.memory_space<vmem>>
        %dma_wait3A_682 = arith.constant 0 : i32
        %dma_wait3A_683 = tpu.memref_slice %arg3[%add3A_363, %dma_wait3A_682] : memref<6400x128xi32, #tpu.memory_space<hbm>> -> memref<8x128xi32, #tpu.memory_space<hbm>>
        %dma_wait3A_684 = arith.constant 0 : i32
        %dma_wait3A_685 = arith.constant 0 : i32
        %dma_wait3A_686 = tpu.memref_slice %arg5[%run_scoped3A_364, %dma_wait3A_684, %dma_wait3A_685] : memref<3x8x128xi32, #tpu.memory_space<vmem>> -> memref<1x8x128xi32, #tpu.memory_space<vmem>>
        %dma_wait3A_687 = tpu.memref_squeeze %dma_wait3A_686 : memref<1x8x128xi32, #tpu.memory_space<vmem>> -> memref<8x128xi32, #tpu.memory_space<vmem>>
        %dma_wait3A_688 = arith.constant 0 : i32
        %dma_wait3A_689 = tpu.memref_slice %arg3[%add3A_363, %dma_wait3A_688] : memref<6400x128xi32, #tpu.memory_space<hbm>> -> memref<8x128xi32, #tpu.memory_space<hbm>>
        tpu.wait_dma2 semaphore(%run_scoped3A_665 : memref<!tpu.dma_semaphore, #tpu.memory_space<semaphore_mem>>) src(%dma_wait3A_689 : memref<8x128xi32, #tpu.memory_space<hbm>>) dst(%dma_wait3A_687 : memref<8x128xi32, #tpu.memory_space<vmem>>)
        tpu.yield
      }) : () -> ()
      %dma_start3A_365 = arith.constant 2 : i32
      %dma_start3A_366 = arith.constant 0 : i32
      %dma_start3A_367 = arith.constant 2 : i32
      %dma_start3A_368 = arith.constant 0 : i32
      %dma_start3A_369 = arith.constant 0 : i32
      %dma_start3A_370 = tpu.memref_slice %arg6[%dma_start3A_367, %dma_start3A_368, %dma_start3A_369] : memref<3x1024x32xf32, #tpu.memory_space<vmem>> -> memref<1x128x32xf32, #tpu.memory_space<vmem>>
      %dma_start3A_371 = tpu.memref_squeeze %dma_start3A_370 : memref<1x128x32xf32, #tpu.memory_space<vmem>> -> memref<128x32xf32, #tpu.memory_space<vmem>>
      %dma_start3A_372 = arith.constant 0 : i32
      %dma_start3A_373 = tpu.memref_slice %arg5[%dma_start3A_365, %dma_start3A_366, %dma_start3A_372] : memref<3x8x128xi32, #tpu.memory_space<vmem>> -> memref<1x1x128xi32, #tpu.memory_space<vmem>>
      %dma_start3A_374 = tpu.memref_squeeze %dma_start3A_373 : memref<1x1x128xi32, #tpu.memory_space<vmem>> -> memref<128xi32, #tpu.memory_space<vmem>>
      %dma_start3A_375 = arith.constant 0 : i32
      %dma_start3A_376 = arith.constant 0 : i32
      %dma_start3A_377 = tpu.memref_slice %arg2[%dma_start3A_375, %dma_start3A_376] : memref<1000000x32xf32, #tpu.memory_space<hbm>> -> memref<1000000x32xf32, #tpu.memory_space<hbm>>
      tpu.enqueue_indirect_dma source(%dma_start3A_377 : memref<1000000x32xf32, #tpu.memory_space<hbm>>) target(%dma_start3A_371 : memref<128x32xf32, #tpu.memory_space<vmem>>) offsets(%dma_start3A_374 : memref<128xi32, #tpu.memory_space<vmem>>) semaphore(%arg9 : memref<!tpu.dma_semaphore, #tpu.memory_space<semaphore_mem>>)
      %dma_start3A_378 = arith.constant 2 : i32
      %dma_start3A_379 = arith.constant 1 : i32
      %dma_start3A_380 = arith.constant 2 : i32
      %dma_start3A_381 = arith.constant 128 : i32
      %dma_start3A_382 = arith.constant 0 : i32
      %dma_start3A_383 = tpu.memref_slice %arg6[%dma_start3A_380, %dma_start3A_381, %dma_start3A_382] : memref<3x1024x32xf32, #tpu.memory_space<vmem>> -> memref<1x128x32xf32, #tpu.memory_space<vmem>>
      %dma_start3A_384 = tpu.memref_squeeze %dma_start3A_383 : memref<1x128x32xf32, #tpu.memory_space<vmem>> -> memref<128x32xf32, #tpu.memory_space<vmem>>
      %dma_start3A_385 = arith.constant 0 : i32
      %dma_start3A_386 = tpu.memref_slice %arg5[%dma_start3A_378, %dma_start3A_379, %dma_start3A_385] : memref<3x8x128xi32, #tpu.memory_space<vmem>> -> memref<1x1x128xi32, #tpu.memory_space<vmem>>
      %dma_start3A_387 = tpu.memref_squeeze %dma_start3A_386 : memref<1x1x128xi32, #tpu.memory_space<vmem>> -> memref<128xi32, #tpu.memory_space<vmem>>
      %dma_start3A_388 = arith.constant 0 : i32
      %dma_start3A_389 = arith.constant 0 : i32
      %dma_start3A_390 = tpu.memref_slice %arg2[%dma_start3A_388, %dma_start3A_389] : memref<1000000x32xf32, #tpu.memory_space<hbm>> -> memref<1000000x32xf32, #tpu.memory_space<hbm>>
      tpu.enqueue_indirect_dma source(%dma_start3A_390 : memref<1000000x32xf32, #tpu.memory_space<hbm>>) target(%dma_start3A_384 : memref<128x32xf32, #tpu.memory_space<vmem>>) offsets(%dma_start3A_387 : memref<128xi32, #tpu.memory_space<vmem>>) semaphore(%arg9 : memref<!tpu.dma_semaphore, #tpu.memory_space<semaphore_mem>>)
      %dma_start3A_391 = arith.constant 2 : i32
      %dma_start3A_392 = arith.constant 2 : i32
      %dma_start3A_393 = arith.constant 2 : i32
      %dma_start3A_394 = arith.constant 256 : i32
      %dma_start3A_395 = arith.constant 0 : i32
      %dma_start3A_396 = tpu.memref_slice %arg6[%dma_start3A_393, %dma_start3A_394, %dma_start3A_395] : memref<3x1024x32xf32, #tpu.memory_space<vmem>> -> memref<1x128x32xf32, #tpu.memory_space<vmem>>
      %dma_start3A_397 = tpu.memref_squeeze %dma_start3A_396 : memref<1x128x32xf32, #tpu.memory_space<vmem>> -> memref<128x32xf32, #tpu.memory_space<vmem>>
      %dma_start3A_398 = arith.constant 0 : i32
      %dma_start3A_399 = tpu.memref_slice %arg5[%dma_start3A_391, %dma_start3A_392, %dma_start3A_398] : memref<3x8x128xi32, #tpu.memory_space<vmem>> -> memref<1x1x128xi32, #tpu.memory_space<vmem>>
      %dma_start3A_400 = tpu.memref_squeeze %dma_start3A_399 : memref<1x1x128xi32, #tpu.memory_space<vmem>> -> memref<128xi32, #tpu.memory_space<vmem>>
      %dma_start3A_401 = arith.constant 0 : i32
      %dma_start3A_402 = arith.constant 0 : i32
      %dma_start3A_403 = tpu.memref_slice %arg2[%dma_start3A_401, %dma_start3A_402] : memref<1000000x32xf32, #tpu.memory_space<hbm>> -> memref<1000000x32xf32, #tpu.memory_space<hbm>>
      tpu.enqueue_indirect_dma source(%dma_start3A_403 : memref<1000000x32xf32, #tpu.memory_space<hbm>>) target(%dma_start3A_397 : memref<128x32xf32, #tpu.memory_space<vmem>>) offsets(%dma_start3A_400 : memref<128xi32, #tpu.memory_space<vmem>>) semaphore(%arg9 : memref<!tpu.dma_semaphore, #tpu.memory_space<semaphore_mem>>)
      %dma_start3A_404 = arith.constant 2 : i32
      %dma_start3A_405 = arith.constant 3 : i32
      %dma_start3A_406 = arith.constant 2 : i32
      %dma_start3A_407 = arith.constant 384 : i32
      %dma_start3A_408 = arith.constant 0 : i32
      %dma_start3A_409 = tpu.memref_slice %arg6[%dma_start3A_406, %dma_start3A_407, %dma_start3A_408] : memref<3x1024x32xf32, #tpu.memory_space<vmem>> -> memref<1x128x32xf32, #tpu.memory_space<vmem>>
      %dma_start3A_410 = tpu.memref_squeeze %dma_start3A_409 : memref<1x128x32xf32, #tpu.memory_space<vmem>> -> memref<128x32xf32, #tpu.memory_space<vmem>>
      %dma_start3A_411 = arith.constant 0 : i32
      %dma_start3A_412 = tpu.memref_slice %arg5[%dma_start3A_404, %dma_start3A_405, %dma_start3A_411] : memref<3x8x128xi32, #tpu.memory_space<vmem>> -> memref<1x1x128xi32, #tpu.memory_space<vmem>>
      %dma_start3A_413 = tpu.memref_squeeze %dma_start3A_412 : memref<1x1x128xi32, #tpu.memory_space<vmem>> -> memref<128xi32, #tpu.memory_space<vmem>>
      %dma_start3A_414 = arith.constant 0 : i32
      %dma_start3A_415 = arith.constant 0 : i32
      %dma_start3A_416 = tpu.memref_slice %arg2[%dma_start3A_414, %dma_start3A_415] : memref<1000000x32xf32, #tpu.memory_space<hbm>> -> memref<1000000x32xf32, #tpu.memory_space<hbm>>
      tpu.enqueue_indirect_dma source(%dma_start3A_416 : memref<1000000x32xf32, #tpu.memory_space<hbm>>) target(%dma_start3A_410 : memref<128x32xf32, #tpu.memory_space<vmem>>) offsets(%dma_start3A_413 : memref<128xi32, #tpu.memory_space<vmem>>) semaphore(%arg9 : memref<!tpu.dma_semaphore, #tpu.memory_space<semaphore_mem>>)
      %dma_start3A_417 = arith.constant 2 : i32
      %dma_start3A_418 = arith.constant 4 : i32
      %dma_start3A_419 = arith.constant 2 : i32
      %dma_start3A_420 = arith.constant 512 : i32
      %dma_start3A_421 = arith.constant 0 : i32
      %dma_start3A_422 = tpu.memref_slice %arg6[%dma_start3A_419, %dma_start3A_420, %dma_start3A_421] : memref<3x1024x32xf32, #tpu.memory_space<vmem>> -> memref<1x128x32xf32, #tpu.memory_space<vmem>>
      %dma_start3A_423 = tpu.memref_squeeze %dma_start3A_422 : memref<1x128x32xf32, #tpu.memory_space<vmem>> -> memref<128x32xf32, #tpu.memory_space<vmem>>
      %dma_start3A_424 = arith.constant 0 : i32
      %dma_start3A_425 = tpu.memref_slice %arg5[%dma_start3A_417, %dma_start3A_418, %dma_start3A_424] : memref<3x8x128xi32, #tpu.memory_space<vmem>> -> memref<1x1x128xi32, #tpu.memory_space<vmem>>
      %dma_start3A_426 = tpu.memref_squeeze %dma_start3A_425 : memref<1x1x128xi32, #tpu.memory_space<vmem>> -> memref<128xi32, #tpu.memory_space<vmem>>
      %dma_start3A_427 = arith.constant 0 : i32
      %dma_start3A_428 = arith.constant 0 : i32
      %dma_start3A_429 = tpu.memref_slice %arg2[%dma_start3A_427, %dma_start3A_428] : memref<1000000x32xf32, #tpu.memory_space<hbm>> -> memref<1000000x32xf32, #tpu.memory_space<hbm>>
      tpu.enqueue_indirect_dma source(%dma_start3A_429 : memref<1000000x32xf32, #tpu.memory_space<hbm>>) target(%dma_start3A_423 : memref<128x32xf32, #tpu.memory_space<vmem>>) offsets(%dma_start3A_426 : memref<128xi32, #tpu.memory_space<vmem>>) semaphore(%arg9 : memref<!tpu.dma_semaphore, #tpu.memory_space<semaphore_mem>>)
      %dma_start3A_430 = arith.constant 2 : i32
      %dma_start3A_431 = arith.constant 5 : i32
      %dma_start3A_432 = arith.constant 2 : i32
      %dma_start3A_433 = arith.constant 640 : i32
      %dma_start3A_434 = arith.constant 0 : i32
      %dma_start3A_435 = tpu.memref_slice %arg6[%dma_start3A_432, %dma_start3A_433, %dma_start3A_434] : memref<3x1024x32xf32, #tpu.memory_space<vmem>> -> memref<1x128x32xf32, #tpu.memory_space<vmem>>
      %dma_start3A_436 = tpu.memref_squeeze %dma_start3A_435 : memref<1x128x32xf32, #tpu.memory_space<vmem>> -> memref<128x32xf32, #tpu.memory_space<vmem>>
      %dma_start3A_437 = arith.constant 0 : i32
      %dma_start3A_438 = tpu.memref_slice %arg5[%dma_start3A_430, %dma_start3A_431, %dma_start3A_437] : memref<3x8x128xi32, #tpu.memory_space<vmem>> -> memref<1x1x128xi32, #tpu.memory_space<vmem>>
      %dma_start3A_439 = tpu.memref_squeeze %dma_start3A_438 : memref<1x1x128xi32, #tpu.memory_space<vmem>> -> memref<128xi32, #tpu.memory_space<vmem>>
      %dma_start3A_440 = arith.constant 0 : i32
      %dma_start3A_441 = arith.constant 0 : i32
      %dma_start3A_442 = tpu.memref_slice %arg2[%dma_start3A_440, %dma_start3A_441] : memref<1000000x32xf32, #tpu.memory_space<hbm>> -> memref<1000000x32xf32, #tpu.memory_space<hbm>>
      tpu.enqueue_indirect_dma source(%dma_start3A_442 : memref<1000000x32xf32, #tpu.memory_space<hbm>>) target(%dma_start3A_436 : memref<128x32xf32, #tpu.memory_space<vmem>>) offsets(%dma_start3A_439 : memref<128xi32, #tpu.memory_space<vmem>>) semaphore(%arg9 : memref<!tpu.dma_semaphore, #tpu.memory_space<semaphore_mem>>)
      %dma_start3A_443 = arith.constant 2 : i32
      %dma_start3A_444 = arith.constant 6 : i32
      %dma_start3A_445 = arith.constant 2 : i32
      %dma_start3A_446 = arith.constant 768 : i32
      %dma_start3A_447 = arith.constant 0 : i32
      %dma_start3A_448 = tpu.memref_slice %arg6[%dma_start3A_445, %dma_start3A_446, %dma_start3A_447] : memref<3x1024x32xf32, #tpu.memory_space<vmem>> -> memref<1x128x32xf32, #tpu.memory_space<vmem>>
      %dma_start3A_449 = tpu.memref_squeeze %dma_start3A_448 : memref<1x128x32xf32, #tpu.memory_space<vmem>> -> memref<128x32xf32, #tpu.memory_space<vmem>>
      %dma_start3A_450 = arith.constant 0 : i32
      %dma_start3A_451 = tpu.memref_slice %arg5[%dma_start3A_443, %dma_start3A_444, %dma_start3A_450] : memref<3x8x128xi32, #tpu.memory_space<vmem>> -> memref<1x1x128xi32, #tpu.memory_space<vmem>>
      %dma_start3A_452 = tpu.memref_squeeze %dma_start3A_451 : memref<1x1x128xi32, #tpu.memory_space<vmem>> -> memref<128xi32, #tpu.memory_space<vmem>>
      %dma_start3A_453 = arith.constant 0 : i32
      %dma_start3A_454 = arith.constant 0 : i32
      %dma_start3A_455 = tpu.memref_slice %arg2[%dma_start3A_453, %dma_start3A_454] : memref<1000000x32xf32, #tpu.memory_space<hbm>> -> memref<1000000x32xf32, #tpu.memory_space<hbm>>
      tpu.enqueue_indirect_dma source(%dma_start3A_455 : memref<1000000x32xf32, #tpu.memory_space<hbm>>) target(%dma_start3A_449 : memref<128x32xf32, #tpu.memory_space<vmem>>) offsets(%dma_start3A_452 : memref<128xi32, #tpu.memory_space<vmem>>) semaphore(%arg9 : memref<!tpu.dma_semaphore, #tpu.memory_space<semaphore_mem>>)
      %dma_start3A_456 = arith.constant 2 : i32
      %dma_start3A_457 = arith.constant 7 : i32
      %dma_start3A_458 = arith.constant 2 : i32
      %dma_start3A_459 = arith.constant 896 : i32
      %dma_start3A_460 = arith.constant 0 : i32
      %dma_start3A_461 = tpu.memref_slice %arg6[%dma_start3A_458, %dma_start3A_459, %dma_start3A_460] : memref<3x1024x32xf32, #tpu.memory_space<vmem>> -> memref<1x128x32xf32, #tpu.memory_space<vmem>>
      %dma_start3A_462 = tpu.memref_squeeze %dma_start3A_461 : memref<1x128x32xf32, #tpu.memory_space<vmem>> -> memref<128x32xf32, #tpu.memory_space<vmem>>
      %dma_start3A_463 = arith.constant 0 : i32
      %dma_start3A_464 = tpu.memref_slice %arg5[%dma_start3A_456, %dma_start3A_457, %dma_start3A_463] : memref<3x8x128xi32, #tpu.memory_space<vmem>> -> memref<1x1x128xi32, #tpu.memory_space<vmem>>
      %dma_start3A_465 = tpu.memref_squeeze %dma_start3A_464 : memref<1x1x128xi32, #tpu.memory_space<vmem>> -> memref<128xi32, #tpu.memory_space<vmem>>
      %dma_start3A_466 = arith.constant 0 : i32
      %dma_start3A_467 = arith.constant 0 : i32
      %dma_start3A_468 = tpu.memref_slice %arg2[%dma_start3A_466, %dma_start3A_467] : memref<1000000x32xf32, #tpu.memory_space<hbm>> -> memref<1000000x32xf32, #tpu.memory_space<hbm>>
      tpu.enqueue_indirect_dma source(%dma_start3A_468 : memref<1000000x32xf32, #tpu.memory_space<hbm>>) target(%dma_start3A_462 : memref<128x32xf32, #tpu.memory_space<vmem>>) offsets(%dma_start3A_465 : memref<128xi32, #tpu.memory_space<vmem>>) semaphore(%arg9 : memref<!tpu.dma_semaphore, #tpu.memory_space<semaphore_mem>>)
      %mul3A_469 = arith.constant 1024 : i32
      %mul3A_470 = arith.muli %add3A_353, %mul3A_469 : i32
      %add3A_471 = arith.addi %mul3A_2, %mul3A_470 : i32
      %dma_wait3A_472 = arith.constant 1 : i32
      %dma_wait3A_473 = arith.constant 0 : i32
      %dma_wait3A_474 = arith.constant 0 : i32
      %dma_wait3A_475 = tpu.memref_slice %arg6[%dma_wait3A_472, %dma_wait3A_473, %dma_wait3A_474] : memref<3x1024x32xf32, #tpu.memory_space<vmem>> -> memref<1x1024x32xf32, #tpu.memory_space<vmem>>
      %dma_wait3A_476 = tpu.memref_squeeze %dma_wait3A_475 : memref<1x1024x32xf32, #tpu.memory_space<vmem>> -> memref<1024x32xf32, #tpu.memory_space<vmem>>
      %dma_wait3A_477 = arith.constant 0 : i32
      %dma_wait3A_478 = tpu.memref_slice %arg4[%add3A_471, %dma_wait3A_477] : memref<819200x32xf32, #tpu.memory_space<hbm>> -> memref<1024x32xf32, #tpu.memory_space<hbm>>
      %dma_wait3A_479 = arith.constant 0 : i32
      %dma_wait3A_480 = arith.constant 0 : i32
      %dma_wait3A_481 = tpu.memref_slice %arg6[%dma_wait3A_472, %dma_wait3A_479, %dma_wait3A_480] : memref<3x1024x32xf32, #tpu.memory_space<vmem>> -> memref<1x1024x32xf32, #tpu.memory_space<vmem>>
      %dma_wait3A_482 = tpu.memref_squeeze %dma_wait3A_481 : memref<1x1024x32xf32, #tpu.memory_space<vmem>> -> memref<1024x32xf32, #tpu.memory_space<vmem>>
      %dma_wait3A_483 = arith.constant 0 : i32
      %dma_wait3A_484 = tpu.memref_slice %arg4[%add3A_471, %dma_wait3A_483] : memref<819200x32xf32, #tpu.memory_space<hbm>> -> memref<1024x32xf32, #tpu.memory_space<hbm>>
      tpu.wait_dma2 semaphore(%arg8 : memref<!tpu.dma_semaphore, #tpu.memory_space<semaphore_mem>>) src(%dma_wait3A_484 : memref<1024x32xf32, #tpu.memory_space<hbm>>) dst(%dma_wait3A_482 : memref<1024x32xf32, #tpu.memory_space<vmem>>)
      %scan3A_485 = arith.constant 0 : i32
      %scan3A_486 = arith.constant 0 : i32
      %scan3A_487 = arith.constant 128 : i32
      %scan3A_488 = arith.addi %scan3A_486, %scan3A_487 : i32
      %scan3A_489 = arith.constant 1 : i32
      %scan3A_490 = scf.for %scan3A_665 = %scan3A_486 to %scan3A_488 step %scan3A_489 iter_args(%scan3A_666 = %scan3A_485) -> (i32)  : i32 {
        %mul3A_667 = arith.constant 8 : i32
        %mul3A_668 = arith.muli %scan3A_665, %mul3A_667 : i32
        %add3A_669 = arith.constant 0 : i32
        %add3A_670 = arith.addi %mul3A_668, %add3A_669 : i32
        %get3A = arith.constant 1 : i32
        %get3A_671 = arith.index_cast %get3A : i32 to index
        %get3A_672 = arith.index_cast %add3A_670 : i32 to index
        %get3A_673 = arith.constant 0 : index
        %get3A_674 = tpu.vector_load %arg6[%get3A_671, %get3A_672, %get3A_673] {strides = array<i32>} : memref<3x1024x32xf32, #tpu.memory_space<vmem>>, vector<1x1x16xf32>,
        %get3A_675 = vector.shape_cast %get3A_674 : vector<1x1x16xf32> to vector<16xf32>
        %mul3A_676 = arith.constant -2.000000e+00 : f32
        %mul3A_677 = vector.broadcast %mul3A_676 : f32 to vector<16xf32>
        %mul3A_678 = arith.mulf %get3A_675, %mul3A_677 : vector<16xf32>
        %exp3A = math.exp %mul3A_678 : vector<16xf32>
        %add3A_679 = arith.constant 1.000000e+00 : f32
        %add3A_680 = vector.broadcast %add3A_679 : f32 to vector<16xf32>
        %add3A_681 = arith.addf %add3A_680, %exp3A : vector<16xf32>
        %div3A = arith.constant 2.000000e+00 : f32
        %div3A_682 = vector.broadcast %div3A : f32 to vector<16xf32>
        %div3A_683 = arith.divf %div3A_682, %add3A_681 : vector<16xf32>
        %sub3A = arith.constant 1.000000e+00 : f32
        %sub3A_684 = vector.broadcast %sub3A : f32 to vector<16xf32>
        %sub3A_685 = arith.subf %div3A_683, %sub3A_684 : vector<16xf32>
        %add3A_686 = arith.constant 0 : i32
        %add3A_687 = arith.addi %mul3A_668, %add3A_686 : i32
        %swap3A = arith.constant 1 : i32
        %swap3A_688 = arith.index_cast %swap3A : i32 to index
        %swap3A_689 = arith.index_cast %add3A_687 : i32 to index
        %swap3A_690 = arith.constant 0 : index
        %swap3A_691 = tpu.vector_load %arg6[%swap3A_688, %swap3A_689, %swap3A_690] {strides = array<i32>} : memref<3x1024x32xf32, #tpu.memory_space<vmem>>, vector<1x1x16xf32>,
        %swap3A_692 = vector.shape_cast %swap3A_691 : vector<1x1x16xf32> to vector<16xf32>
        %swap3A_693 = vector.shape_cast %sub3A_685 : vector<16xf32> to vector<1x1x16xf32>
        tpu.vector_store %arg6[%swap3A_688, %swap3A_689, %swap3A_690], %swap3A_693 {strides = array<i32>} : memref<3x1024x32xf32, #tpu.memory_space<vmem>>, vector<1x1x16xf32>,
        %add3A_694 = arith.constant 0 : i32
        %add3A_695 = arith.addi %mul3A_668, %add3A_694 : i32
        %get3A_696 = arith.constant 1 : i32
        %get3A_697 = arith.index_cast %get3A_696 : i32 to index
        %get3A_698 = arith.index_cast %add3A_695 : i32 to index
        %get3A_699 = arith.constant 16 : index
        %get3A_700 = tpu.vector_load %arg6[%get3A_697, %get3A_698, %get3A_699] {strides = array<i32>} : memref<3x1024x32xf32, #tpu.memory_space<vmem>>, vector<1x1x16xf32>,
        %get3A_701 = vector.shape_cast %get3A_700 : vector<1x1x16xf32> to vector<16xf32>
        %mul3A_702 = arith.constant -2.000000e+00 : f32
        %mul3A_703 = vector.broadcast %mul3A_702 : f32 to vector<16xf32>
        %mul3A_704 = arith.mulf %get3A_701, %mul3A_703 : vector<16xf32>
        %exp3A_705 = math.exp %mul3A_704 : vector<16xf32>
        %add3A_706 = arith.constant 1.000000e+00 : f32
        %add3A_707 = vector.broadcast %add3A_706 : f32 to vector<16xf32>
        %add3A_708 = arith.addf %add3A_707, %exp3A_705 : vector<16xf32>
        %div3A_709 = arith.constant 2.000000e+00 : f32
        %div3A_710 = vector.broadcast %div3A_709 : f32 to vector<16xf32>
        %div3A_711 = arith.divf %div3A_710, %add3A_708 : vector<16xf32>
        %sub3A_712 = arith.constant 1.000000e+00 : f32
        %sub3A_713 = vector.broadcast %sub3A_712 : f32 to vector<16xf32>
        %sub3A_714 = arith.subf %div3A_711, %sub3A_713 : vector<16xf32>
        %add3A_715 = arith.constant 0 : i32
        %add3A_716 = arith.addi %mul3A_668, %add3A_715 : i32
        %swap3A_717 = arith.constant 1 : i32
        %swap3A_718 = arith.index_cast %swap3A_717 : i32 to index
        %swap3A_719 = arith.index_cast %add3A_716 : i32 to index
        %swap3A_720 = arith.constant 16 : index
        %swap3A_721 = tpu.vector_load %arg6[%swap3A_718, %swap3A_719, %swap3A_720] {strides = array<i32>} : memref<3x1024x32xf32, #tpu.memory_space<vmem>>, vector<1x1x16xf32>,
        %swap3A_722 = vector.shape_cast %swap3A_721 : vector<1x1x16xf32> to vector<16xf32>
        %swap3A_723 = vector.shape_cast %sub3A_714 : vector<16xf32> to vector<1x1x16xf32>
        tpu.vector_store %arg6[%swap3A_718, %swap3A_719, %swap3A_720], %swap3A_723 {strides = array<i32>} : memref<3x1024x32xf32, #tpu.memory_space<vmem>>, vector<1x1x16xf32>,
        %add3A_724 = arith.constant 1 : i32
        %add3A_725 = arith.addi %mul3A_668, %add3A_724 : i32
        %get3A_726 = arith.constant 1 : i32
        %get3A_727 = arith.index_cast %get3A_726 : i32 to index
        %get3A_728 = arith.index_cast %add3A_725 : i32 to index
        %get3A_729 = arith.constant 0 : index
        %get3A_730 = tpu.vector_load %arg6[%get3A_727, %get3A_728, %get3A_729] {strides = array<i32>} : memref<3x1024x32xf32, #tpu.memory_space<vmem>>, vector<1x1x16xf32>,
        %get3A_731 = vector.shape_cast %get3A_730 : vector<1x1x16xf32> to vector<16xf32>
        %mul3A_732 = arith.constant -2.000000e+00 : f32
        %mul3A_733 = vector.broadcast %mul3A_732 : f32 to vector<16xf32>
        %mul3A_734 = arith.mulf %get3A_731, %mul3A_733 : vector<16xf32>
        %exp3A_735 = math.exp %mul3A_734 : vector<16xf32>
        %add3A_736 = arith.constant 1.000000e+00 : f32
        %add3A_737 = vector.broadcast %add3A_736 : f32 to vector<16xf32>
        %add3A_738 = arith.addf %add3A_737, %exp3A_735 : vector<16xf32>
        %div3A_739 = arith.constant 2.000000e+00 : f32
        %div3A_740 = vector.broadcast %div3A_739 : f32 to vector<16xf32>
        %div3A_741 = arith.divf %div3A_740, %add3A_738 : vector<16xf32>
        %sub3A_742 = arith.constant 1.000000e+00 : f32
        %sub3A_743 = vector.broadcast %sub3A_742 : f32 to vector<16xf32>
        %sub3A_744 = arith.subf %div3A_741, %sub3A_743 : vector<16xf32>
        %add3A_745 = arith.constant 1 : i32
        %add3A_746 = arith.addi %mul3A_668, %add3A_745 : i32
        %swap3A_747 = arith.constant 1 : i32
        %swap3A_748 = arith.index_cast %swap3A_747 : i32 to index
        %swap3A_749 = arith.index_cast %add3A_746 : i32 to index
        %swap3A_750 = arith.constant 0 : index
        %swap3A_751 = tpu.vector_load %arg6[%swap3A_748, %swap3A_749, %swap3A_750] {strides = array<i32>} : memref<3x1024x32xf32, #tpu.memory_space<vmem>>, vector<1x1x16xf32>,
        %swap3A_752 = vector.shape_cast %swap3A_751 : vector<1x1x16xf32> to vector<16xf32>
        %swap3A_753 = vector.shape_cast %sub3A_744 : vector<16xf32> to vector<1x1x16xf32>
        tpu.vector_store %arg6[%swap3A_748, %swap3A_749, %swap3A_750], %swap3A_753 {strides = array<i32>} : memref<3x1024x32xf32, #tpu.memory_space<vmem>>, vector<1x1x16xf32>,
        %add3A_754 = arith.constant 1 : i32
        %add3A_755 = arith.addi %mul3A_668, %add3A_754 : i32
        %get3A_756 = arith.constant 1 : i32
        %get3A_757 = arith.index_cast %get3A_756 : i32 to index
        %get3A_758 = arith.index_cast %add3A_755 : i32 to index
        %get3A_759 = arith.constant 16 : index
        %get3A_760 = tpu.vector_load %arg6[%get3A_757, %get3A_758, %get3A_759] {strides = array<i32>} : memref<3x1024x32xf32, #tpu.memory_space<vmem>>, vector<1x1x16xf32>,
        %get3A_761 = vector.shape_cast %get3A_760 : vector<1x1x16xf32> to vector<16xf32>
        %mul3A_762 = arith.constant -2.000000e+00 : f32
        %mul3A_763 = vector.broadcast %mul3A_762 : f32 to vector<16xf32>
        %mul3A_764 = arith.mulf %get3A_761, %mul3A_763 : vector<16xf32>
        %exp3A_765 = math.exp %mul3A_764 : vector<16xf32>
        %add3A_766 = arith.constant 1.000000e+00 : f32
        %add3A_767 = vector.broadcast %add3A_766 : f32 to vector<16xf32>
        %add3A_768 = arith.addf %add3A_767, %exp3A_765 : vector<16xf32>
        %div3A_769 = arith.constant 2.000000e+00 : f32
        %div3A_770 = vector.broadcast %div3A_769 : f32 to vector<16xf32>
        %div3A_771 = arith.divf %div3A_770, %add3A_768 : vector<16xf32>
        %sub3A_772 = arith.constant 1.000000e+00 : f32
        %sub3A_773 = vector.broadcast %sub3A_772 : f32 to vector<16xf32>
        %sub3A_774 = arith.subf %div3A_771, %sub3A_773 : vector<16xf32>
        %add3A_775 = arith.constant 1 : i32
        %add3A_776 = arith.addi %mul3A_668, %add3A_775 : i32
        %swap3A_777 = arith.constant 1 : i32
        %swap3A_778 = arith.index_cast %swap3A_777 : i32 to index
        %swap3A_779 = arith.index_cast %add3A_776 : i32 to index
        %swap3A_780 = arith.constant 16 : index
        %swap3A_781 = tpu.vector_load %arg6[%swap3A_778, %swap3A_779, %swap3A_780] {strides = array<i32>} : memref<3x1024x32xf32, #tpu.memory_space<vmem>>, vector<1x1x16xf32>,
        %swap3A_782 = vector.shape_cast %swap3A_781 : vector<1x1x16xf32> to vector<16xf32>
        %swap3A_783 = vector.shape_cast %sub3A_774 : vector<16xf32> to vector<1x1x16xf32>
        tpu.vector_store %arg6[%swap3A_778, %swap3A_779, %swap3A_780], %swap3A_783 {strides = array<i32>} : memref<3x1024x32xf32, #tpu.memory_space<vmem>>, vector<1x1x16xf32>,
        %add3A_784 = arith.constant 2 : i32
        %add3A_785 = arith.addi %mul3A_668, %add3A_784 : i32
        %get3A_786 = arith.constant 1 : i32
        %get3A_787 = arith.index_cast %get3A_786 : i32 to index
        %get3A_788 = arith.index_cast %add3A_785 : i32 to index
        %get3A_789 = arith.constant 0 : index
        %get3A_790 = tpu.vector_load %arg6[%get3A_787, %get3A_788, %get3A_789] {strides = array<i32>} : memref<3x1024x32xf32, #tpu.memory_space<vmem>>, vector<1x1x16xf32>,
        %get3A_791 = vector.shape_cast %get3A_790 : vector<1x1x16xf32> to vector<16xf32>
        %mul3A_792 = arith.constant -2.000000e+00 : f32
        %mul3A_793 = vector.broadcast %mul3A_792 : f32 to vector<16xf32>
        %mul3A_794 = arith.mulf %get3A_791, %mul3A_793 : vector<16xf32>
        %exp3A_795 = math.exp %mul3A_794 : vector<16xf32>
        %add3A_796 = arith.constant 1.000000e+00 : f32
        %add3A_797 = vector.broadcast %add3A_796 : f32 to vector<16xf32>
        %add3A_798 = arith.addf %add3A_797, %exp3A_795 : vector<16xf32>
        %div3A_799 = arith.constant 2.000000e+00 : f32
        %div3A_800 = vector.broadcast %div3A_799 : f32 to vector<16xf32>
        %div3A_801 = arith.divf %div3A_800, %add3A_798 : vector<16xf32>
        %sub3A_802 = arith.constant 1.000000e+00 : f32
        %sub3A_803 = vector.broadcast %sub3A_802 : f32 to vector<16xf32>
        %sub3A_804 = arith.subf %div3A_801, %sub3A_803 : vector<16xf32>
        %add3A_805 = arith.constant 2 : i32
        %add3A_806 = arith.addi %mul3A_668, %add3A_805 : i32
        %swap3A_807 = arith.constant 1 : i32
        %swap3A_808 = arith.index_cast %swap3A_807 : i32 to index
        %swap3A_809 = arith.index_cast %add3A_806 : i32 to index
        %swap3A_810 = arith.constant 0 : index
        %swap3A_811 = tpu.vector_load %arg6[%swap3A_808, %swap3A_809, %swap3A_810] {strides = array<i32>} : memref<3x1024x32xf32, #tpu.memory_space<vmem>>, vector<1x1x16xf32>,
        %swap3A_812 = vector.shape_cast %swap3A_811 : vector<1x1x16xf32> to vector<16xf32>
        %swap3A_813 = vector.shape_cast %sub3A_804 : vector<16xf32> to vector<1x1x16xf32>
        tpu.vector_store %arg6[%swap3A_808, %swap3A_809, %swap3A_810], %swap3A_813 {strides = array<i32>} : memref<3x1024x32xf32, #tpu.memory_space<vmem>>, vector<1x1x16xf32>,
        %add3A_814 = arith.constant 2 : i32
        %add3A_815 = arith.addi %mul3A_668, %add3A_814 : i32
        %get3A_816 = arith.constant 1 : i32
        %get3A_817 = arith.index_cast %get3A_816 : i32 to index
        %get3A_818 = arith.index_cast %add3A_815 : i32 to index
        %get3A_819 = arith.constant 16 : index
        %get3A_820 = tpu.vector_load %arg6[%get3A_817, %get3A_818, %get3A_819] {strides = array<i32>} : memref<3x1024x32xf32, #tpu.memory_space<vmem>>, vector<1x1x16xf32>,
        %get3A_821 = vector.shape_cast %get3A_820 : vector<1x1x16xf32> to vector<16xf32>
        %mul3A_822 = arith.constant -2.000000e+00 : f32
        %mul3A_823 = vector.broadcast %mul3A_822 : f32 to vector<16xf32>
        %mul3A_824 = arith.mulf %get3A_821, %mul3A_823 : vector<16xf32>
        %exp3A_825 = math.exp %mul3A_824 : vector<16xf32>
        %add3A_826 = arith.constant 1.000000e+00 : f32
        %add3A_827 = vector.broadcast %add3A_826 : f32 to vector<16xf32>
        %add3A_828 = arith.addf %add3A_827, %exp3A_825 : vector<16xf32>
        %div3A_829 = arith.constant 2.000000e+00 : f32
        %div3A_830 = vector.broadcast %div3A_829 : f32 to vector<16xf32>
        %div3A_831 = arith.divf %div3A_830, %add3A_828 : vector<16xf32>
        %sub3A_832 = arith.constant 1.000000e+00 : f32
        %sub3A_833 = vector.broadcast %sub3A_832 : f32 to vector<16xf32>
        %sub3A_834 = arith.subf %div3A_831, %sub3A_833 : vector<16xf32>
        %add3A_835 = arith.constant 2 : i32
        %add3A_836 = arith.addi %mul3A_668, %add3A_835 : i32
        %swap3A_837 = arith.constant 1 : i32
        %swap3A_838 = arith.index_cast %swap3A_837 : i32 to index
        %swap3A_839 = arith.index_cast %add3A_836 : i32 to index
        %swap3A_840 = arith.constant 16 : index
        %swap3A_841 = tpu.vector_load %arg6[%swap3A_838, %swap3A_839, %swap3A_840] {strides = array<i32>} : memref<3x1024x32xf32, #tpu.memory_space<vmem>>, vector<1x1x16xf32>,
        %swap3A_842 = vector.shape_cast %swap3A_841 : vector<1x1x16xf32> to vector<16xf32>
        %swap3A_843 = vector.shape_cast %sub3A_834 : vector<16xf32> to vector<1x1x16xf32>
        tpu.vector_store %arg6[%swap3A_838, %swap3A_839, %swap3A_840], %swap3A_843 {strides = array<i32>} : memref<3x1024x32xf32, #tpu.memory_space<vmem>>, vector<1x1x16xf32>,
        %add3A_844 = arith.constant 3 : i32
        %add3A_845 = arith.addi %mul3A_668, %add3A_844 : i32
        %get3A_846 = arith.constant 1 : i32
        %get3A_847 = arith.index_cast %get3A_846 : i32 to index
        %get3A_848 = arith.index_cast %add3A_845 : i32 to index
        %get3A_849 = arith.constant 0 : index
        %get3A_850 = tpu.vector_load %arg6[%get3A_847, %get3A_848, %get3A_849] {strides = array<i32>} : memref<3x1024x32xf32, #tpu.memory_space<vmem>>, vector<1x1x16xf32>,
        %get3A_851 = vector.shape_cast %get3A_850 : vector<1x1x16xf32> to vector<16xf32>
        %mul3A_852 = arith.constant -2.000000e+00 : f32
        %mul3A_853 = vector.broadcast %mul3A_852 : f32 to vector<16xf32>
        %mul3A_854 = arith.mulf %get3A_851, %mul3A_853 : vector<16xf32>
        %exp3A_855 = math.exp %mul3A_854 : vector<16xf32>
        %add3A_856 = arith.constant 1.000000e+00 : f32
        %add3A_857 = vector.broadcast %add3A_856 : f32 to vector<16xf32>
        %add3A_858 = arith.addf %add3A_857, %exp3A_855 : vector<16xf32>
        %div3A_859 = arith.constant 2.000000e+00 : f32
        %div3A_860 = vector.broadcast %div3A_859 : f32 to vector<16xf32>
        %div3A_861 = arith.divf %div3A_860, %add3A_858 : vector<16xf32>
        %sub3A_862 = arith.constant 1.000000e+00 : f32
        %sub3A_863 = vector.broadcast %sub3A_862 : f32 to vector<16xf32>
        %sub3A_864 = arith.subf %div3A_861, %sub3A_863 : vector<16xf32>
        %add3A_865 = arith.constant 3 : i32
        %add3A_866 = arith.addi %mul3A_668, %add3A_865 : i32
        %swap3A_867 = arith.constant 1 : i32
        %swap3A_868 = arith.index_cast %swap3A_867 : i32 to index
        %swap3A_869 = arith.index_cast %add3A_866 : i32 to index
        %swap3A_870 = arith.constant 0 : index
        %swap3A_871 = tpu.vector_load %arg6[%swap3A_868, %swap3A_869, %swap3A_870] {strides = array<i32>} : memref<3x1024x32xf32, #tpu.memory_space<vmem>>, vector<1x1x16xf32>,
        %swap3A_872 = vector.shape_cast %swap3A_871 : vector<1x1x16xf32> to vector<16xf32>
        %swap3A_873 = vector.shape_cast %sub3A_864 : vector<16xf32> to vector<1x1x16xf32>
        tpu.vector_store %arg6[%swap3A_868, %swap3A_869, %swap3A_870], %swap3A_873 {strides = array<i32>} : memref<3x1024x32xf32, #tpu.memory_space<vmem>>, vector<1x1x16xf32>,
        %add3A_874 = arith.constant 3 : i32
        %add3A_875 = arith.addi %mul3A_668, %add3A_874 : i32
        %get3A_876 = arith.constant 1 : i32
        %get3A_877 = arith.index_cast %get3A_876 : i32 to index
        %get3A_878 = arith.index_cast %add3A_875 : i32 to index
        %get3A_879 = arith.constant 16 : index
        %get3A_880 = tpu.vector_load %arg6[%get3A_877, %get3A_878, %get3A_879] {strides = array<i32>} : memref<3x1024x32xf32, #tpu.memory_space<vmem>>, vector<1x1x16xf32>,
        %get3A_881 = vector.shape_cast %get3A_880 : vector<1x1x16xf32> to vector<16xf32>
        %mul3A_882 = arith.constant -2.000000e+00 : f32
        %mul3A_883 = vector.broadcast %mul3A_882 : f32 to vector<16xf32>
        %mul3A_884 = arith.mulf %get3A_881, %mul3A_883 : vector<16xf32>
        %exp3A_885 = math.exp %mul3A_884 : vector<16xf32>
        %add3A_886 = arith.constant 1.000000e+00 : f32
        %add3A_887 = vector.broadcast %add3A_886 : f32 to vector<16xf32>
        %add3A_888 = arith.addf %add3A_887, %exp3A_885 : vector<16xf32>
        %div3A_889 = arith.constant 2.000000e+00 : f32
        %div3A_890 = vector.broadcast %div3A_889 : f32 to vector<16xf32>
        %div3A_891 = arith.divf %div3A_890, %add3A_888 : vector<16xf32>
        %sub3A_892 = arith.constant 1.000000e+00 : f32
        %sub3A_893 = vector.broadcast %sub3A_892 : f32 to vector<16xf32>
        %sub3A_894 = arith.subf %div3A_891, %sub3A_893 : vector<16xf32>
        %add3A_895 = arith.constant 3 : i32
        %add3A_896 = arith.addi %mul3A_668, %add3A_895 : i32
        %swap3A_897 = arith.constant 1 : i32
        %swap3A_898 = arith.index_cast %swap3A_897 : i32 to index
        %swap3A_899 = arith.index_cast %add3A_896 : i32 to index
        %swap3A_900 = arith.constant 16 : index
        %swap3A_901 = tpu.vector_load %arg6[%swap3A_898, %swap3A_899, %swap3A_900] {strides = array<i32>} : memref<3x1024x32xf32, #tpu.memory_space<vmem>>, vector<1x1x16xf32>,
        %swap3A_902 = vector.shape_cast %swap3A_901 : vector<1x1x16xf32> to vector<16xf32>
        %swap3A_903 = vector.shape_cast %sub3A_894 : vector<16xf32> to vector<1x1x16xf32>
        tpu.vector_store %arg6[%swap3A_898, %swap3A_899, %swap3A_900], %swap3A_903 {strides = array<i32>} : memref<3x1024x32xf32, #tpu.memory_space<vmem>>, vector<1x1x16xf32>,
        %add3A_904 = arith.constant 4 : i32
        %add3A_905 = arith.addi %mul3A_668, %add3A_904 : i32
        %get3A_906 = arith.constant 1 : i32
        %get3A_907 = arith.index_cast %get3A_906 : i32 to index
        %get3A_908 = arith.index_cast %add3A_905 : i32 to index
        %get3A_909 = arith.constant 0 : index
        %get3A_910 = tpu.vector_load %arg6[%get3A_907, %get3A_908, %get3A_909] {strides = array<i32>} : memref<3x1024x32xf32, #tpu.memory_space<vmem>>, vector<1x1x16xf32>,
        %get3A_911 = vector.shape_cast %get3A_910 : vector<1x1x16xf32> to vector<16xf32>
        %mul3A_912 = arith.constant -2.000000e+00 : f32
        %mul3A_913 = vector.broadcast %mul3A_912 : f32 to vector<16xf32>
        %mul3A_914 = arith.mulf %get3A_911, %mul3A_913 : vector<16xf32>
        %exp3A_915 = math.exp %mul3A_914 : vector<16xf32>
        %add3A_916 = arith.constant 1.000000e+00 : f32
        %add3A_917 = vector.broadcast %add3A_916 : f32 to vector<16xf32>
        %add3A_918 = arith.addf %add3A_917, %exp3A_915 : vector<16xf32>
        %div3A_919 = arith.constant 2.000000e+00 : f32
        %div3A_920 = vector.broadcast %div3A_919 : f32 to vector<16xf32>
        %div3A_921 = arith.divf %div3A_920, %add3A_918 : vector<16xf32>
        %sub3A_922 = arith.constant 1.000000e+00 : f32
        %sub3A_923 = vector.broadcast %sub3A_922 : f32 to vector<16xf32>
        %sub3A_924 = arith.subf %div3A_921, %sub3A_923 : vector<16xf32>
        %add3A_925 = arith.constant 4 : i32
        %add3A_926 = arith.addi %mul3A_668, %add3A_925 : i32
        %swap3A_927 = arith.constant 1 : i32
        %swap3A_928 = arith.index_cast %swap3A_927 : i32 to index
        %swap3A_929 = arith.index_cast %add3A_926 : i32 to index
        %swap3A_930 = arith.constant 0 : index
        %swap3A_931 = tpu.vector_load %arg6[%swap3A_928, %swap3A_929, %swap3A_930] {strides = array<i32>} : memref<3x1024x32xf32, #tpu.memory_space<vmem>>, vector<1x1x16xf32>,
        %swap3A_932 = vector.shape_cast %swap3A_931 : vector<1x1x16xf32> to vector<16xf32>
        %swap3A_933 = vector.shape_cast %sub3A_924 : vector<16xf32> to vector<1x1x16xf32>
        tpu.vector_store %arg6[%swap3A_928, %swap3A_929, %swap3A_930], %swap3A_933 {strides = array<i32>} : memref<3x1024x32xf32, #tpu.memory_space<vmem>>, vector<1x1x16xf32>,
        %add3A_934 = arith.constant 4 : i32
        %add3A_935 = arith.addi %mul3A_668, %add3A_934 : i32
        %get3A_936 = arith.constant 1 : i32
        %get3A_937 = arith.index_cast %get3A_936 : i32 to index
        %get3A_938 = arith.index_cast %add3A_935 : i32 to index
        %get3A_939 = arith.constant 16 : index
        %get3A_940 = tpu.vector_load %arg6[%get3A_937, %get3A_938, %get3A_939] {strides = array<i32>} : memref<3x1024x32xf32, #tpu.memory_space<vmem>>, vector<1x1x16xf32>,
        %get3A_941 = vector.shape_cast %get3A_940 : vector<1x1x16xf32> to vector<16xf32>
        %mul3A_942 = arith.constant -2.000000e+00 : f32
        %mul3A_943 = vector.broadcast %mul3A_942 : f32 to vector<16xf32>
        %mul3A_944 = arith.mulf %get3A_941, %mul3A_943 : vector<16xf32>
        %exp3A_945 = math.exp %mul3A_944 : vector<16xf32>
        %add3A_946 = arith.constant 1.000000e+00 : f32
        %add3A_947 = vector.broadcast %add3A_946 : f32 to vector<16xf32>
        %add3A_948 = arith.addf %add3A_947, %exp3A_945 : vector<16xf32>
        %div3A_949 = arith.constant 2.000000e+00 : f32
        %div3A_950 = vector.broadcast %div3A_949 : f32 to vector<16xf32>
        %div3A_951 = arith.divf %div3A_950, %add3A_948 : vector<16xf32>
        %sub3A_952 = arith.constant 1.000000e+00 : f32
        %sub3A_953 = vector.broadcast %sub3A_952 : f32 to vector<16xf32>
        %sub3A_954 = arith.subf %div3A_951, %sub3A_953 : vector<16xf32>
        %add3A_955 = arith.constant 4 : i32
        %add3A_956 = arith.addi %mul3A_668, %add3A_955 : i32
        %swap3A_957 = arith.constant 1 : i32
        %swap3A_958 = arith.index_cast %swap3A_957 : i32 to index
        %swap3A_959 = arith.index_cast %add3A_956 : i32 to index
        %swap3A_960 = arith.constant 16 : index
        %swap3A_961 = tpu.vector_load %arg6[%swap3A_958, %swap3A_959, %swap3A_960] {strides = array<i32>} : memref<3x1024x32xf32, #tpu.memory_space<vmem>>, vector<1x1x16xf32>,
        %swap3A_962 = vector.shape_cast %swap3A_961 : vector<1x1x16xf32> to vector<16xf32>
        %swap3A_963 = vector.shape_cast %sub3A_954 : vector<16xf32> to vector<1x1x16xf32>
        tpu.vector_store %arg6[%swap3A_958, %swap3A_959, %swap3A_960], %swap3A_963 {strides = array<i32>} : memref<3x1024x32xf32, #tpu.memory_space<vmem>>, vector<1x1x16xf32>,
        %add3A_964 = arith.constant 5 : i32
        %add3A_965 = arith.addi %mul3A_668, %add3A_964 : i32
        %get3A_966 = arith.constant 1 : i32
        %get3A_967 = arith.index_cast %get3A_966 : i32 to index
        %get3A_968 = arith.index_cast %add3A_965 : i32 to index
        %get3A_969 = arith.constant 0 : index
        %get3A_970 = tpu.vector_load %arg6[%get3A_967, %get3A_968, %get3A_969] {strides = array<i32>} : memref<3x1024x32xf32, #tpu.memory_space<vmem>>, vector<1x1x16xf32>,
        %get3A_971 = vector.shape_cast %get3A_970 : vector<1x1x16xf32> to vector<16xf32>
        %mul3A_972 = arith.constant -2.000000e+00 : f32
        %mul3A_973 = vector.broadcast %mul3A_972 : f32 to vector<16xf32>
        %mul3A_974 = arith.mulf %get3A_971, %mul3A_973 : vector<16xf32>
        %exp3A_975 = math.exp %mul3A_974 : vector<16xf32>
        %add3A_976 = arith.constant 1.000000e+00 : f32
        %add3A_977 = vector.broadcast %add3A_976 : f32 to vector<16xf32>
        %add3A_978 = arith.addf %add3A_977, %exp3A_975 : vector<16xf32>
        %div3A_979 = arith.constant 2.000000e+00 : f32
        %div3A_980 = vector.broadcast %div3A_979 : f32 to vector<16xf32>
        %div3A_981 = arith.divf %div3A_980, %add3A_978 : vector<16xf32>
        %sub3A_982 = arith.constant 1.000000e+00 : f32
        %sub3A_983 = vector.broadcast %sub3A_982 : f32 to vector<16xf32>
        %sub3A_984 = arith.subf %div3A_981, %sub3A_983 : vector<16xf32>
        %add3A_985 = arith.constant 5 : i32
        %add3A_986 = arith.addi %mul3A_668, %add3A_985 : i32
        %swap3A_987 = arith.constant 1 : i32
        %swap3A_988 = arith.index_cast %swap3A_987 : i32 to index
        %swap3A_989 = arith.index_cast %add3A_986 : i32 to index
        %swap3A_990 = arith.constant 0 : index
        %swap3A_991 = tpu.vector_load %arg6[%swap3A_988, %swap3A_989, %swap3A_990] {strides = array<i32>} : memref<3x1024x32xf32, #tpu.memory_space<vmem>>, vector<1x1x16xf32>,
        %swap3A_992 = vector.shape_cast %swap3A_991 : vector<1x1x16xf32> to vector<16xf32>
        %swap3A_993 = vector.shape_cast %sub3A_984 : vector<16xf32> to vector<1x1x16xf32>
        tpu.vector_store %arg6[%swap3A_988, %swap3A_989, %swap3A_990], %swap3A_993 {strides = array<i32>} : memref<3x1024x32xf32, #tpu.memory_space<vmem>>, vector<1x1x16xf32>,
        %add3A_994 = arith.constant 5 : i32
        %add3A_995 = arith.addi %mul3A_668, %add3A_994 : i32
        %get3A_996 = arith.constant 1 : i32
        %get3A_997 = arith.index_cast %get3A_996 : i32 to index
        %get3A_998 = arith.index_cast %add3A_995 : i32 to index
        %get3A_999 = arith.constant 16 : index
        %get3A_1000 = tpu.vector_load %arg6[%get3A_997, %get3A_998, %get3A_999] {strides = array<i32>} : memref<3x1024x32xf32, #tpu.memory_space<vmem>>, vector<1x1x16xf32>,
        %get3A_1001 = vector.shape_cast %get3A_1000 : vector<1x1x16xf32> to vector<16xf32>
        %mul3A_1002 = arith.constant -2.000000e+00 : f32
        %mul3A_1003 = vector.broadcast %mul3A_1002 : f32 to vector<16xf32>
        %mul3A_1004 = arith.mulf %get3A_1001, %mul3A_1003 : vector<16xf32>
        %exp3A_1005 = math.exp %mul3A_1004 : vector<16xf32>
        %add3A_1006 = arith.constant 1.000000e+00 : f32
        %add3A_1007 = vector.broadcast %add3A_1006 : f32 to vector<16xf32>
        %add3A_1008 = arith.addf %add3A_1007, %exp3A_1005 : vector<16xf32>
        %div3A_1009 = arith.constant 2.000000e+00 : f32
        %div3A_1010 = vector.broadcast %div3A_1009 : f32 to vector<16xf32>
        %div3A_1011 = arith.divf %div3A_1010, %add3A_1008 : vector<16xf32>
        %sub3A_1012 = arith.constant 1.000000e+00 : f32
        %sub3A_1013 = vector.broadcast %sub3A_1012 : f32 to vector<16xf32>
        %sub3A_1014 = arith.subf %div3A_1011, %sub3A_1013 : vector<16xf32>
        %add3A_1015 = arith.constant 5 : i32
        %add3A_1016 = arith.addi %mul3A_668, %add3A_1015 : i32
        %swap3A_1017 = arith.constant 1 : i32
        %swap3A_1018 = arith.index_cast %swap3A_1017 : i32 to index
        %swap3A_1019 = arith.index_cast %add3A_1016 : i32 to index
        %swap3A_1020 = arith.constant 16 : index
        %swap3A_1021 = tpu.vector_load %arg6[%swap3A_1018, %swap3A_1019, %swap3A_1020] {strides = array<i32>} : memref<3x1024x32xf32, #tpu.memory_space<vmem>>, vector<1x1x16xf32>,
        %swap3A_1022 = vector.shape_cast %swap3A_1021 : vector<1x1x16xf32> to vector<16xf32>
        %swap3A_1023 = vector.shape_cast %sub3A_1014 : vector<16xf32> to vector<1x1x16xf32>
        tpu.vector_store %arg6[%swap3A_1018, %swap3A_1019, %swap3A_1020], %swap3A_1023 {strides = array<i32>} : memref<3x1024x32xf32, #tpu.memory_space<vmem>>, vector<1x1x16xf32>,
        %add3A_1024 = arith.constant 6 : i32
        %add3A_1025 = arith.addi %mul3A_668, %add3A_1024 : i32
        %get3A_1026 = arith.constant 1 : i32
        %get3A_1027 = arith.index_cast %get3A_1026 : i32 to index
        %get3A_1028 = arith.index_cast %add3A_1025 : i32 to index
        %get3A_1029 = arith.constant 0 : index
        %get3A_1030 = tpu.vector_load %arg6[%get3A_1027, %get3A_1028, %get3A_1029] {strides = array<i32>} : memref<3x1024x32xf32, #tpu.memory_space<vmem>>, vector<1x1x16xf32>,
        %get3A_1031 = vector.shape_cast %get3A_1030 : vector<1x1x16xf32> to vector<16xf32>
        %mul3A_1032 = arith.constant -2.000000e+00 : f32
        %mul3A_1033 = vector.broadcast %mul3A_1032 : f32 to vector<16xf32>
        %mul3A_1034 = arith.mulf %get3A_1031, %mul3A_1033 : vector<16xf32>
        %exp3A_1035 = math.exp %mul3A_1034 : vector<16xf32>
        %add3A_1036 = arith.constant 1.000000e+00 : f32
        %add3A_1037 = vector.broadcast %add3A_1036 : f32 to vector<16xf32>
        %add3A_1038 = arith.addf %add3A_1037, %exp3A_1035 : vector<16xf32>
        %div3A_1039 = arith.constant 2.000000e+00 : f32
        %div3A_1040 = vector.broadcast %div3A_1039 : f32 to vector<16xf32>
        %div3A_1041 = arith.divf %div3A_1040, %add3A_1038 : vector<16xf32>
        %sub3A_1042 = arith.constant 1.000000e+00 : f32
        %sub3A_1043 = vector.broadcast %sub3A_1042 : f32 to vector<16xf32>
        %sub3A_1044 = arith.subf %div3A_1041, %sub3A_1043 : vector<16xf32>
        %add3A_1045 = arith.constant 6 : i32
        %add3A_1046 = arith.addi %mul3A_668, %add3A_1045 : i32
        %swap3A_1047 = arith.constant 1 : i32
        %swap3A_1048 = arith.index_cast %swap3A_1047 : i32 to index
        %swap3A_1049 = arith.index_cast %add3A_1046 : i32 to index
        %swap3A_1050 = arith.constant 0 : index
        %swap3A_1051 = tpu.vector_load %arg6[%swap3A_1048, %swap3A_1049, %swap3A_1050] {strides = array<i32>} : memref<3x1024x32xf32, #tpu.memory_space<vmem>>, vector<1x1x16xf32>,
        %swap3A_1052 = vector.shape_cast %swap3A_1051 : vector<1x1x16xf32> to vector<16xf32>
        %swap3A_1053 = vector.shape_cast %sub3A_1044 : vector<16xf32> to vector<1x1x16xf32>
        tpu.vector_store %arg6[%swap3A_1048, %swap3A_1049, %swap3A_1050], %swap3A_1053 {strides = array<i32>} : memref<3x1024x32xf32, #tpu.memory_space<vmem>>, vector<1x1x16xf32>,
        %add3A_1054 = arith.constant 6 : i32
        %add3A_1055 = arith.addi %mul3A_668, %add3A_1054 : i32
        %get3A_1056 = arith.constant 1 : i32
        %get3A_1057 = arith.index_cast %get3A_1056 : i32 to index
        %get3A_1058 = arith.index_cast %add3A_1055 : i32 to index
        %get3A_1059 = arith.constant 16 : index
        %get3A_1060 = tpu.vector_load %arg6[%get3A_1057, %get3A_1058, %get3A_1059] {strides = array<i32>} : memref<3x1024x32xf32, #tpu.memory_space<vmem>>, vector<1x1x16xf32>,
        %get3A_1061 = vector.shape_cast %get3A_1060 : vector<1x1x16xf32> to vector<16xf32>
        %mul3A_1062 = arith.constant -2.000000e+00 : f32
        %mul3A_1063 = vector.broadcast %mul3A_1062 : f32 to vector<16xf32>
        %mul3A_1064 = arith.mulf %get3A_1061, %mul3A_1063 : vector<16xf32>
        %exp3A_1065 = math.exp %mul3A_1064 : vector<16xf32>
        %add3A_1066 = arith.constant 1.000000e+00 : f32
        %add3A_1067 = vector.broadcast %add3A_1066 : f32 to vector<16xf32>
        %add3A_1068 = arith.addf %add3A_1067, %exp3A_1065 : vector<16xf32>
        %div3A_1069 = arith.constant 2.000000e+00 : f32
        %div3A_1070 = vector.broadcast %div3A_1069 : f32 to vector<16xf32>
        %div3A_1071 = arith.divf %div3A_1070, %add3A_1068 : vector<16xf32>
        %sub3A_1072 = arith.constant 1.000000e+00 : f32
        %sub3A_1073 = vector.broadcast %sub3A_1072 : f32 to vector<16xf32>
        %sub3A_1074 = arith.subf %div3A_1071, %sub3A_1073 : vector<16xf32>
        %add3A_1075 = arith.constant 6 : i32
        %add3A_1076 = arith.addi %mul3A_668, %add3A_1075 : i32
        %swap3A_1077 = arith.constant 1 : i32
        %swap3A_1078 = arith.index_cast %swap3A_1077 : i32 to index
        %swap3A_1079 = arith.index_cast %add3A_1076 : i32 to index
        %swap3A_1080 = arith.constant 16 : index
        %swap3A_1081 = tpu.vector_load %arg6[%swap3A_1078, %swap3A_1079, %swap3A_1080] {strides = array<i32>} : memref<3x1024x32xf32, #tpu.memory_space<vmem>>, vector<1x1x16xf32>,
        %swap3A_1082 = vector.shape_cast %swap3A_1081 : vector<1x1x16xf32> to vector<16xf32>
        %swap3A_1083 = vector.shape_cast %sub3A_1074 : vector<16xf32> to vector<1x1x16xf32>
        tpu.vector_store %arg6[%swap3A_1078, %swap3A_1079, %swap3A_1080], %swap3A_1083 {strides = array<i32>} : memref<3x1024x32xf32, #tpu.memory_space<vmem>>, vector<1x1x16xf32>,
        %add3A_1084 = arith.constant 7 : i32
        %add3A_1085 = arith.addi %mul3A_668, %add3A_1084 : i32
        %get3A_1086 = arith.constant 1 : i32
        %get3A_1087 = arith.index_cast %get3A_1086 : i32 to index
        %get3A_1088 = arith.index_cast %add3A_1085 : i32 to index
        %get3A_1089 = arith.constant 0 : index
        %get3A_1090 = tpu.vector_load %arg6[%get3A_1087, %get3A_1088, %get3A_1089] {strides = array<i32>} : memref<3x1024x32xf32, #tpu.memory_space<vmem>>, vector<1x1x16xf32>,
        %get3A_1091 = vector.shape_cast %get3A_1090 : vector<1x1x16xf32> to vector<16xf32>
        %mul3A_1092 = arith.constant -2.000000e+00 : f32
        %mul3A_1093 = vector.broadcast %mul3A_1092 : f32 to vector<16xf32>
        %mul3A_1094 = arith.mulf %get3A_1091, %mul3A_1093 : vector<16xf32>
        %exp3A_1095 = math.exp %mul3A_1094 : vector<16xf32>
        %add3A_1096 = arith.constant 1.000000e+00 : f32
        %add3A_1097 = vector.broadcast %add3A_1096 : f32 to vector<16xf32>
        %add3A_1098 = arith.addf %add3A_1097, %exp3A_1095 : vector<16xf32>
        %div3A_1099 = arith.constant 2.000000e+00 : f32
        %div3A_1100 = vector.broadcast %div3A_1099 : f32 to vector<16xf32>
        %div3A_1101 = arith.divf %div3A_1100, %add3A_1098 : vector<16xf32>
        %sub3A_1102 = arith.constant 1.000000e+00 : f32
        %sub3A_1103 = vector.broadcast %sub3A_1102 : f32 to vector<16xf32>
        %sub3A_1104 = arith.subf %div3A_1101, %sub3A_1103 : vector<16xf32>
        %add3A_1105 = arith.constant 7 : i32
        %add3A_1106 = arith.addi %mul3A_668, %add3A_1105 : i32
        %swap3A_1107 = arith.constant 1 : i32
        %swap3A_1108 = arith.index_cast %swap3A_1107 : i32 to index
        %swap3A_1109 = arith.index_cast %add3A_1106 : i32 to index
        %swap3A_1110 = arith.constant 0 : index
        %swap3A_1111 = tpu.vector_load %arg6[%swap3A_1108, %swap3A_1109, %swap3A_1110] {strides = array<i32>} : memref<3x1024x32xf32, #tpu.memory_space<vmem>>, vector<1x1x16xf32>,
        %swap3A_1112 = vector.shape_cast %swap3A_1111 : vector<1x1x16xf32> to vector<16xf32>
        %swap3A_1113 = vector.shape_cast %sub3A_1104 : vector<16xf32> to vector<1x1x16xf32>
        tpu.vector_store %arg6[%swap3A_1108, %swap3A_1109, %swap3A_1110], %swap3A_1113 {strides = array<i32>} : memref<3x1024x32xf32, #tpu.memory_space<vmem>>, vector<1x1x16xf32>,
        %add3A_1114 = arith.constant 7 : i32
        %add3A_1115 = arith.addi %mul3A_668, %add3A_1114 : i32
        %get3A_1116 = arith.constant 1 : i32
        %get3A_1117 = arith.index_cast %get3A_1116 : i32 to index
        %get3A_1118 = arith.index_cast %add3A_1115 : i32 to index
        %get3A_1119 = arith.constant 16 : index
        %get3A_1120 = tpu.vector_load %arg6[%get3A_1117, %get3A_1118, %get3A_1119] {strides = array<i32>} : memref<3x1024x32xf32, #tpu.memory_space<vmem>>, vector<1x1x16xf32>,
        %get3A_1121 = vector.shape_cast %get3A_1120 : vector<1x1x16xf32> to vector<16xf32>
        %mul3A_1122 = arith.constant -2.000000e+00 : f32
        %mul3A_1123 = vector.broadcast %mul3A_1122 : f32 to vector<16xf32>
        %mul3A_1124 = arith.mulf %get3A_1121, %mul3A_1123 : vector<16xf32>
        %exp3A_1125 = math.exp %mul3A_1124 : vector<16xf32>
        %add3A_1126 = arith.constant 1.000000e+00 : f32
        %add3A_1127 = vector.broadcast %add3A_1126 : f32 to vector<16xf32>
        %add3A_1128 = arith.addf %add3A_1127, %exp3A_1125 : vector<16xf32>
        %div3A_1129 = arith.constant 2.000000e+00 : f32
        %div3A_1130 = vector.broadcast %div3A_1129 : f32 to vector<16xf32>
        %div3A_1131 = arith.divf %div3A_1130, %add3A_1128 : vector<16xf32>
        %sub3A_1132 = arith.constant 1.000000e+00 : f32
        %sub3A_1133 = vector.broadcast %sub3A_1132 : f32 to vector<16xf32>
        %sub3A_1134 = arith.subf %div3A_1131, %sub3A_1133 : vector<16xf32>
        %add3A_1135 = arith.constant 7 : i32
        %add3A_1136 = arith.addi %mul3A_668, %add3A_1135 : i32
        %swap3A_1137 = arith.constant 1 : i32
        %swap3A_1138 = arith.index_cast %swap3A_1137 : i32 to index
        %swap3A_1139 = arith.index_cast %add3A_1136 : i32 to index
        %swap3A_1140 = arith.constant 16 : index
        %swap3A_1141 = tpu.vector_load %arg6[%swap3A_1138, %swap3A_1139, %swap3A_1140] {strides = array<i32>} : memref<3x1024x32xf32, #tpu.memory_space<vmem>>, vector<1x1x16xf32>,
        %swap3A_1142 = vector.shape_cast %swap3A_1141 : vector<1x1x16xf32> to vector<16xf32>
        %swap3A_1143 = vector.shape_cast %sub3A_1134 : vector<16xf32> to vector<1x1x16xf32>
        tpu.vector_store %arg6[%swap3A_1138, %swap3A_1139, %swap3A_1140], %swap3A_1143 {strides = array<i32>} : memref<3x1024x32xf32, #tpu.memory_space<vmem>>, vector<1x1x16xf32>,
        %scan3A_1144 = arith.constant 0 : i32
        scf.yield %scan3A_1144 : i32
      }
      %scan3A_491 = arith.constant 128 : i32
      %mul3A_492 = arith.constant 1024 : i32
      %mul3A_493 = arith.muli %add3A_353, %mul3A_492 : i32
      %add3A_494 = arith.addi %mul3A_2, %mul3A_493 : i32
      %dma_start3A_495 = arith.constant 1 : i32
      %dma_start3A_496 = arith.constant 0 : i32
      %dma_start3A_497 = arith.constant 0 : i32
      %dma_start3A_498 = tpu.memref_slice %arg6[%dma_start3A_495, %dma_start3A_496, %dma_start3A_497] : memref<3x1024x32xf32, #tpu.memory_space<vmem>> -> memref<1x1024x32xf32, #tpu.memory_space<vmem>>
      %dma_start3A_499 = tpu.memref_squeeze %dma_start3A_498 : memref<1x1024x32xf32, #tpu.memory_space<vmem>> -> memref<1024x32xf32, #tpu.memory_space<vmem>>
      %dma_start3A_500 = arith.constant 0 : i32
      %dma_start3A_501 = tpu.memref_slice %arg4[%add3A_494, %dma_start3A_500] : memref<819200x32xf32, #tpu.memory_space<hbm>> -> memref<1024x32xf32, #tpu.memory_space<hbm>>
      %dma_start3A_502 = arith.constant 0 : i32
      %dma_start3A_503 = tpu.memref_slice %arg4[%add3A_494, %dma_start3A_502] : memref<819200x32xf32, #tpu.memory_space<hbm>> -> memref<1024x32xf32, #tpu.memory_space<hbm>>
      %dma_start3A_504 = arith.constant 0 : i32
      %dma_start3A_505 = arith.constant 0 : i32
      %dma_start3A_506 = tpu.memref_slice %arg6[%dma_start3A_495, %dma_start3A_504, %dma_start3A_505] : memref<3x1024x32xf32, #tpu.memory_space<vmem>> -> memref<1x1024x32xf32, #tpu.memory_space<vmem>>
      %dma_start3A_507 = tpu.memref_squeeze %dma_start3A_506 : memref<1x1024x32xf32, #tpu.memory_space<vmem>> -> memref<1024x32xf32, #tpu.memory_space<vmem>>
      tpu.enqueue_dma source(%dma_start3A_507 : memref<1024x32xf32, #tpu.memory_space<vmem>>) target(%dma_start3A_503 : memref<1024x32xf32, #tpu.memory_space<hbm>>) target_semaphore(%arg11 : memref<!tpu.dma_semaphore, #tpu.memory_space<semaphore_mem>>)
      %add3A_508 = arith.constant 2 : i32
      %add3A_509 = arith.addi %mul3A_200, %add3A_508 : i32
      %ge3A_510 = arith.constant 2 : i32
      %ge3A_511 = arith.cmpi sge, %add3A_509, %ge3A_510 : i32
      %convert_element_type3A_512 = arith.extui %ge3A_511 : i1 to i32
      %cond3A_513 = arith.constant 0 : i32
      %cond3A_514 = arith.cmpi ne, %convert_element_type3A_512, %cond3A_513 : i32
      scf.if %cond3A_514 {
        %sub3A = arith.constant 2 : i32
        %sub3A_665 = arith.subi %add3A_509, %sub3A : i32
        %mul3A_666 = arith.constant 1024 : i32
        %mul3A_667 = arith.muli %sub3A_665, %mul3A_666 : i32
        %add3A_668 = arith.addi %mul3A_2, %mul3A_667 : i32
        %dma_wait3A_669 = arith.constant 0 : i32
        %dma_wait3A_670 = arith.constant 0 : i32
        %dma_wait3A_671 = arith.constant 0 : i32
        %dma_wait3A_672 = tpu.memref_slice %arg6[%dma_wait3A_669, %dma_wait3A_670, %dma_wait3A_671] : memref<3x1024x32xf32, #tpu.memory_space<vmem>> -> memref<1x1024x32xf32, #tpu.memory_space<vmem>>
        %dma_wait3A_673 = tpu.memref_squeeze %dma_wait3A_672 : memref<1x1024x32xf32, #tpu.memory_space<vmem>> -> memref<1024x32xf32, #tpu.memory_space<vmem>>
        %dma_wait3A_674 = arith.constant 0 : i32
        %dma_wait3A_675 = tpu.memref_slice %arg4[%add3A_668, %dma_wait3A_674] : memref<819200x32xf32, #tpu.memory_space<hbm>> -> memref<1024x32xf32, #tpu.memory_space<hbm>>
        %dma_wait3A_676 = arith.constant 0 : i32
        %dma_wait3A_677 = tpu.memref_slice %arg4[%add3A_668, %dma_wait3A_676] : memref<819200x32xf32, #tpu.memory_space<hbm>> -> memref<1024x32xf32, #tpu.memory_space<hbm>>
        %dma_wait3A_678 = arith.constant 0 : i32
        %dma_wait3A_679 = arith.constant 0 : i32
        %dma_wait3A_680 = tpu.memref_slice %arg6[%dma_wait3A_669, %dma_wait3A_678, %dma_wait3A_679] : memref<3x1024x32xf32, #tpu.memory_space<vmem>> -> memref<1x1024x32xf32, #tpu.memory_space<vmem>>
        %dma_wait3A_681 = tpu.memref_squeeze %dma_wait3A_680 : memref<1x1024x32xf32, #tpu.memory_space<vmem>> -> memref<1024x32xf32, #tpu.memory_space<vmem>>
        tpu.wait_dma2 semaphore(%arg10 : memref<!tpu.dma_semaphore, #tpu.memory_space<semaphore_mem>>) src(%dma_wait3A_681 : memref<1024x32xf32, #tpu.memory_space<vmem>>) dst(%dma_wait3A_677 : memref<1024x32xf32, #tpu.memory_space<hbm>>)
      } else {
      }
      %add3A_515 = arith.constant 1 : i32
      %add3A_516 = arith.addi %add3A_509, %add3A_515 : i32
      %mul3A_517 = arith.constant 8 : i32
      %mul3A_518 = arith.muli %add3A_516, %mul3A_517 : i32
      %add3A_519 = arith.addi %mul3A_4, %mul3A_518 : i32
      %run_scoped3A_520 = arith.constant 0 : i32
      "tpu.region"() ({
        %run_scoped3A_665 = tpu.sem_alloc : memref<!tpu.dma_semaphore, #tpu.memory_space<semaphore_mem>>
        %dma_start3A_666 = arith.constant 0 : i32
        %dma_start3A_667 = arith.constant 0 : i32
        %dma_start3A_668 = tpu.memref_slice %arg5[%run_scoped3A_520, %dma_start3A_666, %dma_start3A_667] : memref<3x8x128xi32, #tpu.memory_space<vmem>> -> memref<1x8x128xi32, #tpu.memory_space<vmem>>
        %dma_start3A_669 = tpu.memref_squeeze %dma_start3A_668 : memref<1x8x128xi32, #tpu.memory_space<vmem>> -> memref<8x128xi32, #tpu.memory_space<vmem>>
        %dma_start3A_670 = arith.constant 0 : i32
        %dma_start3A_671 = tpu.memref_slice %arg3[%add3A_519, %dma_start3A_670] : memref<6400x128xi32, #tpu.memory_space<hbm>> -> memref<8x128xi32, #tpu.memory_space<hbm>>
        %dma_start3A_672 = arith.constant 0 : i32
        %dma_start3A_673 = arith.constant 0 : i32
        %dma_start3A_674 = tpu.memref_slice %arg5[%run_scoped3A_520, %dma_start3A_672, %dma_start3A_673] : memref<3x8x128xi32, #tpu.memory_space<vmem>> -> memref<1x8x128xi32, #tpu.memory_space<vmem>>
        %dma_start3A_675 = tpu.memref_squeeze %dma_start3A_674 : memref<1x8x128xi32, #tpu.memory_space<vmem>> -> memref<8x128xi32, #tpu.memory_space<vmem>>
        %dma_start3A_676 = arith.constant 0 : i32
        %dma_start3A_677 = tpu.memref_slice %arg3[%add3A_519, %dma_start3A_676] : memref<6400x128xi32, #tpu.memory_space<hbm>> -> memref<8x128xi32, #tpu.memory_space<hbm>>
        tpu.enqueue_dma source(%dma_start3A_677 : memref<8x128xi32, #tpu.memory_space<hbm>>) target(%dma_start3A_675 : memref<8x128xi32, #tpu.memory_space<vmem>>) target_semaphore(%run_scoped3A_665 : memref<!tpu.dma_semaphore, #tpu.memory_space<semaphore_mem>>)
        %dma_wait3A_678 = arith.constant 0 : i32
        %dma_wait3A_679 = arith.constant 0 : i32
        %dma_wait3A_680 = tpu.memref_slice %arg5[%run_scoped3A_520, %dma_wait3A_678, %dma_wait3A_679] : memref<3x8x128xi32, #tpu.memory_space<vmem>> -> memref<1x8x128xi32, #tpu.memory_space<vmem>>
        %dma_wait3A_681 = tpu.memref_squeeze %dma_wait3A_680 : memref<1x8x128xi32, #tpu.memory_space<vmem>> -> memref<8x128xi32, #tpu.memory_space<vmem>>
        %dma_wait3A_682 = arith.constant 0 : i32
        %dma_wait3A_683 = tpu.memref_slice %arg3[%add3A_519, %dma_wait3A_682] : memref<6400x128xi32, #tpu.memory_space<hbm>> -> memref<8x128xi32, #tpu.memory_space<hbm>>
        %dma_wait3A_684 = arith.constant 0 : i32
        %dma_wait3A_685 = arith.constant 0 : i32
        %dma_wait3A_686 = tpu.memref_slice %arg5[%run_scoped3A_520, %dma_wait3A_684, %dma_wait3A_685] : memref<3x8x128xi32, #tpu.memory_space<vmem>> -> memref<1x8x128xi32, #tpu.memory_space<vmem>>
        %dma_wait3A_687 = tpu.memref_squeeze %dma_wait3A_686 : memref<1x8x128xi32, #tpu.memory_space<vmem>> -> memref<8x128xi32, #tpu.memory_space<vmem>>
        %dma_wait3A_688 = arith.constant 0 : i32
        %dma_wait3A_689 = tpu.memref_slice %arg3[%add3A_519, %dma_wait3A_688] : memref<6400x128xi32, #tpu.memory_space<hbm>> -> memref<8x128xi32, #tpu.memory_space<hbm>>
        tpu.wait_dma2 semaphore(%run_scoped3A_665 : memref<!tpu.dma_semaphore, #tpu.memory_space<semaphore_mem>>) src(%dma_wait3A_689 : memref<8x128xi32, #tpu.memory_space<hbm>>) dst(%dma_wait3A_687 : memref<8x128xi32, #tpu.memory_space<vmem>>)
        tpu.yield
      }) : () -> ()
      %dma_start3A_521 = arith.constant 0 : i32
      %dma_start3A_522 = arith.constant 0 : i32
      %dma_start3A_523 = arith.constant 0 : i32
      %dma_start3A_524 = arith.constant 0 : i32
      %dma_start3A_525 = arith.constant 0 : i32
      %dma_start3A_526 = tpu.memref_slice %arg6[%dma_start3A_523, %dma_start3A_524, %dma_start3A_525] : memref<3x1024x32xf32, #tpu.memory_space<vmem>> -> memref<1x128x32xf32, #tpu.memory_space<vmem>>
      %dma_start3A_527 = tpu.memref_squeeze %dma_start3A_526 : memref<1x128x32xf32, #tpu.memory_space<vmem>> -> memref<128x32xf32, #tpu.memory_space<vmem>>
      %dma_start3A_528 = arith.constant 0 : i32
      %dma_start3A_529 = tpu.memref_slice %arg5[%dma_start3A_521, %dma_start3A_522, %dma_start3A_528] : memref<3x8x128xi32, #tpu.memory_space<vmem>> -> memref<1x1x128xi32, #tpu.memory_space<vmem>>
      %dma_start3A_530 = tpu.memref_squeeze %dma_start3A_529 : memref<1x1x128xi32, #tpu.memory_space<vmem>> -> memref<128xi32, #tpu.memory_space<vmem>>
      %dma_start3A_531 = arith.constant 0 : i32
      %dma_start3A_532 = arith.constant 0 : i32
      %dma_start3A_533 = tpu.memref_slice %arg2[%dma_start3A_531, %dma_start3A_532] : memref<1000000x32xf32, #tpu.memory_space<hbm>> -> memref<1000000x32xf32, #tpu.memory_space<hbm>>
      tpu.enqueue_indirect_dma source(%dma_start3A_533 : memref<1000000x32xf32, #tpu.memory_space<hbm>>) target(%dma_start3A_527 : memref<128x32xf32, #tpu.memory_space<vmem>>) offsets(%dma_start3A_530 : memref<128xi32, #tpu.memory_space<vmem>>) semaphore(%arg7 : memref<!tpu.dma_semaphore, #tpu.memory_space<semaphore_mem>>)
      %dma_start3A_534 = arith.constant 0 : i32
      %dma_start3A_535 = arith.constant 1 : i32
      %dma_start3A_536 = arith.constant 0 : i32
      %dma_start3A_537 = arith.constant 128 : i32
      %dma_start3A_538 = arith.constant 0 : i32
      %dma_start3A_539 = tpu.memref_slice %arg6[%dma_start3A_536, %dma_start3A_537, %dma_start3A_538] : memref<3x1024x32xf32, #tpu.memory_space<vmem>> -> memref<1x128x32xf32, #tpu.memory_space<vmem>>
      %dma_start3A_540 = tpu.memref_squeeze %dma_start3A_539 : memref<1x128x32xf32, #tpu.memory_space<vmem>> -> memref<128x32xf32, #tpu.memory_space<vmem>>
      %dma_start3A_541 = arith.constant 0 : i32
      %dma_start3A_542 = tpu.memref_slice %arg5[%dma_start3A_534, %dma_start3A_535, %dma_start3A_541] : memref<3x8x128xi32, #tpu.memory_space<vmem>> -> memref<1x1x128xi32, #tpu.memory_space<vmem>>
      %dma_start3A_543 = tpu.memref_squeeze %dma_start3A_542 : memref<1x1x128xi32, #tpu.memory_space<vmem>> -> memref<128xi32, #tpu.memory_space<vmem>>
      %dma_start3A_544 = arith.constant 0 : i32
      %dma_start3A_545 = arith.constant 0 : i32
      %dma_start3A_546 = tpu.memref_slice %arg2[%dma_start3A_544, %dma_start3A_545] : memref<1000000x32xf32, #tpu.memory_space<hbm>> -> memref<1000000x32xf32, #tpu.memory_space<hbm>>
      tpu.enqueue_indirect_dma source(%dma_start3A_546 : memref<1000000x32xf32, #tpu.memory_space<hbm>>) target(%dma_start3A_540 : memref<128x32xf32, #tpu.memory_space<vmem>>) offsets(%dma_start3A_543 : memref<128xi32, #tpu.memory_space<vmem>>) semaphore(%arg7 : memref<!tpu.dma_semaphore, #tpu.memory_space<semaphore_mem>>)
      %dma_start3A_547 = arith.constant 0 : i32
      %dma_start3A_548 = arith.constant 2 : i32
      %dma_start3A_549 = arith.constant 0 : i32
      %dma_start3A_550 = arith.constant 256 : i32
      %dma_start3A_551 = arith.constant 0 : i32
      %dma_start3A_552 = tpu.memref_slice %arg6[%dma_start3A_549, %dma_start3A_550, %dma_start3A_551] : memref<3x1024x32xf32, #tpu.memory_space<vmem>> -> memref<1x128x32xf32, #tpu.memory_space<vmem>>
      %dma_start3A_553 = tpu.memref_squeeze %dma_start3A_552 : memref<1x128x32xf32, #tpu.memory_space<vmem>> -> memref<128x32xf32, #tpu.memory_space<vmem>>
      %dma_start3A_554 = arith.constant 0 : i32
      %dma_start3A_555 = tpu.memref_slice %arg5[%dma_start3A_547, %dma_start3A_548, %dma_start3A_554] : memref<3x8x128xi32, #tpu.memory_space<vmem>> -> memref<1x1x128xi32, #tpu.memory_space<vmem>>
      %dma_start3A_556 = tpu.memref_squeeze %dma_start3A_555 : memref<1x1x128xi32, #tpu.memory_space<vmem>> -> memref<128xi32, #tpu.memory_space<vmem>>
      %dma_start3A_557 = arith.constant 0 : i32
      %dma_start3A_558 = arith.constant 0 : i32
      %dma_start3A_559 = tpu.memref_slice %arg2[%dma_start3A_557, %dma_start3A_558] : memref<1000000x32xf32, #tpu.memory_space<hbm>> -> memref<1000000x32xf32, #tpu.memory_space<hbm>>
      tpu.enqueue_indirect_dma source(%dma_start3A_559 : memref<1000000x32xf32, #tpu.memory_space<hbm>>) target(%dma_start3A_553 : memref<128x32xf32, #tpu.memory_space<vmem>>) offsets(%dma_start3A_556 : memref<128xi32, #tpu.memory_space<vmem>>) semaphore(%arg7 : memref<!tpu.dma_semaphore, #tpu.memory_space<semaphore_mem>>)
      %dma_start3A_560 = arith.constant 0 : i32
      %dma_start3A_561 = arith.constant 3 : i32
      %dma_start3A_562 = arith.constant 0 : i32
      %dma_start3A_563 = arith.constant 384 : i32
      %dma_start3A_564 = arith.constant 0 : i32
      %dma_start3A_565 = tpu.memref_slice %arg6[%dma_start3A_562, %dma_start3A_563, %dma_start3A_564] : memref<3x1024x32xf32, #tpu.memory_space<vmem>> -> memref<1x128x32xf32, #tpu.memory_space<vmem>>
      %dma_start3A_566 = tpu.memref_squeeze %dma_start3A_565 : memref<1x128x32xf32, #tpu.memory_space<vmem>> -> memref<128x32xf32, #tpu.memory_space<vmem>>
      %dma_start3A_567 = arith.constant 0 : i32
      %dma_start3A_568 = tpu.memref_slice %arg5[%dma_start3A_560, %dma_start3A_561, %dma_start3A_567] : memref<3x8x128xi32, #tpu.memory_space<vmem>> -> memref<1x1x128xi32, #tpu.memory_space<vmem>>
      %dma_start3A_569 = tpu.memref_squeeze %dma_start3A_568 : memref<1x1x128xi32, #tpu.memory_space<vmem>> -> memref<128xi32, #tpu.memory_space<vmem>>
      %dma_start3A_570 = arith.constant 0 : i32
      %dma_start3A_571 = arith.constant 0 : i32
      %dma_start3A_572 = tpu.memref_slice %arg2[%dma_start3A_570, %dma_start3A_571] : memref<1000000x32xf32, #tpu.memory_space<hbm>> -> memref<1000000x32xf32, #tpu.memory_space<hbm>>
      tpu.enqueue_indirect_dma source(%dma_start3A_572 : memref<1000000x32xf32, #tpu.memory_space<hbm>>) target(%dma_start3A_566 : memref<128x32xf32, #tpu.memory_space<vmem>>) offsets(%dma_start3A_569 : memref<128xi32, #tpu.memory_space<vmem>>) semaphore(%arg7 : memref<!tpu.dma_semaphore, #tpu.memory_space<semaphore_mem>>)
      %dma_start3A_573 = arith.constant 0 : i32
      %dma_start3A_574 = arith.constant 4 : i32
      %dma_start3A_575 = arith.constant 0 : i32
      %dma_start3A_576 = arith.constant 512 : i32
      %dma_start3A_577 = arith.constant 0 : i32
      %dma_start3A_578 = tpu.memref_slice %arg6[%dma_start3A_575, %dma_start3A_576, %dma_start3A_577] : memref<3x1024x32xf32, #tpu.memory_space<vmem>> -> memref<1x128x32xf32, #tpu.memory_space<vmem>>
      %dma_start3A_579 = tpu.memref_squeeze %dma_start3A_578 : memref<1x128x32xf32, #tpu.memory_space<vmem>> -> memref<128x32xf32, #tpu.memory_space<vmem>>
      %dma_start3A_580 = arith.constant 0 : i32
      %dma_start3A_581 = tpu.memref_slice %arg5[%dma_start3A_573, %dma_start3A_574, %dma_start3A_580] : memref<3x8x128xi32, #tpu.memory_space<vmem>> -> memref<1x1x128xi32, #tpu.memory_space<vmem>>
      %dma_start3A_582 = tpu.memref_squeeze %dma_start3A_581 : memref<1x1x128xi32, #tpu.memory_space<vmem>> -> memref<128xi32, #tpu.memory_space<vmem>>
      %dma_start3A_583 = arith.constant 0 : i32
      %dma_start3A_584 = arith.constant 0 : i32
      %dma_start3A_585 = tpu.memref_slice %arg2[%dma_start3A_583, %dma_start3A_584] : memref<1000000x32xf32, #tpu.memory_space<hbm>> -> memref<1000000x32xf32, #tpu.memory_space<hbm>>
      tpu.enqueue_indirect_dma source(%dma_start3A_585 : memref<1000000x32xf32, #tpu.memory_space<hbm>>) target(%dma_start3A_579 : memref<128x32xf32, #tpu.memory_space<vmem>>) offsets(%dma_start3A_582 : memref<128xi32, #tpu.memory_space<vmem>>) semaphore(%arg7 : memref<!tpu.dma_semaphore, #tpu.memory_space<semaphore_mem>>)
      %dma_start3A_586 = arith.constant 0 : i32
      %dma_start3A_587 = arith.constant 5 : i32
      %dma_start3A_588 = arith.constant 0 : i32
      %dma_start3A_589 = arith.constant 640 : i32
      %dma_start3A_590 = arith.constant 0 : i32
      %dma_start3A_591 = tpu.memref_slice %arg6[%dma_start3A_588, %dma_start3A_589, %dma_start3A_590] : memref<3x1024x32xf32, #tpu.memory_space<vmem>> -> memref<1x128x32xf32, #tpu.memory_space<vmem>>
      %dma_start3A_592 = tpu.memref_squeeze %dma_start3A_591 : memref<1x128x32xf32, #tpu.memory_space<vmem>> -> memref<128x32xf32, #tpu.memory_space<vmem>>
      %dma_start3A_593 = arith.constant 0 : i32
      %dma_start3A_594 = tpu.memref_slice %arg5[%dma_start3A_586, %dma_start3A_587, %dma_start3A_593] : memref<3x8x128xi32, #tpu.memory_space<vmem>> -> memref<1x1x128xi32, #tpu.memory_space<vmem>>
      %dma_start3A_595 = tpu.memref_squeeze %dma_start3A_594 : memref<1x1x128xi32, #tpu.memory_space<vmem>> -> memref<128xi32, #tpu.memory_space<vmem>>
      %dma_start3A_596 = arith.constant 0 : i32
      %dma_start3A_597 = arith.constant 0 : i32
      %dma_start3A_598 = tpu.memref_slice %arg2[%dma_start3A_596, %dma_start3A_597] : memref<1000000x32xf32, #tpu.memory_space<hbm>> -> memref<1000000x32xf32, #tpu.memory_space<hbm>>
      tpu.enqueue_indirect_dma source(%dma_start3A_598 : memref<1000000x32xf32, #tpu.memory_space<hbm>>) target(%dma_start3A_592 : memref<128x32xf32, #tpu.memory_space<vmem>>) offsets(%dma_start3A_595 : memref<128xi32, #tpu.memory_space<vmem>>) semaphore(%arg7 : memref<!tpu.dma_semaphore, #tpu.memory_space<semaphore_mem>>)
      %dma_start3A_599 = arith.constant 0 : i32
      %dma_start3A_600 = arith.constant 6 : i32
      %dma_start3A_601 = arith.constant 0 : i32
      %dma_start3A_602 = arith.constant 768 : i32
      %dma_start3A_603 = arith.constant 0 : i32
      %dma_start3A_604 = tpu.memref_slice %arg6[%dma_start3A_601, %dma_start3A_602, %dma_start3A_603] : memref<3x1024x32xf32, #tpu.memory_space<vmem>> -> memref<1x128x32xf32, #tpu.memory_space<vmem>>
      %dma_start3A_605 = tpu.memref_squeeze %dma_start3A_604 : memref<1x128x32xf32, #tpu.memory_space<vmem>> -> memref<128x32xf32, #tpu.memory_space<vmem>>
      %dma_start3A_606 = arith.constant 0 : i32
      %dma_start3A_607 = tpu.memref_slice %arg5[%dma_start3A_599, %dma_start3A_600, %dma_start3A_606] : memref<3x8x128xi32, #tpu.memory_space<vmem>> -> memref<1x1x128xi32, #tpu.memory_space<vmem>>
      %dma_start3A_608 = tpu.memref_squeeze %dma_start3A_607 : memref<1x1x128xi32, #tpu.memory_space<vmem>> -> memref<128xi32, #tpu.memory_space<vmem>>
      %dma_start3A_609 = arith.constant 0 : i32
      %dma_start3A_610 = arith.constant 0 : i32
      %dma_start3A_611 = tpu.memref_slice %arg2[%dma_start3A_609, %dma_start3A_610] : memref<1000000x32xf32, #tpu.memory_space<hbm>> -> memref<1000000x32xf32, #tpu.memory_space<hbm>>
      tpu.enqueue_indirect_dma source(%dma_start3A_611 : memref<1000000x32xf32, #tpu.memory_space<hbm>>) target(%dma_start3A_605 : memref<128x32xf32, #tpu.memory_space<vmem>>) offsets(%dma_start3A_608 : memref<128xi32, #tpu.memory_space<vmem>>) semaphore(%arg7 : memref<!tpu.dma_semaphore, #tpu.memory_space<semaphore_mem>>)
      %dma_start3A_612 = arith.constant 0 : i32
      %dma_start3A_613 = arith.constant 7 : i32
      %dma_start3A_614 = arith.constant 0 : i32
      %dma_start3A_615 = arith.constant 896 : i32
      %dma_start3A_616 = arith.constant 0 : i32
      %dma_start3A_617 = tpu.memref_slice %arg6[%dma_start3A_614, %dma_start3A_615, %dma_start3A_616] : memref<3x1024x32xf32, #tpu.memory_space<vmem>> -> memref<1x128x32xf32, #tpu.memory_space<vmem>>
      %dma_start3A_618 = tpu.memref_squeeze %dma_start3A_617 : memref<1x128x32xf32, #tpu.memory_space<vmem>> -> memref<128x32xf32, #tpu.memory_space<vmem>>
      %dma_start3A_619 = arith.constant 0 : i32
      %dma_start3A_620 = tpu.memref_slice %arg5[%dma_start3A_612, %dma_start3A_613, %dma_start3A_619] : memref<3x8x128xi32, #tpu.memory_space<vmem>> -> memref<1x1x128xi32, #tpu.memory_space<vmem>>
      %dma_start3A_621 = tpu.memref_squeeze %dma_start3A_620 : memref<1x1x128xi32, #tpu.memory_space<vmem>> -> memref<128xi32, #tpu.memory_space<vmem>>
      %dma_start3A_622 = arith.constant 0 : i32
      %dma_start3A_623 = arith.constant 0 : i32
      %dma_start3A_624 = tpu.memref_slice %arg2[%dma_start3A_622, %dma_start3A_623] : memref<1000000x32xf32, #tpu.memory_space<hbm>> -> memref<1000000x32xf32, #tpu.memory_space<hbm>>
      tpu.enqueue_indirect_dma source(%dma_start3A_624 : memref<1000000x32xf32, #tpu.memory_space<hbm>>) target(%dma_start3A_618 : memref<128x32xf32, #tpu.memory_space<vmem>>) offsets(%dma_start3A_621 : memref<128xi32, #tpu.memory_space<vmem>>) semaphore(%arg7 : memref<!tpu.dma_semaphore, #tpu.memory_space<semaphore_mem>>)
      %mul3A_625 = arith.constant 1024 : i32
      %mul3A_626 = arith.muli %add3A_509, %mul3A_625 : i32
      %add3A_627 = arith.addi %mul3A_2, %mul3A_626 : i32
      %dma_wait3A_628 = arith.constant 2 : i32
      %dma_wait3A_629 = arith.constant 0 : i32
      %dma_wait3A_630 = arith.constant 0 : i32
      %dma_wait3A_631 = tpu.memref_slice %arg6[%dma_wait3A_628, %dma_wait3A_629, %dma_wait3A_630] : memref<3x1024x32xf32, #tpu.memory_space<vmem>> -> memref<1x1024x32xf32, #tpu.memory_space<vmem>>
      %dma_wait3A_632 = tpu.memref_squeeze %dma_wait3A_631 : memref<1x1024x32xf32, #tpu.memory_space<vmem>> -> memref<1024x32xf32, #tpu.memory_space<vmem>>
      %dma_wait3A_633 = arith.constant 0 : i32
      %dma_wait3A_634 = tpu.memref_slice %arg4[%add3A_627, %dma_wait3A_633] : memref<819200x32xf32, #tpu.memory_space<hbm>> -> memref<1024x32xf32, #tpu.memory_space<hbm>>
      %dma_wait3A_635 = arith.constant 0 : i32
      %dma_wait3A_636 = arith.constant 0 : i32
      %dma_wait3A_637 = tpu.memref_slice %arg6[%dma_wait3A_628, %dma_wait3A_635, %dma_wait3A_636] : memref<3x1024x32xf32, #tpu.memory_space<vmem>> -> memref<1x1024x32xf32, #tpu.memory_space<vmem>>
      %dma_wait3A_638 = tpu.memref_squeeze %dma_wait3A_637 : memref<1x1024x32xf32, #tpu.memory_space<vmem>> -> memref<1024x32xf32, #tpu.memory_space<vmem>>
      %dma_wait3A_639 = arith.constant 0 : i32
      %dma_wait3A_640 = tpu.memref_slice %arg4[%add3A_627, %dma_wait3A_639] : memref<819200x32xf32, #tpu.memory_space<hbm>> -> memref<1024x32xf32, #tpu.memory_space<hbm>>
      tpu.wait_dma2 semaphore(%arg9 : memref<!tpu.dma_semaphore, #tpu.memory_space<semaphore_mem>>) src(%dma_wait3A_640 : memref<1024x32xf32, #tpu.memory_space<hbm>>) dst(%dma_wait3A_638 : memref<1024x32xf32, #tpu.memory_space<vmem>>)
      %scan3A_641 = arith.constant 0 : i32
      %scan3A_642 = arith.constant 0 : i32
      %scan3A_643 = arith.constant 128 : i32
      %scan3A_644 = arith.addi %scan3A_642, %scan3A_643 : i32
      %scan3A_645 = arith.constant 1 : i32
      %scan3A_646 = scf.for %scan3A_665 = %scan3A_642 to %scan3A_644 step %scan3A_645 iter_args(%scan3A_666 = %scan3A_641) -> (i32)  : i32 {
        %mul3A_667 = arith.constant 8 : i32
        %mul3A_668 = arith.muli %scan3A_665, %mul3A_667 : i32
        %add3A_669 = arith.constant 0 : i32
        %add3A_670 = arith.addi %mul3A_668, %add3A_669 : i32
        %get3A = arith.constant 2 : i32
        %get3A_671 = arith.index_cast %get3A : i32 to index
        %get3A_672 = arith.index_cast %add3A_670 : i32 to index
        %get3A_673 = arith.constant 0 : index
        %get3A_674 = tpu.vector_load %arg6[%get3A_671, %get3A_672, %get3A_673] {strides = array<i32>} : memref<3x1024x32xf32, #tpu.memory_space<vmem>>, vector<1x1x16xf32>,
        %get3A_675 = vector.shape_cast %get3A_674 : vector<1x1x16xf32> to vector<16xf32>
        %mul3A_676 = arith.constant -2.000000e+00 : f32
        %mul3A_677 = vector.broadcast %mul3A_676 : f32 to vector<16xf32>
        %mul3A_678 = arith.mulf %get3A_675, %mul3A_677 : vector<16xf32>
        %exp3A = math.exp %mul3A_678 : vector<16xf32>
        %add3A_679 = arith.constant 1.000000e+00 : f32
        %add3A_680 = vector.broadcast %add3A_679 : f32 to vector<16xf32>
        %add3A_681 = arith.addf %add3A_680, %exp3A : vector<16xf32>
        %div3A = arith.constant 2.000000e+00 : f32
        %div3A_682 = vector.broadcast %div3A : f32 to vector<16xf32>
        %div3A_683 = arith.divf %div3A_682, %add3A_681 : vector<16xf32>
        %sub3A = arith.constant 1.000000e+00 : f32
        %sub3A_684 = vector.broadcast %sub3A : f32 to vector<16xf32>
        %sub3A_685 = arith.subf %div3A_683, %sub3A_684 : vector<16xf32>
        %add3A_686 = arith.constant 0 : i32
        %add3A_687 = arith.addi %mul3A_668, %add3A_686 : i32
        %swap3A = arith.constant 2 : i32
        %swap3A_688 = arith.index_cast %swap3A : i32 to index
        %swap3A_689 = arith.index_cast %add3A_687 : i32 to index
        %swap3A_690 = arith.constant 0 : index
        %swap3A_691 = tpu.vector_load %arg6[%swap3A_688, %swap3A_689, %swap3A_690] {strides = array<i32>} : memref<3x1024x32xf32, #tpu.memory_space<vmem>>, vector<1x1x16xf32>,
        %swap3A_692 = vector.shape_cast %swap3A_691 : vector<1x1x16xf32> to vector<16xf32>
        %swap3A_693 = vector.shape_cast %sub3A_685 : vector<16xf32> to vector<1x1x16xf32>
        tpu.vector_store %arg6[%swap3A_688, %swap3A_689, %swap3A_690], %swap3A_693 {strides = array<i32>} : memref<3x1024x32xf32, #tpu.memory_space<vmem>>, vector<1x1x16xf32>,
        %add3A_694 = arith.constant 0 : i32
        %add3A_695 = arith.addi %mul3A_668, %add3A_694 : i32
        %get3A_696 = arith.constant 2 : i32
        %get3A_697 = arith.index_cast %get3A_696 : i32 to index
        %get3A_698 = arith.index_cast %add3A_695 : i32 to index
        %get3A_699 = arith.constant 16 : index
        %get3A_700 = tpu.vector_load %arg6[%get3A_697, %get3A_698, %get3A_699] {strides = array<i32>} : memref<3x1024x32xf32, #tpu.memory_space<vmem>>, vector<1x1x16xf32>,
        %get3A_701 = vector.shape_cast %get3A_700 : vector<1x1x16xf32> to vector<16xf32>
        %mul3A_702 = arith.constant -2.000000e+00 : f32
        %mul3A_703 = vector.broadcast %mul3A_702 : f32 to vector<16xf32>
        %mul3A_704 = arith.mulf %get3A_701, %mul3A_703 : vector<16xf32>
        %exp3A_705 = math.exp %mul3A_704 : vector<16xf32>
        %add3A_706 = arith.constant 1.000000e+00 : f32
        %add3A_707 = vector.broadcast %add3A_706 : f32 to vector<16xf32>
        %add3A_708 = arith.addf %add3A_707, %exp3A_705 : vector<16xf32>
        %div3A_709 = arith.constant 2.000000e+00 : f32
        %div3A_710 = vector.broadcast %div3A_709 : f32 to vector<16xf32>
        %div3A_711 = arith.divf %div3A_710, %add3A_708 : vector<16xf32>
        %sub3A_712 = arith.constant 1.000000e+00 : f32
        %sub3A_713 = vector.broadcast %sub3A_712 : f32 to vector<16xf32>
        %sub3A_714 = arith.subf %div3A_711, %sub3A_713 : vector<16xf32>
        %add3A_715 = arith.constant 0 : i32
        %add3A_716 = arith.addi %mul3A_668, %add3A_715 : i32
        %swap3A_717 = arith.constant 2 : i32
        %swap3A_718 = arith.index_cast %swap3A_717 : i32 to index
        %swap3A_719 = arith.index_cast %add3A_716 : i32 to index
        %swap3A_720 = arith.constant 16 : index
        %swap3A_721 = tpu.vector_load %arg6[%swap3A_718, %swap3A_719, %swap3A_720] {strides = array<i32>} : memref<3x1024x32xf32, #tpu.memory_space<vmem>>, vector<1x1x16xf32>,
        %swap3A_722 = vector.shape_cast %swap3A_721 : vector<1x1x16xf32> to vector<16xf32>
        %swap3A_723 = vector.shape_cast %sub3A_714 : vector<16xf32> to vector<1x1x16xf32>
        tpu.vector_store %arg6[%swap3A_718, %swap3A_719, %swap3A_720], %swap3A_723 {strides = array<i32>} : memref<3x1024x32xf32, #tpu.memory_space<vmem>>, vector<1x1x16xf32>,
        %add3A_724 = arith.constant 1 : i32
        %add3A_725 = arith.addi %mul3A_668, %add3A_724 : i32
        %get3A_726 = arith.constant 2 : i32
        %get3A_727 = arith.index_cast %get3A_726 : i32 to index
        %get3A_728 = arith.index_cast %add3A_725 : i32 to index
        %get3A_729 = arith.constant 0 : index
        %get3A_730 = tpu.vector_load %arg6[%get3A_727, %get3A_728, %get3A_729] {strides = array<i32>} : memref<3x1024x32xf32, #tpu.memory_space<vmem>>, vector<1x1x16xf32>,
        %get3A_731 = vector.shape_cast %get3A_730 : vector<1x1x16xf32> to vector<16xf32>
        %mul3A_732 = arith.constant -2.000000e+00 : f32
        %mul3A_733 = vector.broadcast %mul3A_732 : f32 to vector<16xf32>
        %mul3A_734 = arith.mulf %get3A_731, %mul3A_733 : vector<16xf32>
        %exp3A_735 = math.exp %mul3A_734 : vector<16xf32>
        %add3A_736 = arith.constant 1.000000e+00 : f32
        %add3A_737 = vector.broadcast %add3A_736 : f32 to vector<16xf32>
        %add3A_738 = arith.addf %add3A_737, %exp3A_735 : vector<16xf32>
        %div3A_739 = arith.constant 2.000000e+00 : f32
        %div3A_740 = vector.broadcast %div3A_739 : f32 to vector<16xf32>
        %div3A_741 = arith.divf %div3A_740, %add3A_738 : vector<16xf32>
        %sub3A_742 = arith.constant 1.000000e+00 : f32
        %sub3A_743 = vector.broadcast %sub3A_742 : f32 to vector<16xf32>
        %sub3A_744 = arith.subf %div3A_741, %sub3A_743 : vector<16xf32>
        %add3A_745 = arith.constant 1 : i32
        %add3A_746 = arith.addi %mul3A_668, %add3A_745 : i32
        %swap3A_747 = arith.constant 2 : i32
        %swap3A_748 = arith.index_cast %swap3A_747 : i32 to index
        %swap3A_749 = arith.index_cast %add3A_746 : i32 to index
        %swap3A_750 = arith.constant 0 : index
        %swap3A_751 = tpu.vector_load %arg6[%swap3A_748, %swap3A_749, %swap3A_750] {strides = array<i32>} : memref<3x1024x32xf32, #tpu.memory_space<vmem>>, vector<1x1x16xf32>,
        %swap3A_752 = vector.shape_cast %swap3A_751 : vector<1x1x16xf32> to vector<16xf32>
        %swap3A_753 = vector.shape_cast %sub3A_744 : vector<16xf32> to vector<1x1x16xf32>
        tpu.vector_store %arg6[%swap3A_748, %swap3A_749, %swap3A_750], %swap3A_753 {strides = array<i32>} : memref<3x1024x32xf32, #tpu.memory_space<vmem>>, vector<1x1x16xf32>,
        %add3A_754 = arith.constant 1 : i32
        %add3A_755 = arith.addi %mul3A_668, %add3A_754 : i32
        %get3A_756 = arith.constant 2 : i32
        %get3A_757 = arith.index_cast %get3A_756 : i32 to index
        %get3A_758 = arith.index_cast %add3A_755 : i32 to index
        %get3A_759 = arith.constant 16 : index
        %get3A_760 = tpu.vector_load %arg6[%get3A_757, %get3A_758, %get3A_759] {strides = array<i32>} : memref<3x1024x32xf32, #tpu.memory_space<vmem>>, vector<1x1x16xf32>,
        %get3A_761 = vector.shape_cast %get3A_760 : vector<1x1x16xf32> to vector<16xf32>
        %mul3A_762 = arith.constant -2.000000e+00 : f32
        %mul3A_763 = vector.broadcast %mul3A_762 : f32 to vector<16xf32>
        %mul3A_764 = arith.mulf %get3A_761, %mul3A_763 : vector<16xf32>
        %exp3A_765 = math.exp %mul3A_764 : vector<16xf32>
        %add3A_766 = arith.constant 1.000000e+00 : f32
        %add3A_767 = vector.broadcast %add3A_766 : f32 to vector<16xf32>
        %add3A_768 = arith.addf %add3A_767, %exp3A_765 : vector<16xf32>
        %div3A_769 = arith.constant 2.000000e+00 : f32
        %div3A_770 = vector.broadcast %div3A_769 : f32 to vector<16xf32>
        %div3A_771 = arith.divf %div3A_770, %add3A_768 : vector<16xf32>
        %sub3A_772 = arith.constant 1.000000e+00 : f32
        %sub3A_773 = vector.broadcast %sub3A_772 : f32 to vector<16xf32>
        %sub3A_774 = arith.subf %div3A_771, %sub3A_773 : vector<16xf32>
        %add3A_775 = arith.constant 1 : i32
        %add3A_776 = arith.addi %mul3A_668, %add3A_775 : i32
        %swap3A_777 = arith.constant 2 : i32
        %swap3A_778 = arith.index_cast %swap3A_777 : i32 to index
        %swap3A_779 = arith.index_cast %add3A_776 : i32 to index
        %swap3A_780 = arith.constant 16 : index
        %swap3A_781 = tpu.vector_load %arg6[%swap3A_778, %swap3A_779, %swap3A_780] {strides = array<i32>} : memref<3x1024x32xf32, #tpu.memory_space<vmem>>, vector<1x1x16xf32>,
        %swap3A_782 = vector.shape_cast %swap3A_781 : vector<1x1x16xf32> to vector<16xf32>
        %swap3A_783 = vector.shape_cast %sub3A_774 : vector<16xf32> to vector<1x1x16xf32>
        tpu.vector_store %arg6[%swap3A_778, %swap3A_779, %swap3A_780], %swap3A_783 {strides = array<i32>} : memref<3x1024x32xf32, #tpu.memory_space<vmem>>, vector<1x1x16xf32>,
        %add3A_784 = arith.constant 2 : i32
        %add3A_785 = arith.addi %mul3A_668, %add3A_784 : i32
        %get3A_786 = arith.constant 2 : i32
        %get3A_787 = arith.index_cast %get3A_786 : i32 to index
        %get3A_788 = arith.index_cast %add3A_785 : i32 to index
        %get3A_789 = arith.constant 0 : index
        %get3A_790 = tpu.vector_load %arg6[%get3A_787, %get3A_788, %get3A_789] {strides = array<i32>} : memref<3x1024x32xf32, #tpu.memory_space<vmem>>, vector<1x1x16xf32>,
        %get3A_791 = vector.shape_cast %get3A_790 : vector<1x1x16xf32> to vector<16xf32>
        %mul3A_792 = arith.constant -2.000000e+00 : f32
        %mul3A_793 = vector.broadcast %mul3A_792 : f32 to vector<16xf32>
        %mul3A_794 = arith.mulf %get3A_791, %mul3A_793 : vector<16xf32>
        %exp3A_795 = math.exp %mul3A_794 : vector<16xf32>
        %add3A_796 = arith.constant 1.000000e+00 : f32
        %add3A_797 = vector.broadcast %add3A_796 : f32 to vector<16xf32>
        %add3A_798 = arith.addf %add3A_797, %exp3A_795 : vector<16xf32>
        %div3A_799 = arith.constant 2.000000e+00 : f32
        %div3A_800 = vector.broadcast %div3A_799 : f32 to vector<16xf32>
        %div3A_801 = arith.divf %div3A_800, %add3A_798 : vector<16xf32>
        %sub3A_802 = arith.constant 1.000000e+00 : f32
        %sub3A_803 = vector.broadcast %sub3A_802 : f32 to vector<16xf32>
        %sub3A_804 = arith.subf %div3A_801, %sub3A_803 : vector<16xf32>
        %add3A_805 = arith.constant 2 : i32
        %add3A_806 = arith.addi %mul3A_668, %add3A_805 : i32
        %swap3A_807 = arith.constant 2 : i32
        %swap3A_808 = arith.index_cast %swap3A_807 : i32 to index
        %swap3A_809 = arith.index_cast %add3A_806 : i32 to index
        %swap3A_810 = arith.constant 0 : index
        %swap3A_811 = tpu.vector_load %arg6[%swap3A_808, %swap3A_809, %swap3A_810] {strides = array<i32>} : memref<3x1024x32xf32, #tpu.memory_space<vmem>>, vector<1x1x16xf32>,
        %swap3A_812 = vector.shape_cast %swap3A_811 : vector<1x1x16xf32> to vector<16xf32>
        %swap3A_813 = vector.shape_cast %sub3A_804 : vector<16xf32> to vector<1x1x16xf32>
        tpu.vector_store %arg6[%swap3A_808, %swap3A_809, %swap3A_810], %swap3A_813 {strides = array<i32>} : memref<3x1024x32xf32, #tpu.memory_space<vmem>>, vector<1x1x16xf32>,
        %add3A_814 = arith.constant 2 : i32
        %add3A_815 = arith.addi %mul3A_668, %add3A_814 : i32
        %get3A_816 = arith.constant 2 : i32
        %get3A_817 = arith.index_cast %get3A_816 : i32 to index
        %get3A_818 = arith.index_cast %add3A_815 : i32 to index
        %get3A_819 = arith.constant 16 : index
        %get3A_820 = tpu.vector_load %arg6[%get3A_817, %get3A_818, %get3A_819] {strides = array<i32>} : memref<3x1024x32xf32, #tpu.memory_space<vmem>>, vector<1x1x16xf32>,
        %get3A_821 = vector.shape_cast %get3A_820 : vector<1x1x16xf32> to vector<16xf32>
        %mul3A_822 = arith.constant -2.000000e+00 : f32
        %mul3A_823 = vector.broadcast %mul3A_822 : f32 to vector<16xf32>
        %mul3A_824 = arith.mulf %get3A_821, %mul3A_823 : vector<16xf32>
        %exp3A_825 = math.exp %mul3A_824 : vector<16xf32>
        %add3A_826 = arith.constant 1.000000e+00 : f32
        %add3A_827 = vector.broadcast %add3A_826 : f32 to vector<16xf32>
        %add3A_828 = arith.addf %add3A_827, %exp3A_825 : vector<16xf32>
        %div3A_829 = arith.constant 2.000000e+00 : f32
        %div3A_830 = vector.broadcast %div3A_829 : f32 to vector<16xf32>
        %div3A_831 = arith.divf %div3A_830, %add3A_828 : vector<16xf32>
        %sub3A_832 = arith.constant 1.000000e+00 : f32
        %sub3A_833 = vector.broadcast %sub3A_832 : f32 to vector<16xf32>
        %sub3A_834 = arith.subf %div3A_831, %sub3A_833 : vector<16xf32>
        %add3A_835 = arith.constant 2 : i32
        %add3A_836 = arith.addi %mul3A_668, %add3A_835 : i32
        %swap3A_837 = arith.constant 2 : i32
        %swap3A_838 = arith.index_cast %swap3A_837 : i32 to index
        %swap3A_839 = arith.index_cast %add3A_836 : i32 to index
        %swap3A_840 = arith.constant 16 : index
        %swap3A_841 = tpu.vector_load %arg6[%swap3A_838, %swap3A_839, %swap3A_840] {strides = array<i32>} : memref<3x1024x32xf32, #tpu.memory_space<vmem>>, vector<1x1x16xf32>,
        %swap3A_842 = vector.shape_cast %swap3A_841 : vector<1x1x16xf32> to vector<16xf32>
        %swap3A_843 = vector.shape_cast %sub3A_834 : vector<16xf32> to vector<1x1x16xf32>
        tpu.vector_store %arg6[%swap3A_838, %swap3A_839, %swap3A_840], %swap3A_843 {strides = array<i32>} : memref<3x1024x32xf32, #tpu.memory_space<vmem>>, vector<1x1x16xf32>,
        %add3A_844 = arith.constant 3 : i32
        %add3A_845 = arith.addi %mul3A_668, %add3A_844 : i32
        %get3A_846 = arith.constant 2 : i32
        %get3A_847 = arith.index_cast %get3A_846 : i32 to index
        %get3A_848 = arith.index_cast %add3A_845 : i32 to index
        %get3A_849 = arith.constant 0 : index
        %get3A_850 = tpu.vector_load %arg6[%get3A_847, %get3A_848, %get3A_849] {strides = array<i32>} : memref<3x1024x32xf32, #tpu.memory_space<vmem>>, vector<1x1x16xf32>,
        %get3A_851 = vector.shape_cast %get3A_850 : vector<1x1x16xf32> to vector<16xf32>
        %mul3A_852 = arith.constant -2.000000e+00 : f32
        %mul3A_853 = vector.broadcast %mul3A_852 : f32 to vector<16xf32>
        %mul3A_854 = arith.mulf %get3A_851, %mul3A_853 : vector<16xf32>
        %exp3A_855 = math.exp %mul3A_854 : vector<16xf32>
        %add3A_856 = arith.constant 1.000000e+00 : f32
        %add3A_857 = vector.broadcast %add3A_856 : f32 to vector<16xf32>
        %add3A_858 = arith.addf %add3A_857, %exp3A_855 : vector<16xf32>
        %div3A_859 = arith.constant 2.000000e+00 : f32
        %div3A_860 = vector.broadcast %div3A_859 : f32 to vector<16xf32>
        %div3A_861 = arith.divf %div3A_860, %add3A_858 : vector<16xf32>
        %sub3A_862 = arith.constant 1.000000e+00 : f32
        %sub3A_863 = vector.broadcast %sub3A_862 : f32 to vector<16xf32>
        %sub3A_864 = arith.subf %div3A_861, %sub3A_863 : vector<16xf32>
        %add3A_865 = arith.constant 3 : i32
        %add3A_866 = arith.addi %mul3A_668, %add3A_865 : i32
        %swap3A_867 = arith.constant 2 : i32
        %swap3A_868 = arith.index_cast %swap3A_867 : i32 to index
        %swap3A_869 = arith.index_cast %add3A_866 : i32 to index
        %swap3A_870 = arith.constant 0 : index
        %swap3A_871 = tpu.vector_load %arg6[%swap3A_868, %swap3A_869, %swap3A_870] {strides = array<i32>} : memref<3x1024x32xf32, #tpu.memory_space<vmem>>, vector<1x1x16xf32>,
        %swap3A_872 = vector.shape_cast %swap3A_871 : vector<1x1x16xf32> to vector<16xf32>
        %swap3A_873 = vector.shape_cast %sub3A_864 : vector<16xf32> to vector<1x1x16xf32>
        tpu.vector_store %arg6[%swap3A_868, %swap3A_869, %swap3A_870], %swap3A_873 {strides = array<i32>} : memref<3x1024x32xf32, #tpu.memory_space<vmem>>, vector<1x1x16xf32>,
        %add3A_874 = arith.constant 3 : i32
        %add3A_875 = arith.addi %mul3A_668, %add3A_874 : i32
        %get3A_876 = arith.constant 2 : i32
        %get3A_877 = arith.index_cast %get3A_876 : i32 to index
        %get3A_878 = arith.index_cast %add3A_875 : i32 to index
        %get3A_879 = arith.constant 16 : index
        %get3A_880 = tpu.vector_load %arg6[%get3A_877, %get3A_878, %get3A_879] {strides = array<i32>} : memref<3x1024x32xf32, #tpu.memory_space<vmem>>, vector<1x1x16xf32>,
        %get3A_881 = vector.shape_cast %get3A_880 : vector<1x1x16xf32> to vector<16xf32>
        %mul3A_882 = arith.constant -2.000000e+00 : f32
        %mul3A_883 = vector.broadcast %mul3A_882 : f32 to vector<16xf32>
        %mul3A_884 = arith.mulf %get3A_881, %mul3A_883 : vector<16xf32>
        %exp3A_885 = math.exp %mul3A_884 : vector<16xf32>
        %add3A_886 = arith.constant 1.000000e+00 : f32
        %add3A_887 = vector.broadcast %add3A_886 : f32 to vector<16xf32>
        %add3A_888 = arith.addf %add3A_887, %exp3A_885 : vector<16xf32>
        %div3A_889 = arith.constant 2.000000e+00 : f32
        %div3A_890 = vector.broadcast %div3A_889 : f32 to vector<16xf32>
        %div3A_891 = arith.divf %div3A_890, %add3A_888 : vector<16xf32>
        %sub3A_892 = arith.constant 1.000000e+00 : f32
        %sub3A_893 = vector.broadcast %sub3A_892 : f32 to vector<16xf32>
        %sub3A_894 = arith.subf %div3A_891, %sub3A_893 : vector<16xf32>
        %add3A_895 = arith.constant 3 : i32
        %add3A_896 = arith.addi %mul3A_668, %add3A_895 : i32
        %swap3A_897 = arith.constant 2 : i32
        %swap3A_898 = arith.index_cast %swap3A_897 : i32 to index
        %swap3A_899 = arith.index_cast %add3A_896 : i32 to index
        %swap3A_900 = arith.constant 16 : index
        %swap3A_901 = tpu.vector_load %arg6[%swap3A_898, %swap3A_899, %swap3A_900] {strides = array<i32>} : memref<3x1024x32xf32, #tpu.memory_space<vmem>>, vector<1x1x16xf32>,
        %swap3A_902 = vector.shape_cast %swap3A_901 : vector<1x1x16xf32> to vector<16xf32>
        %swap3A_903 = vector.shape_cast %sub3A_894 : vector<16xf32> to vector<1x1x16xf32>
        tpu.vector_store %arg6[%swap3A_898, %swap3A_899, %swap3A_900], %swap3A_903 {strides = array<i32>} : memref<3x1024x32xf32, #tpu.memory_space<vmem>>, vector<1x1x16xf32>,
        %add3A_904 = arith.constant 4 : i32
        %add3A_905 = arith.addi %mul3A_668, %add3A_904 : i32
        %get3A_906 = arith.constant 2 : i32
        %get3A_907 = arith.index_cast %get3A_906 : i32 to index
        %get3A_908 = arith.index_cast %add3A_905 : i32 to index
        %get3A_909 = arith.constant 0 : index
        %get3A_910 = tpu.vector_load %arg6[%get3A_907, %get3A_908, %get3A_909] {strides = array<i32>} : memref<3x1024x32xf32, #tpu.memory_space<vmem>>, vector<1x1x16xf32>,
        %get3A_911 = vector.shape_cast %get3A_910 : vector<1x1x16xf32> to vector<16xf32>
        %mul3A_912 = arith.constant -2.000000e+00 : f32
        %mul3A_913 = vector.broadcast %mul3A_912 : f32 to vector<16xf32>
        %mul3A_914 = arith.mulf %get3A_911, %mul3A_913 : vector<16xf32>
        %exp3A_915 = math.exp %mul3A_914 : vector<16xf32>
        %add3A_916 = arith.constant 1.000000e+00 : f32
        %add3A_917 = vector.broadcast %add3A_916 : f32 to vector<16xf32>
        %add3A_918 = arith.addf %add3A_917, %exp3A_915 : vector<16xf32>
        %div3A_919 = arith.constant 2.000000e+00 : f32
        %div3A_920 = vector.broadcast %div3A_919 : f32 to vector<16xf32>
        %div3A_921 = arith.divf %div3A_920, %add3A_918 : vector<16xf32>
        %sub3A_922 = arith.constant 1.000000e+00 : f32
        %sub3A_923 = vector.broadcast %sub3A_922 : f32 to vector<16xf32>
        %sub3A_924 = arith.subf %div3A_921, %sub3A_923 : vector<16xf32>
        %add3A_925 = arith.constant 4 : i32
        %add3A_926 = arith.addi %mul3A_668, %add3A_925 : i32
        %swap3A_927 = arith.constant 2 : i32
        %swap3A_928 = arith.index_cast %swap3A_927 : i32 to index
        %swap3A_929 = arith.index_cast %add3A_926 : i32 to index
        %swap3A_930 = arith.constant 0 : index
        %swap3A_931 = tpu.vector_load %arg6[%swap3A_928, %swap3A_929, %swap3A_930] {strides = array<i32>} : memref<3x1024x32xf32, #tpu.memory_space<vmem>>, vector<1x1x16xf32>,
        %swap3A_932 = vector.shape_cast %swap3A_931 : vector<1x1x16xf32> to vector<16xf32>
        %swap3A_933 = vector.shape_cast %sub3A_924 : vector<16xf32> to vector<1x1x16xf32>
        tpu.vector_store %arg6[%swap3A_928, %swap3A_929, %swap3A_930], %swap3A_933 {strides = array<i32>} : memref<3x1024x32xf32, #tpu.memory_space<vmem>>, vector<1x1x16xf32>,
        %add3A_934 = arith.constant 4 : i32
        %add3A_935 = arith.addi %mul3A_668, %add3A_934 : i32
        %get3A_936 = arith.constant 2 : i32
        %get3A_937 = arith.index_cast %get3A_936 : i32 to index
        %get3A_938 = arith.index_cast %add3A_935 : i32 to index
        %get3A_939 = arith.constant 16 : index
        %get3A_940 = tpu.vector_load %arg6[%get3A_937, %get3A_938, %get3A_939] {strides = array<i32>} : memref<3x1024x32xf32, #tpu.memory_space<vmem>>, vector<1x1x16xf32>,
        %get3A_941 = vector.shape_cast %get3A_940 : vector<1x1x16xf32> to vector<16xf32>
        %mul3A_942 = arith.constant -2.000000e+00 : f32
        %mul3A_943 = vector.broadcast %mul3A_942 : f32 to vector<16xf32>
        %mul3A_944 = arith.mulf %get3A_941, %mul3A_943 : vector<16xf32>
        %exp3A_945 = math.exp %mul3A_944 : vector<16xf32>
        %add3A_946 = arith.constant 1.000000e+00 : f32
        %add3A_947 = vector.broadcast %add3A_946 : f32 to vector<16xf32>
        %add3A_948 = arith.addf %add3A_947, %exp3A_945 : vector<16xf32>
        %div3A_949 = arith.constant 2.000000e+00 : f32
        %div3A_950 = vector.broadcast %div3A_949 : f32 to vector<16xf32>
        %div3A_951 = arith.divf %div3A_950, %add3A_948 : vector<16xf32>
        %sub3A_952 = arith.constant 1.000000e+00 : f32
        %sub3A_953 = vector.broadcast %sub3A_952 : f32 to vector<16xf32>
        %sub3A_954 = arith.subf %div3A_951, %sub3A_953 : vector<16xf32>
        %add3A_955 = arith.constant 4 : i32
        %add3A_956 = arith.addi %mul3A_668, %add3A_955 : i32
        %swap3A_957 = arith.constant 2 : i32
        %swap3A_958 = arith.index_cast %swap3A_957 : i32 to index
        %swap3A_959 = arith.index_cast %add3A_956 : i32 to index
        %swap3A_960 = arith.constant 16 : index
        %swap3A_961 = tpu.vector_load %arg6[%swap3A_958, %swap3A_959, %swap3A_960] {strides = array<i32>} : memref<3x1024x32xf32, #tpu.memory_space<vmem>>, vector<1x1x16xf32>,
        %swap3A_962 = vector.shape_cast %swap3A_961 : vector<1x1x16xf32> to vector<16xf32>
        %swap3A_963 = vector.shape_cast %sub3A_954 : vector<16xf32> to vector<1x1x16xf32>
        tpu.vector_store %arg6[%swap3A_958, %swap3A_959, %swap3A_960], %swap3A_963 {strides = array<i32>} : memref<3x1024x32xf32, #tpu.memory_space<vmem>>, vector<1x1x16xf32>,
        %add3A_964 = arith.constant 5 : i32
        %add3A_965 = arith.addi %mul3A_668, %add3A_964 : i32
        %get3A_966 = arith.constant 2 : i32
        %get3A_967 = arith.index_cast %get3A_966 : i32 to index
        %get3A_968 = arith.index_cast %add3A_965 : i32 to index
        %get3A_969 = arith.constant 0 : index
        %get3A_970 = tpu.vector_load %arg6[%get3A_967, %get3A_968, %get3A_969] {strides = array<i32>} : memref<3x1024x32xf32, #tpu.memory_space<vmem>>, vector<1x1x16xf32>,
        %get3A_971 = vector.shape_cast %get3A_970 : vector<1x1x16xf32> to vector<16xf32>
        %mul3A_972 = arith.constant -2.000000e+00 : f32
        %mul3A_973 = vector.broadcast %mul3A_972 : f32 to vector<16xf32>
        %mul3A_974 = arith.mulf %get3A_971, %mul3A_973 : vector<16xf32>
        %exp3A_975 = math.exp %mul3A_974 : vector<16xf32>
        %add3A_976 = arith.constant 1.000000e+00 : f32
        %add3A_977 = vector.broadcast %add3A_976 : f32 to vector<16xf32>
        %add3A_978 = arith.addf %add3A_977, %exp3A_975 : vector<16xf32>
        %div3A_979 = arith.constant 2.000000e+00 : f32
        %div3A_980 = vector.broadcast %div3A_979 : f32 to vector<16xf32>
        %div3A_981 = arith.divf %div3A_980, %add3A_978 : vector<16xf32>
        %sub3A_982 = arith.constant 1.000000e+00 : f32
        %sub3A_983 = vector.broadcast %sub3A_982 : f32 to vector<16xf32>
        %sub3A_984 = arith.subf %div3A_981, %sub3A_983 : vector<16xf32>
        %add3A_985 = arith.constant 5 : i32
        %add3A_986 = arith.addi %mul3A_668, %add3A_985 : i32
        %swap3A_987 = arith.constant 2 : i32
        %swap3A_988 = arith.index_cast %swap3A_987 : i32 to index
        %swap3A_989 = arith.index_cast %add3A_986 : i32 to index
        %swap3A_990 = arith.constant 0 : index
        %swap3A_991 = tpu.vector_load %arg6[%swap3A_988, %swap3A_989, %swap3A_990] {strides = array<i32>} : memref<3x1024x32xf32, #tpu.memory_space<vmem>>, vector<1x1x16xf32>,
        %swap3A_992 = vector.shape_cast %swap3A_991 : vector<1x1x16xf32> to vector<16xf32>
        %swap3A_993 = vector.shape_cast %sub3A_984 : vector<16xf32> to vector<1x1x16xf32>
        tpu.vector_store %arg6[%swap3A_988, %swap3A_989, %swap3A_990], %swap3A_993 {strides = array<i32>} : memref<3x1024x32xf32, #tpu.memory_space<vmem>>, vector<1x1x16xf32>,
        %add3A_994 = arith.constant 5 : i32
        %add3A_995 = arith.addi %mul3A_668, %add3A_994 : i32
        %get3A_996 = arith.constant 2 : i32
        %get3A_997 = arith.index_cast %get3A_996 : i32 to index
        %get3A_998 = arith.index_cast %add3A_995 : i32 to index
        %get3A_999 = arith.constant 16 : index
        %get3A_1000 = tpu.vector_load %arg6[%get3A_997, %get3A_998, %get3A_999] {strides = array<i32>} : memref<3x1024x32xf32, #tpu.memory_space<vmem>>, vector<1x1x16xf32>,
        %get3A_1001 = vector.shape_cast %get3A_1000 : vector<1x1x16xf32> to vector<16xf32>
        %mul3A_1002 = arith.constant -2.000000e+00 : f32
        %mul3A_1003 = vector.broadcast %mul3A_1002 : f32 to vector<16xf32>
        %mul3A_1004 = arith.mulf %get3A_1001, %mul3A_1003 : vector<16xf32>
        %exp3A_1005 = math.exp %mul3A_1004 : vector<16xf32>
        %add3A_1006 = arith.constant 1.000000e+00 : f32
        %add3A_1007 = vector.broadcast %add3A_1006 : f32 to vector<16xf32>
        %add3A_1008 = arith.addf %add3A_1007, %exp3A_1005 : vector<16xf32>
        %div3A_1009 = arith.constant 2.000000e+00 : f32
        %div3A_1010 = vector.broadcast %div3A_1009 : f32 to vector<16xf32>
        %div3A_1011 = arith.divf %div3A_1010, %add3A_1008 : vector<16xf32>
        %sub3A_1012 = arith.constant 1.000000e+00 : f32
        %sub3A_1013 = vector.broadcast %sub3A_1012 : f32 to vector<16xf32>
        %sub3A_1014 = arith.subf %div3A_1011, %sub3A_1013 : vector<16xf32>
        %add3A_1015 = arith.constant 5 : i32
        %add3A_1016 = arith.addi %mul3A_668, %add3A_1015 : i32
        %swap3A_1017 = arith.constant 2 : i32
        %swap3A_1018 = arith.index_cast %swap3A_1017 : i32 to index
        %swap3A_1019 = arith.index_cast %add3A_1016 : i32 to index
        %swap3A_1020 = arith.constant 16 : index
        %swap3A_1021 = tpu.vector_load %arg6[%swap3A_1018, %swap3A_1019, %swap3A_1020] {strides = array<i32>} : memref<3x1024x32xf32, #tpu.memory_space<vmem>>, vector<1x1x16xf32>,
        %swap3A_1022 = vector.shape_cast %swap3A_1021 : vector<1x1x16xf32> to vector<16xf32>
        %swap3A_1023 = vector.shape_cast %sub3A_1014 : vector<16xf32> to vector<1x1x16xf32>
        tpu.vector_store %arg6[%swap3A_1018, %swap3A_1019, %swap3A_1020], %swap3A_1023 {strides = array<i32>} : memref<3x1024x32xf32, #tpu.memory_space<vmem>>, vector<1x1x16xf32>,
        %add3A_1024 = arith.constant 6 : i32
        %add3A_1025 = arith.addi %mul3A_668, %add3A_1024 : i32
        %get3A_1026 = arith.constant 2 : i32
        %get3A_1027 = arith.index_cast %get3A_1026 : i32 to index
        %get3A_1028 = arith.index_cast %add3A_1025 : i32 to index
        %get3A_1029 = arith.constant 0 : index
        %get3A_1030 = tpu.vector_load %arg6[%get3A_1027, %get3A_1028, %get3A_1029] {strides = array<i32>} : memref<3x1024x32xf32, #tpu.memory_space<vmem>>, vector<1x1x16xf32>,
        %get3A_1031 = vector.shape_cast %get3A_1030 : vector<1x1x16xf32> to vector<16xf32>
        %mul3A_1032 = arith.constant -2.000000e+00 : f32
        %mul3A_1033 = vector.broadcast %mul3A_1032 : f32 to vector<16xf32>
        %mul3A_1034 = arith.mulf %get3A_1031, %mul3A_1033 : vector<16xf32>
        %exp3A_1035 = math.exp %mul3A_1034 : vector<16xf32>
        %add3A_1036 = arith.constant 1.000000e+00 : f32
        %add3A_1037 = vector.broadcast %add3A_1036 : f32 to vector<16xf32>
        %add3A_1038 = arith.addf %add3A_1037, %exp3A_1035 : vector<16xf32>
        %div3A_1039 = arith.constant 2.000000e+00 : f32
        %div3A_1040 = vector.broadcast %div3A_1039 : f32 to vector<16xf32>
        %div3A_1041 = arith.divf %div3A_1040, %add3A_1038 : vector<16xf32>
        %sub3A_1042 = arith.constant 1.000000e+00 : f32
        %sub3A_1043 = vector.broadcast %sub3A_1042 : f32 to vector<16xf32>
        %sub3A_1044 = arith.subf %div3A_1041, %sub3A_1043 : vector<16xf32>
        %add3A_1045 = arith.constant 6 : i32
        %add3A_1046 = arith.addi %mul3A_668, %add3A_1045 : i32
        %swap3A_1047 = arith.constant 2 : i32
        %swap3A_1048 = arith.index_cast %swap3A_1047 : i32 to index
        %swap3A_1049 = arith.index_cast %add3A_1046 : i32 to index
        %swap3A_1050 = arith.constant 0 : index
        %swap3A_1051 = tpu.vector_load %arg6[%swap3A_1048, %swap3A_1049, %swap3A_1050] {strides = array<i32>} : memref<3x1024x32xf32, #tpu.memory_space<vmem>>, vector<1x1x16xf32>,
        %swap3A_1052 = vector.shape_cast %swap3A_1051 : vector<1x1x16xf32> to vector<16xf32>
        %swap3A_1053 = vector.shape_cast %sub3A_1044 : vector<16xf32> to vector<1x1x16xf32>
        tpu.vector_store %arg6[%swap3A_1048, %swap3A_1049, %swap3A_1050], %swap3A_1053 {strides = array<i32>} : memref<3x1024x32xf32, #tpu.memory_space<vmem>>, vector<1x1x16xf32>,
        %add3A_1054 = arith.constant 6 : i32
        %add3A_1055 = arith.addi %mul3A_668, %add3A_1054 : i32
        %get3A_1056 = arith.constant 2 : i32
        %get3A_1057 = arith.index_cast %get3A_1056 : i32 to index
        %get3A_1058 = arith.index_cast %add3A_1055 : i32 to index
        %get3A_1059 = arith.constant 16 : index
        %get3A_1060 = tpu.vector_load %arg6[%get3A_1057, %get3A_1058, %get3A_1059] {strides = array<i32>} : memref<3x1024x32xf32, #tpu.memory_space<vmem>>, vector<1x1x16xf32>,
        %get3A_1061 = vector.shape_cast %get3A_1060 : vector<1x1x16xf32> to vector<16xf32>
        %mul3A_1062 = arith.constant -2.000000e+00 : f32
        %mul3A_1063 = vector.broadcast %mul3A_1062 : f32 to vector<16xf32>
        %mul3A_1064 = arith.mulf %get3A_1061, %mul3A_1063 : vector<16xf32>
        %exp3A_1065 = math.exp %mul3A_1064 : vector<16xf32>
        %add3A_1066 = arith.constant 1.000000e+00 : f32
        %add3A_1067 = vector.broadcast %add3A_1066 : f32 to vector<16xf32>
        %add3A_1068 = arith.addf %add3A_1067, %exp3A_1065 : vector<16xf32>
        %div3A_1069 = arith.constant 2.000000e+00 : f32
        %div3A_1070 = vector.broadcast %div3A_1069 : f32 to vector<16xf32>
        %div3A_1071 = arith.divf %div3A_1070, %add3A_1068 : vector<16xf32>
        %sub3A_1072 = arith.constant 1.000000e+00 : f32
        %sub3A_1073 = vector.broadcast %sub3A_1072 : f32 to vector<16xf32>
        %sub3A_1074 = arith.subf %div3A_1071, %sub3A_1073 : vector<16xf32>
        %add3A_1075 = arith.constant 6 : i32
        %add3A_1076 = arith.addi %mul3A_668, %add3A_1075 : i32
        %swap3A_1077 = arith.constant 2 : i32
        %swap3A_1078 = arith.index_cast %swap3A_1077 : i32 to index
        %swap3A_1079 = arith.index_cast %add3A_1076 : i32 to index
        %swap3A_1080 = arith.constant 16 : index
        %swap3A_1081 = tpu.vector_load %arg6[%swap3A_1078, %swap3A_1079, %swap3A_1080] {strides = array<i32>} : memref<3x1024x32xf32, #tpu.memory_space<vmem>>, vector<1x1x16xf32>,
        %swap3A_1082 = vector.shape_cast %swap3A_1081 : vector<1x1x16xf32> to vector<16xf32>
        %swap3A_1083 = vector.shape_cast %sub3A_1074 : vector<16xf32> to vector<1x1x16xf32>
        tpu.vector_store %arg6[%swap3A_1078, %swap3A_1079, %swap3A_1080], %swap3A_1083 {strides = array<i32>} : memref<3x1024x32xf32, #tpu.memory_space<vmem>>, vector<1x1x16xf32>,
        %add3A_1084 = arith.constant 7 : i32
        %add3A_1085 = arith.addi %mul3A_668, %add3A_1084 : i32
        %get3A_1086 = arith.constant 2 : i32
        %get3A_1087 = arith.index_cast %get3A_1086 : i32 to index
        %get3A_1088 = arith.index_cast %add3A_1085 : i32 to index
        %get3A_1089 = arith.constant 0 : index
        %get3A_1090 = tpu.vector_load %arg6[%get3A_1087, %get3A_1088, %get3A_1089] {strides = array<i32>} : memref<3x1024x32xf32, #tpu.memory_space<vmem>>, vector<1x1x16xf32>,
        %get3A_1091 = vector.shape_cast %get3A_1090 : vector<1x1x16xf32> to vector<16xf32>
        %mul3A_1092 = arith.constant -2.000000e+00 : f32
        %mul3A_1093 = vector.broadcast %mul3A_1092 : f32 to vector<16xf32>
        %mul3A_1094 = arith.mulf %get3A_1091, %mul3A_1093 : vector<16xf32>
        %exp3A_1095 = math.exp %mul3A_1094 : vector<16xf32>
        %add3A_1096 = arith.constant 1.000000e+00 : f32
        %add3A_1097 = vector.broadcast %add3A_1096 : f32 to vector<16xf32>
        %add3A_1098 = arith.addf %add3A_1097, %exp3A_1095 : vector<16xf32>
        %div3A_1099 = arith.constant 2.000000e+00 : f32
        %div3A_1100 = vector.broadcast %div3A_1099 : f32 to vector<16xf32>
        %div3A_1101 = arith.divf %div3A_1100, %add3A_1098 : vector<16xf32>
        %sub3A_1102 = arith.constant 1.000000e+00 : f32
        %sub3A_1103 = vector.broadcast %sub3A_1102 : f32 to vector<16xf32>
        %sub3A_1104 = arith.subf %div3A_1101, %sub3A_1103 : vector<16xf32>
        %add3A_1105 = arith.constant 7 : i32
        %add3A_1106 = arith.addi %mul3A_668, %add3A_1105 : i32
        %swap3A_1107 = arith.constant 2 : i32
        %swap3A_1108 = arith.index_cast %swap3A_1107 : i32 to index
        %swap3A_1109 = arith.index_cast %add3A_1106 : i32 to index
        %swap3A_1110 = arith.constant 0 : index
        %swap3A_1111 = tpu.vector_load %arg6[%swap3A_1108, %swap3A_1109, %swap3A_1110] {strides = array<i32>} : memref<3x1024x32xf32, #tpu.memory_space<vmem>>, vector<1x1x16xf32>,
        %swap3A_1112 = vector.shape_cast %swap3A_1111 : vector<1x1x16xf32> to vector<16xf32>
        %swap3A_1113 = vector.shape_cast %sub3A_1104 : vector<16xf32> to vector<1x1x16xf32>
        tpu.vector_store %arg6[%swap3A_1108, %swap3A_1109, %swap3A_1110], %swap3A_1113 {strides = array<i32>} : memref<3x1024x32xf32, #tpu.memory_space<vmem>>, vector<1x1x16xf32>,
        %add3A_1114 = arith.constant 7 : i32
        %add3A_1115 = arith.addi %mul3A_668, %add3A_1114 : i32
        %get3A_1116 = arith.constant 2 : i32
        %get3A_1117 = arith.index_cast %get3A_1116 : i32 to index
        %get3A_1118 = arith.index_cast %add3A_1115 : i32 to index
        %get3A_1119 = arith.constant 16 : index
        %get3A_1120 = tpu.vector_load %arg6[%get3A_1117, %get3A_1118, %get3A_1119] {strides = array<i32>} : memref<3x1024x32xf32, #tpu.memory_space<vmem>>, vector<1x1x16xf32>,
        %get3A_1121 = vector.shape_cast %get3A_1120 : vector<1x1x16xf32> to vector<16xf32>
        %mul3A_1122 = arith.constant -2.000000e+00 : f32
        %mul3A_1123 = vector.broadcast %mul3A_1122 : f32 to vector<16xf32>
        %mul3A_1124 = arith.mulf %get3A_1121, %mul3A_1123 : vector<16xf32>
        %exp3A_1125 = math.exp %mul3A_1124 : vector<16xf32>
        %add3A_1126 = arith.constant 1.000000e+00 : f32
        %add3A_1127 = vector.broadcast %add3A_1126 : f32 to vector<16xf32>
        %add3A_1128 = arith.addf %add3A_1127, %exp3A_1125 : vector<16xf32>
        %div3A_1129 = arith.constant 2.000000e+00 : f32
        %div3A_1130 = vector.broadcast %div3A_1129 : f32 to vector<16xf32>
        %div3A_1131 = arith.divf %div3A_1130, %add3A_1128 : vector<16xf32>
        %sub3A_1132 = arith.constant 1.000000e+00 : f32
        %sub3A_1133 = vector.broadcast %sub3A_1132 : f32 to vector<16xf32>
        %sub3A_1134 = arith.subf %div3A_1131, %sub3A_1133 : vector<16xf32>
        %add3A_1135 = arith.constant 7 : i32
        %add3A_1136 = arith.addi %mul3A_668, %add3A_1135 : i32
        %swap3A_1137 = arith.constant 2 : i32
        %swap3A_1138 = arith.index_cast %swap3A_1137 : i32 to index
        %swap3A_1139 = arith.index_cast %add3A_1136 : i32 to index
        %swap3A_1140 = arith.constant 16 : index
        %swap3A_1141 = tpu.vector_load %arg6[%swap3A_1138, %swap3A_1139, %swap3A_1140] {strides = array<i32>} : memref<3x1024x32xf32, #tpu.memory_space<vmem>>, vector<1x1x16xf32>,
        %swap3A_1142 = vector.shape_cast %swap3A_1141 : vector<1x1x16xf32> to vector<16xf32>
        %swap3A_1143 = vector.shape_cast %sub3A_1134 : vector<16xf32> to vector<1x1x16xf32>
        tpu.vector_store %arg6[%swap3A_1138, %swap3A_1139, %swap3A_1140], %swap3A_1143 {strides = array<i32>} : memref<3x1024x32xf32, #tpu.memory_space<vmem>>, vector<1x1x16xf32>,
        %scan3A_1144 = arith.constant 0 : i32
        scf.yield %scan3A_1144 : i32
      }
      %scan3A_647 = arith.constant 128 : i32
      %mul3A_648 = arith.constant 1024 : i32
      %mul3A_649 = arith.muli %add3A_509, %mul3A_648 : i32
      %add3A_650 = arith.addi %mul3A_2, %mul3A_649 : i32
      %dma_start3A_651 = arith.constant 2 : i32
      %dma_start3A_652 = arith.constant 0 : i32
      %dma_start3A_653 = arith.constant 0 : i32
      %dma_start3A_654 = tpu.memref_slice %arg6[%dma_start3A_651, %dma_start3A_652, %dma_start3A_653] : memref<3x1024x32xf32, #tpu.memory_space<vmem>> -> memref<1x1024x32xf32, #tpu.memory_space<vmem>>
      %dma_start3A_655 = tpu.memref_squeeze %dma_start3A_654 : memref<1x1024x32xf32, #tpu.memory_space<vmem>> -> memref<1024x32xf32, #tpu.memory_space<vmem>>
      %dma_start3A_656 = arith.constant 0 : i32
      %dma_start3A_657 = tpu.memref_slice %arg4[%add3A_650, %dma_start3A_656] : memref<819200x32xf32, #tpu.memory_space<hbm>> -> memref<1024x32xf32, #tpu.memory_space<hbm>>
      %dma_start3A_658 = arith.constant 0 : i32
      %dma_start3A_659 = tpu.memref_slice %arg4[%add3A_650, %dma_start3A_658] : memref<819200x32xf32, #tpu.memory_space<hbm>> -> memref<1024x32xf32, #tpu.memory_space<hbm>>
      %dma_start3A_660 = arith.constant 0 : i32
      %dma_start3A_661 = arith.constant 0 : i32
      %dma_start3A_662 = tpu.memref_slice %arg6[%dma_start3A_651, %dma_start3A_660, %dma_start3A_661] : memref<3x1024x32xf32, #tpu.memory_space<vmem>> -> memref<1x1024x32xf32, #tpu.memory_space<vmem>>
      %dma_start3A_663 = tpu.memref_squeeze %dma_start3A_662 : memref<1x1024x32xf32, #tpu.memory_space<vmem>> -> memref<1024x32xf32, #tpu.memory_space<vmem>>
      tpu.enqueue_dma source(%dma_start3A_663 : memref<1024x32xf32, #tpu.memory_space<vmem>>) target(%dma_start3A_659 : memref<1024x32xf32, #tpu.memory_space<hbm>>) target_semaphore(%arg12 : memref<!tpu.dma_semaphore, #tpu.memory_space<semaphore_mem>>)
      %scan3A_664 = arith.constant 0 : i32
      scf.yield %scan3A_664 : i32
    }
    %scan3A_115 = arith.constant 8 : i32
    %add3A_116 = arith.constant 22528 : i32
    %add3A_117 = arith.addi %mul3A_2, %add3A_116 : i32
    %dma_wait3A = arith.constant 1 : i32
    %dma_wait3A_118 = arith.constant 0 : i32
    %dma_wait3A_119 = arith.constant 0 : i32
    %dma_wait3A_120 = tpu.memref_slice %arg6[%dma_wait3A, %dma_wait3A_118, %dma_wait3A_119] : memref<3x1024x32xf32, #tpu.memory_space<vmem>> -> memref<1x1024x32xf32, #tpu.memory_space<vmem>>
    %dma_wait3A_121 = tpu.memref_squeeze %dma_wait3A_120 : memref<1x1024x32xf32, #tpu.memory_space<vmem>> -> memref<1024x32xf32, #tpu.memory_space<vmem>>
    %dma_wait3A_122 = arith.constant 0 : i32
    %dma_wait3A_123 = tpu.memref_slice %arg4[%add3A_117, %dma_wait3A_122] : memref<819200x32xf32, #tpu.memory_space<hbm>> -> memref<1024x32xf32, #tpu.memory_space<hbm>>
    %dma_wait3A_124 = arith.constant 0 : i32
    %dma_wait3A_125 = tpu.memref_slice %arg4[%add3A_117, %dma_wait3A_124] : memref<819200x32xf32, #tpu.memory_space<hbm>> -> memref<1024x32xf32, #tpu.memory_space<hbm>>
    %dma_wait3A_126 = arith.constant 0 : i32
    %dma_wait3A_127 = arith.constant 0 : i32
    %dma_wait3A_128 = tpu.memref_slice %arg6[%dma_wait3A, %dma_wait3A_126, %dma_wait3A_127] : memref<3x1024x32xf32, #tpu.memory_space<vmem>> -> memref<1x1024x32xf32, #tpu.memory_space<vmem>>
    %dma_wait3A_129 = tpu.memref_squeeze %dma_wait3A_128 : memref<1x1024x32xf32, #tpu.memory_space<vmem>> -> memref<1024x32xf32, #tpu.memory_space<vmem>>
    tpu.wait_dma2 semaphore(%arg11 : memref<!tpu.dma_semaphore, #tpu.memory_space<semaphore_mem>>) src(%dma_wait3A_129 : memref<1024x32xf32, #tpu.memory_space<vmem>>) dst(%dma_wait3A_125 : memref<1024x32xf32, #tpu.memory_space<hbm>>)
    %add3A_130 = arith.constant 24576 : i32
    %add3A_131 = arith.addi %mul3A_2, %add3A_130 : i32
    %dma_wait3A_132 = arith.constant 0 : i32
    %dma_wait3A_133 = arith.constant 0 : i32
    %dma_wait3A_134 = arith.constant 0 : i32
    %dma_wait3A_135 = tpu.memref_slice %arg6[%dma_wait3A_132, %dma_wait3A_133, %dma_wait3A_134] : memref<3x1024x32xf32, #tpu.memory_space<vmem>> -> memref<1x1024x32xf32, #tpu.memory_space<vmem>>
    %dma_wait3A_136 = tpu.memref_squeeze %dma_wait3A_135 : memref<1x1024x32xf32, #tpu.memory_space<vmem>> -> memref<1024x32xf32, #tpu.memory_space<vmem>>
    %dma_wait3A_137 = arith.constant 0 : i32
    %dma_wait3A_138 = tpu.memref_slice %arg4[%add3A_131, %dma_wait3A_137] : memref<819200x32xf32, #tpu.memory_space<hbm>> -> memref<1024x32xf32, #tpu.memory_space<hbm>>
    %dma_wait3A_139 = arith.constant 0 : i32
    %dma_wait3A_140 = arith.constant 0 : i32
    %dma_wait3A_141 = tpu.memref_slice %arg6[%dma_wait3A_132, %dma_wait3A_139, %dma_wait3A_140] : memref<3x1024x32xf32, #tpu.memory_space<vmem>> -> memref<1x1024x32xf32, #tpu.memory_space<vmem>>
    %dma_wait3A_142 = tpu.memref_squeeze %dma_wait3A_141 : memref<1x1024x32xf32, #tpu.memory_space<vmem>> -> memref<1024x32xf32, #tpu.memory_space<vmem>>
    %dma_wait3A_143 = arith.constant 0 : i32
    %dma_wait3A_144 = tpu.memref_slice %arg4[%add3A_131, %dma_wait3A_143] : memref<819200x32xf32, #tpu.memory_space<hbm>> -> memref<1024x32xf32, #tpu.memory_space<hbm>>
    tpu.wait_dma2 semaphore(%arg7 : memref<!tpu.dma_semaphore, #tpu.memory_space<semaphore_mem>>) src(%dma_wait3A_144 : memref<1024x32xf32, #tpu.memory_space<hbm>>) dst(%dma_wait3A_142 : memref<1024x32xf32, #tpu.memory_space<vmem>>)
    %scan3A_145 = arith.constant 0 : i32
    %scan3A_146 = arith.constant 0 : i32
    %scan3A_147 = arith.constant 128 : i32
    %scan3A_148 = arith.addi %scan3A_146, %scan3A_147 : i32
    %scan3A_149 = arith.constant 1 : i32
    %scan3A_150 = scf.for %scan3A_197 = %scan3A_146 to %scan3A_148 step %scan3A_149 iter_args(%scan3A_198 = %scan3A_145) -> (i32)  : i32 {
      %mul3A_199 = arith.constant 8 : i32
      %mul3A_200 = arith.muli %scan3A_197, %mul3A_199 : i32
      %add3A_201 = arith.constant 0 : i32
      %add3A_202 = arith.addi %mul3A_200, %add3A_201 : i32
      %get3A = arith.constant 0 : i32
      %get3A_203 = arith.index_cast %get3A : i32 to index
      %get3A_204 = arith.index_cast %add3A_202 : i32 to index
      %get3A_205 = arith.constant 0 : index
      %get3A_206 = tpu.vector_load %arg6[%get3A_203, %get3A_204, %get3A_205] {strides = array<i32>} : memref<3x1024x32xf32, #tpu.memory_space<vmem>>, vector<1x1x16xf32>,
      %get3A_207 = vector.shape_cast %get3A_206 : vector<1x1x16xf32> to vector<16xf32>
      %mul3A_208 = arith.constant -2.000000e+00 : f32
      %mul3A_209 = vector.broadcast %mul3A_208 : f32 to vector<16xf32>
      %mul3A_210 = arith.mulf %get3A_207, %mul3A_209 : vector<16xf32>
      %exp3A = math.exp %mul3A_210 : vector<16xf32>
      %add3A_211 = arith.constant 1.000000e+00 : f32
      %add3A_212 = vector.broadcast %add3A_211 : f32 to vector<16xf32>
      %add3A_213 = arith.addf %add3A_212, %exp3A : vector<16xf32>
      %div3A = arith.constant 2.000000e+00 : f32
      %div3A_214 = vector.broadcast %div3A : f32 to vector<16xf32>
      %div3A_215 = arith.divf %div3A_214, %add3A_213 : vector<16xf32>
      %sub3A = arith.constant 1.000000e+00 : f32
      %sub3A_216 = vector.broadcast %sub3A : f32 to vector<16xf32>
      %sub3A_217 = arith.subf %div3A_215, %sub3A_216 : vector<16xf32>
      %add3A_218 = arith.constant 0 : i32
      %add3A_219 = arith.addi %mul3A_200, %add3A_218 : i32
      %swap3A = arith.constant 0 : i32
      %swap3A_220 = arith.index_cast %swap3A : i32 to index
      %swap3A_221 = arith.index_cast %add3A_219 : i32 to index
      %swap3A_222 = arith.constant 0 : index
      %swap3A_223 = tpu.vector_load %arg6[%swap3A_220, %swap3A_221, %swap3A_222] {strides = array<i32>} : memref<3x1024x32xf32, #tpu.memory_space<vmem>>, vector<1x1x16xf32>,
      %swap3A_224 = vector.shape_cast %swap3A_223 : vector<1x1x16xf32> to vector<16xf32>
      %swap3A_225 = vector.shape_cast %sub3A_217 : vector<16xf32> to vector<1x1x16xf32>
      tpu.vector_store %arg6[%swap3A_220, %swap3A_221, %swap3A_222], %swap3A_225 {strides = array<i32>} : memref<3x1024x32xf32, #tpu.memory_space<vmem>>, vector<1x1x16xf32>,
      %add3A_226 = arith.constant 0 : i32
      %add3A_227 = arith.addi %mul3A_200, %add3A_226 : i32
      %get3A_228 = arith.constant 0 : i32
      %get3A_229 = arith.index_cast %get3A_228 : i32 to index
      %get3A_230 = arith.index_cast %add3A_227 : i32 to index
      %get3A_231 = arith.constant 16 : index
      %get3A_232 = tpu.vector_load %arg6[%get3A_229, %get3A_230, %get3A_231] {strides = array<i32>} : memref<3x1024x32xf32, #tpu.memory_space<vmem>>, vector<1x1x16xf32>,
      %get3A_233 = vector.shape_cast %get3A_232 : vector<1x1x16xf32> to vector<16xf32>
      %mul3A_234 = arith.constant -2.000000e+00 : f32
      %mul3A_235 = vector.broadcast %mul3A_234 : f32 to vector<16xf32>
      %mul3A_236 = arith.mulf %get3A_233, %mul3A_235 : vector<16xf32>
      %exp3A_237 = math.exp %mul3A_236 : vector<16xf32>
      %add3A_238 = arith.constant 1.000000e+00 : f32
      %add3A_239 = vector.broadcast %add3A_238 : f32 to vector<16xf32>
      %add3A_240 = arith.addf %add3A_239, %exp3A_237 : vector<16xf32>
      %div3A_241 = arith.constant 2.000000e+00 : f32
      %div3A_242 = vector.broadcast %div3A_241 : f32 to vector<16xf32>
      %div3A_243 = arith.divf %div3A_242, %add3A_240 : vector<16xf32>
      %sub3A_244 = arith.constant 1.000000e+00 : f32
      %sub3A_245 = vector.broadcast %sub3A_244 : f32 to vector<16xf32>
      %sub3A_246 = arith.subf %div3A_243, %sub3A_245 : vector<16xf32>
      %add3A_247 = arith.constant 0 : i32
      %add3A_248 = arith.addi %mul3A_200, %add3A_247 : i32
      %swap3A_249 = arith.constant 0 : i32
      %swap3A_250 = arith.index_cast %swap3A_249 : i32 to index
      %swap3A_251 = arith.index_cast %add3A_248 : i32 to index
      %swap3A_252 = arith.constant 16 : index
      %swap3A_253 = tpu.vector_load %arg6[%swap3A_250, %swap3A_251, %swap3A_252] {strides = array<i32>} : memref<3x1024x32xf32, #tpu.memory_space<vmem>>, vector<1x1x16xf32>,
      %swap3A_254 = vector.shape_cast %swap3A_253 : vector<1x1x16xf32> to vector<16xf32>
      %swap3A_255 = vector.shape_cast %sub3A_246 : vector<16xf32> to vector<1x1x16xf32>
      tpu.vector_store %arg6[%swap3A_250, %swap3A_251, %swap3A_252], %swap3A_255 {strides = array<i32>} : memref<3x1024x32xf32, #tpu.memory_space<vmem>>, vector<1x1x16xf32>,
      %add3A_256 = arith.constant 1 : i32
      %add3A_257 = arith.addi %mul3A_200, %add3A_256 : i32
      %get3A_258 = arith.constant 0 : i32
      %get3A_259 = arith.index_cast %get3A_258 : i32 to index
      %get3A_260 = arith.index_cast %add3A_257 : i32 to index
      %get3A_261 = arith.constant 0 : index
      %get3A_262 = tpu.vector_load %arg6[%get3A_259, %get3A_260, %get3A_261] {strides = array<i32>} : memref<3x1024x32xf32, #tpu.memory_space<vmem>>, vector<1x1x16xf32>,
      %get3A_263 = vector.shape_cast %get3A_262 : vector<1x1x16xf32> to vector<16xf32>
      %mul3A_264 = arith.constant -2.000000e+00 : f32
      %mul3A_265 = vector.broadcast %mul3A_264 : f32 to vector<16xf32>
      %mul3A_266 = arith.mulf %get3A_263, %mul3A_265 : vector<16xf32>
      %exp3A_267 = math.exp %mul3A_266 : vector<16xf32>
      %add3A_268 = arith.constant 1.000000e+00 : f32
      %add3A_269 = vector.broadcast %add3A_268 : f32 to vector<16xf32>
      %add3A_270 = arith.addf %add3A_269, %exp3A_267 : vector<16xf32>
      %div3A_271 = arith.constant 2.000000e+00 : f32
      %div3A_272 = vector.broadcast %div3A_271 : f32 to vector<16xf32>
      %div3A_273 = arith.divf %div3A_272, %add3A_270 : vector<16xf32>
      %sub3A_274 = arith.constant 1.000000e+00 : f32
      %sub3A_275 = vector.broadcast %sub3A_274 : f32 to vector<16xf32>
      %sub3A_276 = arith.subf %div3A_273, %sub3A_275 : vector<16xf32>
      %add3A_277 = arith.constant 1 : i32
      %add3A_278 = arith.addi %mul3A_200, %add3A_277 : i32
      %swap3A_279 = arith.constant 0 : i32
      %swap3A_280 = arith.index_cast %swap3A_279 : i32 to index
      %swap3A_281 = arith.index_cast %add3A_278 : i32 to index
      %swap3A_282 = arith.constant 0 : index
      %swap3A_283 = tpu.vector_load %arg6[%swap3A_280, %swap3A_281, %swap3A_282] {strides = array<i32>} : memref<3x1024x32xf32, #tpu.memory_space<vmem>>, vector<1x1x16xf32>,
      %swap3A_284 = vector.shape_cast %swap3A_283 : vector<1x1x16xf32> to vector<16xf32>
      %swap3A_285 = vector.shape_cast %sub3A_276 : vector<16xf32> to vector<1x1x16xf32>
      tpu.vector_store %arg6[%swap3A_280, %swap3A_281, %swap3A_282], %swap3A_285 {strides = array<i32>} : memref<3x1024x32xf32, #tpu.memory_space<vmem>>, vector<1x1x16xf32>,
      %add3A_286 = arith.constant 1 : i32
      %add3A_287 = arith.addi %mul3A_200, %add3A_286 : i32
      %get3A_288 = arith.constant 0 : i32
      %get3A_289 = arith.index_cast %get3A_288 : i32 to index
      %get3A_290 = arith.index_cast %add3A_287 : i32 to index
      %get3A_291 = arith.constant 16 : index
      %get3A_292 = tpu.vector_load %arg6[%get3A_289, %get3A_290, %get3A_291] {strides = array<i32>} : memref<3x1024x32xf32, #tpu.memory_space<vmem>>, vector<1x1x16xf32>,
      %get3A_293 = vector.shape_cast %get3A_292 : vector<1x1x16xf32> to vector<16xf32>
      %mul3A_294 = arith.constant -2.000000e+00 : f32
      %mul3A_295 = vector.broadcast %mul3A_294 : f32 to vector<16xf32>
      %mul3A_296 = arith.mulf %get3A_293, %mul3A_295 : vector<16xf32>
      %exp3A_297 = math.exp %mul3A_296 : vector<16xf32>
      %add3A_298 = arith.constant 1.000000e+00 : f32
      %add3A_299 = vector.broadcast %add3A_298 : f32 to vector<16xf32>
      %add3A_300 = arith.addf %add3A_299, %exp3A_297 : vector<16xf32>
      %div3A_301 = arith.constant 2.000000e+00 : f32
      %div3A_302 = vector.broadcast %div3A_301 : f32 to vector<16xf32>
      %div3A_303 = arith.divf %div3A_302, %add3A_300 : vector<16xf32>
      %sub3A_304 = arith.constant 1.000000e+00 : f32
      %sub3A_305 = vector.broadcast %sub3A_304 : f32 to vector<16xf32>
      %sub3A_306 = arith.subf %div3A_303, %sub3A_305 : vector<16xf32>
      %add3A_307 = arith.constant 1 : i32
      %add3A_308 = arith.addi %mul3A_200, %add3A_307 : i32
      %swap3A_309 = arith.constant 0 : i32
      %swap3A_310 = arith.index_cast %swap3A_309 : i32 to index
      %swap3A_311 = arith.index_cast %add3A_308 : i32 to index
      %swap3A_312 = arith.constant 16 : index
      %swap3A_313 = tpu.vector_load %arg6[%swap3A_310, %swap3A_311, %swap3A_312] {strides = array<i32>} : memref<3x1024x32xf32, #tpu.memory_space<vmem>>, vector<1x1x16xf32>,
      %swap3A_314 = vector.shape_cast %swap3A_313 : vector<1x1x16xf32> to vector<16xf32>
      %swap3A_315 = vector.shape_cast %sub3A_306 : vector<16xf32> to vector<1x1x16xf32>
      tpu.vector_store %arg6[%swap3A_310, %swap3A_311, %swap3A_312], %swap3A_315 {strides = array<i32>} : memref<3x1024x32xf32, #tpu.memory_space<vmem>>, vector<1x1x16xf32>,
      %add3A_316 = arith.constant 2 : i32
      %add3A_317 = arith.addi %mul3A_200, %add3A_316 : i32
      %get3A_318 = arith.constant 0 : i32
      %get3A_319 = arith.index_cast %get3A_318 : i32 to index
      %get3A_320 = arith.index_cast %add3A_317 : i32 to index
      %get3A_321 = arith.constant 0 : index
      %get3A_322 = tpu.vector_load %arg6[%get3A_319, %get3A_320, %get3A_321] {strides = array<i32>} : memref<3x1024x32xf32, #tpu.memory_space<vmem>>, vector<1x1x16xf32>,
      %get3A_323 = vector.shape_cast %get3A_322 : vector<1x1x16xf32> to vector<16xf32>
      %mul3A_324 = arith.constant -2.000000e+00 : f32
      %mul3A_325 = vector.broadcast %mul3A_324 : f32 to vector<16xf32>
      %mul3A_326 = arith.mulf %get3A_323, %mul3A_325 : vector<16xf32>
      %exp3A_327 = math.exp %mul3A_326 : vector<16xf32>
      %add3A_328 = arith.constant 1.000000e+00 : f32
      %add3A_329 = vector.broadcast %add3A_328 : f32 to vector<16xf32>
      %add3A_330 = arith.addf %add3A_329, %exp3A_327 : vector<16xf32>
      %div3A_331 = arith.constant 2.000000e+00 : f32
      %div3A_332 = vector.broadcast %div3A_331 : f32 to vector<16xf32>
      %div3A_333 = arith.divf %div3A_332, %add3A_330 : vector<16xf32>
      %sub3A_334 = arith.constant 1.000000e+00 : f32
      %sub3A_335 = vector.broadcast %sub3A_334 : f32 to vector<16xf32>
      %sub3A_336 = arith.subf %div3A_333, %sub3A_335 : vector<16xf32>
      %add3A_337 = arith.constant 2 : i32
      %add3A_338 = arith.addi %mul3A_200, %add3A_337 : i32
      %swap3A_339 = arith.constant 0 : i32
      %swap3A_340 = arith.index_cast %swap3A_339 : i32 to index
      %swap3A_341 = arith.index_cast %add3A_338 : i32 to index
      %swap3A_342 = arith.constant 0 : index
      %swap3A_343 = tpu.vector_load %arg6[%swap3A_340, %swap3A_341, %swap3A_342] {strides = array<i32>} : memref<3x1024x32xf32, #tpu.memory_space<vmem>>, vector<1x1x16xf32>,
      %swap3A_344 = vector.shape_cast %swap3A_343 : vector<1x1x16xf32> to vector<16xf32>
      %swap3A_345 = vector.shape_cast %sub3A_336 : vector<16xf32> to vector<1x1x16xf32>
      tpu.vector_store %arg6[%swap3A_340, %swap3A_341, %swap3A_342], %swap3A_345 {strides = array<i32>} : memref<3x1024x32xf32, #tpu.memory_space<vmem>>, vector<1x1x16xf32>,
      %add3A_346 = arith.constant 2 : i32
      %add3A_347 = arith.addi %mul3A_200, %add3A_346 : i32
      %get3A_348 = arith.constant 0 : i32
      %get3A_349 = arith.index_cast %get3A_348 : i32 to index
      %get3A_350 = arith.index_cast %add3A_347 : i32 to index
      %get3A_351 = arith.constant 16 : index
      %get3A_352 = tpu.vector_load %arg6[%get3A_349, %get3A_350, %get3A_351] {strides = array<i32>} : memref<3x1024x32xf32, #tpu.memory_space<vmem>>, vector<1x1x16xf32>,
      %get3A_353 = vector.shape_cast %get3A_352 : vector<1x1x16xf32> to vector<16xf32>
      %mul3A_354 = arith.constant -2.000000e+00 : f32
      %mul3A_355 = vector.broadcast %mul3A_354 : f32 to vector<16xf32>
      %mul3A_356 = arith.mulf %get3A_353, %mul3A_355 : vector<16xf32>
      %exp3A_357 = math.exp %mul3A_356 : vector<16xf32>
      %add3A_358 = arith.constant 1.000000e+00 : f32
      %add3A_359 = vector.broadcast %add3A_358 : f32 to vector<16xf32>
      %add3A_360 = arith.addf %add3A_359, %exp3A_357 : vector<16xf32>
      %div3A_361 = arith.constant 2.000000e+00 : f32
      %div3A_362 = vector.broadcast %div3A_361 : f32 to vector<16xf32>
      %div3A_363 = arith.divf %div3A_362, %add3A_360 : vector<16xf32>
      %sub3A_364 = arith.constant 1.000000e+00 : f32
      %sub3A_365 = vector.broadcast %sub3A_364 : f32 to vector<16xf32>
      %sub3A_366 = arith.subf %div3A_363, %sub3A_365 : vector<16xf32>
      %add3A_367 = arith.constant 2 : i32
      %add3A_368 = arith.addi %mul3A_200, %add3A_367 : i32
      %swap3A_369 = arith.constant 0 : i32
      %swap3A_370 = arith.index_cast %swap3A_369 : i32 to index
      %swap3A_371 = arith.index_cast %add3A_368 : i32 to index
      %swap3A_372 = arith.constant 16 : index
      %swap3A_373 = tpu.vector_load %arg6[%swap3A_370, %swap3A_371, %swap3A_372] {strides = array<i32>} : memref<3x1024x32xf32, #tpu.memory_space<vmem>>, vector<1x1x16xf32>,
      %swap3A_374 = vector.shape_cast %swap3A_373 : vector<1x1x16xf32> to vector<16xf32>
      %swap3A_375 = vector.shape_cast %sub3A_366 : vector<16xf32> to vector<1x1x16xf32>
      tpu.vector_store %arg6[%swap3A_370, %swap3A_371, %swap3A_372], %swap3A_375 {strides = array<i32>} : memref<3x1024x32xf32, #tpu.memory_space<vmem>>, vector<1x1x16xf32>,
      %add3A_376 = arith.constant 3 : i32
      %add3A_377 = arith.addi %mul3A_200, %add3A_376 : i32
      %get3A_378 = arith.constant 0 : i32
      %get3A_379 = arith.index_cast %get3A_378 : i32 to index
      %get3A_380 = arith.index_cast %add3A_377 : i32 to index
      %get3A_381 = arith.constant 0 : index
      %get3A_382 = tpu.vector_load %arg6[%get3A_379, %get3A_380, %get3A_381] {strides = array<i32>} : memref<3x1024x32xf32, #tpu.memory_space<vmem>>, vector<1x1x16xf32>,
      %get3A_383 = vector.shape_cast %get3A_382 : vector<1x1x16xf32> to vector<16xf32>
      %mul3A_384 = arith.constant -2.000000e+00 : f32
      %mul3A_385 = vector.broadcast %mul3A_384 : f32 to vector<16xf32>
      %mul3A_386 = arith.mulf %get3A_383, %mul3A_385 : vector<16xf32>
      %exp3A_387 = math.exp %mul3A_386 : vector<16xf32>
      %add3A_388 = arith.constant 1.000000e+00 : f32
      %add3A_389 = vector.broadcast %add3A_388 : f32 to vector<16xf32>
      %add3A_390 = arith.addf %add3A_389, %exp3A_387 : vector<16xf32>
      %div3A_391 = arith.constant 2.000000e+00 : f32
      %div3A_392 = vector.broadcast %div3A_391 : f32 to vector<16xf32>
      %div3A_393 = arith.divf %div3A_392, %add3A_390 : vector<16xf32>
      %sub3A_394 = arith.constant 1.000000e+00 : f32
      %sub3A_395 = vector.broadcast %sub3A_394 : f32 to vector<16xf32>
      %sub3A_396 = arith.subf %div3A_393, %sub3A_395 : vector<16xf32>
      %add3A_397 = arith.constant 3 : i32
      %add3A_398 = arith.addi %mul3A_200, %add3A_397 : i32
      %swap3A_399 = arith.constant 0 : i32
      %swap3A_400 = arith.index_cast %swap3A_399 : i32 to index
      %swap3A_401 = arith.index_cast %add3A_398 : i32 to index
      %swap3A_402 = arith.constant 0 : index
      %swap3A_403 = tpu.vector_load %arg6[%swap3A_400, %swap3A_401, %swap3A_402] {strides = array<i32>} : memref<3x1024x32xf32, #tpu.memory_space<vmem>>, vector<1x1x16xf32>,
      %swap3A_404 = vector.shape_cast %swap3A_403 : vector<1x1x16xf32> to vector<16xf32>
      %swap3A_405 = vector.shape_cast %sub3A_396 : vector<16xf32> to vector<1x1x16xf32>
      tpu.vector_store %arg6[%swap3A_400, %swap3A_401, %swap3A_402], %swap3A_405 {strides = array<i32>} : memref<3x1024x32xf32, #tpu.memory_space<vmem>>, vector<1x1x16xf32>,
      %add3A_406 = arith.constant 3 : i32
      %add3A_407 = arith.addi %mul3A_200, %add3A_406 : i32
      %get3A_408 = arith.constant 0 : i32
      %get3A_409 = arith.index_cast %get3A_408 : i32 to index
      %get3A_410 = arith.index_cast %add3A_407 : i32 to index
      %get3A_411 = arith.constant 16 : index
      %get3A_412 = tpu.vector_load %arg6[%get3A_409, %get3A_410, %get3A_411] {strides = array<i32>} : memref<3x1024x32xf32, #tpu.memory_space<vmem>>, vector<1x1x16xf32>,
      %get3A_413 = vector.shape_cast %get3A_412 : vector<1x1x16xf32> to vector<16xf32>
      %mul3A_414 = arith.constant -2.000000e+00 : f32
      %mul3A_415 = vector.broadcast %mul3A_414 : f32 to vector<16xf32>
      %mul3A_416 = arith.mulf %get3A_413, %mul3A_415 : vector<16xf32>
      %exp3A_417 = math.exp %mul3A_416 : vector<16xf32>
      %add3A_418 = arith.constant 1.000000e+00 : f32
      %add3A_419 = vector.broadcast %add3A_418 : f32 to vector<16xf32>
      %add3A_420 = arith.addf %add3A_419, %exp3A_417 : vector<16xf32>
      %div3A_421 = arith.constant 2.000000e+00 : f32
      %div3A_422 = vector.broadcast %div3A_421 : f32 to vector<16xf32>
      %div3A_423 = arith.divf %div3A_422, %add3A_420 : vector<16xf32>
      %sub3A_424 = arith.constant 1.000000e+00 : f32
      %sub3A_425 = vector.broadcast %sub3A_424 : f32 to vector<16xf32>
      %sub3A_426 = arith.subf %div3A_423, %sub3A_425 : vector<16xf32>
      %add3A_427 = arith.constant 3 : i32
      %add3A_428 = arith.addi %mul3A_200, %add3A_427 : i32
      %swap3A_429 = arith.constant 0 : i32
      %swap3A_430 = arith.index_cast %swap3A_429 : i32 to index
      %swap3A_431 = arith.index_cast %add3A_428 : i32 to index
      %swap3A_432 = arith.constant 16 : index
      %swap3A_433 = tpu.vector_load %arg6[%swap3A_430, %swap3A_431, %swap3A_432] {strides = array<i32>} : memref<3x1024x32xf32, #tpu.memory_space<vmem>>, vector<1x1x16xf32>,
      %swap3A_434 = vector.shape_cast %swap3A_433 : vector<1x1x16xf32> to vector<16xf32>
      %swap3A_435 = vector.shape_cast %sub3A_426 : vector<16xf32> to vector<1x1x16xf32>
      tpu.vector_store %arg6[%swap3A_430, %swap3A_431, %swap3A_432], %swap3A_435 {strides = array<i32>} : memref<3x1024x32xf32, #tpu.memory_space<vmem>>, vector<1x1x16xf32>,
      %add3A_436 = arith.constant 4 : i32
      %add3A_437 = arith.addi %mul3A_200, %add3A_436 : i32
      %get3A_438 = arith.constant 0 : i32
      %get3A_439 = arith.index_cast %get3A_438 : i32 to index
      %get3A_440 = arith.index_cast %add3A_437 : i32 to index
      %get3A_441 = arith.constant 0 : index
      %get3A_442 = tpu.vector_load %arg6[%get3A_439, %get3A_440, %get3A_441] {strides = array<i32>} : memref<3x1024x32xf32, #tpu.memory_space<vmem>>, vector<1x1x16xf32>,
      %get3A_443 = vector.shape_cast %get3A_442 : vector<1x1x16xf32> to vector<16xf32>
      %mul3A_444 = arith.constant -2.000000e+00 : f32
      %mul3A_445 = vector.broadcast %mul3A_444 : f32 to vector<16xf32>
      %mul3A_446 = arith.mulf %get3A_443, %mul3A_445 : vector<16xf32>
      %exp3A_447 = math.exp %mul3A_446 : vector<16xf32>
      %add3A_448 = arith.constant 1.000000e+00 : f32
      %add3A_449 = vector.broadcast %add3A_448 : f32 to vector<16xf32>
      %add3A_450 = arith.addf %add3A_449, %exp3A_447 : vector<16xf32>
      %div3A_451 = arith.constant 2.000000e+00 : f32
      %div3A_452 = vector.broadcast %div3A_451 : f32 to vector<16xf32>
      %div3A_453 = arith.divf %div3A_452, %add3A_450 : vector<16xf32>
      %sub3A_454 = arith.constant 1.000000e+00 : f32
      %sub3A_455 = vector.broadcast %sub3A_454 : f32 to vector<16xf32>
      %sub3A_456 = arith.subf %div3A_453, %sub3A_455 : vector<16xf32>
      %add3A_457 = arith.constant 4 : i32
      %add3A_458 = arith.addi %mul3A_200, %add3A_457 : i32
      %swap3A_459 = arith.constant 0 : i32
      %swap3A_460 = arith.index_cast %swap3A_459 : i32 to index
      %swap3A_461 = arith.index_cast %add3A_458 : i32 to index
      %swap3A_462 = arith.constant 0 : index
      %swap3A_463 = tpu.vector_load %arg6[%swap3A_460, %swap3A_461, %swap3A_462] {strides = array<i32>} : memref<3x1024x32xf32, #tpu.memory_space<vmem>>, vector<1x1x16xf32>,
      %swap3A_464 = vector.shape_cast %swap3A_463 : vector<1x1x16xf32> to vector<16xf32>
      %swap3A_465 = vector.shape_cast %sub3A_456 : vector<16xf32> to vector<1x1x16xf32>
      tpu.vector_store %arg6[%swap3A_460, %swap3A_461, %swap3A_462], %swap3A_465 {strides = array<i32>} : memref<3x1024x32xf32, #tpu.memory_space<vmem>>, vector<1x1x16xf32>,
      %add3A_466 = arith.constant 4 : i32
      %add3A_467 = arith.addi %mul3A_200, %add3A_466 : i32
      %get3A_468 = arith.constant 0 : i32
      %get3A_469 = arith.index_cast %get3A_468 : i32 to index
      %get3A_470 = arith.index_cast %add3A_467 : i32 to index
      %get3A_471 = arith.constant 16 : index
      %get3A_472 = tpu.vector_load %arg6[%get3A_469, %get3A_470, %get3A_471] {strides = array<i32>} : memref<3x1024x32xf32, #tpu.memory_space<vmem>>, vector<1x1x16xf32>,
      %get3A_473 = vector.shape_cast %get3A_472 : vector<1x1x16xf32> to vector<16xf32>
      %mul3A_474 = arith.constant -2.000000e+00 : f32
      %mul3A_475 = vector.broadcast %mul3A_474 : f32 to vector<16xf32>
      %mul3A_476 = arith.mulf %get3A_473, %mul3A_475 : vector<16xf32>
      %exp3A_477 = math.exp %mul3A_476 : vector<16xf32>
      %add3A_478 = arith.constant 1.000000e+00 : f32
      %add3A_479 = vector.broadcast %add3A_478 : f32 to vector<16xf32>
      %add3A_480 = arith.addf %add3A_479, %exp3A_477 : vector<16xf32>
      %div3A_481 = arith.constant 2.000000e+00 : f32
      %div3A_482 = vector.broadcast %div3A_481 : f32 to vector<16xf32>
      %div3A_483 = arith.divf %div3A_482, %add3A_480 : vector<16xf32>
      %sub3A_484 = arith.constant 1.000000e+00 : f32
      %sub3A_485 = vector.broadcast %sub3A_484 : f32 to vector<16xf32>
      %sub3A_486 = arith.subf %div3A_483, %sub3A_485 : vector<16xf32>
      %add3A_487 = arith.constant 4 : i32
      %add3A_488 = arith.addi %mul3A_200, %add3A_487 : i32
      %swap3A_489 = arith.constant 0 : i32
      %swap3A_490 = arith.index_cast %swap3A_489 : i32 to index
      %swap3A_491 = arith.index_cast %add3A_488 : i32 to index
      %swap3A_492 = arith.constant 16 : index
      %swap3A_493 = tpu.vector_load %arg6[%swap3A_490, %swap3A_491, %swap3A_492] {strides = array<i32>} : memref<3x1024x32xf32, #tpu.memory_space<vmem>>, vector<1x1x16xf32>,
      %swap3A_494 = vector.shape_cast %swap3A_493 : vector<1x1x16xf32> to vector<16xf32>
      %swap3A_495 = vector.shape_cast %sub3A_486 : vector<16xf32> to vector<1x1x16xf32>
      tpu.vector_store %arg6[%swap3A_490, %swap3A_491, %swap3A_492], %swap3A_495 {strides = array<i32>} : memref<3x1024x32xf32, #tpu.memory_space<vmem>>, vector<1x1x16xf32>,
      %add3A_496 = arith.constant 5 : i32
      %add3A_497 = arith.addi %mul3A_200, %add3A_496 : i32
      %get3A_498 = arith.constant 0 : i32
      %get3A_499 = arith.index_cast %get3A_498 : i32 to index
      %get3A_500 = arith.index_cast %add3A_497 : i32 to index
      %get3A_501 = arith.constant 0 : index
      %get3A_502 = tpu.vector_load %arg6[%get3A_499, %get3A_500, %get3A_501] {strides = array<i32>} : memref<3x1024x32xf32, #tpu.memory_space<vmem>>, vector<1x1x16xf32>,
      %get3A_503 = vector.shape_cast %get3A_502 : vector<1x1x16xf32> to vector<16xf32>
      %mul3A_504 = arith.constant -2.000000e+00 : f32
      %mul3A_505 = vector.broadcast %mul3A_504 : f32 to vector<16xf32>
      %mul3A_506 = arith.mulf %get3A_503, %mul3A_505 : vector<16xf32>
      %exp3A_507 = math.exp %mul3A_506 : vector<16xf32>
      %add3A_508 = arith.constant 1.000000e+00 : f32
      %add3A_509 = vector.broadcast %add3A_508 : f32 to vector<16xf32>
      %add3A_510 = arith.addf %add3A_509, %exp3A_507 : vector<16xf32>
      %div3A_511 = arith.constant 2.000000e+00 : f32
      %div3A_512 = vector.broadcast %div3A_511 : f32 to vector<16xf32>
      %div3A_513 = arith.divf %div3A_512, %add3A_510 : vector<16xf32>
      %sub3A_514 = arith.constant 1.000000e+00 : f32
      %sub3A_515 = vector.broadcast %sub3A_514 : f32 to vector<16xf32>
      %sub3A_516 = arith.subf %div3A_513, %sub3A_515 : vector<16xf32>
      %add3A_517 = arith.constant 5 : i32
      %add3A_518 = arith.addi %mul3A_200, %add3A_517 : i32
      %swap3A_519 = arith.constant 0 : i32
      %swap3A_520 = arith.index_cast %swap3A_519 : i32 to index
      %swap3A_521 = arith.index_cast %add3A_518 : i32 to index
      %swap3A_522 = arith.constant 0 : index
      %swap3A_523 = tpu.vector_load %arg6[%swap3A_520, %swap3A_521, %swap3A_522] {strides = array<i32>} : memref<3x1024x32xf32, #tpu.memory_space<vmem>>, vector<1x1x16xf32>,
      %swap3A_524 = vector.shape_cast %swap3A_523 : vector<1x1x16xf32> to vector<16xf32>
      %swap3A_525 = vector.shape_cast %sub3A_516 : vector<16xf32> to vector<1x1x16xf32>
      tpu.vector_store %arg6[%swap3A_520, %swap3A_521, %swap3A_522], %swap3A_525 {strides = array<i32>} : memref<3x1024x32xf32, #tpu.memory_space<vmem>>, vector<1x1x16xf32>,
      %add3A_526 = arith.constant 5 : i32
      %add3A_527 = arith.addi %mul3A_200, %add3A_526 : i32
      %get3A_528 = arith.constant 0 : i32
      %get3A_529 = arith.index_cast %get3A_528 : i32 to index
      %get3A_530 = arith.index_cast %add3A_527 : i32 to index
      %get3A_531 = arith.constant 16 : index
      %get3A_532 = tpu.vector_load %arg6[%get3A_529, %get3A_530, %get3A_531] {strides = array<i32>} : memref<3x1024x32xf32, #tpu.memory_space<vmem>>, vector<1x1x16xf32>,
      %get3A_533 = vector.shape_cast %get3A_532 : vector<1x1x16xf32> to vector<16xf32>
      %mul3A_534 = arith.constant -2.000000e+00 : f32
      %mul3A_535 = vector.broadcast %mul3A_534 : f32 to vector<16xf32>
      %mul3A_536 = arith.mulf %get3A_533, %mul3A_535 : vector<16xf32>
      %exp3A_537 = math.exp %mul3A_536 : vector<16xf32>
      %add3A_538 = arith.constant 1.000000e+00 : f32
      %add3A_539 = vector.broadcast %add3A_538 : f32 to vector<16xf32>
      %add3A_540 = arith.addf %add3A_539, %exp3A_537 : vector<16xf32>
      %div3A_541 = arith.constant 2.000000e+00 : f32
      %div3A_542 = vector.broadcast %div3A_541 : f32 to vector<16xf32>
      %div3A_543 = arith.divf %div3A_542, %add3A_540 : vector<16xf32>
      %sub3A_544 = arith.constant 1.000000e+00 : f32
      %sub3A_545 = vector.broadcast %sub3A_544 : f32 to vector<16xf32>
      %sub3A_546 = arith.subf %div3A_543, %sub3A_545 : vector<16xf32>
      %add3A_547 = arith.constant 5 : i32
      %add3A_548 = arith.addi %mul3A_200, %add3A_547 : i32
      %swap3A_549 = arith.constant 0 : i32
      %swap3A_550 = arith.index_cast %swap3A_549 : i32 to index
      %swap3A_551 = arith.index_cast %add3A_548 : i32 to index
      %swap3A_552 = arith.constant 16 : index
      %swap3A_553 = tpu.vector_load %arg6[%swap3A_550, %swap3A_551, %swap3A_552] {strides = array<i32>} : memref<3x1024x32xf32, #tpu.memory_space<vmem>>, vector<1x1x16xf32>,
      %swap3A_554 = vector.shape_cast %swap3A_553 : vector<1x1x16xf32> to vector<16xf32>
      %swap3A_555 = vector.shape_cast %sub3A_546 : vector<16xf32> to vector<1x1x16xf32>
      tpu.vector_store %arg6[%swap3A_550, %swap3A_551, %swap3A_552], %swap3A_555 {strides = array<i32>} : memref<3x1024x32xf32, #tpu.memory_space<vmem>>, vector<1x1x16xf32>,
      %add3A_556 = arith.constant 6 : i32
      %add3A_557 = arith.addi %mul3A_200, %add3A_556 : i32
      %get3A_558 = arith.constant 0 : i32
      %get3A_559 = arith.index_cast %get3A_558 : i32 to index
      %get3A_560 = arith.index_cast %add3A_557 : i32 to index
      %get3A_561 = arith.constant 0 : index
      %get3A_562 = tpu.vector_load %arg6[%get3A_559, %get3A_560, %get3A_561] {strides = array<i32>} : memref<3x1024x32xf32, #tpu.memory_space<vmem>>, vector<1x1x16xf32>,
      %get3A_563 = vector.shape_cast %get3A_562 : vector<1x1x16xf32> to vector<16xf32>
      %mul3A_564 = arith.constant -2.000000e+00 : f32
      %mul3A_565 = vector.broadcast %mul3A_564 : f32 to vector<16xf32>
      %mul3A_566 = arith.mulf %get3A_563, %mul3A_565 : vector<16xf32>
      %exp3A_567 = math.exp %mul3A_566 : vector<16xf32>
      %add3A_568 = arith.constant 1.000000e+00 : f32
      %add3A_569 = vector.broadcast %add3A_568 : f32 to vector<16xf32>
      %add3A_570 = arith.addf %add3A_569, %exp3A_567 : vector<16xf32>
      %div3A_571 = arith.constant 2.000000e+00 : f32
      %div3A_572 = vector.broadcast %div3A_571 : f32 to vector<16xf32>
      %div3A_573 = arith.divf %div3A_572, %add3A_570 : vector<16xf32>
      %sub3A_574 = arith.constant 1.000000e+00 : f32
      %sub3A_575 = vector.broadcast %sub3A_574 : f32 to vector<16xf32>
      %sub3A_576 = arith.subf %div3A_573, %sub3A_575 : vector<16xf32>
      %add3A_577 = arith.constant 6 : i32
      %add3A_578 = arith.addi %mul3A_200, %add3A_577 : i32
      %swap3A_579 = arith.constant 0 : i32
      %swap3A_580 = arith.index_cast %swap3A_579 : i32 to index
      %swap3A_581 = arith.index_cast %add3A_578 : i32 to index
      %swap3A_582 = arith.constant 0 : index
      %swap3A_583 = tpu.vector_load %arg6[%swap3A_580, %swap3A_581, %swap3A_582] {strides = array<i32>} : memref<3x1024x32xf32, #tpu.memory_space<vmem>>, vector<1x1x16xf32>,
      %swap3A_584 = vector.shape_cast %swap3A_583 : vector<1x1x16xf32> to vector<16xf32>
      %swap3A_585 = vector.shape_cast %sub3A_576 : vector<16xf32> to vector<1x1x16xf32>
      tpu.vector_store %arg6[%swap3A_580, %swap3A_581, %swap3A_582], %swap3A_585 {strides = array<i32>} : memref<3x1024x32xf32, #tpu.memory_space<vmem>>, vector<1x1x16xf32>,
      %add3A_586 = arith.constant 6 : i32
      %add3A_587 = arith.addi %mul3A_200, %add3A_586 : i32
      %get3A_588 = arith.constant 0 : i32
      %get3A_589 = arith.index_cast %get3A_588 : i32 to index
      %get3A_590 = arith.index_cast %add3A_587 : i32 to index
      %get3A_591 = arith.constant 16 : index
      %get3A_592 = tpu.vector_load %arg6[%get3A_589, %get3A_590, %get3A_591] {strides = array<i32>} : memref<3x1024x32xf32, #tpu.memory_space<vmem>>, vector<1x1x16xf32>,
      %get3A_593 = vector.shape_cast %get3A_592 : vector<1x1x16xf32> to vector<16xf32>
      %mul3A_594 = arith.constant -2.000000e+00 : f32
      %mul3A_595 = vector.broadcast %mul3A_594 : f32 to vector<16xf32>
      %mul3A_596 = arith.mulf %get3A_593, %mul3A_595 : vector<16xf32>
      %exp3A_597 = math.exp %mul3A_596 : vector<16xf32>
      %add3A_598 = arith.constant 1.000000e+00 : f32
      %add3A_599 = vector.broadcast %add3A_598 : f32 to vector<16xf32>
      %add3A_600 = arith.addf %add3A_599, %exp3A_597 : vector<16xf32>
      %div3A_601 = arith.constant 2.000000e+00 : f32
      %div3A_602 = vector.broadcast %div3A_601 : f32 to vector<16xf32>
      %div3A_603 = arith.divf %div3A_602, %add3A_600 : vector<16xf32>
      %sub3A_604 = arith.constant 1.000000e+00 : f32
      %sub3A_605 = vector.broadcast %sub3A_604 : f32 to vector<16xf32>
      %sub3A_606 = arith.subf %div3A_603, %sub3A_605 : vector<16xf32>
      %add3A_607 = arith.constant 6 : i32
      %add3A_608 = arith.addi %mul3A_200, %add3A_607 : i32
      %swap3A_609 = arith.constant 0 : i32
      %swap3A_610 = arith.index_cast %swap3A_609 : i32 to index
      %swap3A_611 = arith.index_cast %add3A_608 : i32 to index
      %swap3A_612 = arith.constant 16 : index
      %swap3A_613 = tpu.vector_load %arg6[%swap3A_610, %swap3A_611, %swap3A_612] {strides = array<i32>} : memref<3x1024x32xf32, #tpu.memory_space<vmem>>, vector<1x1x16xf32>,
      %swap3A_614 = vector.shape_cast %swap3A_613 : vector<1x1x16xf32> to vector<16xf32>
      %swap3A_615 = vector.shape_cast %sub3A_606 : vector<16xf32> to vector<1x1x16xf32>
      tpu.vector_store %arg6[%swap3A_610, %swap3A_611, %swap3A_612], %swap3A_615 {strides = array<i32>} : memref<3x1024x32xf32, #tpu.memory_space<vmem>>, vector<1x1x16xf32>,
      %add3A_616 = arith.constant 7 : i32
      %add3A_617 = arith.addi %mul3A_200, %add3A_616 : i32
      %get3A_618 = arith.constant 0 : i32
      %get3A_619 = arith.index_cast %get3A_618 : i32 to index
      %get3A_620 = arith.index_cast %add3A_617 : i32 to index
      %get3A_621 = arith.constant 0 : index
      %get3A_622 = tpu.vector_load %arg6[%get3A_619, %get3A_620, %get3A_621] {strides = array<i32>} : memref<3x1024x32xf32, #tpu.memory_space<vmem>>, vector<1x1x16xf32>,
      %get3A_623 = vector.shape_cast %get3A_622 : vector<1x1x16xf32> to vector<16xf32>
      %mul3A_624 = arith.constant -2.000000e+00 : f32
      %mul3A_625 = vector.broadcast %mul3A_624 : f32 to vector<16xf32>
      %mul3A_626 = arith.mulf %get3A_623, %mul3A_625 : vector<16xf32>
      %exp3A_627 = math.exp %mul3A_626 : vector<16xf32>
      %add3A_628 = arith.constant 1.000000e+00 : f32
      %add3A_629 = vector.broadcast %add3A_628 : f32 to vector<16xf32>
      %add3A_630 = arith.addf %add3A_629, %exp3A_627 : vector<16xf32>
      %div3A_631 = arith.constant 2.000000e+00 : f32
      %div3A_632 = vector.broadcast %div3A_631 : f32 to vector<16xf32>
      %div3A_633 = arith.divf %div3A_632, %add3A_630 : vector<16xf32>
      %sub3A_634 = arith.constant 1.000000e+00 : f32
      %sub3A_635 = vector.broadcast %sub3A_634 : f32 to vector<16xf32>
      %sub3A_636 = arith.subf %div3A_633, %sub3A_635 : vector<16xf32>
      %add3A_637 = arith.constant 7 : i32
      %add3A_638 = arith.addi %mul3A_200, %add3A_637 : i32
      %swap3A_639 = arith.constant 0 : i32
      %swap3A_640 = arith.index_cast %swap3A_639 : i32 to index
      %swap3A_641 = arith.index_cast %add3A_638 : i32 to index
      %swap3A_642 = arith.constant 0 : index
      %swap3A_643 = tpu.vector_load %arg6[%swap3A_640, %swap3A_641, %swap3A_642] {strides = array<i32>} : memref<3x1024x32xf32, #tpu.memory_space<vmem>>, vector<1x1x16xf32>,
      %swap3A_644 = vector.shape_cast %swap3A_643 : vector<1x1x16xf32> to vector<16xf32>
      %swap3A_645 = vector.shape_cast %sub3A_636 : vector<16xf32> to vector<1x1x16xf32>
      tpu.vector_store %arg6[%swap3A_640, %swap3A_641, %swap3A_642], %swap3A_645 {strides = array<i32>} : memref<3x1024x32xf32, #tpu.memory_space<vmem>>, vector<1x1x16xf32>,
      %add3A_646 = arith.constant 7 : i32
      %add3A_647 = arith.addi %mul3A_200, %add3A_646 : i32
      %get3A_648 = arith.constant 0 : i32
      %get3A_649 = arith.index_cast %get3A_648 : i32 to index
      %get3A_650 = arith.index_cast %add3A_647 : i32 to index
      %get3A_651 = arith.constant 16 : index
      %get3A_652 = tpu.vector_load %arg6[%get3A_649, %get3A_650, %get3A_651] {strides = array<i32>} : memref<3x1024x32xf32, #tpu.memory_space<vmem>>, vector<1x1x16xf32>,
      %get3A_653 = vector.shape_cast %get3A_652 : vector<1x1x16xf32> to vector<16xf32>
      %mul3A_654 = arith.constant -2.000000e+00 : f32
      %mul3A_655 = vector.broadcast %mul3A_654 : f32 to vector<16xf32>
      %mul3A_656 = arith.mulf %get3A_653, %mul3A_655 : vector<16xf32>
      %exp3A_657 = math.exp %mul3A_656 : vector<16xf32>
      %add3A_658 = arith.constant 1.000000e+00 : f32
      %add3A_659 = vector.broadcast %add3A_658 : f32 to vector<16xf32>
      %add3A_660 = arith.addf %add3A_659, %exp3A_657 : vector<16xf32>
      %div3A_661 = arith.constant 2.000000e+00 : f32
      %div3A_662 = vector.broadcast %div3A_661 : f32 to vector<16xf32>
      %div3A_663 = arith.divf %div3A_662, %add3A_660 : vector<16xf32>
      %sub3A_664 = arith.constant 1.000000e+00 : f32
      %sub3A_665 = vector.broadcast %sub3A_664 : f32 to vector<16xf32>
      %sub3A_666 = arith.subf %div3A_663, %sub3A_665 : vector<16xf32>
      %add3A_667 = arith.constant 7 : i32
      %add3A_668 = arith.addi %mul3A_200, %add3A_667 : i32
      %swap3A_669 = arith.constant 0 : i32
      %swap3A_670 = arith.index_cast %swap3A_669 : i32 to index
      %swap3A_671 = arith.index_cast %add3A_668 : i32 to index
      %swap3A_672 = arith.constant 16 : index
      %swap3A_673 = tpu.vector_load %arg6[%swap3A_670, %swap3A_671, %swap3A_672] {strides = array<i32>} : memref<3x1024x32xf32, #tpu.memory_space<vmem>>, vector<1x1x16xf32>,
      %swap3A_674 = vector.shape_cast %swap3A_673 : vector<1x1x16xf32> to vector<16xf32>
      %swap3A_675 = vector.shape_cast %sub3A_666 : vector<16xf32> to vector<1x1x16xf32>
      tpu.vector_store %arg6[%swap3A_670, %swap3A_671, %swap3A_672], %swap3A_675 {strides = array<i32>} : memref<3x1024x32xf32, #tpu.memory_space<vmem>>, vector<1x1x16xf32>,
      %scan3A_676 = arith.constant 0 : i32
      scf.yield %scan3A_676 : i32
    }
    %scan3A_151 = arith.constant 128 : i32
    %add3A_152 = arith.constant 24576 : i32
    %add3A_153 = arith.addi %mul3A_2, %add3A_152 : i32
    %dma_start3A_154 = arith.constant 0 : i32
    %dma_start3A_155 = arith.constant 0 : i32
    %dma_start3A_156 = arith.constant 0 : i32
    %dma_start3A_157 = tpu.memref_slice %arg6[%dma_start3A_154, %dma_start3A_155, %dma_start3A_156] : memref<3x1024x32xf32, #tpu.memory_space<vmem>> -> memref<1x1024x32xf32, #tpu.memory_space<vmem>>
    %dma_start3A_158 = tpu.memref_squeeze %dma_start3A_157 : memref<1x1024x32xf32, #tpu.memory_space<vmem>> -> memref<1024x32xf32, #tpu.memory_space<vmem>>
    %dma_start3A_159 = arith.constant 0 : i32
    %dma_start3A_160 = tpu.memref_slice %arg4[%add3A_153, %dma_start3A_159] : memref<819200x32xf32, #tpu.memory_space<hbm>> -> memref<1024x32xf32, #tpu.memory_space<hbm>>
    %dma_start3A_161 = arith.constant 0 : i32
    %dma_start3A_162 = tpu.memref_slice %arg4[%add3A_153, %dma_start3A_161] : memref<819200x32xf32, #tpu.memory_space<hbm>> -> memref<1024x32xf32, #tpu.memory_space<hbm>>
    %dma_start3A_163 = arith.constant 0 : i32
    %dma_start3A_164 = arith.constant 0 : i32
    %dma_start3A_165 = tpu.memref_slice %arg6[%dma_start3A_154, %dma_start3A_163, %dma_start3A_164] : memref<3x1024x32xf32, #tpu.memory_space<vmem>> -> memref<1x1024x32xf32, #tpu.memory_space<vmem>>
    %dma_start3A_166 = tpu.memref_squeeze %dma_start3A_165 : memref<1x1024x32xf32, #tpu.memory_space<vmem>> -> memref<1024x32xf32, #tpu.memory_space<vmem>>
    tpu.enqueue_dma source(%dma_start3A_166 : memref<1024x32xf32, #tpu.memory_space<vmem>>) target(%dma_start3A_162 : memref<1024x32xf32, #tpu.memory_space<hbm>>) target_semaphore(%arg10 : memref<!tpu.dma_semaphore, #tpu.memory_space<semaphore_mem>>)
    %add3A_167 = arith.constant 23552 : i32
    %add3A_168 = arith.addi %mul3A_2, %add3A_167 : i32
    %dma_wait3A_169 = arith.constant 2 : i32
    %dma_wait3A_170 = arith.constant 0 : i32
    %dma_wait3A_171 = arith.constant 0 : i32
    %dma_wait3A_172 = tpu.memref_slice %arg6[%dma_wait3A_169, %dma_wait3A_170, %dma_wait3A_171] : memref<3x1024x32xf32, #tpu.memory_space<vmem>> -> memref<1x1024x32xf32, #tpu.memory_space<vmem>>
    %dma_wait3A_173 = tpu.memref_squeeze %dma_wait3A_172 : memref<1x1024x32xf32, #tpu.memory_space<vmem>> -> memref<1024x32xf32, #tpu.memory_space<vmem>>
    %dma_wait3A_174 = arith.constant 0 : i32
    %dma_wait3A_175 = tpu.memref_slice %arg4[%add3A_168, %dma_wait3A_174] : memref<819200x32xf32, #tpu.memory_space<hbm>> -> memref<1024x32xf32, #tpu.memory_space<hbm>>
    %dma_wait3A_176 = arith.constant 0 : i32
    %dma_wait3A_177 = tpu.memref_slice %arg4[%add3A_168, %dma_wait3A_176] : memref<819200x32xf32, #tpu.memory_space<hbm>> -> memref<1024x32xf32, #tpu.memory_space<hbm>>
    %dma_wait3A_178 = arith.constant 0 : i32
    %dma_wait3A_179 = arith.constant 0 : i32
    %dma_wait3A_180 = tpu.memref_slice %arg6[%dma_wait3A_169, %dma_wait3A_178, %dma_wait3A_179] : memref<3x1024x32xf32, #tpu.memory_space<vmem>> -> memref<1x1024x32xf32, #tpu.memory_space<vmem>>
    %dma_wait3A_181 = tpu.memref_squeeze %dma_wait3A_180 : memref<1x1024x32xf32, #tpu.memory_space<vmem>> -> memref<1024x32xf32, #tpu.memory_space<vmem>>
    tpu.wait_dma2 semaphore(%arg12 : memref<!tpu.dma_semaphore, #tpu.memory_space<semaphore_mem>>) src(%dma_wait3A_181 : memref<1024x32xf32, #tpu.memory_space<vmem>>) dst(%dma_wait3A_177 : memref<1024x32xf32, #tpu.memory_space<hbm>>)
    %add3A_182 = arith.constant 24576 : i32
    %add3A_183 = arith.addi %mul3A_2, %add3A_182 : i32
    %dma_wait3A_184 = arith.constant 0 : i32
    %dma_wait3A_185 = arith.constant 0 : i32
    %dma_wait3A_186 = arith.constant 0 : i32
    %dma_wait3A_187 = tpu.memref_slice %arg6[%dma_wait3A_184, %dma_wait3A_185, %dma_wait3A_186] : memref<3x1024x32xf32, #tpu.memory_space<vmem>> -> memref<1x1024x32xf32, #tpu.memory_space<vmem>>
    %dma_wait3A_188 = tpu.memref_squeeze %dma_wait3A_187 : memref<1x1024x32xf32, #tpu.memory_space<vmem>> -> memref<1024x32xf32, #tpu.memory_space<vmem>>
    %dma_wait3A_189 = arith.constant 0 : i32
    %dma_wait3A_190 = tpu.memref_slice %arg4[%add3A_183, %dma_wait3A_189] : memref<819200x32xf32, #tpu.memory_space<hbm>> -> memref<1024x32xf32, #tpu.memory_space<hbm>>
    %dma_wait3A_191 = arith.constant 0 : i32
    %dma_wait3A_192 = tpu.memref_slice %arg4[%add3A_183, %dma_wait3A_191] : memref<819200x32xf32, #tpu.memory_space<hbm>> -> memref<1024x32xf32, #tpu.memory_space<hbm>>
    %dma_wait3A_193 = arith.constant 0 : i32
    %dma_wait3A_194 = arith.constant 0 : i32
    %dma_wait3A_195 = tpu.memref_slice %arg6[%dma_wait3A_184, %dma_wait3A_193, %dma_wait3A_194] : memref<3x1024x32xf32, #tpu.memory_space<vmem>> -> memref<1x1024x32xf32, #tpu.memory_space<vmem>>
    %dma_wait3A_196 = tpu.memref_squeeze %dma_wait3A_195 : memref<1x1024x32xf32, #tpu.memory_space<vmem>> -> memref<1024x32xf32, #tpu.memory_space<vmem>>
    tpu.wait_dma2 semaphore(%arg10 : memref<!tpu.dma_semaphore, #tpu.memory_space<semaphore_mem>>) src(%dma_wait3A_196 : memref<1024x32xf32, #tpu.memory_space<vmem>>) dst(%dma_wait3A_192 : memref<1024x32xf32, #tpu.memory_space<hbm>>)
    return
  }
}

module attributes {stable_mosaic.version = 14 : i64} {
  func.func @_fmt_body(%arg0: i32, %arg1: memref<32x4096xf32, #tpu.memory_space<vmem>>, %arg2: memref<1024x128xf32, #tpu.memory_space<vmem>>) attributes {dimension_semantics = [#tpu.dimension_semantics<arbitrary>], iteration_bounds = array<i64: 245>, scalar_prefetch = 0 : i64, scratch_operands = 0 : i64, tpu.core_type = #tpu.core_type<tc>, window_params = [{transform_indices = @transform_0, window_bounds = array<i64: 32, 4096>}, {transform_indices = @transform_1, window_bounds = array<i64: 1024, 128>}]} {
    %get3A = arith.constant 0 : index
    %get3A_0 = arith.constant 0 : index
    %get3A_1 = vector.load %arg1[%get3A, %get3A_0] : memref<32x4096xf32, #tpu.memory_space<vmem>>, vector<32x4096xf32>
    %iota3A = tpu.iota {dimensions = array<i32: 0>} : vector<32x32xi32>
    %iota3A_2 = tpu.iota {dimensions = array<i32: 1>} : vector<32x32xi32>
    %eq3A = arith.cmpi eq, %iota3A, %iota3A_2 : vector<32x32xi32>
    %jit3A = arith.constant 1.000000e+00 : f32
    %jit3A_3 = arith.constant 0.000000e+00 : f32
    %broadcast_in_dim3A = vector.broadcast %jit3A : f32 to vector<32x32xf32>
    %broadcast_in_dim3A_4 = vector.broadcast %jit3A_3 : f32 to vector<32x32xf32>
    %select_n3A = arith.select %eq3A, %broadcast_in_dim3A, %broadcast_in_dim3A_4 : vector<32x32xi1>, vector<32x32xf32>
    %dot_general3A = arith.constant dense<0.000000e+00> : vector<4096x32xf32>
    %dot_general3A_5 = tpu.matmul %get3A_1, %select_n3A, %dot_general3A {dimension_numbers = #tpu.dot_dimension_numbers<[0], [0], [1], [1], [0, 1, 1, 1], [], []>, transpose_lhs_hint = false} : vector<32x4096xf32>, vector<32x32xf32>, vector<4096x32xf32> -> vector<4096x32xf32>
    %reshape3A = vector.shape_cast %dot_general3A_5 : vector<4096x32xf32> to vector<1024x4x32xf32>
    %slice3A = vector.extract_strided_slice %reshape3A {offsets = [0, 0, 0], sizes = [1024, 1, 32], strides = [1, 1, 1]} : vector<1024x4x32xf32> to vector<1024x1x32xf32>
    %squeeze3A = vector.shape_cast %slice3A : vector<1024x1x32xf32> to vector<1024x32xf32>
    %slice3A_6 = vector.extract_strided_slice %reshape3A {offsets = [0, 1, 0], sizes = [1024, 1, 32], strides = [1, 1, 1]} : vector<1024x4x32xf32> to vector<1024x1x32xf32>
    %squeeze3A_7 = vector.shape_cast %slice3A_6 : vector<1024x1x32xf32> to vector<1024x32xf32>
    %slice3A_8 = vector.extract_strided_slice %reshape3A {offsets = [0, 2, 0], sizes = [1024, 1, 32], strides = [1, 1, 1]} : vector<1024x4x32xf32> to vector<1024x1x32xf32>
    %squeeze3A_9 = vector.shape_cast %slice3A_8 : vector<1024x1x32xf32> to vector<1024x32xf32>
    %slice3A_10 = vector.extract_strided_slice %reshape3A {offsets = [0, 3, 0], sizes = [1024, 1, 32], strides = [1, 1, 1]} : vector<1024x4x32xf32> to vector<1024x1x32xf32>
    %squeeze3A_11 = vector.shape_cast %slice3A_10 : vector<1024x1x32xf32> to vector<1024x32xf32>
    %concatenate3A = tpu.concatenate %squeeze3A, %squeeze3A_7, %squeeze3A_9, %squeeze3A_11 in 1 : vector<1024x32xf32>, vector<1024x32xf32>, vector<1024x32xf32>, vector<1024x32xf32> -> vector<1024x128xf32>
    %swap3A = arith.constant 0 : index
    %swap3A_12 = arith.constant 0 : index
    %swap3A_13 = vector.load %arg2[%swap3A, %swap3A_12] : memref<1024x128xf32, #tpu.memory_space<vmem>>, vector<1024x128xf32>
    tpu.vector_store %arg2[%swap3A, %swap3A_12], %concatenate3A {strides = array<i32>} : memref<1024x128xf32, #tpu.memory_space<vmem>>, vector<1024x128xf32>,
    return
  }
  func.func @transform_0(%arg0: i32) -> (i32, i32) {
    %c0_i32 = arith.constant 0 : i32
    %c0_i32_0 = arith.constant 0 : i32
    return %c0_i32, %arg0 : i32, i32
  }
  func.func @transform_1(%arg0: i32) -> (i32, i32) {
    %c0_i32 = arith.constant 0 : i32
    %c0_i32_0 = arith.constant 0 : i32
    return %arg0, %c0_i32 : i32, i32
  }
}

module attributes {stable_mosaic.version = 14 : i64} {
  func.func @_unt_body(%arg0: i32, %arg1: memref<1x1024x128xf32, #tpu.memory_space<vmem>>, %arg2: memref<1x4x32x8x128xf32, #tpu.memory_space<vmem>>) attributes {dimension_semantics = [#tpu.dimension_semantics<arbitrary>], iteration_bounds = array<i64: 200>, scalar_prefetch = 0 : i64, scratch_operands = 0 : i64, tpu.core_type = #tpu.core_type<tc>, window_params = [{transform_indices = @transform_0, window_bounds = array<i64: 1, 1024, 128>}, {transform_indices = @transform_1, window_bounds = array<i64: 1, 4, 32, 8, 128>}]} {
    %iota3A = tpu.iota {dimensions = array<i32: 0>} : vector<32x32xi32>
    %iota3A_0 = tpu.iota {dimensions = array<i32: 1>} : vector<32x32xi32>
    %eq3A = arith.cmpi eq, %iota3A, %iota3A_0 : vector<32x32xi32>
    %jit3A = arith.constant 1.000000e+00 : f32
    %jit3A_1 = arith.constant 0.000000e+00 : f32
    %broadcast_in_dim3A = vector.broadcast %jit3A : f32 to vector<32x32xf32>
    %broadcast_in_dim3A_2 = vector.broadcast %jit3A_1 : f32 to vector<32x32xf32>
    %select_n3A = arith.select %eq3A, %broadcast_in_dim3A, %broadcast_in_dim3A_2 : vector<32x32xi1>, vector<32x32xf32>
    %get3A = arith.constant 0 : index
    %get3A_3 = arith.constant 0 : index
    %get3A_4 = arith.constant 0 : index
    %get3A_5 = vector.load %arg1[%get3A, %get3A_3, %get3A_4] : memref<1x1024x128xf32, #tpu.memory_space<vmem>>, vector<1x32x128xf32>
    %get3A_6 = vector.shape_cast %get3A_5 : vector<1x32x128xf32> to vector<32x128xf32>
    %dot_general3A = arith.constant dense<0.000000e+00> : vector<128x32xf32>
    %dot_general3A_7 = tpu.matmul %get3A_6, %select_n3A, %dot_general3A {dimension_numbers = #tpu.dot_dimension_numbers<[0], [0], [1], [1], [0, 1, 1, 1], [], []>, transpose_lhs_hint = false} : vector<32x128xf32>, vector<32x32xf32>, vector<128x32xf32> -> vector<128x32xf32>
    %slice3A = vector.extract_strided_slice %dot_general3A_7 {offsets = [0, 0], sizes = [32, 32], strides = [1, 1]} : vector<128x32xf32> to vector<32x32xf32>
    %slice3A_8 = vector.extract_strided_slice %dot_general3A_7 {offsets = [32, 0], sizes = [32, 32], strides = [1, 1]} : vector<128x32xf32> to vector<32x32xf32>
    %slice3A_9 = vector.extract_strided_slice %dot_general3A_7 {offsets = [64, 0], sizes = [32, 32], strides = [1, 1]} : vector<128x32xf32> to vector<32x32xf32>
    %slice3A_10 = vector.extract_strided_slice %dot_general3A_7 {offsets = [96, 0], sizes = [32, 32], strides = [1, 1]} : vector<128x32xf32> to vector<32x32xf32>
    %concatenate3A = tpu.concatenate %slice3A, %slice3A_8, %slice3A_9, %slice3A_10 in 1 : vector<32x32xf32>, vector<32x32xf32>, vector<32x32xf32>, vector<32x32xf32> -> vector<32x128xf32>
    %reshape3A = vector.shape_cast %concatenate3A : vector<32x128xf32> to vector<4x8x128xf32>
    %swap3A = arith.constant 0 : index
    %swap3A_11 = arith.constant 0 : index
    %swap3A_12 = arith.constant 0 : index
    %swap3A_13 = arith.constant 0 : index
    %swap3A_14 = arith.constant 0 : index
    %swap3A_15 = vector.load %arg2[%swap3A, %swap3A_11, %swap3A_12, %swap3A_13, %swap3A_14] : memref<1x4x32x8x128xf32, #tpu.memory_space<vmem>>, vector<1x4x1x8x128xf32>
    %swap3A_16 = vector.shape_cast %swap3A_15 : vector<1x4x1x8x128xf32> to vector<4x8x128xf32>
    %swap3A_17 = vector.shape_cast %reshape3A : vector<4x8x128xf32> to vector<1x4x1x8x128xf32>
    tpu.vector_store %arg2[%swap3A, %swap3A_11, %swap3A_12, %swap3A_13, %swap3A_14], %swap3A_17 {strides = array<i32>} : memref<1x4x32x8x128xf32, #tpu.memory_space<vmem>>, vector<1x4x1x8x128xf32>,
    %get3A_18 = arith.constant 0 : index
    %get3A_19 = arith.constant 32 : index
    %get3A_20 = arith.constant 0 : index
    %get3A_21 = vector.load %arg1[%get3A_18, %get3A_19, %get3A_20] : memref<1x1024x128xf32, #tpu.memory_space<vmem>>, vector<1x32x128xf32>
    %get3A_22 = vector.shape_cast %get3A_21 : vector<1x32x128xf32> to vector<32x128xf32>
    %dot_general3A_23 = arith.constant dense<0.000000e+00> : vector<128x32xf32>
    %dot_general3A_24 = tpu.matmul %get3A_22, %select_n3A, %dot_general3A_23 {dimension_numbers = #tpu.dot_dimension_numbers<[0], [0], [1], [1], [0, 1, 1, 1], [], []>, transpose_lhs_hint = false} : vector<32x128xf32>, vector<32x32xf32>, vector<128x32xf32> -> vector<128x32xf32>
    %slice3A_25 = vector.extract_strided_slice %dot_general3A_24 {offsets = [0, 0], sizes = [32, 32], strides = [1, 1]} : vector<128x32xf32> to vector<32x32xf32>
    %slice3A_26 = vector.extract_strided_slice %dot_general3A_24 {offsets = [32, 0], sizes = [32, 32], strides = [1, 1]} : vector<128x32xf32> to vector<32x32xf32>
    %slice3A_27 = vector.extract_strided_slice %dot_general3A_24 {offsets = [64, 0], sizes = [32, 32], strides = [1, 1]} : vector<128x32xf32> to vector<32x32xf32>
    %slice3A_28 = vector.extract_strided_slice %dot_general3A_24 {offsets = [96, 0], sizes = [32, 32], strides = [1, 1]} : vector<128x32xf32> to vector<32x32xf32>
    %concatenate3A_29 = tpu.concatenate %slice3A_25, %slice3A_26, %slice3A_27, %slice3A_28 in 1 : vector<32x32xf32>, vector<32x32xf32>, vector<32x32xf32>, vector<32x32xf32> -> vector<32x128xf32>
    %reshape3A_30 = vector.shape_cast %concatenate3A_29 : vector<32x128xf32> to vector<4x8x128xf32>
    %swap3A_31 = arith.constant 0 : index
    %swap3A_32 = arith.constant 0 : index
    %swap3A_33 = arith.constant 1 : index
    %swap3A_34 = arith.constant 0 : index
    %swap3A_35 = arith.constant 0 : index
    %swap3A_36 = vector.load %arg2[%swap3A_31, %swap3A_32, %swap3A_33, %swap3A_34, %swap3A_35] : memref<1x4x32x8x128xf32, #tpu.memory_space<vmem>>, vector<1x4x1x8x128xf32>
    %swap3A_37 = vector.shape_cast %swap3A_36 : vector<1x4x1x8x128xf32> to vector<4x8x128xf32>
    %swap3A_38 = vector.shape_cast %reshape3A_30 : vector<4x8x128xf32> to vector<1x4x1x8x128xf32>
    tpu.vector_store %arg2[%swap3A_31, %swap3A_32, %swap3A_33, %swap3A_34, %swap3A_35], %swap3A_38 {strides = array<i32>} : memref<1x4x32x8x128xf32, #tpu.memory_space<vmem>>, vector<1x4x1x8x128xf32>,
    %get3A_39 = arith.constant 0 : index
    %get3A_40 = arith.constant 64 : index
    %get3A_41 = arith.constant 0 : index
    %get3A_42 = vector.load %arg1[%get3A_39, %get3A_40, %get3A_41] : memref<1x1024x128xf32, #tpu.memory_space<vmem>>, vector<1x32x128xf32>
    %get3A_43 = vector.shape_cast %get3A_42 : vector<1x32x128xf32> to vector<32x128xf32>
    %dot_general3A_44 = arith.constant dense<0.000000e+00> : vector<128x32xf32>
    %dot_general3A_45 = tpu.matmul %get3A_43, %select_n3A, %dot_general3A_44 {dimension_numbers = #tpu.dot_dimension_numbers<[0], [0], [1], [1], [0, 1, 1, 1], [], []>, transpose_lhs_hint = false} : vector<32x128xf32>, vector<32x32xf32>, vector<128x32xf32> -> vector<128x32xf32>
    %slice3A_46 = vector.extract_strided_slice %dot_general3A_45 {offsets = [0, 0], sizes = [32, 32], strides = [1, 1]} : vector<128x32xf32> to vector<32x32xf32>
    %slice3A_47 = vector.extract_strided_slice %dot_general3A_45 {offsets = [32, 0], sizes = [32, 32], strides = [1, 1]} : vector<128x32xf32> to vector<32x32xf32>
    %slice3A_48 = vector.extract_strided_slice %dot_general3A_45 {offsets = [64, 0], sizes = [32, 32], strides = [1, 1]} : vector<128x32xf32> to vector<32x32xf32>
    %slice3A_49 = vector.extract_strided_slice %dot_general3A_45 {offsets = [96, 0], sizes = [32, 32], strides = [1, 1]} : vector<128x32xf32> to vector<32x32xf32>
    %concatenate3A_50 = tpu.concatenate %slice3A_46, %slice3A_47, %slice3A_48, %slice3A_49 in 1 : vector<32x32xf32>, vector<32x32xf32>, vector<32x32xf32>, vector<32x32xf32> -> vector<32x128xf32>
    %reshape3A_51 = vector.shape_cast %concatenate3A_50 : vector<32x128xf32> to vector<4x8x128xf32>
    %swap3A_52 = arith.constant 0 : index
    %swap3A_53 = arith.constant 0 : index
    %swap3A_54 = arith.constant 2 : index
    %swap3A_55 = arith.constant 0 : index
    %swap3A_56 = arith.constant 0 : index
    %swap3A_57 = vector.load %arg2[%swap3A_52, %swap3A_53, %swap3A_54, %swap3A_55, %swap3A_56] : memref<1x4x32x8x128xf32, #tpu.memory_space<vmem>>, vector<1x4x1x8x128xf32>
    %swap3A_58 = vector.shape_cast %swap3A_57 : vector<1x4x1x8x128xf32> to vector<4x8x128xf32>
    %swap3A_59 = vector.shape_cast %reshape3A_51 : vector<4x8x128xf32> to vector<1x4x1x8x128xf32>
    tpu.vector_store %arg2[%swap3A_52, %swap3A_53, %swap3A_54, %swap3A_55, %swap3A_56], %swap3A_59 {strides = array<i32>} : memref<1x4x32x8x128xf32, #tpu.memory_space<vmem>>, vector<1x4x1x8x128xf32>,
    %get3A_60 = arith.constant 0 : index
    %get3A_61 = arith.constant 96 : index
    %get3A_62 = arith.constant 0 : index
    %get3A_63 = vector.load %arg1[%get3A_60, %get3A_61, %get3A_62] : memref<1x1024x128xf32, #tpu.memory_space<vmem>>, vector<1x32x128xf32>
    %get3A_64 = vector.shape_cast %get3A_63 : vector<1x32x128xf32> to vector<32x128xf32>
    %dot_general3A_65 = arith.constant dense<0.000000e+00> : vector<128x32xf32>
    %dot_general3A_66 = tpu.matmul %get3A_64, %select_n3A, %dot_general3A_65 {dimension_numbers = #tpu.dot_dimension_numbers<[0], [0], [1], [1], [0, 1, 1, 1], [], []>, transpose_lhs_hint = false} : vector<32x128xf32>, vector<32x32xf32>, vector<128x32xf32> -> vector<128x32xf32>
    %slice3A_67 = vector.extract_strided_slice %dot_general3A_66 {offsets = [0, 0], sizes = [32, 32], strides = [1, 1]} : vector<128x32xf32> to vector<32x32xf32>
    %slice3A_68 = vector.extract_strided_slice %dot_general3A_66 {offsets = [32, 0], sizes = [32, 32], strides = [1, 1]} : vector<128x32xf32> to vector<32x32xf32>
    %slice3A_69 = vector.extract_strided_slice %dot_general3A_66 {offsets = [64, 0], sizes = [32, 32], strides = [1, 1]} : vector<128x32xf32> to vector<32x32xf32>
    %slice3A_70 = vector.extract_strided_slice %dot_general3A_66 {offsets = [96, 0], sizes = [32, 32], strides = [1, 1]} : vector<128x32xf32> to vector<32x32xf32>
    %concatenate3A_71 = tpu.concatenate %slice3A_67, %slice3A_68, %slice3A_69, %slice3A_70 in 1 : vector<32x32xf32>, vector<32x32xf32>, vector<32x32xf32>, vector<32x32xf32> -> vector<32x128xf32>
    %reshape3A_72 = vector.shape_cast %concatenate3A_71 : vector<32x128xf32> to vector<4x8x128xf32>
    %swap3A_73 = arith.constant 0 : index
    %swap3A_74 = arith.constant 0 : index
    %swap3A_75 = arith.constant 3 : index
    %swap3A_76 = arith.constant 0 : index
    %swap3A_77 = arith.constant 0 : index
    %swap3A_78 = vector.load %arg2[%swap3A_73, %swap3A_74, %swap3A_75, %swap3A_76, %swap3A_77] : memref<1x4x32x8x128xf32, #tpu.memory_space<vmem>>, vector<1x4x1x8x128xf32>
    %swap3A_79 = vector.shape_cast %swap3A_78 : vector<1x4x1x8x128xf32> to vector<4x8x128xf32>
    %swap3A_80 = vector.shape_cast %reshape3A_72 : vector<4x8x128xf32> to vector<1x4x1x8x128xf32>
    tpu.vector_store %arg2[%swap3A_73, %swap3A_74, %swap3A_75, %swap3A_76, %swap3A_77], %swap3A_80 {strides = array<i32>} : memref<1x4x32x8x128xf32, #tpu.memory_space<vmem>>, vector<1x4x1x8x128xf32>,
    %get3A_81 = arith.constant 0 : index
    %get3A_82 = arith.constant 128 : index
    %get3A_83 = arith.constant 0 : index
    %get3A_84 = vector.load %arg1[%get3A_81, %get3A_82, %get3A_83] : memref<1x1024x128xf32, #tpu.memory_space<vmem>>, vector<1x32x128xf32>
    %get3A_85 = vector.shape_cast %get3A_84 : vector<1x32x128xf32> to vector<32x128xf32>
    %dot_general3A_86 = arith.constant dense<0.000000e+00> : vector<128x32xf32>
    %dot_general3A_87 = tpu.matmul %get3A_85, %select_n3A, %dot_general3A_86 {dimension_numbers = #tpu.dot_dimension_numbers<[0], [0], [1], [1], [0, 1, 1, 1], [], []>, transpose_lhs_hint = false} : vector<32x128xf32>, vector<32x32xf32>, vector<128x32xf32> -> vector<128x32xf32>
    %slice3A_88 = vector.extract_strided_slice %dot_general3A_87 {offsets = [0, 0], sizes = [32, 32], strides = [1, 1]} : vector<128x32xf32> to vector<32x32xf32>
    %slice3A_89 = vector.extract_strided_slice %dot_general3A_87 {offsets = [32, 0], sizes = [32, 32], strides = [1, 1]} : vector<128x32xf32> to vector<32x32xf32>
    %slice3A_90 = vector.extract_strided_slice %dot_general3A_87 {offsets = [64, 0], sizes = [32, 32], strides = [1, 1]} : vector<128x32xf32> to vector<32x32xf32>
    %slice3A_91 = vector.extract_strided_slice %dot_general3A_87 {offsets = [96, 0], sizes = [32, 32], strides = [1, 1]} : vector<128x32xf32> to vector<32x32xf32>
    %concatenate3A_92 = tpu.concatenate %slice3A_88, %slice3A_89, %slice3A_90, %slice3A_91 in 1 : vector<32x32xf32>, vector<32x32xf32>, vector<32x32xf32>, vector<32x32xf32> -> vector<32x128xf32>
    %reshape3A_93 = vector.shape_cast %concatenate3A_92 : vector<32x128xf32> to vector<4x8x128xf32>
    %swap3A_94 = arith.constant 0 : index
    %swap3A_95 = arith.constant 0 : index
    %swap3A_96 = arith.constant 4 : index
    %swap3A_97 = arith.constant 0 : index
    %swap3A_98 = arith.constant 0 : index
    %swap3A_99 = vector.load %arg2[%swap3A_94, %swap3A_95, %swap3A_96, %swap3A_97, %swap3A_98] : memref<1x4x32x8x128xf32, #tpu.memory_space<vmem>>, vector<1x4x1x8x128xf32>
    %swap3A_100 = vector.shape_cast %swap3A_99 : vector<1x4x1x8x128xf32> to vector<4x8x128xf32>
    %swap3A_101 = vector.shape_cast %reshape3A_93 : vector<4x8x128xf32> to vector<1x4x1x8x128xf32>
    tpu.vector_store %arg2[%swap3A_94, %swap3A_95, %swap3A_96, %swap3A_97, %swap3A_98], %swap3A_101 {strides = array<i32>} : memref<1x4x32x8x128xf32, #tpu.memory_space<vmem>>, vector<1x4x1x8x128xf32>,
    %get3A_102 = arith.constant 0 : index
    %get3A_103 = arith.constant 160 : index
    %get3A_104 = arith.constant 0 : index
    %get3A_105 = vector.load %arg1[%get3A_102, %get3A_103, %get3A_104] : memref<1x1024x128xf32, #tpu.memory_space<vmem>>, vector<1x32x128xf32>
    %get3A_106 = vector.shape_cast %get3A_105 : vector<1x32x128xf32> to vector<32x128xf32>
    %dot_general3A_107 = arith.constant dense<0.000000e+00> : vector<128x32xf32>
    %dot_general3A_108 = tpu.matmul %get3A_106, %select_n3A, %dot_general3A_107 {dimension_numbers = #tpu.dot_dimension_numbers<[0], [0], [1], [1], [0, 1, 1, 1], [], []>, transpose_lhs_hint = false} : vector<32x128xf32>, vector<32x32xf32>, vector<128x32xf32> -> vector<128x32xf32>
    %slice3A_109 = vector.extract_strided_slice %dot_general3A_108 {offsets = [0, 0], sizes = [32, 32], strides = [1, 1]} : vector<128x32xf32> to vector<32x32xf32>
    %slice3A_110 = vector.extract_strided_slice %dot_general3A_108 {offsets = [32, 0], sizes = [32, 32], strides = [1, 1]} : vector<128x32xf32> to vector<32x32xf32>
    %slice3A_111 = vector.extract_strided_slice %dot_general3A_108 {offsets = [64, 0], sizes = [32, 32], strides = [1, 1]} : vector<128x32xf32> to vector<32x32xf32>
    %slice3A_112 = vector.extract_strided_slice %dot_general3A_108 {offsets = [96, 0], sizes = [32, 32], strides = [1, 1]} : vector<128x32xf32> to vector<32x32xf32>
    %concatenate3A_113 = tpu.concatenate %slice3A_109, %slice3A_110, %slice3A_111, %slice3A_112 in 1 : vector<32x32xf32>, vector<32x32xf32>, vector<32x32xf32>, vector<32x32xf32> -> vector<32x128xf32>
    %reshape3A_114 = vector.shape_cast %concatenate3A_113 : vector<32x128xf32> to vector<4x8x128xf32>
    %swap3A_115 = arith.constant 0 : index
    %swap3A_116 = arith.constant 0 : index
    %swap3A_117 = arith.constant 5 : index
    %swap3A_118 = arith.constant 0 : index
    %swap3A_119 = arith.constant 0 : index
    %swap3A_120 = vector.load %arg2[%swap3A_115, %swap3A_116, %swap3A_117, %swap3A_118, %swap3A_119] : memref<1x4x32x8x128xf32, #tpu.memory_space<vmem>>, vector<1x4x1x8x128xf32>
    %swap3A_121 = vector.shape_cast %swap3A_120 : vector<1x4x1x8x128xf32> to vector<4x8x128xf32>
    %swap3A_122 = vector.shape_cast %reshape3A_114 : vector<4x8x128xf32> to vector<1x4x1x8x128xf32>
    tpu.vector_store %arg2[%swap3A_115, %swap3A_116, %swap3A_117, %swap3A_118, %swap3A_119], %swap3A_122 {strides = array<i32>} : memref<1x4x32x8x128xf32, #tpu.memory_space<vmem>>, vector<1x4x1x8x128xf32>,
    %get3A_123 = arith.constant 0 : index
    %get3A_124 = arith.constant 192 : index
    %get3A_125 = arith.constant 0 : index
    %get3A_126 = vector.load %arg1[%get3A_123, %get3A_124, %get3A_125] : memref<1x1024x128xf32, #tpu.memory_space<vmem>>, vector<1x32x128xf32>
    %get3A_127 = vector.shape_cast %get3A_126 : vector<1x32x128xf32> to vector<32x128xf32>
    %dot_general3A_128 = arith.constant dense<0.000000e+00> : vector<128x32xf32>
    %dot_general3A_129 = tpu.matmul %get3A_127, %select_n3A, %dot_general3A_128 {dimension_numbers = #tpu.dot_dimension_numbers<[0], [0], [1], [1], [0, 1, 1, 1], [], []>, transpose_lhs_hint = false} : vector<32x128xf32>, vector<32x32xf32>, vector<128x32xf32> -> vector<128x32xf32>
    %slice3A_130 = vector.extract_strided_slice %dot_general3A_129 {offsets = [0, 0], sizes = [32, 32], strides = [1, 1]} : vector<128x32xf32> to vector<32x32xf32>
    %slice3A_131 = vector.extract_strided_slice %dot_general3A_129 {offsets = [32, 0], sizes = [32, 32], strides = [1, 1]} : vector<128x32xf32> to vector<32x32xf32>
    %slice3A_132 = vector.extract_strided_slice %dot_general3A_129 {offsets = [64, 0], sizes = [32, 32], strides = [1, 1]} : vector<128x32xf32> to vector<32x32xf32>
    %slice3A_133 = vector.extract_strided_slice %dot_general3A_129 {offsets = [96, 0], sizes = [32, 32], strides = [1, 1]} : vector<128x32xf32> to vector<32x32xf32>
    %concatenate3A_134 = tpu.concatenate %slice3A_130, %slice3A_131, %slice3A_132, %slice3A_133 in 1 : vector<32x32xf32>, vector<32x32xf32>, vector<32x32xf32>, vector<32x32xf32> -> vector<32x128xf32>
    %reshape3A_135 = vector.shape_cast %concatenate3A_134 : vector<32x128xf32> to vector<4x8x128xf32>
    %swap3A_136 = arith.constant 0 : index
    %swap3A_137 = arith.constant 0 : index
    %swap3A_138 = arith.constant 6 : index
    %swap3A_139 = arith.constant 0 : index
    %swap3A_140 = arith.constant 0 : index
    %swap3A_141 = vector.load %arg2[%swap3A_136, %swap3A_137, %swap3A_138, %swap3A_139, %swap3A_140] : memref<1x4x32x8x128xf32, #tpu.memory_space<vmem>>, vector<1x4x1x8x128xf32>
    %swap3A_142 = vector.shape_cast %swap3A_141 : vector<1x4x1x8x128xf32> to vector<4x8x128xf32>
    %swap3A_143 = vector.shape_cast %reshape3A_135 : vector<4x8x128xf32> to vector<1x4x1x8x128xf32>
    tpu.vector_store %arg2[%swap3A_136, %swap3A_137, %swap3A_138, %swap3A_139, %swap3A_140], %swap3A_143 {strides = array<i32>} : memref<1x4x32x8x128xf32, #tpu.memory_space<vmem>>, vector<1x4x1x8x128xf32>,
    %get3A_144 = arith.constant 0 : index
    %get3A_145 = arith.constant 224 : index
    %get3A_146 = arith.constant 0 : index
    %get3A_147 = vector.load %arg1[%get3A_144, %get3A_145, %get3A_146] : memref<1x1024x128xf32, #tpu.memory_space<vmem>>, vector<1x32x128xf32>
    %get3A_148 = vector.shape_cast %get3A_147 : vector<1x32x128xf32> to vector<32x128xf32>
    %dot_general3A_149 = arith.constant dense<0.000000e+00> : vector<128x32xf32>
    %dot_general3A_150 = tpu.matmul %get3A_148, %select_n3A, %dot_general3A_149 {dimension_numbers = #tpu.dot_dimension_numbers<[0], [0], [1], [1], [0, 1, 1, 1], [], []>, transpose_lhs_hint = false} : vector<32x128xf32>, vector<32x32xf32>, vector<128x32xf32> -> vector<128x32xf32>
    %slice3A_151 = vector.extract_strided_slice %dot_general3A_150 {offsets = [0, 0], sizes = [32, 32], strides = [1, 1]} : vector<128x32xf32> to vector<32x32xf32>
    %slice3A_152 = vector.extract_strided_slice %dot_general3A_150 {offsets = [32, 0], sizes = [32, 32], strides = [1, 1]} : vector<128x32xf32> to vector<32x32xf32>
    %slice3A_153 = vector.extract_strided_slice %dot_general3A_150 {offsets = [64, 0], sizes = [32, 32], strides = [1, 1]} : vector<128x32xf32> to vector<32x32xf32>
    %slice3A_154 = vector.extract_strided_slice %dot_general3A_150 {offsets = [96, 0], sizes = [32, 32], strides = [1, 1]} : vector<128x32xf32> to vector<32x32xf32>
    %concatenate3A_155 = tpu.concatenate %slice3A_151, %slice3A_152, %slice3A_153, %slice3A_154 in 1 : vector<32x32xf32>, vector<32x32xf32>, vector<32x32xf32>, vector<32x32xf32> -> vector<32x128xf32>
    %reshape3A_156 = vector.shape_cast %concatenate3A_155 : vector<32x128xf32> to vector<4x8x128xf32>
    %swap3A_157 = arith.constant 0 : index
    %swap3A_158 = arith.constant 0 : index
    %swap3A_159 = arith.constant 7 : index
    %swap3A_160 = arith.constant 0 : index
    %swap3A_161 = arith.constant 0 : index
    %swap3A_162 = vector.load %arg2[%swap3A_157, %swap3A_158, %swap3A_159, %swap3A_160, %swap3A_161] : memref<1x4x32x8x128xf32, #tpu.memory_space<vmem>>, vector<1x4x1x8x128xf32>
    %swap3A_163 = vector.shape_cast %swap3A_162 : vector<1x4x1x8x128xf32> to vector<4x8x128xf32>
    %swap3A_164 = vector.shape_cast %reshape3A_156 : vector<4x8x128xf32> to vector<1x4x1x8x128xf32>
    tpu.vector_store %arg2[%swap3A_157, %swap3A_158, %swap3A_159, %swap3A_160, %swap3A_161], %swap3A_164 {strides = array<i32>} : memref<1x4x32x8x128xf32, #tpu.memory_space<vmem>>, vector<1x4x1x8x128xf32>,
    %get3A_165 = arith.constant 0 : index
    %get3A_166 = arith.constant 256 : index
    %get3A_167 = arith.constant 0 : index
    %get3A_168 = vector.load %arg1[%get3A_165, %get3A_166, %get3A_167] : memref<1x1024x128xf32, #tpu.memory_space<vmem>>, vector<1x32x128xf32>
    %get3A_169 = vector.shape_cast %get3A_168 : vector<1x32x128xf32> to vector<32x128xf32>
    %dot_general3A_170 = arith.constant dense<0.000000e+00> : vector<128x32xf32>
    %dot_general3A_171 = tpu.matmul %get3A_169, %select_n3A, %dot_general3A_170 {dimension_numbers = #tpu.dot_dimension_numbers<[0], [0], [1], [1], [0, 1, 1, 1], [], []>, transpose_lhs_hint = false} : vector<32x128xf32>, vector<32x32xf32>, vector<128x32xf32> -> vector<128x32xf32>
    %slice3A_172 = vector.extract_strided_slice %dot_general3A_171 {offsets = [0, 0], sizes = [32, 32], strides = [1, 1]} : vector<128x32xf32> to vector<32x32xf32>
    %slice3A_173 = vector.extract_strided_slice %dot_general3A_171 {offsets = [32, 0], sizes = [32, 32], strides = [1, 1]} : vector<128x32xf32> to vector<32x32xf32>
    %slice3A_174 = vector.extract_strided_slice %dot_general3A_171 {offsets = [64, 0], sizes = [32, 32], strides = [1, 1]} : vector<128x32xf32> to vector<32x32xf32>
    %slice3A_175 = vector.extract_strided_slice %dot_general3A_171 {offsets = [96, 0], sizes = [32, 32], strides = [1, 1]} : vector<128x32xf32> to vector<32x32xf32>
    %concatenate3A_176 = tpu.concatenate %slice3A_172, %slice3A_173, %slice3A_174, %slice3A_175 in 1 : vector<32x32xf32>, vector<32x32xf32>, vector<32x32xf32>, vector<32x32xf32> -> vector<32x128xf32>
    %reshape3A_177 = vector.shape_cast %concatenate3A_176 : vector<32x128xf32> to vector<4x8x128xf32>
    %swap3A_178 = arith.constant 0 : index
    %swap3A_179 = arith.constant 0 : index
    %swap3A_180 = arith.constant 8 : index
    %swap3A_181 = arith.constant 0 : index
    %swap3A_182 = arith.constant 0 : index
    %swap3A_183 = vector.load %arg2[%swap3A_178, %swap3A_179, %swap3A_180, %swap3A_181, %swap3A_182] : memref<1x4x32x8x128xf32, #tpu.memory_space<vmem>>, vector<1x4x1x8x128xf32>
    %swap3A_184 = vector.shape_cast %swap3A_183 : vector<1x4x1x8x128xf32> to vector<4x8x128xf32>
    %swap3A_185 = vector.shape_cast %reshape3A_177 : vector<4x8x128xf32> to vector<1x4x1x8x128xf32>
    tpu.vector_store %arg2[%swap3A_178, %swap3A_179, %swap3A_180, %swap3A_181, %swap3A_182], %swap3A_185 {strides = array<i32>} : memref<1x4x32x8x128xf32, #tpu.memory_space<vmem>>, vector<1x4x1x8x128xf32>,
    %get3A_186 = arith.constant 0 : index
    %get3A_187 = arith.constant 288 : index
    %get3A_188 = arith.constant 0 : index
    %get3A_189 = vector.load %arg1[%get3A_186, %get3A_187, %get3A_188] : memref<1x1024x128xf32, #tpu.memory_space<vmem>>, vector<1x32x128xf32>
    %get3A_190 = vector.shape_cast %get3A_189 : vector<1x32x128xf32> to vector<32x128xf32>
    %dot_general3A_191 = arith.constant dense<0.000000e+00> : vector<128x32xf32>
    %dot_general3A_192 = tpu.matmul %get3A_190, %select_n3A, %dot_general3A_191 {dimension_numbers = #tpu.dot_dimension_numbers<[0], [0], [1], [1], [0, 1, 1, 1], [], []>, transpose_lhs_hint = false} : vector<32x128xf32>, vector<32x32xf32>, vector<128x32xf32> -> vector<128x32xf32>
    %slice3A_193 = vector.extract_strided_slice %dot_general3A_192 {offsets = [0, 0], sizes = [32, 32], strides = [1, 1]} : vector<128x32xf32> to vector<32x32xf32>
    %slice3A_194 = vector.extract_strided_slice %dot_general3A_192 {offsets = [32, 0], sizes = [32, 32], strides = [1, 1]} : vector<128x32xf32> to vector<32x32xf32>
    %slice3A_195 = vector.extract_strided_slice %dot_general3A_192 {offsets = [64, 0], sizes = [32, 32], strides = [1, 1]} : vector<128x32xf32> to vector<32x32xf32>
    %slice3A_196 = vector.extract_strided_slice %dot_general3A_192 {offsets = [96, 0], sizes = [32, 32], strides = [1, 1]} : vector<128x32xf32> to vector<32x32xf32>
    %concatenate3A_197 = tpu.concatenate %slice3A_193, %slice3A_194, %slice3A_195, %slice3A_196 in 1 : vector<32x32xf32>, vector<32x32xf32>, vector<32x32xf32>, vector<32x32xf32> -> vector<32x128xf32>
    %reshape3A_198 = vector.shape_cast %concatenate3A_197 : vector<32x128xf32> to vector<4x8x128xf32>
    %swap3A_199 = arith.constant 0 : index
    %swap3A_200 = arith.constant 0 : index
    %swap3A_201 = arith.constant 9 : index
    %swap3A_202 = arith.constant 0 : index
    %swap3A_203 = arith.constant 0 : index
    %swap3A_204 = vector.load %arg2[%swap3A_199, %swap3A_200, %swap3A_201, %swap3A_202, %swap3A_203] : memref<1x4x32x8x128xf32, #tpu.memory_space<vmem>>, vector<1x4x1x8x128xf32>
    %swap3A_205 = vector.shape_cast %swap3A_204 : vector<1x4x1x8x128xf32> to vector<4x8x128xf32>
    %swap3A_206 = vector.shape_cast %reshape3A_198 : vector<4x8x128xf32> to vector<1x4x1x8x128xf32>
    tpu.vector_store %arg2[%swap3A_199, %swap3A_200, %swap3A_201, %swap3A_202, %swap3A_203], %swap3A_206 {strides = array<i32>} : memref<1x4x32x8x128xf32, #tpu.memory_space<vmem>>, vector<1x4x1x8x128xf32>,
    %get3A_207 = arith.constant 0 : index
    %get3A_208 = arith.constant 320 : index
    %get3A_209 = arith.constant 0 : index
    %get3A_210 = vector.load %arg1[%get3A_207, %get3A_208, %get3A_209] : memref<1x1024x128xf32, #tpu.memory_space<vmem>>, vector<1x32x128xf32>
    %get3A_211 = vector.shape_cast %get3A_210 : vector<1x32x128xf32> to vector<32x128xf32>
    %dot_general3A_212 = arith.constant dense<0.000000e+00> : vector<128x32xf32>
    %dot_general3A_213 = tpu.matmul %get3A_211, %select_n3A, %dot_general3A_212 {dimension_numbers = #tpu.dot_dimension_numbers<[0], [0], [1], [1], [0, 1, 1, 1], [], []>, transpose_lhs_hint = false} : vector<32x128xf32>, vector<32x32xf32>, vector<128x32xf32> -> vector<128x32xf32>
    %slice3A_214 = vector.extract_strided_slice %dot_general3A_213 {offsets = [0, 0], sizes = [32, 32], strides = [1, 1]} : vector<128x32xf32> to vector<32x32xf32>
    %slice3A_215 = vector.extract_strided_slice %dot_general3A_213 {offsets = [32, 0], sizes = [32, 32], strides = [1, 1]} : vector<128x32xf32> to vector<32x32xf32>
    %slice3A_216 = vector.extract_strided_slice %dot_general3A_213 {offsets = [64, 0], sizes = [32, 32], strides = [1, 1]} : vector<128x32xf32> to vector<32x32xf32>
    %slice3A_217 = vector.extract_strided_slice %dot_general3A_213 {offsets = [96, 0], sizes = [32, 32], strides = [1, 1]} : vector<128x32xf32> to vector<32x32xf32>
    %concatenate3A_218 = tpu.concatenate %slice3A_214, %slice3A_215, %slice3A_216, %slice3A_217 in 1 : vector<32x32xf32>, vector<32x32xf32>, vector<32x32xf32>, vector<32x32xf32> -> vector<32x128xf32>
    %reshape3A_219 = vector.shape_cast %concatenate3A_218 : vector<32x128xf32> to vector<4x8x128xf32>
    %swap3A_220 = arith.constant 0 : index
    %swap3A_221 = arith.constant 0 : index
    %swap3A_222 = arith.constant 10 : index
    %swap3A_223 = arith.constant 0 : index
    %swap3A_224 = arith.constant 0 : index
    %swap3A_225 = vector.load %arg2[%swap3A_220, %swap3A_221, %swap3A_222, %swap3A_223, %swap3A_224] : memref<1x4x32x8x128xf32, #tpu.memory_space<vmem>>, vector<1x4x1x8x128xf32>
    %swap3A_226 = vector.shape_cast %swap3A_225 : vector<1x4x1x8x128xf32> to vector<4x8x128xf32>
    %swap3A_227 = vector.shape_cast %reshape3A_219 : vector<4x8x128xf32> to vector<1x4x1x8x128xf32>
    tpu.vector_store %arg2[%swap3A_220, %swap3A_221, %swap3A_222, %swap3A_223, %swap3A_224], %swap3A_227 {strides = array<i32>} : memref<1x4x32x8x128xf32, #tpu.memory_space<vmem>>, vector<1x4x1x8x128xf32>,
    %get3A_228 = arith.constant 0 : index
    %get3A_229 = arith.constant 352 : index
    %get3A_230 = arith.constant 0 : index
    %get3A_231 = vector.load %arg1[%get3A_228, %get3A_229, %get3A_230] : memref<1x1024x128xf32, #tpu.memory_space<vmem>>, vector<1x32x128xf32>
    %get3A_232 = vector.shape_cast %get3A_231 : vector<1x32x128xf32> to vector<32x128xf32>
    %dot_general3A_233 = arith.constant dense<0.000000e+00> : vector<128x32xf32>
    %dot_general3A_234 = tpu.matmul %get3A_232, %select_n3A, %dot_general3A_233 {dimension_numbers = #tpu.dot_dimension_numbers<[0], [0], [1], [1], [0, 1, 1, 1], [], []>, transpose_lhs_hint = false} : vector<32x128xf32>, vector<32x32xf32>, vector<128x32xf32> -> vector<128x32xf32>
    %slice3A_235 = vector.extract_strided_slice %dot_general3A_234 {offsets = [0, 0], sizes = [32, 32], strides = [1, 1]} : vector<128x32xf32> to vector<32x32xf32>
    %slice3A_236 = vector.extract_strided_slice %dot_general3A_234 {offsets = [32, 0], sizes = [32, 32], strides = [1, 1]} : vector<128x32xf32> to vector<32x32xf32>
    %slice3A_237 = vector.extract_strided_slice %dot_general3A_234 {offsets = [64, 0], sizes = [32, 32], strides = [1, 1]} : vector<128x32xf32> to vector<32x32xf32>
    %slice3A_238 = vector.extract_strided_slice %dot_general3A_234 {offsets = [96, 0], sizes = [32, 32], strides = [1, 1]} : vector<128x32xf32> to vector<32x32xf32>
    %concatenate3A_239 = tpu.concatenate %slice3A_235, %slice3A_236, %slice3A_237, %slice3A_238 in 1 : vector<32x32xf32>, vector<32x32xf32>, vector<32x32xf32>, vector<32x32xf32> -> vector<32x128xf32>
    %reshape3A_240 = vector.shape_cast %concatenate3A_239 : vector<32x128xf32> to vector<4x8x128xf32>
    %swap3A_241 = arith.constant 0 : index
    %swap3A_242 = arith.constant 0 : index
    %swap3A_243 = arith.constant 11 : index
    %swap3A_244 = arith.constant 0 : index
    %swap3A_245 = arith.constant 0 : index
    %swap3A_246 = vector.load %arg2[%swap3A_241, %swap3A_242, %swap3A_243, %swap3A_244, %swap3A_245] : memref<1x4x32x8x128xf32, #tpu.memory_space<vmem>>, vector<1x4x1x8x128xf32>
    %swap3A_247 = vector.shape_cast %swap3A_246 : vector<1x4x1x8x128xf32> to vector<4x8x128xf32>
    %swap3A_248 = vector.shape_cast %reshape3A_240 : vector<4x8x128xf32> to vector<1x4x1x8x128xf32>
    tpu.vector_store %arg2[%swap3A_241, %swap3A_242, %swap3A_243, %swap3A_244, %swap3A_245], %swap3A_248 {strides = array<i32>} : memref<1x4x32x8x128xf32, #tpu.memory_space<vmem>>, vector<1x4x1x8x128xf32>,
    %get3A_249 = arith.constant 0 : index
    %get3A_250 = arith.constant 384 : index
    %get3A_251 = arith.constant 0 : index
    %get3A_252 = vector.load %arg1[%get3A_249, %get3A_250, %get3A_251] : memref<1x1024x128xf32, #tpu.memory_space<vmem>>, vector<1x32x128xf32>
    %get3A_253 = vector.shape_cast %get3A_252 : vector<1x32x128xf32> to vector<32x128xf32>
    %dot_general3A_254 = arith.constant dense<0.000000e+00> : vector<128x32xf32>
    %dot_general3A_255 = tpu.matmul %get3A_253, %select_n3A, %dot_general3A_254 {dimension_numbers = #tpu.dot_dimension_numbers<[0], [0], [1], [1], [0, 1, 1, 1], [], []>, transpose_lhs_hint = false} : vector<32x128xf32>, vector<32x32xf32>, vector<128x32xf32> -> vector<128x32xf32>
    %slice3A_256 = vector.extract_strided_slice %dot_general3A_255 {offsets = [0, 0], sizes = [32, 32], strides = [1, 1]} : vector<128x32xf32> to vector<32x32xf32>
    %slice3A_257 = vector.extract_strided_slice %dot_general3A_255 {offsets = [32, 0], sizes = [32, 32], strides = [1, 1]} : vector<128x32xf32> to vector<32x32xf32>
    %slice3A_258 = vector.extract_strided_slice %dot_general3A_255 {offsets = [64, 0], sizes = [32, 32], strides = [1, 1]} : vector<128x32xf32> to vector<32x32xf32>
    %slice3A_259 = vector.extract_strided_slice %dot_general3A_255 {offsets = [96, 0], sizes = [32, 32], strides = [1, 1]} : vector<128x32xf32> to vector<32x32xf32>
    %concatenate3A_260 = tpu.concatenate %slice3A_256, %slice3A_257, %slice3A_258, %slice3A_259 in 1 : vector<32x32xf32>, vector<32x32xf32>, vector<32x32xf32>, vector<32x32xf32> -> vector<32x128xf32>
    %reshape3A_261 = vector.shape_cast %concatenate3A_260 : vector<32x128xf32> to vector<4x8x128xf32>
    %swap3A_262 = arith.constant 0 : index
    %swap3A_263 = arith.constant 0 : index
    %swap3A_264 = arith.constant 12 : index
    %swap3A_265 = arith.constant 0 : index
    %swap3A_266 = arith.constant 0 : index
    %swap3A_267 = vector.load %arg2[%swap3A_262, %swap3A_263, %swap3A_264, %swap3A_265, %swap3A_266] : memref<1x4x32x8x128xf32, #tpu.memory_space<vmem>>, vector<1x4x1x8x128xf32>
    %swap3A_268 = vector.shape_cast %swap3A_267 : vector<1x4x1x8x128xf32> to vector<4x8x128xf32>
    %swap3A_269 = vector.shape_cast %reshape3A_261 : vector<4x8x128xf32> to vector<1x4x1x8x128xf32>
    tpu.vector_store %arg2[%swap3A_262, %swap3A_263, %swap3A_264, %swap3A_265, %swap3A_266], %swap3A_269 {strides = array<i32>} : memref<1x4x32x8x128xf32, #tpu.memory_space<vmem>>, vector<1x4x1x8x128xf32>,
    %get3A_270 = arith.constant 0 : index
    %get3A_271 = arith.constant 416 : index
    %get3A_272 = arith.constant 0 : index
    %get3A_273 = vector.load %arg1[%get3A_270, %get3A_271, %get3A_272] : memref<1x1024x128xf32, #tpu.memory_space<vmem>>, vector<1x32x128xf32>
    %get3A_274 = vector.shape_cast %get3A_273 : vector<1x32x128xf32> to vector<32x128xf32>
    %dot_general3A_275 = arith.constant dense<0.000000e+00> : vector<128x32xf32>
    %dot_general3A_276 = tpu.matmul %get3A_274, %select_n3A, %dot_general3A_275 {dimension_numbers = #tpu.dot_dimension_numbers<[0], [0], [1], [1], [0, 1, 1, 1], [], []>, transpose_lhs_hint = false} : vector<32x128xf32>, vector<32x32xf32>, vector<128x32xf32> -> vector<128x32xf32>
    %slice3A_277 = vector.extract_strided_slice %dot_general3A_276 {offsets = [0, 0], sizes = [32, 32], strides = [1, 1]} : vector<128x32xf32> to vector<32x32xf32>
    %slice3A_278 = vector.extract_strided_slice %dot_general3A_276 {offsets = [32, 0], sizes = [32, 32], strides = [1, 1]} : vector<128x32xf32> to vector<32x32xf32>
    %slice3A_279 = vector.extract_strided_slice %dot_general3A_276 {offsets = [64, 0], sizes = [32, 32], strides = [1, 1]} : vector<128x32xf32> to vector<32x32xf32>
    %slice3A_280 = vector.extract_strided_slice %dot_general3A_276 {offsets = [96, 0], sizes = [32, 32], strides = [1, 1]} : vector<128x32xf32> to vector<32x32xf32>
    %concatenate3A_281 = tpu.concatenate %slice3A_277, %slice3A_278, %slice3A_279, %slice3A_280 in 1 : vector<32x32xf32>, vector<32x32xf32>, vector<32x32xf32>, vector<32x32xf32> -> vector<32x128xf32>
    %reshape3A_282 = vector.shape_cast %concatenate3A_281 : vector<32x128xf32> to vector<4x8x128xf32>
    %swap3A_283 = arith.constant 0 : index
    %swap3A_284 = arith.constant 0 : index
    %swap3A_285 = arith.constant 13 : index
    %swap3A_286 = arith.constant 0 : index
    %swap3A_287 = arith.constant 0 : index
    %swap3A_288 = vector.load %arg2[%swap3A_283, %swap3A_284, %swap3A_285, %swap3A_286, %swap3A_287] : memref<1x4x32x8x128xf32, #tpu.memory_space<vmem>>, vector<1x4x1x8x128xf32>
    %swap3A_289 = vector.shape_cast %swap3A_288 : vector<1x4x1x8x128xf32> to vector<4x8x128xf32>
    %swap3A_290 = vector.shape_cast %reshape3A_282 : vector<4x8x128xf32> to vector<1x4x1x8x128xf32>
    tpu.vector_store %arg2[%swap3A_283, %swap3A_284, %swap3A_285, %swap3A_286, %swap3A_287], %swap3A_290 {strides = array<i32>} : memref<1x4x32x8x128xf32, #tpu.memory_space<vmem>>, vector<1x4x1x8x128xf32>,
    %get3A_291 = arith.constant 0 : index
    %get3A_292 = arith.constant 448 : index
    %get3A_293 = arith.constant 0 : index
    %get3A_294 = vector.load %arg1[%get3A_291, %get3A_292, %get3A_293] : memref<1x1024x128xf32, #tpu.memory_space<vmem>>, vector<1x32x128xf32>
    %get3A_295 = vector.shape_cast %get3A_294 : vector<1x32x128xf32> to vector<32x128xf32>
    %dot_general3A_296 = arith.constant dense<0.000000e+00> : vector<128x32xf32>
    %dot_general3A_297 = tpu.matmul %get3A_295, %select_n3A, %dot_general3A_296 {dimension_numbers = #tpu.dot_dimension_numbers<[0], [0], [1], [1], [0, 1, 1, 1], [], []>, transpose_lhs_hint = false} : vector<32x128xf32>, vector<32x32xf32>, vector<128x32xf32> -> vector<128x32xf32>
    %slice3A_298 = vector.extract_strided_slice %dot_general3A_297 {offsets = [0, 0], sizes = [32, 32], strides = [1, 1]} : vector<128x32xf32> to vector<32x32xf32>
    %slice3A_299 = vector.extract_strided_slice %dot_general3A_297 {offsets = [32, 0], sizes = [32, 32], strides = [1, 1]} : vector<128x32xf32> to vector<32x32xf32>
    %slice3A_300 = vector.extract_strided_slice %dot_general3A_297 {offsets = [64, 0], sizes = [32, 32], strides = [1, 1]} : vector<128x32xf32> to vector<32x32xf32>
    %slice3A_301 = vector.extract_strided_slice %dot_general3A_297 {offsets = [96, 0], sizes = [32, 32], strides = [1, 1]} : vector<128x32xf32> to vector<32x32xf32>
    %concatenate3A_302 = tpu.concatenate %slice3A_298, %slice3A_299, %slice3A_300, %slice3A_301 in 1 : vector<32x32xf32>, vector<32x32xf32>, vector<32x32xf32>, vector<32x32xf32> -> vector<32x128xf32>
    %reshape3A_303 = vector.shape_cast %concatenate3A_302 : vector<32x128xf32> to vector<4x8x128xf32>
    %swap3A_304 = arith.constant 0 : index
    %swap3A_305 = arith.constant 0 : index
    %swap3A_306 = arith.constant 14 : index
    %swap3A_307 = arith.constant 0 : index
    %swap3A_308 = arith.constant 0 : index
    %swap3A_309 = vector.load %arg2[%swap3A_304, %swap3A_305, %swap3A_306, %swap3A_307, %swap3A_308] : memref<1x4x32x8x128xf32, #tpu.memory_space<vmem>>, vector<1x4x1x8x128xf32>
    %swap3A_310 = vector.shape_cast %swap3A_309 : vector<1x4x1x8x128xf32> to vector<4x8x128xf32>
    %swap3A_311 = vector.shape_cast %reshape3A_303 : vector<4x8x128xf32> to vector<1x4x1x8x128xf32>
    tpu.vector_store %arg2[%swap3A_304, %swap3A_305, %swap3A_306, %swap3A_307, %swap3A_308], %swap3A_311 {strides = array<i32>} : memref<1x4x32x8x128xf32, #tpu.memory_space<vmem>>, vector<1x4x1x8x128xf32>,
    %get3A_312 = arith.constant 0 : index
    %get3A_313 = arith.constant 480 : index
    %get3A_314 = arith.constant 0 : index
    %get3A_315 = vector.load %arg1[%get3A_312, %get3A_313, %get3A_314] : memref<1x1024x128xf32, #tpu.memory_space<vmem>>, vector<1x32x128xf32>
    %get3A_316 = vector.shape_cast %get3A_315 : vector<1x32x128xf32> to vector<32x128xf32>
    %dot_general3A_317 = arith.constant dense<0.000000e+00> : vector<128x32xf32>
    %dot_general3A_318 = tpu.matmul %get3A_316, %select_n3A, %dot_general3A_317 {dimension_numbers = #tpu.dot_dimension_numbers<[0], [0], [1], [1], [0, 1, 1, 1], [], []>, transpose_lhs_hint = false} : vector<32x128xf32>, vector<32x32xf32>, vector<128x32xf32> -> vector<128x32xf32>
    %slice3A_319 = vector.extract_strided_slice %dot_general3A_318 {offsets = [0, 0], sizes = [32, 32], strides = [1, 1]} : vector<128x32xf32> to vector<32x32xf32>
    %slice3A_320 = vector.extract_strided_slice %dot_general3A_318 {offsets = [32, 0], sizes = [32, 32], strides = [1, 1]} : vector<128x32xf32> to vector<32x32xf32>
    %slice3A_321 = vector.extract_strided_slice %dot_general3A_318 {offsets = [64, 0], sizes = [32, 32], strides = [1, 1]} : vector<128x32xf32> to vector<32x32xf32>
    %slice3A_322 = vector.extract_strided_slice %dot_general3A_318 {offsets = [96, 0], sizes = [32, 32], strides = [1, 1]} : vector<128x32xf32> to vector<32x32xf32>
    %concatenate3A_323 = tpu.concatenate %slice3A_319, %slice3A_320, %slice3A_321, %slice3A_322 in 1 : vector<32x32xf32>, vector<32x32xf32>, vector<32x32xf32>, vector<32x32xf32> -> vector<32x128xf32>
    %reshape3A_324 = vector.shape_cast %concatenate3A_323 : vector<32x128xf32> to vector<4x8x128xf32>
    %swap3A_325 = arith.constant 0 : index
    %swap3A_326 = arith.constant 0 : index
    %swap3A_327 = arith.constant 15 : index
    %swap3A_328 = arith.constant 0 : index
    %swap3A_329 = arith.constant 0 : index
    %swap3A_330 = vector.load %arg2[%swap3A_325, %swap3A_326, %swap3A_327, %swap3A_328, %swap3A_329] : memref<1x4x32x8x128xf32, #tpu.memory_space<vmem>>, vector<1x4x1x8x128xf32>
    %swap3A_331 = vector.shape_cast %swap3A_330 : vector<1x4x1x8x128xf32> to vector<4x8x128xf32>
    %swap3A_332 = vector.shape_cast %reshape3A_324 : vector<4x8x128xf32> to vector<1x4x1x8x128xf32>
    tpu.vector_store %arg2[%swap3A_325, %swap3A_326, %swap3A_327, %swap3A_328, %swap3A_329], %swap3A_332 {strides = array<i32>} : memref<1x4x32x8x128xf32, #tpu.memory_space<vmem>>, vector<1x4x1x8x128xf32>,
    %get3A_333 = arith.constant 0 : index
    %get3A_334 = arith.constant 512 : index
    %get3A_335 = arith.constant 0 : index
    %get3A_336 = vector.load %arg1[%get3A_333, %get3A_334, %get3A_335] : memref<1x1024x128xf32, #tpu.memory_space<vmem>>, vector<1x32x128xf32>
    %get3A_337 = vector.shape_cast %get3A_336 : vector<1x32x128xf32> to vector<32x128xf32>
    %dot_general3A_338 = arith.constant dense<0.000000e+00> : vector<128x32xf32>
    %dot_general3A_339 = tpu.matmul %get3A_337, %select_n3A, %dot_general3A_338 {dimension_numbers = #tpu.dot_dimension_numbers<[0], [0], [1], [1], [0, 1, 1, 1], [], []>, transpose_lhs_hint = false} : vector<32x128xf32>, vector<32x32xf32>, vector<128x32xf32> -> vector<128x32xf32>
    %slice3A_340 = vector.extract_strided_slice %dot_general3A_339 {offsets = [0, 0], sizes = [32, 32], strides = [1, 1]} : vector<128x32xf32> to vector<32x32xf32>
    %slice3A_341 = vector.extract_strided_slice %dot_general3A_339 {offsets = [32, 0], sizes = [32, 32], strides = [1, 1]} : vector<128x32xf32> to vector<32x32xf32>
    %slice3A_342 = vector.extract_strided_slice %dot_general3A_339 {offsets = [64, 0], sizes = [32, 32], strides = [1, 1]} : vector<128x32xf32> to vector<32x32xf32>
    %slice3A_343 = vector.extract_strided_slice %dot_general3A_339 {offsets = [96, 0], sizes = [32, 32], strides = [1, 1]} : vector<128x32xf32> to vector<32x32xf32>
    %concatenate3A_344 = tpu.concatenate %slice3A_340, %slice3A_341, %slice3A_342, %slice3A_343 in 1 : vector<32x32xf32>, vector<32x32xf32>, vector<32x32xf32>, vector<32x32xf32> -> vector<32x128xf32>
    %reshape3A_345 = vector.shape_cast %concatenate3A_344 : vector<32x128xf32> to vector<4x8x128xf32>
    %swap3A_346 = arith.constant 0 : index
    %swap3A_347 = arith.constant 0 : index
    %swap3A_348 = arith.constant 16 : index
    %swap3A_349 = arith.constant 0 : index
    %swap3A_350 = arith.constant 0 : index
    %swap3A_351 = vector.load %arg2[%swap3A_346, %swap3A_347, %swap3A_348, %swap3A_349, %swap3A_350] : memref<1x4x32x8x128xf32, #tpu.memory_space<vmem>>, vector<1x4x1x8x128xf32>
    %swap3A_352 = vector.shape_cast %swap3A_351 : vector<1x4x1x8x128xf32> to vector<4x8x128xf32>
    %swap3A_353 = vector.shape_cast %reshape3A_345 : vector<4x8x128xf32> to vector<1x4x1x8x128xf32>
    tpu.vector_store %arg2[%swap3A_346, %swap3A_347, %swap3A_348, %swap3A_349, %swap3A_350], %swap3A_353 {strides = array<i32>} : memref<1x4x32x8x128xf32, #tpu.memory_space<vmem>>, vector<1x4x1x8x128xf32>,
    %get3A_354 = arith.constant 0 : index
    %get3A_355 = arith.constant 544 : index
    %get3A_356 = arith.constant 0 : index
    %get3A_357 = vector.load %arg1[%get3A_354, %get3A_355, %get3A_356] : memref<1x1024x128xf32, #tpu.memory_space<vmem>>, vector<1x32x128xf32>
    %get3A_358 = vector.shape_cast %get3A_357 : vector<1x32x128xf32> to vector<32x128xf32>
    %dot_general3A_359 = arith.constant dense<0.000000e+00> : vector<128x32xf32>
    %dot_general3A_360 = tpu.matmul %get3A_358, %select_n3A, %dot_general3A_359 {dimension_numbers = #tpu.dot_dimension_numbers<[0], [0], [1], [1], [0, 1, 1, 1], [], []>, transpose_lhs_hint = false} : vector<32x128xf32>, vector<32x32xf32>, vector<128x32xf32> -> vector<128x32xf32>
    %slice3A_361 = vector.extract_strided_slice %dot_general3A_360 {offsets = [0, 0], sizes = [32, 32], strides = [1, 1]} : vector<128x32xf32> to vector<32x32xf32>
    %slice3A_362 = vector.extract_strided_slice %dot_general3A_360 {offsets = [32, 0], sizes = [32, 32], strides = [1, 1]} : vector<128x32xf32> to vector<32x32xf32>
    %slice3A_363 = vector.extract_strided_slice %dot_general3A_360 {offsets = [64, 0], sizes = [32, 32], strides = [1, 1]} : vector<128x32xf32> to vector<32x32xf32>
    %slice3A_364 = vector.extract_strided_slice %dot_general3A_360 {offsets = [96, 0], sizes = [32, 32], strides = [1, 1]} : vector<128x32xf32> to vector<32x32xf32>
    %concatenate3A_365 = tpu.concatenate %slice3A_361, %slice3A_362, %slice3A_363, %slice3A_364 in 1 : vector<32x32xf32>, vector<32x32xf32>, vector<32x32xf32>, vector<32x32xf32> -> vector<32x128xf32>
    %reshape3A_366 = vector.shape_cast %concatenate3A_365 : vector<32x128xf32> to vector<4x8x128xf32>
    %swap3A_367 = arith.constant 0 : index
    %swap3A_368 = arith.constant 0 : index
    %swap3A_369 = arith.constant 17 : index
    %swap3A_370 = arith.constant 0 : index
    %swap3A_371 = arith.constant 0 : index
    %swap3A_372 = vector.load %arg2[%swap3A_367, %swap3A_368, %swap3A_369, %swap3A_370, %swap3A_371] : memref<1x4x32x8x128xf32, #tpu.memory_space<vmem>>, vector<1x4x1x8x128xf32>
    %swap3A_373 = vector.shape_cast %swap3A_372 : vector<1x4x1x8x128xf32> to vector<4x8x128xf32>
    %swap3A_374 = vector.shape_cast %reshape3A_366 : vector<4x8x128xf32> to vector<1x4x1x8x128xf32>
    tpu.vector_store %arg2[%swap3A_367, %swap3A_368, %swap3A_369, %swap3A_370, %swap3A_371], %swap3A_374 {strides = array<i32>} : memref<1x4x32x8x128xf32, #tpu.memory_space<vmem>>, vector<1x4x1x8x128xf32>,
    %get3A_375 = arith.constant 0 : index
    %get3A_376 = arith.constant 576 : index
    %get3A_377 = arith.constant 0 : index
    %get3A_378 = vector.load %arg1[%get3A_375, %get3A_376, %get3A_377] : memref<1x1024x128xf32, #tpu.memory_space<vmem>>, vector<1x32x128xf32>
    %get3A_379 = vector.shape_cast %get3A_378 : vector<1x32x128xf32> to vector<32x128xf32>
    %dot_general3A_380 = arith.constant dense<0.000000e+00> : vector<128x32xf32>
    %dot_general3A_381 = tpu.matmul %get3A_379, %select_n3A, %dot_general3A_380 {dimension_numbers = #tpu.dot_dimension_numbers<[0], [0], [1], [1], [0, 1, 1, 1], [], []>, transpose_lhs_hint = false} : vector<32x128xf32>, vector<32x32xf32>, vector<128x32xf32> -> vector<128x32xf32>
    %slice3A_382 = vector.extract_strided_slice %dot_general3A_381 {offsets = [0, 0], sizes = [32, 32], strides = [1, 1]} : vector<128x32xf32> to vector<32x32xf32>
    %slice3A_383 = vector.extract_strided_slice %dot_general3A_381 {offsets = [32, 0], sizes = [32, 32], strides = [1, 1]} : vector<128x32xf32> to vector<32x32xf32>
    %slice3A_384 = vector.extract_strided_slice %dot_general3A_381 {offsets = [64, 0], sizes = [32, 32], strides = [1, 1]} : vector<128x32xf32> to vector<32x32xf32>
    %slice3A_385 = vector.extract_strided_slice %dot_general3A_381 {offsets = [96, 0], sizes = [32, 32], strides = [1, 1]} : vector<128x32xf32> to vector<32x32xf32>
    %concatenate3A_386 = tpu.concatenate %slice3A_382, %slice3A_383, %slice3A_384, %slice3A_385 in 1 : vector<32x32xf32>, vector<32x32xf32>, vector<32x32xf32>, vector<32x32xf32> -> vector<32x128xf32>
    %reshape3A_387 = vector.shape_cast %concatenate3A_386 : vector<32x128xf32> to vector<4x8x128xf32>
    %swap3A_388 = arith.constant 0 : index
    %swap3A_389 = arith.constant 0 : index
    %swap3A_390 = arith.constant 18 : index
    %swap3A_391 = arith.constant 0 : index
    %swap3A_392 = arith.constant 0 : index
    %swap3A_393 = vector.load %arg2[%swap3A_388, %swap3A_389, %swap3A_390, %swap3A_391, %swap3A_392] : memref<1x4x32x8x128xf32, #tpu.memory_space<vmem>>, vector<1x4x1x8x128xf32>
    %swap3A_394 = vector.shape_cast %swap3A_393 : vector<1x4x1x8x128xf32> to vector<4x8x128xf32>
    %swap3A_395 = vector.shape_cast %reshape3A_387 : vector<4x8x128xf32> to vector<1x4x1x8x128xf32>
    tpu.vector_store %arg2[%swap3A_388, %swap3A_389, %swap3A_390, %swap3A_391, %swap3A_392], %swap3A_395 {strides = array<i32>} : memref<1x4x32x8x128xf32, #tpu.memory_space<vmem>>, vector<1x4x1x8x128xf32>,
    %get3A_396 = arith.constant 0 : index
    %get3A_397 = arith.constant 608 : index
    %get3A_398 = arith.constant 0 : index
    %get3A_399 = vector.load %arg1[%get3A_396, %get3A_397, %get3A_398] : memref<1x1024x128xf32, #tpu.memory_space<vmem>>, vector<1x32x128xf32>
    %get3A_400 = vector.shape_cast %get3A_399 : vector<1x32x128xf32> to vector<32x128xf32>
    %dot_general3A_401 = arith.constant dense<0.000000e+00> : vector<128x32xf32>
    %dot_general3A_402 = tpu.matmul %get3A_400, %select_n3A, %dot_general3A_401 {dimension_numbers = #tpu.dot_dimension_numbers<[0], [0], [1], [1], [0, 1, 1, 1], [], []>, transpose_lhs_hint = false} : vector<32x128xf32>, vector<32x32xf32>, vector<128x32xf32> -> vector<128x32xf32>
    %slice3A_403 = vector.extract_strided_slice %dot_general3A_402 {offsets = [0, 0], sizes = [32, 32], strides = [1, 1]} : vector<128x32xf32> to vector<32x32xf32>
    %slice3A_404 = vector.extract_strided_slice %dot_general3A_402 {offsets = [32, 0], sizes = [32, 32], strides = [1, 1]} : vector<128x32xf32> to vector<32x32xf32>
    %slice3A_405 = vector.extract_strided_slice %dot_general3A_402 {offsets = [64, 0], sizes = [32, 32], strides = [1, 1]} : vector<128x32xf32> to vector<32x32xf32>
    %slice3A_406 = vector.extract_strided_slice %dot_general3A_402 {offsets = [96, 0], sizes = [32, 32], strides = [1, 1]} : vector<128x32xf32> to vector<32x32xf32>
    %concatenate3A_407 = tpu.concatenate %slice3A_403, %slice3A_404, %slice3A_405, %slice3A_406 in 1 : vector<32x32xf32>, vector<32x32xf32>, vector<32x32xf32>, vector<32x32xf32> -> vector<32x128xf32>
    %reshape3A_408 = vector.shape_cast %concatenate3A_407 : vector<32x128xf32> to vector<4x8x128xf32>
    %swap3A_409 = arith.constant 0 : index
    %swap3A_410 = arith.constant 0 : index
    %swap3A_411 = arith.constant 19 : index
    %swap3A_412 = arith.constant 0 : index
    %swap3A_413 = arith.constant 0 : index
    %swap3A_414 = vector.load %arg2[%swap3A_409, %swap3A_410, %swap3A_411, %swap3A_412, %swap3A_413] : memref<1x4x32x8x128xf32, #tpu.memory_space<vmem>>, vector<1x4x1x8x128xf32>
    %swap3A_415 = vector.shape_cast %swap3A_414 : vector<1x4x1x8x128xf32> to vector<4x8x128xf32>
    %swap3A_416 = vector.shape_cast %reshape3A_408 : vector<4x8x128xf32> to vector<1x4x1x8x128xf32>
    tpu.vector_store %arg2[%swap3A_409, %swap3A_410, %swap3A_411, %swap3A_412, %swap3A_413], %swap3A_416 {strides = array<i32>} : memref<1x4x32x8x128xf32, #tpu.memory_space<vmem>>, vector<1x4x1x8x128xf32>,
    %get3A_417 = arith.constant 0 : index
    %get3A_418 = arith.constant 640 : index
    %get3A_419 = arith.constant 0 : index
    %get3A_420 = vector.load %arg1[%get3A_417, %get3A_418, %get3A_419] : memref<1x1024x128xf32, #tpu.memory_space<vmem>>, vector<1x32x128xf32>
    %get3A_421 = vector.shape_cast %get3A_420 : vector<1x32x128xf32> to vector<32x128xf32>
    %dot_general3A_422 = arith.constant dense<0.000000e+00> : vector<128x32xf32>
    %dot_general3A_423 = tpu.matmul %get3A_421, %select_n3A, %dot_general3A_422 {dimension_numbers = #tpu.dot_dimension_numbers<[0], [0], [1], [1], [0, 1, 1, 1], [], []>, transpose_lhs_hint = false} : vector<32x128xf32>, vector<32x32xf32>, vector<128x32xf32> -> vector<128x32xf32>
    %slice3A_424 = vector.extract_strided_slice %dot_general3A_423 {offsets = [0, 0], sizes = [32, 32], strides = [1, 1]} : vector<128x32xf32> to vector<32x32xf32>
    %slice3A_425 = vector.extract_strided_slice %dot_general3A_423 {offsets = [32, 0], sizes = [32, 32], strides = [1, 1]} : vector<128x32xf32> to vector<32x32xf32>
    %slice3A_426 = vector.extract_strided_slice %dot_general3A_423 {offsets = [64, 0], sizes = [32, 32], strides = [1, 1]} : vector<128x32xf32> to vector<32x32xf32>
    %slice3A_427 = vector.extract_strided_slice %dot_general3A_423 {offsets = [96, 0], sizes = [32, 32], strides = [1, 1]} : vector<128x32xf32> to vector<32x32xf32>
    %concatenate3A_428 = tpu.concatenate %slice3A_424, %slice3A_425, %slice3A_426, %slice3A_427 in 1 : vector<32x32xf32>, vector<32x32xf32>, vector<32x32xf32>, vector<32x32xf32> -> vector<32x128xf32>
    %reshape3A_429 = vector.shape_cast %concatenate3A_428 : vector<32x128xf32> to vector<4x8x128xf32>
    %swap3A_430 = arith.constant 0 : index
    %swap3A_431 = arith.constant 0 : index
    %swap3A_432 = arith.constant 20 : index
    %swap3A_433 = arith.constant 0 : index
    %swap3A_434 = arith.constant 0 : index
    %swap3A_435 = vector.load %arg2[%swap3A_430, %swap3A_431, %swap3A_432, %swap3A_433, %swap3A_434] : memref<1x4x32x8x128xf32, #tpu.memory_space<vmem>>, vector<1x4x1x8x128xf32>
    %swap3A_436 = vector.shape_cast %swap3A_435 : vector<1x4x1x8x128xf32> to vector<4x8x128xf32>
    %swap3A_437 = vector.shape_cast %reshape3A_429 : vector<4x8x128xf32> to vector<1x4x1x8x128xf32>
    tpu.vector_store %arg2[%swap3A_430, %swap3A_431, %swap3A_432, %swap3A_433, %swap3A_434], %swap3A_437 {strides = array<i32>} : memref<1x4x32x8x128xf32, #tpu.memory_space<vmem>>, vector<1x4x1x8x128xf32>,
    %get3A_438 = arith.constant 0 : index
    %get3A_439 = arith.constant 672 : index
    %get3A_440 = arith.constant 0 : index
    %get3A_441 = vector.load %arg1[%get3A_438, %get3A_439, %get3A_440] : memref<1x1024x128xf32, #tpu.memory_space<vmem>>, vector<1x32x128xf32>
    %get3A_442 = vector.shape_cast %get3A_441 : vector<1x32x128xf32> to vector<32x128xf32>
    %dot_general3A_443 = arith.constant dense<0.000000e+00> : vector<128x32xf32>
    %dot_general3A_444 = tpu.matmul %get3A_442, %select_n3A, %dot_general3A_443 {dimension_numbers = #tpu.dot_dimension_numbers<[0], [0], [1], [1], [0, 1, 1, 1], [], []>, transpose_lhs_hint = false} : vector<32x128xf32>, vector<32x32xf32>, vector<128x32xf32> -> vector<128x32xf32>
    %slice3A_445 = vector.extract_strided_slice %dot_general3A_444 {offsets = [0, 0], sizes = [32, 32], strides = [1, 1]} : vector<128x32xf32> to vector<32x32xf32>
    %slice3A_446 = vector.extract_strided_slice %dot_general3A_444 {offsets = [32, 0], sizes = [32, 32], strides = [1, 1]} : vector<128x32xf32> to vector<32x32xf32>
    %slice3A_447 = vector.extract_strided_slice %dot_general3A_444 {offsets = [64, 0], sizes = [32, 32], strides = [1, 1]} : vector<128x32xf32> to vector<32x32xf32>
    %slice3A_448 = vector.extract_strided_slice %dot_general3A_444 {offsets = [96, 0], sizes = [32, 32], strides = [1, 1]} : vector<128x32xf32> to vector<32x32xf32>
    %concatenate3A_449 = tpu.concatenate %slice3A_445, %slice3A_446, %slice3A_447, %slice3A_448 in 1 : vector<32x32xf32>, vector<32x32xf32>, vector<32x32xf32>, vector<32x32xf32> -> vector<32x128xf32>
    %reshape3A_450 = vector.shape_cast %concatenate3A_449 : vector<32x128xf32> to vector<4x8x128xf32>
    %swap3A_451 = arith.constant 0 : index
    %swap3A_452 = arith.constant 0 : index
    %swap3A_453 = arith.constant 21 : index
    %swap3A_454 = arith.constant 0 : index
    %swap3A_455 = arith.constant 0 : index
    %swap3A_456 = vector.load %arg2[%swap3A_451, %swap3A_452, %swap3A_453, %swap3A_454, %swap3A_455] : memref<1x4x32x8x128xf32, #tpu.memory_space<vmem>>, vector<1x4x1x8x128xf32>
    %swap3A_457 = vector.shape_cast %swap3A_456 : vector<1x4x1x8x128xf32> to vector<4x8x128xf32>
    %swap3A_458 = vector.shape_cast %reshape3A_450 : vector<4x8x128xf32> to vector<1x4x1x8x128xf32>
    tpu.vector_store %arg2[%swap3A_451, %swap3A_452, %swap3A_453, %swap3A_454, %swap3A_455], %swap3A_458 {strides = array<i32>} : memref<1x4x32x8x128xf32, #tpu.memory_space<vmem>>, vector<1x4x1x8x128xf32>,
    %get3A_459 = arith.constant 0 : index
    %get3A_460 = arith.constant 704 : index
    %get3A_461 = arith.constant 0 : index
    %get3A_462 = vector.load %arg1[%get3A_459, %get3A_460, %get3A_461] : memref<1x1024x128xf32, #tpu.memory_space<vmem>>, vector<1x32x128xf32>
    %get3A_463 = vector.shape_cast %get3A_462 : vector<1x32x128xf32> to vector<32x128xf32>
    %dot_general3A_464 = arith.constant dense<0.000000e+00> : vector<128x32xf32>
    %dot_general3A_465 = tpu.matmul %get3A_463, %select_n3A, %dot_general3A_464 {dimension_numbers = #tpu.dot_dimension_numbers<[0], [0], [1], [1], [0, 1, 1, 1], [], []>, transpose_lhs_hint = false} : vector<32x128xf32>, vector<32x32xf32>, vector<128x32xf32> -> vector<128x32xf32>
    %slice3A_466 = vector.extract_strided_slice %dot_general3A_465 {offsets = [0, 0], sizes = [32, 32], strides = [1, 1]} : vector<128x32xf32> to vector<32x32xf32>
    %slice3A_467 = vector.extract_strided_slice %dot_general3A_465 {offsets = [32, 0], sizes = [32, 32], strides = [1, 1]} : vector<128x32xf32> to vector<32x32xf32>
    %slice3A_468 = vector.extract_strided_slice %dot_general3A_465 {offsets = [64, 0], sizes = [32, 32], strides = [1, 1]} : vector<128x32xf32> to vector<32x32xf32>
    %slice3A_469 = vector.extract_strided_slice %dot_general3A_465 {offsets = [96, 0], sizes = [32, 32], strides = [1, 1]} : vector<128x32xf32> to vector<32x32xf32>
    %concatenate3A_470 = tpu.concatenate %slice3A_466, %slice3A_467, %slice3A_468, %slice3A_469 in 1 : vector<32x32xf32>, vector<32x32xf32>, vector<32x32xf32>, vector<32x32xf32> -> vector<32x128xf32>
    %reshape3A_471 = vector.shape_cast %concatenate3A_470 : vector<32x128xf32> to vector<4x8x128xf32>
    %swap3A_472 = arith.constant 0 : index
    %swap3A_473 = arith.constant 0 : index
    %swap3A_474 = arith.constant 22 : index
    %swap3A_475 = arith.constant 0 : index
    %swap3A_476 = arith.constant 0 : index
    %swap3A_477 = vector.load %arg2[%swap3A_472, %swap3A_473, %swap3A_474, %swap3A_475, %swap3A_476] : memref<1x4x32x8x128xf32, #tpu.memory_space<vmem>>, vector<1x4x1x8x128xf32>
    %swap3A_478 = vector.shape_cast %swap3A_477 : vector<1x4x1x8x128xf32> to vector<4x8x128xf32>
    %swap3A_479 = vector.shape_cast %reshape3A_471 : vector<4x8x128xf32> to vector<1x4x1x8x128xf32>
    tpu.vector_store %arg2[%swap3A_472, %swap3A_473, %swap3A_474, %swap3A_475, %swap3A_476], %swap3A_479 {strides = array<i32>} : memref<1x4x32x8x128xf32, #tpu.memory_space<vmem>>, vector<1x4x1x8x128xf32>,
    %get3A_480 = arith.constant 0 : index
    %get3A_481 = arith.constant 736 : index
    %get3A_482 = arith.constant 0 : index
    %get3A_483 = vector.load %arg1[%get3A_480, %get3A_481, %get3A_482] : memref<1x1024x128xf32, #tpu.memory_space<vmem>>, vector<1x32x128xf32>
    %get3A_484 = vector.shape_cast %get3A_483 : vector<1x32x128xf32> to vector<32x128xf32>
    %dot_general3A_485 = arith.constant dense<0.000000e+00> : vector<128x32xf32>
    %dot_general3A_486 = tpu.matmul %get3A_484, %select_n3A, %dot_general3A_485 {dimension_numbers = #tpu.dot_dimension_numbers<[0], [0], [1], [1], [0, 1, 1, 1], [], []>, transpose_lhs_hint = false} : vector<32x128xf32>, vector<32x32xf32>, vector<128x32xf32> -> vector<128x32xf32>
    %slice3A_487 = vector.extract_strided_slice %dot_general3A_486 {offsets = [0, 0], sizes = [32, 32], strides = [1, 1]} : vector<128x32xf32> to vector<32x32xf32>
    %slice3A_488 = vector.extract_strided_slice %dot_general3A_486 {offsets = [32, 0], sizes = [32, 32], strides = [1, 1]} : vector<128x32xf32> to vector<32x32xf32>
    %slice3A_489 = vector.extract_strided_slice %dot_general3A_486 {offsets = [64, 0], sizes = [32, 32], strides = [1, 1]} : vector<128x32xf32> to vector<32x32xf32>
    %slice3A_490 = vector.extract_strided_slice %dot_general3A_486 {offsets = [96, 0], sizes = [32, 32], strides = [1, 1]} : vector<128x32xf32> to vector<32x32xf32>
    %concatenate3A_491 = tpu.concatenate %slice3A_487, %slice3A_488, %slice3A_489, %slice3A_490 in 1 : vector<32x32xf32>, vector<32x32xf32>, vector<32x32xf32>, vector<32x32xf32> -> vector<32x128xf32>
    %reshape3A_492 = vector.shape_cast %concatenate3A_491 : vector<32x128xf32> to vector<4x8x128xf32>
    %swap3A_493 = arith.constant 0 : index
    %swap3A_494 = arith.constant 0 : index
    %swap3A_495 = arith.constant 23 : index
    %swap3A_496 = arith.constant 0 : index
    %swap3A_497 = arith.constant 0 : index
    %swap3A_498 = vector.load %arg2[%swap3A_493, %swap3A_494, %swap3A_495, %swap3A_496, %swap3A_497] : memref<1x4x32x8x128xf32, #tpu.memory_space<vmem>>, vector<1x4x1x8x128xf32>
    %swap3A_499 = vector.shape_cast %swap3A_498 : vector<1x4x1x8x128xf32> to vector<4x8x128xf32>
    %swap3A_500 = vector.shape_cast %reshape3A_492 : vector<4x8x128xf32> to vector<1x4x1x8x128xf32>
    tpu.vector_store %arg2[%swap3A_493, %swap3A_494, %swap3A_495, %swap3A_496, %swap3A_497], %swap3A_500 {strides = array<i32>} : memref<1x4x32x8x128xf32, #tpu.memory_space<vmem>>, vector<1x4x1x8x128xf32>,
    %get3A_501 = arith.constant 0 : index
    %get3A_502 = arith.constant 768 : index
    %get3A_503 = arith.constant 0 : index
    %get3A_504 = vector.load %arg1[%get3A_501, %get3A_502, %get3A_503] : memref<1x1024x128xf32, #tpu.memory_space<vmem>>, vector<1x32x128xf32>
    %get3A_505 = vector.shape_cast %get3A_504 : vector<1x32x128xf32> to vector<32x128xf32>
    %dot_general3A_506 = arith.constant dense<0.000000e+00> : vector<128x32xf32>
    %dot_general3A_507 = tpu.matmul %get3A_505, %select_n3A, %dot_general3A_506 {dimension_numbers = #tpu.dot_dimension_numbers<[0], [0], [1], [1], [0, 1, 1, 1], [], []>, transpose_lhs_hint = false} : vector<32x128xf32>, vector<32x32xf32>, vector<128x32xf32> -> vector<128x32xf32>
    %slice3A_508 = vector.extract_strided_slice %dot_general3A_507 {offsets = [0, 0], sizes = [32, 32], strides = [1, 1]} : vector<128x32xf32> to vector<32x32xf32>
    %slice3A_509 = vector.extract_strided_slice %dot_general3A_507 {offsets = [32, 0], sizes = [32, 32], strides = [1, 1]} : vector<128x32xf32> to vector<32x32xf32>
    %slice3A_510 = vector.extract_strided_slice %dot_general3A_507 {offsets = [64, 0], sizes = [32, 32], strides = [1, 1]} : vector<128x32xf32> to vector<32x32xf32>
    %slice3A_511 = vector.extract_strided_slice %dot_general3A_507 {offsets = [96, 0], sizes = [32, 32], strides = [1, 1]} : vector<128x32xf32> to vector<32x32xf32>
    %concatenate3A_512 = tpu.concatenate %slice3A_508, %slice3A_509, %slice3A_510, %slice3A_511 in 1 : vector<32x32xf32>, vector<32x32xf32>, vector<32x32xf32>, vector<32x32xf32> -> vector<32x128xf32>
    %reshape3A_513 = vector.shape_cast %concatenate3A_512 : vector<32x128xf32> to vector<4x8x128xf32>
    %swap3A_514 = arith.constant 0 : index
    %swap3A_515 = arith.constant 0 : index
    %swap3A_516 = arith.constant 24 : index
    %swap3A_517 = arith.constant 0 : index
    %swap3A_518 = arith.constant 0 : index
    %swap3A_519 = vector.load %arg2[%swap3A_514, %swap3A_515, %swap3A_516, %swap3A_517, %swap3A_518] : memref<1x4x32x8x128xf32, #tpu.memory_space<vmem>>, vector<1x4x1x8x128xf32>
    %swap3A_520 = vector.shape_cast %swap3A_519 : vector<1x4x1x8x128xf32> to vector<4x8x128xf32>
    %swap3A_521 = vector.shape_cast %reshape3A_513 : vector<4x8x128xf32> to vector<1x4x1x8x128xf32>
    tpu.vector_store %arg2[%swap3A_514, %swap3A_515, %swap3A_516, %swap3A_517, %swap3A_518], %swap3A_521 {strides = array<i32>} : memref<1x4x32x8x128xf32, #tpu.memory_space<vmem>>, vector<1x4x1x8x128xf32>,
    %get3A_522 = arith.constant 0 : index
    %get3A_523 = arith.constant 800 : index
    %get3A_524 = arith.constant 0 : index
    %get3A_525 = vector.load %arg1[%get3A_522, %get3A_523, %get3A_524] : memref<1x1024x128xf32, #tpu.memory_space<vmem>>, vector<1x32x128xf32>
    %get3A_526 = vector.shape_cast %get3A_525 : vector<1x32x128xf32> to vector<32x128xf32>
    %dot_general3A_527 = arith.constant dense<0.000000e+00> : vector<128x32xf32>
    %dot_general3A_528 = tpu.matmul %get3A_526, %select_n3A, %dot_general3A_527 {dimension_numbers = #tpu.dot_dimension_numbers<[0], [0], [1], [1], [0, 1, 1, 1], [], []>, transpose_lhs_hint = false} : vector<32x128xf32>, vector<32x32xf32>, vector<128x32xf32> -> vector<128x32xf32>
    %slice3A_529 = vector.extract_strided_slice %dot_general3A_528 {offsets = [0, 0], sizes = [32, 32], strides = [1, 1]} : vector<128x32xf32> to vector<32x32xf32>
    %slice3A_530 = vector.extract_strided_slice %dot_general3A_528 {offsets = [32, 0], sizes = [32, 32], strides = [1, 1]} : vector<128x32xf32> to vector<32x32xf32>
    %slice3A_531 = vector.extract_strided_slice %dot_general3A_528 {offsets = [64, 0], sizes = [32, 32], strides = [1, 1]} : vector<128x32xf32> to vector<32x32xf32>
    %slice3A_532 = vector.extract_strided_slice %dot_general3A_528 {offsets = [96, 0], sizes = [32, 32], strides = [1, 1]} : vector<128x32xf32> to vector<32x32xf32>
    %concatenate3A_533 = tpu.concatenate %slice3A_529, %slice3A_530, %slice3A_531, %slice3A_532 in 1 : vector<32x32xf32>, vector<32x32xf32>, vector<32x32xf32>, vector<32x32xf32> -> vector<32x128xf32>
    %reshape3A_534 = vector.shape_cast %concatenate3A_533 : vector<32x128xf32> to vector<4x8x128xf32>
    %swap3A_535 = arith.constant 0 : index
    %swap3A_536 = arith.constant 0 : index
    %swap3A_537 = arith.constant 25 : index
    %swap3A_538 = arith.constant 0 : index
    %swap3A_539 = arith.constant 0 : index
    %swap3A_540 = vector.load %arg2[%swap3A_535, %swap3A_536, %swap3A_537, %swap3A_538, %swap3A_539] : memref<1x4x32x8x128xf32, #tpu.memory_space<vmem>>, vector<1x4x1x8x128xf32>
    %swap3A_541 = vector.shape_cast %swap3A_540 : vector<1x4x1x8x128xf32> to vector<4x8x128xf32>
    %swap3A_542 = vector.shape_cast %reshape3A_534 : vector<4x8x128xf32> to vector<1x4x1x8x128xf32>
    tpu.vector_store %arg2[%swap3A_535, %swap3A_536, %swap3A_537, %swap3A_538, %swap3A_539], %swap3A_542 {strides = array<i32>} : memref<1x4x32x8x128xf32, #tpu.memory_space<vmem>>, vector<1x4x1x8x128xf32>,
    %get3A_543 = arith.constant 0 : index
    %get3A_544 = arith.constant 832 : index
    %get3A_545 = arith.constant 0 : index
    %get3A_546 = vector.load %arg1[%get3A_543, %get3A_544, %get3A_545] : memref<1x1024x128xf32, #tpu.memory_space<vmem>>, vector<1x32x128xf32>
    %get3A_547 = vector.shape_cast %get3A_546 : vector<1x32x128xf32> to vector<32x128xf32>
    %dot_general3A_548 = arith.constant dense<0.000000e+00> : vector<128x32xf32>
    %dot_general3A_549 = tpu.matmul %get3A_547, %select_n3A, %dot_general3A_548 {dimension_numbers = #tpu.dot_dimension_numbers<[0], [0], [1], [1], [0, 1, 1, 1], [], []>, transpose_lhs_hint = false} : vector<32x128xf32>, vector<32x32xf32>, vector<128x32xf32> -> vector<128x32xf32>
    %slice3A_550 = vector.extract_strided_slice %dot_general3A_549 {offsets = [0, 0], sizes = [32, 32], strides = [1, 1]} : vector<128x32xf32> to vector<32x32xf32>
    %slice3A_551 = vector.extract_strided_slice %dot_general3A_549 {offsets = [32, 0], sizes = [32, 32], strides = [1, 1]} : vector<128x32xf32> to vector<32x32xf32>
    %slice3A_552 = vector.extract_strided_slice %dot_general3A_549 {offsets = [64, 0], sizes = [32, 32], strides = [1, 1]} : vector<128x32xf32> to vector<32x32xf32>
    %slice3A_553 = vector.extract_strided_slice %dot_general3A_549 {offsets = [96, 0], sizes = [32, 32], strides = [1, 1]} : vector<128x32xf32> to vector<32x32xf32>
    %concatenate3A_554 = tpu.concatenate %slice3A_550, %slice3A_551, %slice3A_552, %slice3A_553 in 1 : vector<32x32xf32>, vector<32x32xf32>, vector<32x32xf32>, vector<32x32xf32> -> vector<32x128xf32>
    %reshape3A_555 = vector.shape_cast %concatenate3A_554 : vector<32x128xf32> to vector<4x8x128xf32>
    %swap3A_556 = arith.constant 0 : index
    %swap3A_557 = arith.constant 0 : index
    %swap3A_558 = arith.constant 26 : index
    %swap3A_559 = arith.constant 0 : index
    %swap3A_560 = arith.constant 0 : index
    %swap3A_561 = vector.load %arg2[%swap3A_556, %swap3A_557, %swap3A_558, %swap3A_559, %swap3A_560] : memref<1x4x32x8x128xf32, #tpu.memory_space<vmem>>, vector<1x4x1x8x128xf32>
    %swap3A_562 = vector.shape_cast %swap3A_561 : vector<1x4x1x8x128xf32> to vector<4x8x128xf32>
    %swap3A_563 = vector.shape_cast %reshape3A_555 : vector<4x8x128xf32> to vector<1x4x1x8x128xf32>
    tpu.vector_store %arg2[%swap3A_556, %swap3A_557, %swap3A_558, %swap3A_559, %swap3A_560], %swap3A_563 {strides = array<i32>} : memref<1x4x32x8x128xf32, #tpu.memory_space<vmem>>, vector<1x4x1x8x128xf32>,
    %get3A_564 = arith.constant 0 : index
    %get3A_565 = arith.constant 864 : index
    %get3A_566 = arith.constant 0 : index
    %get3A_567 = vector.load %arg1[%get3A_564, %get3A_565, %get3A_566] : memref<1x1024x128xf32, #tpu.memory_space<vmem>>, vector<1x32x128xf32>
    %get3A_568 = vector.shape_cast %get3A_567 : vector<1x32x128xf32> to vector<32x128xf32>
    %dot_general3A_569 = arith.constant dense<0.000000e+00> : vector<128x32xf32>
    %dot_general3A_570 = tpu.matmul %get3A_568, %select_n3A, %dot_general3A_569 {dimension_numbers = #tpu.dot_dimension_numbers<[0], [0], [1], [1], [0, 1, 1, 1], [], []>, transpose_lhs_hint = false} : vector<32x128xf32>, vector<32x32xf32>, vector<128x32xf32> -> vector<128x32xf32>
    %slice3A_571 = vector.extract_strided_slice %dot_general3A_570 {offsets = [0, 0], sizes = [32, 32], strides = [1, 1]} : vector<128x32xf32> to vector<32x32xf32>
    %slice3A_572 = vector.extract_strided_slice %dot_general3A_570 {offsets = [32, 0], sizes = [32, 32], strides = [1, 1]} : vector<128x32xf32> to vector<32x32xf32>
    %slice3A_573 = vector.extract_strided_slice %dot_general3A_570 {offsets = [64, 0], sizes = [32, 32], strides = [1, 1]} : vector<128x32xf32> to vector<32x32xf32>
    %slice3A_574 = vector.extract_strided_slice %dot_general3A_570 {offsets = [96, 0], sizes = [32, 32], strides = [1, 1]} : vector<128x32xf32> to vector<32x32xf32>
    %concatenate3A_575 = tpu.concatenate %slice3A_571, %slice3A_572, %slice3A_573, %slice3A_574 in 1 : vector<32x32xf32>, vector<32x32xf32>, vector<32x32xf32>, vector<32x32xf32> -> vector<32x128xf32>
    %reshape3A_576 = vector.shape_cast %concatenate3A_575 : vector<32x128xf32> to vector<4x8x128xf32>
    %swap3A_577 = arith.constant 0 : index
    %swap3A_578 = arith.constant 0 : index
    %swap3A_579 = arith.constant 27 : index
    %swap3A_580 = arith.constant 0 : index
    %swap3A_581 = arith.constant 0 : index
    %swap3A_582 = vector.load %arg2[%swap3A_577, %swap3A_578, %swap3A_579, %swap3A_580, %swap3A_581] : memref<1x4x32x8x128xf32, #tpu.memory_space<vmem>>, vector<1x4x1x8x128xf32>
    %swap3A_583 = vector.shape_cast %swap3A_582 : vector<1x4x1x8x128xf32> to vector<4x8x128xf32>
    %swap3A_584 = vector.shape_cast %reshape3A_576 : vector<4x8x128xf32> to vector<1x4x1x8x128xf32>
    tpu.vector_store %arg2[%swap3A_577, %swap3A_578, %swap3A_579, %swap3A_580, %swap3A_581], %swap3A_584 {strides = array<i32>} : memref<1x4x32x8x128xf32, #tpu.memory_space<vmem>>, vector<1x4x1x8x128xf32>,
    %get3A_585 = arith.constant 0 : index
    %get3A_586 = arith.constant 896 : index
    %get3A_587 = arith.constant 0 : index
    %get3A_588 = vector.load %arg1[%get3A_585, %get3A_586, %get3A_587] : memref<1x1024x128xf32, #tpu.memory_space<vmem>>, vector<1x32x128xf32>
    %get3A_589 = vector.shape_cast %get3A_588 : vector<1x32x128xf32> to vector<32x128xf32>
    %dot_general3A_590 = arith.constant dense<0.000000e+00> : vector<128x32xf32>
    %dot_general3A_591 = tpu.matmul %get3A_589, %select_n3A, %dot_general3A_590 {dimension_numbers = #tpu.dot_dimension_numbers<[0], [0], [1], [1], [0, 1, 1, 1], [], []>, transpose_lhs_hint = false} : vector<32x128xf32>, vector<32x32xf32>, vector<128x32xf32> -> vector<128x32xf32>
    %slice3A_592 = vector.extract_strided_slice %dot_general3A_591 {offsets = [0, 0], sizes = [32, 32], strides = [1, 1]} : vector<128x32xf32> to vector<32x32xf32>
    %slice3A_593 = vector.extract_strided_slice %dot_general3A_591 {offsets = [32, 0], sizes = [32, 32], strides = [1, 1]} : vector<128x32xf32> to vector<32x32xf32>
    %slice3A_594 = vector.extract_strided_slice %dot_general3A_591 {offsets = [64, 0], sizes = [32, 32], strides = [1, 1]} : vector<128x32xf32> to vector<32x32xf32>
    %slice3A_595 = vector.extract_strided_slice %dot_general3A_591 {offsets = [96, 0], sizes = [32, 32], strides = [1, 1]} : vector<128x32xf32> to vector<32x32xf32>
    %concatenate3A_596 = tpu.concatenate %slice3A_592, %slice3A_593, %slice3A_594, %slice3A_595 in 1 : vector<32x32xf32>, vector<32x32xf32>, vector<32x32xf32>, vector<32x32xf32> -> vector<32x128xf32>
    %reshape3A_597 = vector.shape_cast %concatenate3A_596 : vector<32x128xf32> to vector<4x8x128xf32>
    %swap3A_598 = arith.constant 0 : index
    %swap3A_599 = arith.constant 0 : index
    %swap3A_600 = arith.constant 28 : index
    %swap3A_601 = arith.constant 0 : index
    %swap3A_602 = arith.constant 0 : index
    %swap3A_603 = vector.load %arg2[%swap3A_598, %swap3A_599, %swap3A_600, %swap3A_601, %swap3A_602] : memref<1x4x32x8x128xf32, #tpu.memory_space<vmem>>, vector<1x4x1x8x128xf32>
    %swap3A_604 = vector.shape_cast %swap3A_603 : vector<1x4x1x8x128xf32> to vector<4x8x128xf32>
    %swap3A_605 = vector.shape_cast %reshape3A_597 : vector<4x8x128xf32> to vector<1x4x1x8x128xf32>
    tpu.vector_store %arg2[%swap3A_598, %swap3A_599, %swap3A_600, %swap3A_601, %swap3A_602], %swap3A_605 {strides = array<i32>} : memref<1x4x32x8x128xf32, #tpu.memory_space<vmem>>, vector<1x4x1x8x128xf32>,
    %get3A_606 = arith.constant 0 : index
    %get3A_607 = arith.constant 928 : index
    %get3A_608 = arith.constant 0 : index
    %get3A_609 = vector.load %arg1[%get3A_606, %get3A_607, %get3A_608] : memref<1x1024x128xf32, #tpu.memory_space<vmem>>, vector<1x32x128xf32>
    %get3A_610 = vector.shape_cast %get3A_609 : vector<1x32x128xf32> to vector<32x128xf32>
    %dot_general3A_611 = arith.constant dense<0.000000e+00> : vector<128x32xf32>
    %dot_general3A_612 = tpu.matmul %get3A_610, %select_n3A, %dot_general3A_611 {dimension_numbers = #tpu.dot_dimension_numbers<[0], [0], [1], [1], [0, 1, 1, 1], [], []>, transpose_lhs_hint = false} : vector<32x128xf32>, vector<32x32xf32>, vector<128x32xf32> -> vector<128x32xf32>
    %slice3A_613 = vector.extract_strided_slice %dot_general3A_612 {offsets = [0, 0], sizes = [32, 32], strides = [1, 1]} : vector<128x32xf32> to vector<32x32xf32>
    %slice3A_614 = vector.extract_strided_slice %dot_general3A_612 {offsets = [32, 0], sizes = [32, 32], strides = [1, 1]} : vector<128x32xf32> to vector<32x32xf32>
    %slice3A_615 = vector.extract_strided_slice %dot_general3A_612 {offsets = [64, 0], sizes = [32, 32], strides = [1, 1]} : vector<128x32xf32> to vector<32x32xf32>
    %slice3A_616 = vector.extract_strided_slice %dot_general3A_612 {offsets = [96, 0], sizes = [32, 32], strides = [1, 1]} : vector<128x32xf32> to vector<32x32xf32>
    %concatenate3A_617 = tpu.concatenate %slice3A_613, %slice3A_614, %slice3A_615, %slice3A_616 in 1 : vector<32x32xf32>, vector<32x32xf32>, vector<32x32xf32>, vector<32x32xf32> -> vector<32x128xf32>
    %reshape3A_618 = vector.shape_cast %concatenate3A_617 : vector<32x128xf32> to vector<4x8x128xf32>
    %swap3A_619 = arith.constant 0 : index
    %swap3A_620 = arith.constant 0 : index
    %swap3A_621 = arith.constant 29 : index
    %swap3A_622 = arith.constant 0 : index
    %swap3A_623 = arith.constant 0 : index
    %swap3A_624 = vector.load %arg2[%swap3A_619, %swap3A_620, %swap3A_621, %swap3A_622, %swap3A_623] : memref<1x4x32x8x128xf32, #tpu.memory_space<vmem>>, vector<1x4x1x8x128xf32>
    %swap3A_625 = vector.shape_cast %swap3A_624 : vector<1x4x1x8x128xf32> to vector<4x8x128xf32>
    %swap3A_626 = vector.shape_cast %reshape3A_618 : vector<4x8x128xf32> to vector<1x4x1x8x128xf32>
    tpu.vector_store %arg2[%swap3A_619, %swap3A_620, %swap3A_621, %swap3A_622, %swap3A_623], %swap3A_626 {strides = array<i32>} : memref<1x4x32x8x128xf32, #tpu.memory_space<vmem>>, vector<1x4x1x8x128xf32>,
    %get3A_627 = arith.constant 0 : index
    %get3A_628 = arith.constant 960 : index
    %get3A_629 = arith.constant 0 : index
    %get3A_630 = vector.load %arg1[%get3A_627, %get3A_628, %get3A_629] : memref<1x1024x128xf32, #tpu.memory_space<vmem>>, vector<1x32x128xf32>
    %get3A_631 = vector.shape_cast %get3A_630 : vector<1x32x128xf32> to vector<32x128xf32>
    %dot_general3A_632 = arith.constant dense<0.000000e+00> : vector<128x32xf32>
    %dot_general3A_633 = tpu.matmul %get3A_631, %select_n3A, %dot_general3A_632 {dimension_numbers = #tpu.dot_dimension_numbers<[0], [0], [1], [1], [0, 1, 1, 1], [], []>, transpose_lhs_hint = false} : vector<32x128xf32>, vector<32x32xf32>, vector<128x32xf32> -> vector<128x32xf32>
    %slice3A_634 = vector.extract_strided_slice %dot_general3A_633 {offsets = [0, 0], sizes = [32, 32], strides = [1, 1]} : vector<128x32xf32> to vector<32x32xf32>
    %slice3A_635 = vector.extract_strided_slice %dot_general3A_633 {offsets = [32, 0], sizes = [32, 32], strides = [1, 1]} : vector<128x32xf32> to vector<32x32xf32>
    %slice3A_636 = vector.extract_strided_slice %dot_general3A_633 {offsets = [64, 0], sizes = [32, 32], strides = [1, 1]} : vector<128x32xf32> to vector<32x32xf32>
    %slice3A_637 = vector.extract_strided_slice %dot_general3A_633 {offsets = [96, 0], sizes = [32, 32], strides = [1, 1]} : vector<128x32xf32> to vector<32x32xf32>
    %concatenate3A_638 = tpu.concatenate %slice3A_634, %slice3A_635, %slice3A_636, %slice3A_637 in 1 : vector<32x32xf32>, vector<32x32xf32>, vector<32x32xf32>, vector<32x32xf32> -> vector<32x128xf32>
    %reshape3A_639 = vector.shape_cast %concatenate3A_638 : vector<32x128xf32> to vector<4x8x128xf32>
    %swap3A_640 = arith.constant 0 : index
    %swap3A_641 = arith.constant 0 : index
    %swap3A_642 = arith.constant 30 : index
    %swap3A_643 = arith.constant 0 : index
    %swap3A_644 = arith.constant 0 : index
    %swap3A_645 = vector.load %arg2[%swap3A_640, %swap3A_641, %swap3A_642, %swap3A_643, %swap3A_644] : memref<1x4x32x8x128xf32, #tpu.memory_space<vmem>>, vector<1x4x1x8x128xf32>
    %swap3A_646 = vector.shape_cast %swap3A_645 : vector<1x4x1x8x128xf32> to vector<4x8x128xf32>
    %swap3A_647 = vector.shape_cast %reshape3A_639 : vector<4x8x128xf32> to vector<1x4x1x8x128xf32>
    tpu.vector_store %arg2[%swap3A_640, %swap3A_641, %swap3A_642, %swap3A_643, %swap3A_644], %swap3A_647 {strides = array<i32>} : memref<1x4x32x8x128xf32, #tpu.memory_space<vmem>>, vector<1x4x1x8x128xf32>,
    %get3A_648 = arith.constant 0 : index
    %get3A_649 = arith.constant 992 : index
    %get3A_650 = arith.constant 0 : index
    %get3A_651 = vector.load %arg1[%get3A_648, %get3A_649, %get3A_650] : memref<1x1024x128xf32, #tpu.memory_space<vmem>>, vector<1x32x128xf32>
    %get3A_652 = vector.shape_cast %get3A_651 : vector<1x32x128xf32> to vector<32x128xf32>
    %dot_general3A_653 = arith.constant dense<0.000000e+00> : vector<128x32xf32>
    %dot_general3A_654 = tpu.matmul %get3A_652, %select_n3A, %dot_general3A_653 {dimension_numbers = #tpu.dot_dimension_numbers<[0], [0], [1], [1], [0, 1, 1, 1], [], []>, transpose_lhs_hint = false} : vector<32x128xf32>, vector<32x32xf32>, vector<128x32xf32> -> vector<128x32xf32>
    %slice3A_655 = vector.extract_strided_slice %dot_general3A_654 {offsets = [0, 0], sizes = [32, 32], strides = [1, 1]} : vector<128x32xf32> to vector<32x32xf32>
    %slice3A_656 = vector.extract_strided_slice %dot_general3A_654 {offsets = [32, 0], sizes = [32, 32], strides = [1, 1]} : vector<128x32xf32> to vector<32x32xf32>
    %slice3A_657 = vector.extract_strided_slice %dot_general3A_654 {offsets = [64, 0], sizes = [32, 32], strides = [1, 1]} : vector<128x32xf32> to vector<32x32xf32>
    %slice3A_658 = vector.extract_strided_slice %dot_general3A_654 {offsets = [96, 0], sizes = [32, 32], strides = [1, 1]} : vector<128x32xf32> to vector<32x32xf32>
    %concatenate3A_659 = tpu.concatenate %slice3A_655, %slice3A_656, %slice3A_657, %slice3A_658 in 1 : vector<32x32xf32>, vector<32x32xf32>, vector<32x32xf32>, vector<32x32xf32> -> vector<32x128xf32>
    %reshape3A_660 = vector.shape_cast %concatenate3A_659 : vector<32x128xf32> to vector<4x8x128xf32>
    %swap3A_661 = arith.constant 0 : index
    %swap3A_662 = arith.constant 0 : index
    %swap3A_663 = arith.constant 31 : index
    %swap3A_664 = arith.constant 0 : index
    %swap3A_665 = arith.constant 0 : index
    %swap3A_666 = vector.load %arg2[%swap3A_661, %swap3A_662, %swap3A_663, %swap3A_664, %swap3A_665] : memref<1x4x32x8x128xf32, #tpu.memory_space<vmem>>, vector<1x4x1x8x128xf32>
    %swap3A_667 = vector.shape_cast %swap3A_666 : vector<1x4x1x8x128xf32> to vector<4x8x128xf32>
    %swap3A_668 = vector.shape_cast %reshape3A_660 : vector<4x8x128xf32> to vector<1x4x1x8x128xf32>
    tpu.vector_store %arg2[%swap3A_661, %swap3A_662, %swap3A_663, %swap3A_664, %swap3A_665], %swap3A_668 {strides = array<i32>} : memref<1x4x32x8x128xf32, #tpu.memory_space<vmem>>, vector<1x4x1x8x128xf32>,
    return
  }
  func.func @transform_0(%arg0: i32) -> (i32, i32, i32) {
    %c0_i32 = arith.constant 0 : i32
    %c0_i32_0 = arith.constant 0 : i32
    %c0_i32_1 = arith.constant 0 : i32
    return %arg0, %c0_i32, %c0_i32_0 : i32, i32, i32
  }
  func.func @transform_1(%arg0: i32) -> (i32, i32, i32, i32, i32) {
    %c0_i32 = arith.constant 0 : i32
    %c0_i32_0 = arith.constant 0 : i32
    %c0_i32_1 = arith.constant 0 : i32
    %c0_i32_2 = arith.constant 0 : i32
    %c0_i32_3 = arith.constant 0 : i32
    return %arg0, %c0_i32, %c0_i32_0, %c0_i32_1, %c0_i32_2 : i32, i32, i32, i32, i32
  }
}

</mosaic_0001>

<sc_bundles>
// kernel: kernel.5.cloned.1.call-start
scs
__scs_entry_jumppad:
0x0: {  	(pc) =	sbr.rel $0x88, $3  }
0x1: {  	(tag) =	ssettag $0x0;
	lr =	simm.s32 $0x1  }
0x2: {  	[smem:$0x3F9F] =	sst lr;
	_ =	strace $0xD0000000  }
0x3: {  	_ = 	snop  }
0x4: {  	_ = 	snop  }
0x5: {  	_ = 	snop  }
0x6: {  	_ = 	snop  }
0x7: {  	_ = 	snop  }
__scs_overlays_trampoline_lowered:
0x8: {  	[smem:$0x3FAE] =	sst s0  }
0x9: {  	[smem:$0x3FAF] =	sst s1  }
0xa: {  	[smem:$0x3FB0] =	sst s2  }
0xb: {  	[smem:$0x3FB1] =	sst s3  }
0xc: {  	[smem:$0x3FB2] =	sst s4  }
0xd: {  	[smem:$0x3FB3] =	sst s5  }
0xe: {  	[smem:$0x3FB4] =	sst s6  }
0xf: {  	[smem:$0x3FB5] =	sst s7  }
0x10: {  	[smem:$0x3FB6] =	sst s8  }
0x11: {  	[smem:$0x3FB7] =	sst s9;
	s0 =	simm.s32 @!p0 $0x0  }
0x12: {  	s1 =	sld [smem:$0x3F9D];
	s0 =	simm.s32 @p0 $0x1  }
0x13: {  	[smem:$0x3FB8] =	sst s0;
	s0 =	simm.s32 @!p1 $0x0  }
0x14: {  	s2 =	sld [smem:$0x3F9C];
	s0 =	simm.s32 @p1 $0x1  }
0x15: {  	[smem:$0x3FB9] =	sst s0;
	s0 =	simm.s32 @!p2 $0x0  }
0x16: {  	s3 =	sld [smem:$0x3FDB];
	s0 =	simm.s32 @p2 $0x1  }
0x17: {  	s4 =	simm.s32 $0x1BF5;
	[smem:$0x3FBB] =	sst s0  }
0x18: {  	s0 =	sld [smem:$0x3F9E];
	_ =	swait.ge [sflag:s4], $0x0  }
0x19: {  	s7 =	sld [smem:$0x3F9F]  }
0x1a: {  	s8 =	sadd.s32 $0xFFFFE003, lr  }
0x1b: {  	s9 =	sadd.s32 $0xFFFFFEF7, lr;
	s5 =	simm.s32 $0xFFFFFFFF;
	p2 =	slt.u32 s8, $0xFFFFF086  }
0x1c: {  	p1 =	slt.u32 s9, $0xF7A;
	s5 =	simm.s32 @!p2 $0x0  }
0x1d: {  	s5 =	simm.s32 @p1 $0x1;
	p0 =	seq.s32 s7, s2  }
0x1e: {  	s7 =	smul.u32 @!p0 $0xF7A, s2;
	p2 =	seq.s32 @!p0 s5, $0x0  }
0x1f: {  	s9 =	smul.u32 $0xF7A, s1;
	s8 =	simm.s32 @!p0 $0x1BF5;
	p2 =	por !p2, p0  }
0x20: {  	[sflag:s8] =	ssyncset.s32 @!p0 $0xFFFFF086;
	s6 =	sadd.s32 @!p0 s3, s7;
	s7 =	simm.s32 @!p0 $0x108  }
0x21: {  	s3 =	sadd.s32 s3, s9;
	s6 =	sadd.s32 @!p0 $0x88, s6;
	s7 =	simm.s32 @p2 $0x1082  }
0x22: {  	[simem:s7], [sflag:s8] =	dma.local @!p0 [hbm:s6], $0xF7A  }
0x23: {  	s9 =	sor.u32 $0xD0000000, s2;
	s6 =	simm.s32 $0x108;
	_ =	swait.ge @!p0 [sflag:s8], $0x0  }
0x24: {  	s3 =	sadd.s32 $0x88, s3;
	s6 =	simm.s32 @!p1 $0x1082;
	[sflag:s4] =	ssyncset.s32 $0xFFFFF086  }
0x25: {  	[simem:s6], [sflag:s4] =	dma.local [hbm:s3], $0xF7A  }
0x26: {  	[smem:$0x3F9F] =	sst s1;
	(tag) =	ssettag s2;
	_ =	strace s9  }
0x27: {  	s1 =	sld [smem:$0x3FAF]  }
0x28: {  	s2 =	sld [smem:$0x3FB0]  }
0x29: {  	s4 =	sld [smem:$0x3FB2]  }
0x2a: {  	p0 =	seq.s32 s5, $0x0;
	s5 =	sld [smem:$0x3FB3]  }
0x2b: {  	s6 =	sld [smem:$0x3FB4]  }
0x2c: {  	s7 =	sld [smem:$0x3FB5]  }
0x2d: {  	s3 =	simm.s32 $0x108;
	s8 =	sld [smem:$0x3FB6]  }
0x2e: {  	s3 =	simm.s32 @!p0 $0x1082;
	s9 =	sld [smem:$0x3FB7]  }
0x2f: {  	lr =	sadd.s32 s0, s3;
	s0 =	sld [smem:$0x3FAE]  }
0x30: {  	s3 =	sld [smem:$0x3FB1]  }
0x31: {  	[smem:$0x3FBA] =	sst s10  }
0x32: {  	s10 =	sld [smem:$0x3FB8];
	_ =	sdelay $0x3  }
0x33: {  	p0 =	seq.s32 s10, $0x1;
	s10 =	sld [smem:$0x3FBA];
	_ =	sdelay $0x3  }
0x34: {  	[smem:$0x3FBA] =	sst s10  }
0x35: {  	s10 =	sld [smem:$0x3FB9];
	_ =	sdelay $0x3  }
0x36: {  	p1 =	seq.s32 s10, $0x1;
	s10 =	sld [smem:$0x3FBA];
	_ =	sdelay $0x3  }
0x37: {  	[smem:$0x3FBA] =	sst s10  }
0x38: {  	s10 =	sld [smem:$0x3FBB]  }
0x39: {  	_ = 	snop;
	(pc) =	sbr.ind lr, $3  }
0x3a: {  	_ = 	snop  }
0x3b: {  	_ = 	snop  }
0x3c: {  	p2 =	seq.s32 s10, $0x1;
	s10 =	sld [smem:$0x3FBA]  }
0x3d: {  	_ =	shalt  }
0x3e: {  	_ =	shalt  }
0x3f: {  	_ =	shalt  }
0x40: {  	_ =	shalt  }
0x41: {  	_ =	shalt  }
0x42: {  	_ =	shalt  }
0x43: {  	_ =	shalt  }
0x44: {  	_ =	shalt  }
0x45: {  	_ =	shalt  }
0x46: {  	_ =	shalt  }
0x47: {  	_ =	shalt  }
0x48: {  	_ =	shalt  }
0x49: {  	_ =	shalt  }
0x4a: {  	_ =	shalt  }
0x4b: {  	_ =	shalt  }
0x4c: {  	_ =	shalt  }
0x4d: {  	_ =	shalt  }
0x4e: {  	_ =	shalt  }
0x4f: {  	_ =	shalt  }
0x50: {  	_ =	shalt  }
0x51: {  	_ =	shalt  }
0x52: {  	_ =	shalt  }
0x53: {  	_ =	shalt  }
0x54: {  	_ =	shalt  }
0x55: {  	_ =	shalt  }
0x56: {  	_ =	shalt  }
0x57: {  	_ =	shalt  }
0x58: {  	_ =	shalt  }
0x59: {  	_ =	shalt  }
0x5a: {  	_ =	shalt  }
0x5b: {  	_ =	shalt  }
0x5c: {  	_ =	shalt  }
0x5d: {  	_ =	shalt  }
0x5e: {  	_ =	shalt  }
0x5f: {  	_ =	shalt  }
0x60: {  	_ =	shalt  }
0x61: {  	_ =	shalt  }
0x62: {  	_ =	shalt  }
0x63: {  	_ =	shalt  }
0x64: {  	_ =	shalt  }
0x65: {  	_ =	shalt  }
0x66: {  	_ =	shalt  }
0x67: {  	_ =	shalt  }
0x68: {  	_ =	shalt  }
0x69: {  	_ =	shalt  }
0x6a: {  	_ =	shalt  }
0x6b: {  	_ =	shalt  }
0x6c: {  	_ =	shalt  }
0x6d: {  	_ =	shalt  }
0x6e: {  	_ =	shalt  }
0x6f: {  	_ =	shalt  }
0x70: {  	_ =	shalt  }
0x71: {  	_ =	shalt  }
0x72: {  	_ =	shalt  }
0x73: {  	_ =	shalt  }
0x74: {  	_ =	shalt  }
0x75: {  	_ =	shalt  }
0x76: {  	_ =	shalt  }
0x77: {  	_ =	shalt  }
0x78: {  	_ =	shalt  }
0x79: {  	_ =	shalt  }
0x7a: {  	_ =	shalt  }
0x7b: {  	_ =	shalt  }
0x7c: {  	_ =	shalt  }
0x7d: {  	_ =	shalt  }
0x7e: {  	_ =	shalt  }
0x7f: {  	_ =	shalt  }
0x80: {  	_ =	shalt  }
0x81: {  	_ =	shalt  }
0x82: {  	_ =	shalt  }
0x83: {  	_ =	shalt  }
0x84: {  	_ =	shalt  }
0x85: {  	_ =	shalt  }
0x86: {  	_ =	shalt  }
0x87: {  	_ =	shalt  }
.Lfunc_end0:
.L_simem_size_0:
called_computation_lowered:
.L_overlay_start_0:
0x88: {  	s2 =	sld [smem:$0x3FD9]  }
0x89: {  	s3 =	sld [smem:$0x3FFE];
	_ =	sdelay $0x1  }
0x8a: {  	s1 =	srdreg.scid  }
0x8b: {  	s0 =	sand.u32 $0x1, s1  }
0x8c: {  	s17 =	sshll.u32 s0, $0xA;
	s2 =	sadd.s32 s3, s2  }
0x8d: {  	s2 =	sadd.s32 s2, s17  }
0x8e: {  	[smem:$0x3FC6] =	sst s2  }
0x8f: {  	_ = 	snop  }
0x90: {  	s2 =	sld [smem:$0x3FD0];
	(tm) =	ssettm $0x1  }
0x91: {  	s18 =	sld [smem:$0x3FFB];
	_ =	sdelay $0x3  }
0x92: {  	_ =	strace s18  }
0x93: {  	s3 =	sld [smem:$0x3FFC];
	_ =	sdelay $0x3  }
0x94: {  	_ =	strace s3  }
0x95: {  	s3 =	sld [smem:$0x3FFD];
	_ =	sdelay $0x3  }
0x96: {  	_ =	strace s3  }
0x97: {  	_ =	strace $0x8FFFFFFF  }
0x98: {  	s19 =	sld [smem:$0x3FDB];
	_ =	sdelay $0x1  }
0x99: {  	s4 =	simm.s32 $_scs_section_size  }
0x9a: {  	s5 =	simm.s32 $_size__tile_overlayer_lowered;
	s6 =	simm.s32 $_tile_overlayer_lowered  }
0x9b: {  	s22 =	simm.s32 $0x1BFF;
	s21 =	sshll.u32 s6, $0x1;
	s3 =	sadd.s32 s4, s19  }
0x9c: {  	s7 =	simm.s32 $0x0;
	s20 =	sshll.u32 s5, $0x1;
	s5 =	sadd.s32 s21, s3  }
0x9d: {  	[timem:s7], [sflag:s22] =	dma.local [hbm:s5], s20  }
0x9e: {  	_ =	swait.ge [sflag:s22], s20  }
0x9f: {  	s4 =	ssub.s32 $0x0, s20;
	[sflag:s22] =	ssyncset.done $0x0  }
0xa0: {  	[sflag:s22] =	ssyncadd.s32 s4;
	_ =	sdelay $0x1  }
0xa1: {  	s23 =	simm.s32 $0x1B8B  }
0xa2: {  	_ =	swait.ge [sflag:s23], $0x1  }
0xa3: {  	[sflag:s23] =	ssyncset.done $0x0  }
0xa4: {  	s25 =	simm.s32 $0x1B8E;
	s24 =	sld [smem:$0x3FFE];
	[sflag:s23] =	ssyncadd.s32 $0xFFFFFFFF  }
0xa5: {  	s26 =	simm.s32 $execute0_lowered;
	[smem:$0x3FD2] =	sst s25  }
0xa6: {  	s5 =	sshll.u32 s26, $0x1;
	_ =	strace $0x80000046;
	[dreg:$0x1] =	wrdreg $0xFFFFFFFF  }
0xa7: {  	s28 =	simm.s32 $_size_execute0_lowered;
	s3 =	sadd.s32 s3, s5;
	[dreg:$0x0] =	wrdreg $0x0  }
0xa8: {  	s5 =	sshll.u32 s28, $0x1;
	[dreg:$0x2] =	wrdreg s3  }
0xa9: {  	[dreg:$0x3] =	wrdreg s5  }
0xaa: {  	[dreg:$0x4] =	wrdreg $0xC0  }
0xab: {  	_ =	task [dreg:s7], $0x5FFFF  }
0xac: {  	[dreg:$0x1] =	wrdreg $0xFFFFFFFF  }
0xad: {  	[dreg:$0x0] =	wrdreg $0x60  }
0xae: {  	[dreg:$0x2] =	wrdreg s24  }
0xaf: {  	[dreg:$0x3] =	wrdreg s2  }
0xb0: {  	[dreg:$0x4] =	wrdreg $0x9  }
0xb1: {  	_ =	task.clear_ibuf [dreg:s7], $0x5FFFF;
	_ =	strace $0x90000046  }
0xb2: {  	s29 =	simm.s32 $0x9;
	_ =	strace $0x80000048  }
0xb3: {  	_ =	swait.ge [sflag:s29], $0x1  }
0xb4: {  	[sflag:s29] =	ssyncadd.s32 $0xFFFFFFFF  }
0xb5: {  	_ =	strace $0x90000048  }
0xb6: {  	_ =	sfence  }
0xb7: {  	s30 =	sld [smem:$0x0];
	_ =	sdelay $0x2  }
0xb8: {  	s31 =	sshll.u32 s1, $0xD;
	s1 =	sshrl.u32 s1, $0x2  }
0xb9: {  	s3 =	sand.u32 $0x4000, s31;
	s1 =	sadd.s32 s1, s30  }
0xba: {  	s0 =	sor.u32 s3, s0;
	s1 =	sshll.u32 s1, $0x11  }
0xbb: {  	s0 =	sor.u32 s1, s0  }
0xbc: {  	s0 =	sadd.s32 $0x8F2B, s0  }
0xbd: {  	[sflag:s0] =	ssyncadd.remote.s32 $0x1  }
0xbe: {  	_ =	sfence.sel $0xFFFF  }
0xbf: {  	[dreg:$0x0] =	wrdreg $0xFFFFFFFF;
	(pc) =	sbr.abs _section_cstart, $3  }
0xc0: {  	[dreg:$0x1] =	wrdreg $0xFFFFFFFF  }
0xc1: {  	_ =	task.clear_ibuf [dreg:s7], $0x2FFFF;
	_ =	strace $0x9FFFFFFF  }
0xc2: {  	(tm) =	ssettm $0x7FFFFFFF  }
0xc3: {  	_ =	shalt  }
tec
execute0_lowered:
.L_overlay_start_1:
0x0: {  	(tag) =	ssettag $0x1  }
0x1: {  	s0 =	rddreg [dreg:$0x0]  }
0x2: {  	s2 =	rddreg [dreg:$0x1]  }
0x3: {  	s1 =	srdreg.scid;
	s4 =	stileid.u32  }
0x4: {  	s3 =	simm.s32 $0x0;
	s12 =	simm.s32 $0x7;
	s13 =	simm.s32 $0x80  }
0x5: {  	s14 =	simm.s32 $0xC00;
	s22 =	simm.s32 $0x280;
	s23 =	simm.s32 $0x5C00  }
0x6: {  	s24 =	simm.s32 $0x300;
	s28 =	simm.s32 $0x7C00;
	s29 =	simm.s32 $0x400  }
0x7: {  	s30 =	simm.s32 $0x8C00;
	s1 =	sand.u32 $0x1, s1;
	s4 =	sshll.u32 s4, $0x1  }
0x8: {  	s10 =	simm.s32 $0x10C00;
	s11 =	simm.s32 $0x4;
	s7 =	sor.u32 s1, s4  }
0x9: {  	s31 =	simm.s32 $0x3;
	s16 =	simm.s32 $0x0;
	s8 =	smul.u32 $0xC8, s7  }
0xa: {  	[smem:$0x7FF] =	sst s3;
	s6 =	sadd.s32 $0x3D0E00, s0;
	s5 =	smul.u32 $0xC8000, s7  }
0xb: {  	_ =	strace $0x80000047;
	s1 =	ssub.s32 $0x2, s1;
	s9 =	smul.u32 $0xC80, s7  }
0xc: {  	s4 =	sadd.s32 $0x400, s0;
	s25 =	sshrl.u32 s1, $0x1;
	s7 =	smul.u32 $0x6400, s7  }
0xd: {  	s0 =	ssub.s32 s1, s25;
	s25 =	simm.s32 $0x6C00;
	s9 =	sadd.s32 s2, s9  }
0xe: {  	s26 =	sshrl.u32 s5, $0x3;
	s0 =	smax.u32 s0, $0x1;
	[dreg:$0x3] =	wrdreg s9  }
0xf: {  	s9 =	sadd.s32 $0x18, s8;
	s1 =	sadd.s32 s6, s26;
	[dreg:$0x5] =	wrdreg s0  }
0x10: {  	s26 =	simm.s32 $0x380;
	s8 =	simm.s32 $0x800;
	s1 =	sadd.s32 $0x18000, s1  }
0x11: {  	s0 =	simm.s32 $0x2;
	[dreg:$0x4] =	wrdreg s1;
	s1 =	simm.s32 $0x1  }
.LBB2_1:
0x12: {  	[dreg:$0x6] =	wrdreg s16  }
0x13: {  	s15 =	rddreg [dreg:$0x3]  }
0x14: {  	[tilespmem:s3], [sflag:$0x7] =	stream.linear.gather [hbm4b:s15+s3], $0x400, $0x38;
	[tilespmem:$0x18C00] =	vst v63  }
0x15: {  	_ =	swait.ge [sflag:s12], $0x400  }
0x16: {  	[sflag:s12] =	ssyncset.done $0x0  }
0x17: {  	[sflag:s12] =	ssyncadd.s32 $0xFFFFFC00  }
0x18: {  	[tilespmem:s14], [sflag:$0x1] =	stream.indirect.gather [hbm4b:s4+s13], $0x20, s3, s13, $0xb8;
	[tilespmem:$0x18C00] =	vst v63  }
0x19: {  	s21 =	simm.s32 $0x1C00  }
0x1a: {  	[tilespmem:s21], [sflag:$0x1] =	stream.indirect.gather [hbm4b:s4+s13], $0x20, s13, s13, $0xb8;
	[tilespmem:$0x18C00] =	vst v63  }
0x1b: {  	s16 =	simm.s32 $0x100;
	s17 =	simm.s32 $0x2C00  }
0x1c: {  	[tilespmem:s17], [sflag:$0x1] =	stream.indirect.gather [hbm4b:s4+s13], $0x20, s16, s13, $0xb8;
	[tilespmem:$0x18C00] =	vst v63  }
0x1d: {  	s18 =	simm.s32 $0x180;
	s19 =	simm.s32 $0x3C00  }
0x1e: {  	[tilespmem:s19], [sflag:$0x1] =	stream.indirect.gather [hbm4b:s4+s13], $0x20, s18, s13, $0xb8;
	[tilespmem:$0x18C00] =	vst v63  }
0x1f: {  	s20 =	simm.s32 $0x200;
	s21 =	simm.s32 $0x4C00  }
0x20: {  	[tilespmem:s21], [sflag:$0x1] =	stream.indirect.gather [hbm4b:s4+s13], $0x20, s20, s13, $0xb8;
	[tilespmem:$0x18C00] =	vst v63  }
0x21: {  	_ = 	snop  }
0x22: {  	[tilespmem:s23], [sflag:$0x1] =	stream.indirect.gather [hbm4b:s4+s13], $0x20, s22, s13, $0xb8;
	[tilespmem:$0x18C00] =	vst v63  }
0x23: {  	_ = 	snop  }
0x24: {  	[tilespmem:s25], [sflag:$0x1] =	stream.indirect.gather [hbm4b:s4+s13], $0x20, s24, s13, $0xb8;
	[tilespmem:$0x18C00] =	vst v63  }
0x25: {  	s15 =	simm.s32 $0x0  }
0x26: {  	[tilespmem:s28], [sflag:$0x1] =	stream.indirect.gather [hbm4b:s4+s13], $0x20, s26, s13, $0xb8;
	[tilespmem:$0x18C00] =	vst v63  }
.LBB2_2:
0x27: {  	s17 =	smul.u32 $0x3, s15;
	_ =	sdelay $0x1  }
0x28: {  	p0 =	seq.s32 s15, $0x0;
	s16 =	sadd.s32 $0x1, s17  }
0x29: {  	s18 =	simm.s32 @!p0 $0x5;
	s19 =	sshll.u32 s16, $0xA  }
0x2a: {  	_ =	swait.ge @!p0 [sflag:s18], $0x8000;
	s19 =	sadd.s32 s7, s19  }
0x2b: {  	[sflag:s18] =	ssyncset.done @!p0 $0x0;
	s19 =	sshrl.u32 s19, $0x3  }
0x2c: {  	s21 =	simm.s32 $0x0;
	[sflag:s18] =	ssyncadd.s32 @!p0 $0xFFFF8000;
	s20 =	sadd.s32 s2, s19  }
0x2d: {  	[tilespmem:s29], [sflag:$0x7] =	stream.linear.gather [hbm4b:s20+s21], $0x400, $0x38;
	[tilespmem:$0x18C00] =	vst v63  }
0x2e: {  	_ =	swait.ge [sflag:s12], $0x400  }
0x2f: {  	[sflag:s12] =	ssyncset.done $0x0  }
0x30: {  	[sflag:s12] =	ssyncadd.s32 $0xFFFFFC00  }
0x31: {  	[tilespmem:s30], [sflag:$0x2] =	stream.indirect.gather [hbm4b:s4+s13], $0x20, s29, s13, $0xb8;
	[tilespmem:$0x18C00] =	vst v63  }
0x32: {  	s20 =	simm.s32 $0x480;
	s21 =	simm.s32 $0x9C00  }
0x33: {  	[tilespmem:s21], [sflag:$0x2] =	stream.indirect.gather [hbm4b:s4+s13], $0x20, s20, s13, $0xb8;
	[tilespmem:$0x18C00] =	vst v63  }
0x34: {  	s20 =	simm.s32 $0x500;
	s21 =	simm.s32 $0xAC00  }
0x35: {  	[tilespmem:s21], [sflag:$0x2] =	stream.indirect.gather [hbm4b:s4+s13], $0x20, s20, s13, $0xb8;
	[tilespmem:$0x18C00] =	vst v63  }
0x36: {  	s20 =	simm.s32 $0x580;
	s21 =	simm.s32 $0xBC00  }
0x37: {  	[tilespmem:s21], [sflag:$0x2] =	stream.indirect.gather [hbm4b:s4+s13], $0x20, s20, s13, $0xb8;
	[tilespmem:$0x18C00] =	vst v63  }
0x38: {  	s20 =	simm.s32 $0x600;
	s21 =	simm.s32 $0xCC00  }
0x39: {  	[tilespmem:s21], [sflag:$0x2] =	stream.indirect.gather [hbm4b:s4+s13], $0x20, s20, s13, $0xb8;
	[tilespmem:$0x18C00] =	vst v63  }
0x3a: {  	s20 =	simm.s32 $0x680;
	s21 =	simm.s32 $0xDC00  }
0x3b: {  	[tilespmem:s21], [sflag:$0x2] =	stream.indirect.gather [hbm4b:s4+s13], $0x20, s20, s13, $0xb8;
	[tilespmem:$0x18C00] =	vst v63  }
0x3c: {  	s20 =	simm.s32 $0x700;
	s21 =	simm.s32 $0xEC00  }
0x3d: {  	[tilespmem:s21], [sflag:$0x2] =	stream.indirect.gather [hbm4b:s4+s13], $0x20, s20, s13, $0xb8;
	[tilespmem:$0x18C00] =	vst v63  }
0x3e: {  	s19 =	simm.s32 $0x780;
	s20 =	simm.s32 $0xFC00  }
0x3f: {  	[tilespmem:s20], [sflag:$0x2] =	stream.indirect.gather [hbm4b:s4+s13], $0x20, s19, s13, $0xb8;
	[tilespmem:$0x18C00] =	vst v63  }
0x40: {  	_ =	swait.ge [sflag:s1], $0x8000  }
0x41: {  	[sflag:s1] =	ssyncset.done $0x0  }
0x42: {  	s18 =	simm.s32 $0x0;
	[sflag:s1] =	ssyncadd.s32 $0xFFFF8000  }
0x43: {  	v0 =	vld [tilespmem:s18+$0xC30]  }
0x44: {  	v1 =	vld [tilespmem:s18+$0xCF0]  }
0x45: {  	v2 =	vld [tilespmem:s18+$0xCE0]  }
0x46: {  	v3 =	vld [tilespmem:s18+$0xCC0]  }
0x47: {  	v6 =	vld [tilespmem:s18+$0xC00];
	_ =	sdelay $0x1  }
0x48: {  	v4 =	vld [tilespmem:s18+$0xC70]  }
0x49: {  	v0 =	vmul.f32 $-2.000000000e+00, v0;
	v1 =	vmul.f32 $-2.000000000e+00, v1  }
0x4a: {  	v5 =	vld [tilespmem:s18+$0xC40];
	v2 =	vmul.f32 $-2.000000000e+00, v2;
	v3 =	vmul.f32 $-2.000000000e+00, v3  }
0x4b: {  	v6 =	vmul.f32 $-2.000000000e+00, v6;
	v0 =	vmul.f32 $1.442695020e+00, v0  }
0x4c: {  	v7 =	vld [tilespmem:s18+$0xC50];
	v1 =	vmul.f32 $1.442695020e+00, v1;
	v2 =	vmul.f32 $1.442695020e+00, v2  }
0x4d: {  	v8 =	vld [tilespmem:s18+$0xC20];
	(erf) = vpow2.f32 v0;
	v0 =	vmul.f32 $-2.000000000e+00, v4  }
0x4e: {  	(erf) = vpow2.f32 v2;
	v2 =	vmul.f32 $1.442695020e+00, v3;
	v3 =	vld [tilespmem:s18+$0xC90]  }
0x4f: {  	v6 =	vmul.f32 $1.442695020e+00, v6;
	v4 =	vmul.f32 $-2.000000000e+00, v5;
	v5 =	vld [tilespmem:s18+$0xCB0]  }
0x50: {  	v0 =	vmul.f32 $1.442695020e+00, v0;
	(erf) = vpow2.f32 v1  }
0x51: {  	v1 =	vmul.f32 $-2.000000000e+00, v7;
	v4 =	vmul.f32 $1.442695020e+00, v4  }
0x52: {  	(erf) = vpow2.f32 v0;
	v0 =	vmul.f32 $-2.000000000e+00, v8  }
0x53: {  	v1 =	vmul.f32 $1.442695020e+00, v1;
	v3 =	vmul.f32 $-2.000000000e+00, v3  }
0x54: {  	(erf) = vpow2.f32 v6;
	v5 =	vmul.f32 $-2.000000000e+00, v5  }
0x55: {  	v6 =	vld [tilespmem:s18+$0xCA0];
	(erf) = vpow2.f32 v2;
	v3 =	vmul.f32 $1.442695020e+00, v3  }
0x56: {  	v2 =	vld [tilespmem:s18+$0xCD0];
	v0 =	vmul.f32 $1.442695020e+00, v0;
	(erf) = vpow2.f32 v1  }
0x57: {  	v5 =	vmul.f32 $1.442695020e+00, v5;
	(erf) = vpow2.f32 v4;
	v1 =	vpop (erf)  }
0x58: {  	v7 =	vld [tilespmem:s18+$0xC80];
	v4 =	vpop (erf);
	(erf) = vpow2.f32 v3  }
0x59: {  	v1 =	vadd.f32 $1.000000000e+00, v1;
	(erf) = vpow2.f32 v5;
	v3 =	vpop (erf)  }
0x5a: {  	v5 =	vmul.f32 $-2.000000000e+00, v6;
	v6 =	vld [tilespmem:s18+$0xC60];
	(erf) = vpow2.f32 v0;
	v3 =	vadd.f32 $1.000000000e+00, v3  }
0x5b: {  	v8 =	vld [tilespmem:s18+$0xC10];
	v2 =	vmul.f32 $-2.000000000e+00, v2;
	v0 =	vpop (erf);
	(erf) = vrcp.f32 v1  }
0x5c: {  	v1 =	vadd.f32 $1.000000000e+00, v4;
	v4 =	vmul.f32 $1.442695020e+00, v5;
	v0 =	vadd.f32 $1.000000000e+00, v0  }
0x5d: {  	v5 =	vmul.f32 $-2.000000000e+00, v7;
	(erf) = vrcp.f32 v3  }
0x5e: {  	v2 =	vmul.f32 $1.442695020e+00, v2;
	(erf) = vrcp.f32 v0;
	v3 =	vpop (erf)  }
0x5f: {  	(erf) = vrcp.f32 v1;
	v1 =	vmul.f32 $-2.000000000e+00, v6;
	v7 =	vpop (erf)  }
0x60: {  	s21 =	smul.u32 $0xC00, s15;
	v6 =	vmul.f32 $1.442695020e+00, v5;
	v5 =	vmul.f32 $-2.000000000e+00, v8;
	v9 =	vpop (erf)  }
0x61: {  	v0 =	vadd.f32 $1.000000000e+00, v3;
	(erf) = vpow2.f32 v4;
	v3 =	vadd.f32 $1.000000000e+00, v7;
	v7 =	vpop (erf)  }
0x62: {  	s19 =	sadd.s32 s7, s21;
	v1 =	vmul.f32 $1.442695020e+00, v1;
	(erf) = vpow2.f32 v2;
	v8 =	vadd.f32 $1.000000000e+00, v7;
	v7 =	vpop (erf)  }
0x63: {  	s19 =	sshll.u32 s19, $0x2;
	v5 =	vmul.f32 $1.442695020e+00, v5;
	v4 =	vadd.f32 $1.000000000e+00, v9;
	(erf) = vpow2.f32 v6;
	v2 =	vpop (erf)  }
0x64: {  	s20 =	simm.s32 $0x400;
	s19 =	sadd.s32 s6, s19;
	v6 =	vadd.f32 $1.000000000e+00, v7;
	v2 =	vadd.f32 $1.000000000e+00, v2;
	v7 =	vpop (erf);
	(erf) = vrcp.f32 v8  }
.LBB2_3:
0x65: {  	p1 =	sne.s32 s20, $0x1FC00;
	v7 =	vadd.f32 $1.000000000e+00, v7;
	v8 =	vpop (erf);
	(erf) = vrcp.f32 v3;
	s21 =	smov.u32 s20;
	s20 =	sadd.s32 $0x400, s20  }
0x66: {  	v3 =	vadd.f32 v8, v8;
	(erf) = vrcp.f32 v6;
	v6 =	vpop (erf)  }
0x67: {  	(erf) = vpow2.f32 v5;
	v5 =	vpop (erf)  }
0x68: {  	v3 =	vadd.f32 $-1.000000000e+00, v3;
	(erf) = vrcp.f32 v4;
	v4 =	vpop (erf)  }
0x69: {  	v8 =	vadd.f32 v6, v6;
	v4 =	vadd.f32 v4, v4;
	(erf) = vrcp.f32 v0  }
0x6a: {  	[tilespmem:s18+$0xC30] =	vst v3;
	(erf) = vrcp.f32 v7;
	v0 =	vpop (erf)  }
0x6b: {  	v3 =	vadd.f32 v5, v5;
	v7 =	vadd.f32 $-1.000000000e+00, v8;
	(erf) = vpow2.f32 v1;
	v1 =	vpop (erf)  }
0x6c: {  	v4 =	vadd.f32 $-1.000000000e+00, v4;
	v1 =	vadd.f32 $1.000000000e+00, v1;
	v6 =	vpop (erf)  }
0x6d: {  	v8 =	vadd.f32 $-1.000000000e+00, v3;
	v9 =	vadd.f32 $1.000000000e+00, v6;
	[tilespmem:s18+$0xCF0] =	vst v7;
	v5 =	vpop (erf);
	(erf) = vrcp.f32 v2  }
0x6e: {  	s21 =	sshra.s32 s21, $0x2;
	v0 =	vadd.f32 $1.000000000e+00, v0;
	[tilespmem:s18+$0xCE0] =	vst v4;
	v2 =	vpop (erf);
	(erf) = vrcp.f32 v1  }
0x6f: {  	v1 =	vld [tilespmem:s21+$0xC30];
	[tilespmem:s18+$0xC70] =	vst v8;
	v2 =	vadd.f32 v2, v2;
	(erf) = vrcp.f32 v9;
	v3 =	vpop (erf)  }
0x70: {  	v5 =	vadd.f32 v5, v5;
	v4 =	vld [tilespmem:s21+$0xCF0];
	v3 =	vadd.f32 v3, v3;
	v6 =	vpop (erf);
	(erf) = vrcp.f32 v0  }
0x71: {  	v0 =	vld [tilespmem:s21+$0xCE0];
	v6 =	vadd.f32 $1.000000000e+00, v6;
	v10 =	vadd.f32 $-1.000000000e+00, v2;
	v7 =	vpop (erf)  }
0x72: {  	v7 =	vadd.f32 v7, v7;
	v11 =	vadd.f32 $-1.000000000e+00, v3;
	v8 =	vpop (erf)  }
0x73: {  	v5 =	vadd.f32 $-1.000000000e+00, v5;
	v9 =	vld [tilespmem:s21+$0xC70];
	v8 =	vadd.f32 v8, v8;
	[tilespmem:s18+$0xCC0] =	vst v10;
	(erf) = vrcp.f32 v6;
	v2 =	vpop (erf)  }
0x74: {  	v1 =	vmul.f32 $-2.000000000e+00, v1;
	v6 =	vld [tilespmem:s21+$0xCC0];
	v2 =	vadd.f32 v2, v2;
	v12 =	vadd.f32 $-1.000000000e+00, v7;
	[tilespmem:s18+$0xC90] =	vst v11;
	v3 =	vpop (erf)  }
0x75: {  	v10 =	vld [tilespmem:s21+$0xC90];
	v4 =	vmul.f32 $-2.000000000e+00, v4;
	v8 =	vadd.f32 $-1.000000000e+00, v8;
	[tilespmem:s18+$0xC40] =	vst v5;
	v13 =	vadd.f32 $1.000000000e+00, v3  }
0x76: {  	v1 =	vmul.f32 $1.442695020e+00, v1;
	v5 =	vld [tilespmem:s21+$0xC40];
	v0 =	vmul.f32 $-2.000000000e+00, v0;
	v2 =	vadd.f32 $-1.000000000e+00, v2;
	[tilespmem:s18+$0xC50] =	vst v12;
	v7 =	vpop (erf)  }
0x77: {  	v11 =	vld [tilespmem:s21+$0xC50];
	v4 =	vmul.f32 $1.442695020e+00, v4;
	[tilespmem:s18+$0xC00] =	vst v8;
	v14 =	vadd.f32 v7, v7;
	(erf) = vrcp.f32 v13;
	v3 =	vpop (erf)  }
0x78: {  	v8 =	vld [tilespmem:s21+$0xC00];
	v0 =	vmul.f32 $1.442695020e+00, v0;
	[tilespmem:s18+$0xC20] =	vst v2;
	v2 =	vadd.f32 v3, v3;
	v3 =	vpop (erf)  }
0x79: {  	v12 =	vld [tilespmem:s21+$0xC20];
	v6 =	vmul.f32 $-2.000000000e+00, v6;
	(erf) = vpow2.f32 v1;
	v1 =	vadd.f32 $-1.000000000e+00, v14;
	v7 =	vpop (erf)  }
0x7a: {  	v13 =	vmul.f32 $-2.000000000e+00, v9;
	(erf) = vpow2.f32 v0;
	v0 =	vadd.f32 v3, v3  }
0x7b: {  	v3 =	vmul.f32 $1.442695020e+00, v6;
	v6 =	vadd.f32 v7, v7;
	[tilespmem:s18+$0xCB0] =	vst v1;
	v1 =	vadd.f32 $-1.000000000e+00, v2  }
0x7c: {  	v2 =	vmul.f32 $-2.000000000e+00, v5;
	v5 =	vmul.f32 $1.442695020e+00, v13;
	v7 =	vld [tilespmem:s21+$0xCB0];
	v9 =	vpop (erf)  }
0x7d: {  	v8 =	vmul.f32 $-2.000000000e+00, v8;
	(erf) = vpow2.f32 v4;
	v4 =	vadd.f32 $-1.000000000e+00, v6;
	[tilespmem:s18+$0xCD0] =	vst v1  }
0x7e: {  	v6 =	vmul.f32 $-2.000000000e+00, v11;
	v11 =	vadd.f32 $-1.000000000e+00, v0;
	v1 =	vmul.f32 $-2.000000000e+00, v12  }
0x7f: {  	v8 =	vmul.f32 $1.442695020e+00, v8;
	(erf) = vpow2.f32 v5;
	v5 =	vadd.f32 v9, v9;
	[tilespmem:s18+$0xCA0] =	vst v4  }
0x80: {  	v2 =	vmul.f32 $1.442695020e+00, v2;
	v4 =	vmul.f32 $1.442695020e+00, v6;
	[tilespmem:s18+$0xC80] =	vst v11;
	v0 =	vpop (erf)  }
0x81: {  	v6 =	vmul.f32 $-2.000000000e+00, v7;
	(erf) = vpow2.f32 v8;
	v0 =	vadd.f32 v0, v0  }
0x82: {  	v7 =	vmul.f32 $-2.000000000e+00, v10;
	v8 =	vld [tilespmem:s21+$0xCA0];
	v9 =	vpop (erf);
	(erf) = vpow2.f32 v3;
	v3 =	vadd.f32 $-1.000000000e+00, v5  }
0x83: {  	v5 =	vadd.f32 $1.000000000e+00, v9;
	v6 =	vmul.f32 $1.442695020e+00, v6;
	v9 =	vld [tilespmem:s21+$0xCD0];
	v10 =	vpop (erf);
	v0 =	vadd.f32 $-1.000000000e+00, v0  }
0x84: {  	v7 =	vmul.f32 $1.442695020e+00, v7;
	v10 =	vadd.f32 $1.000000000e+00, v10;
	(erf) = vpow2.f32 v4;
	[tilespmem:s18+$0xC10] =	vst v3  }
0x85: {  	v3 =	vld [tilespmem:s21+$0xC80];
	(erf) = vpow2.f32 v2;
	[tilespmem:s18+$0xC60] =	vst v0;
	s18 =	smov.u32 s21  }
0x86: {  	v11 =	vmul.f32 $1.442695020e+00, v1;
	(erf) = vpow2.f32 v7;
	v1 =	vpop (erf)  }
0x87: {  	v2 =	vmul.f32 $-2.000000000e+00, v8;
	v1 =	vadd.f32 $1.000000000e+00, v1;
	(erf) = vpow2.f32 v6  }
0x88: {  	v4 =	vld [tilespmem:s18+$0xC60];
	v6 =	vmul.f32 $-2.000000000e+00, v9;
	(erf) = vpow2.f32 v11;
	v0 =	vpop (erf)  }
0x89: {  	v7 =	vld [tilespmem:s18+$0xC10];
	v8 =	vadd.f32 $1.000000000e+00, v0;
	v2 =	vmul.f32 $1.442695020e+00, v2;
	(erf) = vrcp.f32 v5  }
0x8a: {  	v5 =	vmul.f32 $1.442695020e+00, v6;
	v0 =	vpop (erf);
	(erf) = vrcp.f32 v1  }
0x8b: {  	v9 =	vmul.f32 $-2.000000000e+00, v3;
	v0 =	vadd.f32 $1.000000000e+00, v0;
	(erf) = vrcp.f32 v8;
	v3 =	vpop (erf)  }
0x8c: {  	v3 =	vadd.f32 $1.000000000e+00, v3;
	(erf) = vrcp.f32 v10  }
.Ltmp0:
0x8d: {  	v6 =	vmul.f32 $1.442695020e+00, v9;
	v4 =	vmul.f32 $-2.000000000e+00, v4;
	v8 =	vpop (erf);
	(pc) =	sbr.rel @p1 .LBB2_3-.Ltmp0, $4  }
0x8e: {  	v10 =	vmul.f32 $-2.000000000e+00, v7;
	v1 =	vpop (erf);
	(erf) = vpow2.f32 v2  }
0x8f: {  	v9 =	vadd.f32 $1.000000000e+00, v1;
	v1 =	vmul.f32 $1.442695020e+00, v4;
	v2 =	vpop (erf);
	(erf) = vpow2.f32 v5  }
0x90: {  	v4 =	vadd.f32 $1.000000000e+00, v8;
	v5 =	vmul.f32 $1.442695020e+00, v10;
	(erf) = vpow2.f32 v6;
	v7 =	vpop (erf)  }
0x91: {  	v6 =	vadd.f32 $1.000000000e+00, v2;
	v2 =	vadd.f32 $1.000000000e+00, v7;
	v7 =	vpop (erf);
	(erf) = vrcp.f32 v9  }
0x92: {  	(erf) = vrcp.f32 v3  }
0x93: {  	v3 =	vpop (erf);
	(erf) = vrcp.f32 v6  }
0x94: {  	v6 =	vpop (erf);
	(erf) = vpow2.f32 v5  }
0x95: {  	v5 =	vadd.f32 $1.000000000e+00, v7;
	v7 =	vpop (erf);
	(erf) = vrcp.f32 v4  }
0x96: {  	v4 =	vpop (erf);
	(erf) = vrcp.f32 v0  }
0x97: {  	(erf) = vrcp.f32 v5;
	v0 =	vpop (erf)  }
0x98: {  	(erf) = vpow2.f32 v1;
	v1 =	vpop (erf)  }
0x99: {  	v5 =	vpop (erf)  }
0x9a: {  	v8 =	vpop (erf)  }
0x9b: {  	v1 =	vadd.f32 $1.000000000e+00, v1;
	v9 =	vpop (erf)  }
0x9c: {  	v3 =	vadd.f32 v3, v3;
	v5 =	vadd.f32 $1.000000000e+00, v5;
	v10 =	vpop (erf)  }
0x9d: {  	v11 =	vpop (erf)  }
0x9e: {  	v6 =	vadd.f32 v6, v6;
	v3 =	vadd.f32 $-1.000000000e+00, v3;
	(erf) = vrcp.f32 v2;
	v2 =	vpop (erf)  }
0x9f: {  	v7 =	vadd.f32 v7, v7;
	v0 =	vadd.f32 $1.000000000e+00, v0;
	(erf) = vrcp.f32 v1;
	v1 =	vpop (erf)  }
0xa0: {  	v4 =	vadd.f32 v4, v4;
	v6 =	vadd.f32 $-1.000000000e+00, v6;
	(erf) = vrcp.f32 v5;
	v5 =	vpop (erf)  }
0xa1: {  	[tilespmem:s18+$0xC30] =	vst v3;
	v3 =	vadd.f32 v9, v9;
	(erf) = vrcp.f32 v0;
	v0 =	vadd.f32 $1.000000000e+00, v11;
	v62 =	vpop (erf)  }
0xa2: {  	[tilespmem:s18+$0xCF0] =	vst v6;
	v6 =	vadd.f32 v10, v10;
	v11 =	vadd.f32 $1.000000000e+00, v62  }
0xa3: {  	(erf) = vrcp.f32 v0;
	v0 =	vadd.f32 $-1.000000000e+00, v4;
	v4 =	vadd.f32 $-1.000000000e+00, v7  }
0xa4: {  	v3 =	vadd.f32 $-1.000000000e+00, v3  }
0xa5: {  	(erf) = vrcp.f32 v11;
	[tilespmem:s18+$0xC70] =	vst v4;
	v4 =	vadd.f32 $-1.000000000e+00, v6  }
0xa6: {  	[tilespmem:s18+$0xCE0] =	vst v0;
	v0 =	vadd.f32 v8, v8  }
0xa7: {  	v2 =	vadd.f32 v2, v2  }
0xa8: {  	v1 =	vadd.f32 v1, v1;
	[tilespmem:s18+$0xCC0] =	vst v3;
	v0 =	vadd.f32 $-1.000000000e+00, v0;
	v3 =	vpop (erf)  }
0xa9: {  	v5 =	vadd.f32 v5, v5;
	v2 =	vadd.f32 $-1.000000000e+00, v2;
	[tilespmem:s18+$0xC90] =	vst v4;
	v4 =	vpop (erf)  }
0xaa: {  	v1 =	vadd.f32 $-1.000000000e+00, v1;
	[tilespmem:s18+$0xC40] =	vst v0;
	v0 =	vadd.f32 v3, v3;
	v3 =	vpop (erf)  }
0xab: {  	v5 =	vadd.f32 $-1.000000000e+00, v5;
	[tilespmem:s18+$0xC50] =	vst v2;
	v2 =	vadd.f32 v4, v4;
	v4 =	vpop (erf)  }
0xac: {  	[tilespmem:s18+$0xC00] =	vst v1;
	v0 =	vadd.f32 $-1.000000000e+00, v0;
	v1 =	vadd.f32 v4, v4  }
0xad: {  	[tilespmem:s18+$0xC20] =	vst v5;
	v3 =	vadd.f32 v3, v3;
	v2 =	vadd.f32 $-1.000000000e+00, v2;
	v4 =	vpop (erf)  }
0xae: {  	[tilespmem:s18+$0xCB0] =	vst v0;
	v0 =	vadd.f32 $-1.000000000e+00, v1;
	v1 =	vadd.f32 v4, v4;
	v4 =	vpop (erf)  }
0xaf: {  	[tilespmem:s18+$0xCD0] =	vst v2;
	v2 =	vadd.f32 $-1.000000000e+00, v3;
	v3 =	vadd.f32 v4, v4  }
0xb0: {  	[tilespmem:s18+$0xCA0] =	vst v0;
	v0 =	vadd.f32 $-1.000000000e+00, v1  }
0xb1: {  	[tilespmem:s18+$0xC80] =	vst v2;
	v1 =	vadd.f32 $-1.000000000e+00, v3  }
0xb2: {  	s17 =	sadd.s32 $0x2, s17;
	[tilespmem:s18+$0xC10] =	vst v0  }
0xb3: {  	s21 =	sshll.u32 s17, $0xA;
	[tilespmem:s18+$0xC60] =	vst v1;
	s18 =	simm.s32 @!p0 $0x6  }
0xb4: {  	[hbm4b:s19+s3] =	stream.linear.scatter [tilespmem:s14], [sflag:$0x4], $0x8000, $0x38;
	[tilespmem:$0x18C00] =	vst v63  }
0xb5: {  	s19 =	sadd.s32 s7, s21;
	_ =	swait.ge @!p0 [sflag:s18], $0x8000  }
0xb6: {  	s19 =	sshrl.u32 s19, $0x3;
	[sflag:s18] =	ssyncset.done @!p0 $0x0  }
0xb7: {  	s21 =	simm.s32 $0x0;
	s20 =	sadd.s32 s2, s19;
	[sflag:s18] =	ssyncadd.s32 @!p0 $0xFFFF8000  }
0xb8: {  	[tilespmem:s8], [sflag:$0x7] =	stream.linear.gather [hbm4b:s20+s21], $0x400, $0x38;
	[tilespmem:$0x18C00] =	vst v63  }
0xb9: {  	_ =	swait.ge [sflag:s12], $0x400  }
0xba: {  	[sflag:s12] =	ssyncset.done $0x0  }
0xbb: {  	[sflag:s12] =	ssyncadd.s32 $0xFFFFFC00  }
0xbc: {  	[tilespmem:s10], [sflag:$0x3] =	stream.indirect.gather [hbm4b:s4+s13], $0x20, s8, s13, $0xb8;
	[tilespmem:$0x18C00] =	vst v63  }
0xbd: {  	s20 =	simm.s32 $0x880;
	s21 =	simm.s32 $0x11C00  }
0xbe: {  	[tilespmem:s21], [sflag:$0x3] =	stream.indirect.gather [hbm4b:s4+s13], $0x20, s20, s13, $0xb8;
	[tilespmem:$0x18C00] =	vst v63  }
0xbf: {  	s20 =	simm.s32 $0x900;
	s21 =	simm.s32 $0x12C00  }
0xc0: {  	[tilespmem:s21], [sflag:$0x3] =	stream.indirect.gather [hbm4b:s4+s13], $0x20, s20, s13, $0xb8;
	[tilespmem:$0x18C00] =	vst v63  }
0xc1: {  	s20 =	simm.s32 $0x980;
	s21 =	simm.s32 $0x13C00  }
0xc2: {  	[tilespmem:s21], [sflag:$0x3] =	stream.indirect.gather [hbm4b:s4+s13], $0x20, s20, s13, $0xb8;
	[tilespmem:$0x18C00] =	vst v63  }
0xc3: {  	s20 =	simm.s32 $0xA00;
	s21 =	simm.s32 $0x14C00  }
0xc4: {  	[tilespmem:s21], [sflag:$0x3] =	stream.indirect.gather [hbm4b:s4+s13], $0x20, s20, s13, $0xb8;
	[tilespmem:$0x18C00] =	vst v63  }
0xc5: {  	s20 =	simm.s32 $0xA80;
	s21 =	simm.s32 $0x15C00  }
0xc6: {  	[tilespmem:s21], [sflag:$0x3] =	stream.indirect.gather [hbm4b:s4+s13], $0x20, s20, s13, $0xb8;
	[tilespmem:$0x18C00] =	vst v63  }
0xc7: {  	s20 =	simm.s32 $0xB00;
	s21 =	simm.s32 $0x16C00  }
0xc8: {  	[tilespmem:s21], [sflag:$0x3] =	stream.indirect.gather [hbm4b:s4+s13], $0x20, s20, s13, $0xb8;
	[tilespmem:$0x18C00] =	vst v63  }
0xc9: {  	s20 =	simm.s32 $0xB80;
	s21 =	simm.s32 $0x17C00  }
0xca: {  	[tilespmem:s21], [sflag:$0x3] =	stream.indirect.gather [hbm4b:s4+s13], $0x20, s20, s13, $0xb8;
	[tilespmem:$0x18C00] =	vst v63  }
0xcb: {  	_ =	swait.ge [sflag:s0], $0x8000  }
0xcc: {  	[sflag:s0] =	ssyncset.done $0x0  }
0xcd: {  	s18 =	simm.s32 $0x0;
	[sflag:s0] =	ssyncadd.s32 $0xFFFF8000  }
0xce: {  	v0 =	vld [tilespmem:s18+$0x8C30]  }
0xcf: {  	v1 =	vld [tilespmem:s18+$0x8CF0]  }
0xd0: {  	v2 =	vld [tilespmem:s18+$0x8CE0]  }
0xd1: {  	v3 =	vld [tilespmem:s18+$0x8CC0]  }
0xd2: {  	v6 =	vld [tilespmem:s18+$0x8C00];
	_ =	sdelay $0x1  }
0xd3: {  	v4 =	vld [tilespmem:s18+$0x8C70]  }
0xd4: {  	v0 =	vmul.f32 $-2.000000000e+00, v0;
	v1 =	vmul.f32 $-2.000000000e+00, v1  }
0xd5: {  	v5 =	vld [tilespmem:s18+$0x8C40];
	v2 =	vmul.f32 $-2.000000000e+00, v2;
	v3 =	vmul.f32 $-2.000000000e+00, v3  }
0xd6: {  	v6 =	vmul.f32 $-2.000000000e+00, v6;
	v0 =	vmul.f32 $1.442695020e+00, v0  }
0xd7: {  	v7 =	vld [tilespmem:s18+$0x8C50];
	v1 =	vmul.f32 $1.442695020e+00, v1;
	v2 =	vmul.f32 $1.442695020e+00, v2  }
0xd8: {  	v8 =	vld [tilespmem:s18+$0x8C20];
	(erf) = vpow2.f32 v0;
	v0 =	vmul.f32 $-2.000000000e+00, v4  }
0xd9: {  	(erf) = vpow2.f32 v2;
	v2 =	vmul.f32 $1.442695020e+00, v3;
	v3 =	vld [tilespmem:s18+$0x8C90]  }
0xda: {  	v6 =	vmul.f32 $1.442695020e+00, v6;
	v4 =	vmul.f32 $-2.000000000e+00, v5;
	v5 =	vld [tilespmem:s18+$0x8CB0]  }
0xdb: {  	v0 =	vmul.f32 $1.442695020e+00, v0;
	(erf) = vpow2.f32 v1  }
0xdc: {  	v1 =	vmul.f32 $-2.000000000e+00, v7;
	v4 =	vmul.f32 $1.442695020e+00, v4  }
0xdd: {  	(erf) = vpow2.f32 v0;
	v0 =	vmul.f32 $-2.000000000e+00, v8  }
0xde: {  	v1 =	vmul.f32 $1.442695020e+00, v1;
	v3 =	vmul.f32 $-2.000000000e+00, v3  }
0xdf: {  	(erf) = vpow2.f32 v6;
	v5 =	vmul.f32 $-2.000000000e+00, v5  }
0xe0: {  	v6 =	vld [tilespmem:s18+$0x8CA0];
	(erf) = vpow2.f32 v2;
	v3 =	vmul.f32 $1.442695020e+00, v3  }
0xe1: {  	v2 =	vld [tilespmem:s18+$0x8CD0];
	v0 =	vmul.f32 $1.442695020e+00, v0;
	(erf) = vpow2.f32 v1  }
0xe2: {  	v5 =	vmul.f32 $1.442695020e+00, v5;
	(erf) = vpow2.f32 v4;
	v1 =	vpop (erf)  }
0xe3: {  	v7 =	vld [tilespmem:s18+$0x8C80];
	v4 =	vpop (erf);
	(erf) = vpow2.f32 v3  }
0xe4: {  	v1 =	vadd.f32 $1.000000000e+00, v1;
	(erf) = vpow2.f32 v5;
	v3 =	vpop (erf)  }
0xe5: {  	v5 =	vmul.f32 $-2.000000000e+00, v6;
	v6 =	vld [tilespmem:s18+$0x8C60];
	(erf) = vpow2.f32 v0;
	v3 =	vadd.f32 $1.000000000e+00, v3  }
0xe6: {  	v8 =	vld [tilespmem:s18+$0x8C10];
	v2 =	vmul.f32 $-2.000000000e+00, v2;
	v0 =	vpop (erf);
	(erf) = vrcp.f32 v1  }
0xe7: {  	v1 =	vadd.f32 $1.000000000e+00, v4;
	v4 =	vmul.f32 $1.442695020e+00, v5;
	v0 =	vadd.f32 $1.000000000e+00, v0  }
0xe8: {  	v5 =	vmul.f32 $-2.000000000e+00, v7;
	(erf) = vrcp.f32 v3  }
0xe9: {  	v2 =	vmul.f32 $1.442695020e+00, v2;
	(erf) = vrcp.f32 v0;
	v3 =	vpop (erf)  }
0xea: {  	(erf) = vrcp.f32 v1;
	v1 =	vmul.f32 $-2.000000000e+00, v6;
	v7 =	vpop (erf)  }
0xeb: {  	v6 =	vmul.f32 $1.442695020e+00, v5;
	v5 =	vmul.f32 $-2.000000000e+00, v8;
	v63 =	vpop (erf)  }
0xec: {  	s16 =	sshll.u32 s16, $0xF;
	v0 =	vadd.f32 $1.000000000e+00, v3;
	(erf) = vpow2.f32 v4;
	v3 =	vadd.f32 $1.000000000e+00, v7;
	v7 =	vpop (erf)  }
0xed: {  	s16 =	sadd.s32 s5, s16;
	v1 =	vmul.f32 $1.442695020e+00, v1;
	(erf) = vpow2.f32 v2;
	v8 =	vadd.f32 $1.000000000e+00, v7;
	v7 =	vpop (erf)  }
0xee: {  	s16 =	sshrl.u32 s16, $0x3;
	v5 =	vmul.f32 $1.442695020e+00, v5;
	v4 =	vadd.f32 $1.000000000e+00, v63;
	(erf) = vpow2.f32 v6;
	v2 =	vpop (erf)  }
0xef: {  	s16 =	sadd.s32 s6, s16;
	s19 =	simm.s32 $0x400;
	v6 =	vadd.f32 $1.000000000e+00, v7;
	v2 =	vadd.f32 $1.000000000e+00, v2;
	v7 =	vpop (erf);
	(erf) = vrcp.f32 v8  }
.LBB2_5:
0xf0: {  	p0 =	sne.s32 s19, $0x1FC00;
	v7 =	vadd.f32 $1.000000000e+00, v7;
	v8 =	vpop (erf);
	(erf) = vrcp.f32 v3;
	s20 =	smov.u32 s19;
	s19 =	sadd.s32 $0x400, s19  }
0xf1: {  	v3 =	vadd.f32 v8, v8;
	(erf) = vrcp.f32 v6;
	v6 =	vpop (erf)  }
0xf2: {  	(erf) = vpow2.f32 v5;
	v5 =	vpop (erf)  }
0xf3: {  	v3 =	vadd.f32 $-1.000000000e+00, v3;
	(erf) = vrcp.f32 v4;
	v4 =	vpop (erf)  }
0xf4: {  	v8 =	vadd.f32 v6, v6;
	v4 =	vadd.f32 v4, v4;
	(erf) = vrcp.f32 v0  }
0xf5: {  	[tilespmem:s18+$0x8C30] =	vst v3;
	(erf) = vrcp.f32 v7;
	v0 =	vpop (erf)  }
0xf6: {  	v3 =	vadd.f32 v5, v5;
	v7 =	vadd.f32 $-1.000000000e+00, v8;
	(erf) = vpow2.f32 v1;
	v1 =	vpop (erf)  }
0xf7: {  	v4 =	vadd.f32 $-1.000000000e+00, v4;
	v1 =	vadd.f32 $1.000000000e+00, v1;
	v6 =	vpop (erf)  }
0xf8: {  	v8 =	vadd.f32 $-1.000000000e+00, v3;
	v9 =	vadd.f32 $1.000000000e+00, v6;
	[tilespmem:s18+$0x8CF0] =	vst v7;
	v5 =	vpop (erf);
	(erf) = vrcp.f32 v2  }
0xf9: {  	s20 =	sshra.s32 s20, $0x2;
	v0 =	vadd.f32 $1.000000000e+00, v0;
	[tilespmem:s18+$0x8CE0] =	vst v4;
	v2 =	vpop (erf);
	(erf) = vrcp.f32 v1  }
0xfa: {  	v1 =	vld [tilespmem:s20+$0x8C30];
	[tilespmem:s18+$0x8C70] =	vst v8;
	v2 =	vadd.f32 v2, v2;
	(erf) = vrcp.f32 v9;
	v3 =	vpop (erf)  }
0xfb: {  	v5 =	vadd.f32 v5, v5;
	v4 =	vld [tilespmem:s20+$0x8CF0];
	v3 =	vadd.f32 v3, v3;
	v6 =	vpop (erf);
	(erf) = vrcp.f32 v0  }
0xfc: {  	v0 =	vld [tilespmem:s20+$0x8CE0];
	v6 =	vadd.f32 $1.000000000e+00, v6;
	v10 =	vadd.f32 $-1.000000000e+00, v2;
	v7 =	vpop (erf)  }
0xfd: {  	v7 =	vadd.f32 v7, v7;
	v11 =	vadd.f32 $-1.000000000e+00, v3;
	v8 =	vpop (erf)  }
0xfe: {  	v5 =	vadd.f32 $-1.000000000e+00, v5;
	v9 =	vld [tilespmem:s20+$0x8C70];
	v8 =	vadd.f32 v8, v8;
	[tilespmem:s18+$0x8CC0] =	vst v10;
	(erf) = vrcp.f32 v6;
	v2 =	vpop (erf)  }
0xff: {  	v1 =	vmul.f32 $-2.000000000e+00, v1;
	v6 =	vld [tilespmem:s20+$0x8CC0];
	v2 =	vadd.f32 v2, v2;
	v12 =	vadd.f32 $-1.000000000e+00, v7;
	[tilespmem:s18+$0x8C90] =	vst v11;
	v3 =	vpop (erf)  }
0x100: {  	v10 =	vld [tilespmem:s20+$0x8C90];
	v4 =	vmul.f32 $-2.000000000e+00, v4;
	v8 =	vadd.f32 $-1.000000000e+00, v8;
	[tilespmem:s18+$0x8C40] =	vst v5;
	v13 =	vadd.f32 $1.000000000e+00, v3  }
0x101: {  	v1 =	vmul.f32 $1.442695020e+00, v1;
	v5 =	vld [tilespmem:s20+$0x8C40];
	v0 =	vmul.f32 $-2.000000000e+00, v0;
	v2 =	vadd.f32 $-1.000000000e+00, v2;
	[tilespmem:s18+$0x8C50] =	vst v12;
	v7 =	vpop (erf)  }
0x102: {  	v11 =	vld [tilespmem:s20+$0x8C50];
	v4 =	vmul.f32 $1.442695020e+00, v4;
	[tilespmem:s18+$0x8C00] =	vst v8;
	v14 =	vadd.f32 v7, v7;
	(erf) = vrcp.f32 v13;
	v3 =	vpop (erf)  }
0x103: {  	v8 =	vld [tilespmem:s20+$0x8C00];
	v0 =	vmul.f32 $1.442695020e+00, v0;
	[tilespmem:s18+$0x8C20] =	vst v2;
	v2 =	vadd.f32 v3, v3;
	v3 =	vpop (erf)  }
0x104: {  	v12 =	vld [tilespmem:s20+$0x8C20];
	v6 =	vmul.f32 $-2.000000000e+00, v6;
	(erf) = vpow2.f32 v1;
	v1 =	vadd.f32 $-1.000000000e+00, v14;
	v7 =	vpop (erf)  }
0x105: {  	v13 =	vmul.f32 $-2.000000000e+00, v9;
	(erf) = vpow2.f32 v0;
	v0 =	vadd.f32 v3, v3  }
0x106: {  	v3 =	vmul.f32 $1.442695020e+00, v6;
	v6 =	vadd.f32 v7, v7;
	[tilespmem:s18+$0x8CB0] =	vst v1;
	v1 =	vadd.f32 $-1.000000000e+00, v2  }
0x107: {  	v2 =	vmul.f32 $-2.000000000e+00, v5;
	v5 =	vmul.f32 $1.442695020e+00, v13;
	v7 =	vld [tilespmem:s20+$0x8CB0];
	v9 =	vpop (erf)  }
0x108: {  	v8 =	vmul.f32 $-2.000000000e+00, v8;
	(erf) = vpow2.f32 v4;
	v4 =	vadd.f32 $-1.000000000e+00, v6;
	[tilespmem:s18+$0x8CD0] =	vst v1  }
0x109: {  	v6 =	vmul.f32 $-2.000000000e+00, v11;
	v11 =	vadd.f32 $-1.000000000e+00, v0;
	v1 =	vmul.f32 $-2.000000000e+00, v12  }
0x10a: {  	v8 =	vmul.f32 $1.442695020e+00, v8;
	(erf) = vpow2.f32 v5;
	v5 =	vadd.f32 v9, v9;
	[tilespmem:s18+$0x8CA0] =	vst v4  }
0x10b: {  	v2 =	vmul.f32 $1.442695020e+00, v2;
	v4 =	vmul.f32 $1.442695020e+00, v6;
	[tilespmem:s18+$0x8C80] =	vst v11;
	v0 =	vpop (erf)  }
0x10c: {  	v6 =	vmul.f32 $-2.000000000e+00, v7;
	(erf) = vpow2.f32 v8;
	v0 =	vadd.f32 v0, v0  }
0x10d: {  	v7 =	vmul.f32 $-2.000000000e+00, v10;
	v8 =	vld [tilespmem:s20+$0x8CA0];
	v9 =	vpop (erf);
	(erf) = vpow2.f32 v3;
	v3 =	vadd.f32 $-1.000000000e+00, v5  }
0x10e: {  	v5 =	vadd.f32 $1.000000000e+00, v9;
	v6 =	vmul.f32 $1.442695020e+00, v6;
	v9 =	vld [tilespmem:s20+$0x8CD0];
	v10 =	vpop (erf);
	v0 =	vadd.f32 $-1.000000000e+00, v0  }
0x10f: {  	v7 =	vmul.f32 $1.442695020e+00, v7;
	v10 =	vadd.f32 $1.000000000e+00, v10;
	(erf) = vpow2.f32 v4;
	[tilespmem:s18+$0x8C10] =	vst v3  }
0x110: {  	v3 =	vld [tilespmem:s20+$0x8C80];
	(erf) = vpow2.f32 v2;
	[tilespmem:s18+$0x8C60] =	vst v0;
	s18 =	smov.u32 s20  }
0x111: {  	v11 =	vmul.f32 $1.442695020e+00, v1;
	(erf) = vpow2.f32 v7;
	v1 =	vpop (erf)  }
0x112: {  	v2 =	vmul.f32 $-2.000000000e+00, v8;
	v1 =	vadd.f32 $1.000000000e+00, v1;
	(erf) = vpow2.f32 v6  }
0x113: {  	v4 =	vld [tilespmem:s18+$0x8C60];
	v6 =	vmul.f32 $-2.000000000e+00, v9;
	(erf) = vpow2.f32 v11;
	v0 =	vpop (erf)  }
0x114: {  	v7 =	vld [tilespmem:s18+$0x8C10];
	v8 =	vadd.f32 $1.000000000e+00, v0;
	v2 =	vmul.f32 $1.442695020e+00, v2;
	(erf) = vrcp.f32 v5  }
0x115: {  	v5 =	vmul.f32 $1.442695020e+00, v6;
	v0 =	vpop (erf);
	(erf) = vrcp.f32 v1  }
0x116: {  	v9 =	vmul.f32 $-2.000000000e+00, v3;
	v0 =	vadd.f32 $1.000000000e+00, v0;
	(erf) = vrcp.f32 v8;
	v3 =	vpop (erf)  }
0x117: {  	v3 =	vadd.f32 $1.000000000e+00, v3;
	(erf) = vrcp.f32 v10  }
.Ltmp1:
0x118: {  	v6 =	vmul.f32 $1.442695020e+00, v9;
	v4 =	vmul.f32 $-2.000000000e+00, v4;
	v8 =	vpop (erf);
	(pc) =	sbr.rel @p0 .LBB2_5-.Ltmp1, $4  }
0x119: {  	v10 =	vmul.f32 $-2.000000000e+00, v7;
	v1 =	vpop (erf);
	(erf) = vpow2.f32 v2  }
0x11a: {  	v9 =	vadd.f32 $1.000000000e+00, v1;
	v1 =	vmul.f32 $1.442695020e+00, v4;
	v2 =	vpop (erf);
	(erf) = vpow2.f32 v5  }
0x11b: {  	v4 =	vadd.f32 $1.000000000e+00, v8;
	v5 =	vmul.f32 $1.442695020e+00, v10;
	(erf) = vpow2.f32 v6;
	v7 =	vpop (erf)  }
0x11c: {  	v6 =	vadd.f32 $1.000000000e+00, v2;
	v2 =	vadd.f32 $1.000000000e+00, v7;
	v7 =	vpop (erf);
	(erf) = vrcp.f32 v9  }
0x11d: {  	(erf) = vrcp.f32 v3  }
0x11e: {  	v3 =	vpop (erf);
	(erf) = vrcp.f32 v6  }
0x11f: {  	v6 =	vpop (erf);
	(erf) = vpow2.f32 v5  }
0x120: {  	v5 =	vadd.f32 $1.000000000e+00, v7;
	v7 =	vpop (erf);
	(erf) = vrcp.f32 v4  }
0x121: {  	v4 =	vpop (erf);
	(erf) = vrcp.f32 v0  }
0x122: {  	(erf) = vrcp.f32 v5;
	v0 =	vpop (erf)  }
0x123: {  	(erf) = vpow2.f32 v1;
	v1 =	vpop (erf)  }
0x124: {  	v5 =	vpop (erf)  }
0x125: {  	v8 =	vpop (erf)  }
0x126: {  	v1 =	vadd.f32 $1.000000000e+00, v1;
	v9 =	vpop (erf)  }
0x127: {  	v3 =	vadd.f32 v3, v3;
	v5 =	vadd.f32 $1.000000000e+00, v5;
	v10 =	vpop (erf)  }
0x128: {  	v11 =	vpop (erf)  }
0x129: {  	v6 =	vadd.f32 v6, v6;
	v3 =	vadd.f32 $-1.000000000e+00, v3;
	(erf) = vrcp.f32 v2;
	v2 =	vpop (erf)  }
0x12a: {  	v7 =	vadd.f32 v7, v7;
	v0 =	vadd.f32 $1.000000000e+00, v0;
	(erf) = vrcp.f32 v1;
	v1 =	vpop (erf)  }
0x12b: {  	v4 =	vadd.f32 v4, v4;
	v6 =	vadd.f32 $-1.000000000e+00, v6;
	(erf) = vrcp.f32 v5;
	v5 =	vpop (erf)  }
0x12c: {  	[tilespmem:s18+$0x8C30] =	vst v3;
	v3 =	vadd.f32 v9, v9;
	(erf) = vrcp.f32 v0;
	v0 =	vadd.f32 $1.000000000e+00, v11;
	v62 =	vpop (erf)  }
0x12d: {  	[tilespmem:s18+$0x8CF0] =	vst v6;
	v6 =	vadd.f32 v10, v10;
	v11 =	vadd.f32 $1.000000000e+00, v62  }
0x12e: {  	(erf) = vrcp.f32 v0;
	v0 =	vadd.f32 $-1.000000000e+00, v4;
	v4 =	vadd.f32 $-1.000000000e+00, v7  }
0x12f: {  	v3 =	vadd.f32 $-1.000000000e+00, v3  }
0x130: {  	(erf) = vrcp.f32 v11;
	[tilespmem:s18+$0x8C70] =	vst v4;
	v4 =	vadd.f32 $-1.000000000e+00, v6  }
0x131: {  	[tilespmem:s18+$0x8CE0] =	vst v0;
	v0 =	vadd.f32 v8, v8  }
0x132: {  	v2 =	vadd.f32 v2, v2  }
0x133: {  	v1 =	vadd.f32 v1, v1;
	[tilespmem:s18+$0x8CC0] =	vst v3;
	v0 =	vadd.f32 $-1.000000000e+00, v0;
	v3 =	vpop (erf)  }
0x134: {  	v5 =	vadd.f32 v5, v5;
	v2 =	vadd.f32 $-1.000000000e+00, v2;
	[tilespmem:s18+$0x8C90] =	vst v4;
	v4 =	vpop (erf)  }
0x135: {  	v1 =	vadd.f32 $-1.000000000e+00, v1;
	[tilespmem:s18+$0x8C40] =	vst v0;
	v0 =	vadd.f32 v3, v3;
	v3 =	vpop (erf)  }
0x136: {  	v5 =	vadd.f32 $-1.000000000e+00, v5;
	[tilespmem:s18+$0x8C50] =	vst v2;
	v2 =	vadd.f32 v4, v4;
	v4 =	vpop (erf)  }
0x137: {  	[tilespmem:s18+$0x8C00] =	vst v1;
	v0 =	vadd.f32 $-1.000000000e+00, v0;
	v1 =	vadd.f32 v4, v4  }
0x138: {  	[tilespmem:s18+$0x8C20] =	vst v5;
	v3 =	vadd.f32 v3, v3;
	v2 =	vadd.f32 $-1.000000000e+00, v2;
	v4 =	vpop (erf)  }
0x139: {  	[tilespmem:s18+$0x8CB0] =	vst v0;
	v0 =	vadd.f32 $-1.000000000e+00, v1;
	v1 =	vadd.f32 v4, v4;
	v4 =	vpop (erf)  }
0x13a: {  	[tilespmem:s18+$0x8CD0] =	vst v2;
	v2 =	vadd.f32 $-1.000000000e+00, v3;
	v3 =	vadd.f32 v4, v4  }
0x13b: {  	[tilespmem:s18+$0x8CA0] =	vst v0;
	v0 =	vadd.f32 $-1.000000000e+00, v1  }
0x13c: {  	s19 =	smul.u32 $0x18, s15;
	[tilespmem:s18+$0x8C80] =	vst v2;
	v1 =	vadd.f32 $-1.000000000e+00, v3  }
0x13d: {  	[tilespmem:s18+$0x8C10] =	vst v0  }
0x13e: {  	s20 =	simm.s32 $0x0;
	s21 =	sadd.s32 s19, s9;
	[tilespmem:s18+$0x8C60] =	vst v1  }
0x13f: {  	[hbm4b:s16+s20] =	stream.linear.scatter [tilespmem:s30], [sflag:$0x5], $0x8000, $0x38;
	[tilespmem:$0x18C00] =	vst v63  }
0x140: {  	s16 =	sshll.u32 s21, $0x4;
	_ =	swait.ge [sflag:s11], $0x8000  }
0x141: {  	s16 =	sand.u32 $0x1FFFFF80, s16;
	[sflag:s11] =	ssyncset.done $0x0  }
0x142: {  	s16 =	sadd.s32 s2, s16;
	[sflag:s11] =	ssyncadd.s32 $0xFFFF8000  }
0x143: {  	[tilespmem:s20], [sflag:$0x7] =	stream.linear.gather [hbm4b:s16+s20], $0x400, $0x38;
	[tilespmem:$0x18C00] =	vst v63  }
0x144: {  	_ =	swait.ge [sflag:s12], $0x400  }
0x145: {  	[sflag:s12] =	ssyncset.done $0x0  }
0x146: {  	[sflag:s12] =	ssyncadd.s32 $0xFFFFFC00  }
0x147: {  	[tilespmem:s14], [sflag:$0x1] =	stream.indirect.gather [hbm4b:s4+s13], $0x20, s20, s13, $0xb8;
	[tilespmem:$0x18C00] =	vst v63  }
0x148: {  	s19 =	simm.s32 $0x1C00  }
0x149: {  	[tilespmem:s19], [sflag:$0x1] =	stream.indirect.gather [hbm4b:s4+s13], $0x20, s13, s13, $0xb8;
	[tilespmem:$0x18C00] =	vst v63  }
0x14a: {  	s21 =	simm.s32 $0x2C00;
	s20 =	simm.s32 $0x100  }
0x14b: {  	[tilespmem:s21], [sflag:$0x1] =	stream.indirect.gather [hbm4b:s4+s13], $0x20, s20, s13, $0xb8;
	[tilespmem:$0x18C00] =	vst v63  }
0x14c: {  	s18 =	simm.s32 $0x180;
	s19 =	simm.s32 $0x3C00  }
0x14d: {  	[tilespmem:s19], [sflag:$0x1] =	stream.indirect.gather [hbm4b:s4+s13], $0x20, s18, s13, $0xb8;
	[tilespmem:$0x18C00] =	vst v63  }
0x14e: {  	s20 =	simm.s32 $0x200;
	s21 =	simm.s32 $0x4C00  }
0x14f: {  	[tilespmem:s21], [sflag:$0x1] =	stream.indirect.gather [hbm4b:s4+s13], $0x20, s20, s13, $0xb8;
	[tilespmem:$0x18C00] =	vst v63  }
0x150: {  	_ = 	snop  }
0x151: {  	[tilespmem:s23], [sflag:$0x1] =	stream.indirect.gather [hbm4b:s4+s13], $0x20, s22, s13, $0xb8;
	[tilespmem:$0x18C00] =	vst v63  }
0x152: {  	_ = 	snop  }
0x153: {  	[tilespmem:s25], [sflag:$0x1] =	stream.indirect.gather [hbm4b:s4+s13], $0x20, s24, s13, $0xb8;
	[tilespmem:$0x18C00] =	vst v63  }
0x154: {  	_ = 	snop  }
0x155: {  	[tilespmem:s28], [sflag:$0x1] =	stream.indirect.gather [hbm4b:s4+s13], $0x20, s26, s13, $0xb8;
	[tilespmem:$0x18C00] =	vst v63  }
0x156: {  	_ =	swait.ge [sflag:s31], $0x8000  }
0x157: {  	[sflag:s31] =	ssyncset.done $0x0  }
0x158: {  	s16 =	simm.s32 $0x0;
	[sflag:s31] =	ssyncadd.s32 $0xFFFF8000  }
0x159: {  	v0 =	vld [tilespmem:s16+$0x10C30]  }
0x15a: {  	v1 =	vld [tilespmem:s16+$0x10CF0]  }
0x15b: {  	v2 =	vld [tilespmem:s16+$0x10CE0]  }
0x15c: {  	v3 =	vld [tilespmem:s16+$0x10CC0]  }
0x15d: {  	v6 =	vld [tilespmem:s16+$0x10C00];
	_ =	sdelay $0x1  }
0x15e: {  	v4 =	vld [tilespmem:s16+$0x10C70]  }
0x15f: {  	v0 =	vmul.f32 $-2.000000000e+00, v0;
	v1 =	vmul.f32 $-2.000000000e+00, v1  }
0x160: {  	v5 =	vld [tilespmem:s16+$0x10C40];
	v2 =	vmul.f32 $-2.000000000e+00, v2;
	v3 =	vmul.f32 $-2.000000000e+00, v3  }
0x161: {  	v6 =	vmul.f32 $-2.000000000e+00, v6;
	v0 =	vmul.f32 $1.442695020e+00, v0  }
0x162: {  	v7 =	vld [tilespmem:s16+$0x10C50];
	v1 =	vmul.f32 $1.442695020e+00, v1;
	v2 =	vmul.f32 $1.442695020e+00, v2  }
0x163: {  	v8 =	vld [tilespmem:s16+$0x10C20];
	(erf) = vpow2.f32 v0;
	v0 =	vmul.f32 $-2.000000000e+00, v4  }
0x164: {  	(erf) = vpow2.f32 v2;
	v2 =	vmul.f32 $1.442695020e+00, v3;
	v3 =	vld [tilespmem:s16+$0x10C90]  }
0x165: {  	v6 =	vmul.f32 $1.442695020e+00, v6;
	v4 =	vmul.f32 $-2.000000000e+00, v5;
	v5 =	vld [tilespmem:s16+$0x10CB0]  }
0x166: {  	v0 =	vmul.f32 $1.442695020e+00, v0;
	(erf) = vpow2.f32 v1  }
0x167: {  	v1 =	vmul.f32 $-2.000000000e+00, v7;
	v4 =	vmul.f32 $1.442695020e+00, v4  }
0x168: {  	(erf) = vpow2.f32 v0;
	v0 =	vmul.f32 $-2.000000000e+00, v8  }
0x169: {  	v1 =	vmul.f32 $1.442695020e+00, v1;
	v3 =	vmul.f32 $-2.000000000e+00, v3  }
0x16a: {  	(erf) = vpow2.f32 v6;
	v5 =	vmul.f32 $-2.000000000e+00, v5  }
0x16b: {  	v6 =	vld [tilespmem:s16+$0x10CA0];
	(erf) = vpow2.f32 v2;
	v3 =	vmul.f32 $1.442695020e+00, v3  }
0x16c: {  	v2 =	vld [tilespmem:s16+$0x10CD0];
	v0 =	vmul.f32 $1.442695020e+00, v0;
	(erf) = vpow2.f32 v1  }
0x16d: {  	v5 =	vmul.f32 $1.442695020e+00, v5;
	(erf) = vpow2.f32 v4;
	v1 =	vpop (erf)  }
0x16e: {  	v7 =	vld [tilespmem:s16+$0x10C80];
	v4 =	vpop (erf);
	(erf) = vpow2.f32 v3  }
0x16f: {  	v1 =	vadd.f32 $1.000000000e+00, v1;
	(erf) = vpow2.f32 v5;
	v3 =	vpop (erf)  }
0x170: {  	v5 =	vmul.f32 $-2.000000000e+00, v6;
	v6 =	vld [tilespmem:s16+$0x10C60];
	(erf) = vpow2.f32 v0;
	v3 =	vadd.f32 $1.000000000e+00, v3  }
0x171: {  	v8 =	vld [tilespmem:s16+$0x10C10];
	v2 =	vmul.f32 $-2.000000000e+00, v2;
	v0 =	vpop (erf);
	(erf) = vrcp.f32 v1  }
0x172: {  	v1 =	vadd.f32 $1.000000000e+00, v4;
	v4 =	vmul.f32 $1.442695020e+00, v5;
	v0 =	vadd.f32 $1.000000000e+00, v0  }
0x173: {  	v5 =	vmul.f32 $-2.000000000e+00, v7;
	(erf) = vrcp.f32 v3  }
0x174: {  	v2 =	vmul.f32 $1.442695020e+00, v2;
	(erf) = vrcp.f32 v0;
	v3 =	vpop (erf)  }
0x175: {  	(erf) = vrcp.f32 v1;
	v1 =	vmul.f32 $-2.000000000e+00, v6;
	v7 =	vpop (erf)  }
0x176: {  	v6 =	vmul.f32 $1.442695020e+00, v5;
	v5 =	vmul.f32 $-2.000000000e+00, v8;
	v63 =	vpop (erf)  }
0x177: {  	s17 =	sshll.u32 s17, $0xF;
	v0 =	vadd.f32 $1.000000000e+00, v3;
	(erf) = vpow2.f32 v4;
	v3 =	vadd.f32 $1.000000000e+00, v7;
	v7 =	vpop (erf)  }
0x178: {  	s17 =	sadd.s32 s5, s17;
	v1 =	vmul.f32 $1.442695020e+00, v1;
	(erf) = vpow2.f32 v2;
	v8 =	vadd.f32 $1.000000000e+00, v7;
	v7 =	vpop (erf)  }
0x179: {  	s17 =	sshrl.u32 s17, $0x3;
	v5 =	vmul.f32 $1.442695020e+00, v5;
	v4 =	vadd.f32 $1.000000000e+00, v63;
	(erf) = vpow2.f32 v6;
	v2 =	vpop (erf)  }
0x17a: {  	s17 =	sadd.s32 s6, s17;
	s18 =	simm.s32 $0x400;
	v6 =	vadd.f32 $1.000000000e+00, v7;
	v2 =	vadd.f32 $1.000000000e+00, v2;
	v7 =	vpop (erf);
	(erf) = vrcp.f32 v8  }
.LBB2_7:
0x17b: {  	p0 =	sne.s32 s18, $0x1FC00;
	v7 =	vadd.f32 $1.000000000e+00, v7;
	v8 =	vpop (erf);
	(erf) = vrcp.f32 v3;
	s19 =	smov.u32 s18;
	s18 =	sadd.s32 $0x400, s18  }
0x17c: {  	v3 =	vadd.f32 v8, v8;
	(erf) = vrcp.f32 v6;
	v6 =	vpop (erf)  }
0x17d: {  	(erf) = vpow2.f32 v5;
	v5 =	vpop (erf)  }
0x17e: {  	v3 =	vadd.f32 $-1.000000000e+00, v3;
	(erf) = vrcp.f32 v4;
	v4 =	vpop (erf)  }
0x17f: {  	v8 =	vadd.f32 v6, v6;
	v4 =	vadd.f32 v4, v4;
	(erf) = vrcp.f32 v0  }
0x180: {  	[tilespmem:s16+$0x10C30] =	vst v3;
	(erf) = vrcp.f32 v7;
	v0 =	vpop (erf)  }
0x181: {  	v3 =	vadd.f32 v5, v5;
	v7 =	vadd.f32 $-1.000000000e+00, v8;
	(erf) = vpow2.f32 v1;
	v1 =	vpop (erf)  }
0x182: {  	v4 =	vadd.f32 $-1.000000000e+00, v4;
	v1 =	vadd.f32 $1.000000000e+00, v1;
	v6 =	vpop (erf)  }
0x183: {  	v8 =	vadd.f32 $-1.000000000e+00, v3;
	v9 =	vadd.f32 $1.000000000e+00, v6;
	[tilespmem:s16+$0x10CF0] =	vst v7;
	v5 =	vpop (erf);
	(erf) = vrcp.f32 v2  }
0x184: {  	s19 =	sshra.s32 s19, $0x2;
	v0 =	vadd.f32 $1.000000000e+00, v0;
	[tilespmem:s16+$0x10CE0] =	vst v4;
	v2 =	vpop (erf);
	(erf) = vrcp.f32 v1  }
0x185: {  	v1 =	vld [tilespmem:s19+$0x10C30];
	[tilespmem:s16+$0x10C70] =	vst v8;
	v2 =	vadd.f32 v2, v2;
	(erf) = vrcp.f32 v9;
	v3 =	vpop (erf)  }
0x186: {  	v5 =	vadd.f32 v5, v5;
	v4 =	vld [tilespmem:s19+$0x10CF0];
	v3 =	vadd.f32 v3, v3;
	v6 =	vpop (erf);
	(erf) = vrcp.f32 v0  }
0x187: {  	v0 =	vld [tilespmem:s19+$0x10CE0];
	v6 =	vadd.f32 $1.000000000e+00, v6;
	v10 =	vadd.f32 $-1.000000000e+00, v2;
	v7 =	vpop (erf)  }
0x188: {  	v7 =	vadd.f32 v7, v7;
	v11 =	vadd.f32 $-1.000000000e+00, v3;
	v8 =	vpop (erf)  }
0x189: {  	v5 =	vadd.f32 $-1.000000000e+00, v5;
	v9 =	vld [tilespmem:s19+$0x10C70];
	v8 =	vadd.f32 v8, v8;
	[tilespmem:s16+$0x10CC0] =	vst v10;
	(erf) = vrcp.f32 v6;
	v2 =	vpop (erf)  }
0x18a: {  	v1 =	vmul.f32 $-2.000000000e+00, v1;
	v6 =	vld [tilespmem:s19+$0x10CC0];
	v2 =	vadd.f32 v2, v2;
	v12 =	vadd.f32 $-1.000000000e+00, v7;
	[tilespmem:s16+$0x10C90] =	vst v11;
	v3 =	vpop (erf)  }
0x18b: {  	v10 =	vld [tilespmem:s19+$0x10C90];
	v4 =	vmul.f32 $-2.000000000e+00, v4;
	v8 =	vadd.f32 $-1.000000000e+00, v8;
	[tilespmem:s16+$0x10C40] =	vst v5;
	v13 =	vadd.f32 $1.000000000e+00, v3  }
0x18c: {  	v1 =	vmul.f32 $1.442695020e+00, v1;
	v5 =	vld [tilespmem:s19+$0x10C40];
	v0 =	vmul.f32 $-2.000000000e+00, v0;
	v2 =	vadd.f32 $-1.000000000e+00, v2;
	[tilespmem:s16+$0x10C50] =	vst v12;
	v7 =	vpop (erf)  }
0x18d: {  	v11 =	vld [tilespmem:s19+$0x10C50];
	v4 =	vmul.f32 $1.442695020e+00, v4;
	[tilespmem:s16+$0x10C00] =	vst v8;
	v14 =	vadd.f32 v7, v7;
	(erf) = vrcp.f32 v13;
	v3 =	vpop (erf)  }
0x18e: {  	v8 =	vld [tilespmem:s19+$0x10C00];
	v0 =	vmul.f32 $1.442695020e+00, v0;
	[tilespmem:s16+$0x10C20] =	vst v2;
	v2 =	vadd.f32 v3, v3;
	v3 =	vpop (erf)  }
0x18f: {  	v12 =	vld [tilespmem:s19+$0x10C20];
	v6 =	vmul.f32 $-2.000000000e+00, v6;
	(erf) = vpow2.f32 v1;
	v1 =	vadd.f32 $-1.000000000e+00, v14;
	v7 =	vpop (erf)  }
0x190: {  	v13 =	vmul.f32 $-2.000000000e+00, v9;
	(erf) = vpow2.f32 v0;
	v0 =	vadd.f32 v3, v3  }
0x191: {  	v3 =	vmul.f32 $1.442695020e+00, v6;
	v6 =	vadd.f32 v7, v7;
	[tilespmem:s16+$0x10CB0] =	vst v1;
	v1 =	vadd.f32 $-1.000000000e+00, v2  }
0x192: {  	v2 =	vmul.f32 $-2.000000000e+00, v5;
	v5 =	vmul.f32 $1.442695020e+00, v13;
	v7 =	vld [tilespmem:s19+$0x10CB0];
	v9 =	vpop (erf)  }
0x193: {  	v8 =	vmul.f32 $-2.000000000e+00, v8;
	(erf) = vpow2.f32 v4;
	v4 =	vadd.f32 $-1.000000000e+00, v6;
	[tilespmem:s16+$0x10CD0] =	vst v1  }
0x194: {  	v6 =	vmul.f32 $-2.000000000e+00, v11;
	v11 =	vadd.f32 $-1.000000000e+00, v0;
	v1 =	vmul.f32 $-2.000000000e+00, v12  }
0x195: {  	v8 =	vmul.f32 $1.442695020e+00, v8;
	(erf) = vpow2.f32 v5;
	v5 =	vadd.f32 v9, v9;
	[tilespmem:s16+$0x10CA0] =	vst v4  }
0x196: {  	v2 =	vmul.f32 $1.442695020e+00, v2;
	v4 =	vmul.f32 $1.442695020e+00, v6;
	[tilespmem:s16+$0x10C80] =	vst v11;
	v0 =	vpop (erf)  }
0x197: {  	v6 =	vmul.f32 $-2.000000000e+00, v7;
	(erf) = vpow2.f32 v8;
	v0 =	vadd.f32 v0, v0  }
0x198: {  	v7 =	vmul.f32 $-2.000000000e+00, v10;
	v8 =	vld [tilespmem:s19+$0x10CA0];
	v9 =	vpop (erf);
	(erf) = vpow2.f32 v3;
	v3 =	vadd.f32 $-1.000000000e+00, v5  }
0x199: {  	v5 =	vadd.f32 $1.000000000e+00, v9;
	v6 =	vmul.f32 $1.442695020e+00, v6;
	v9 =	vld [tilespmem:s19+$0x10CD0];
	v10 =	vpop (erf);
	v0 =	vadd.f32 $-1.000000000e+00, v0  }
0x19a: {  	v7 =	vmul.f32 $1.442695020e+00, v7;
	v10 =	vadd.f32 $1.000000000e+00, v10;
	(erf) = vpow2.f32 v4;
	[tilespmem:s16+$0x10C10] =	vst v3  }
0x19b: {  	v3 =	vld [tilespmem:s19+$0x10C80];
	(erf) = vpow2.f32 v2;
	[tilespmem:s16+$0x10C60] =	vst v0;
	s16 =	smov.u32 s19  }
0x19c: {  	v11 =	vmul.f32 $1.442695020e+00, v1;
	(erf) = vpow2.f32 v7;
	v1 =	vpop (erf)  }
0x19d: {  	v2 =	vmul.f32 $-2.000000000e+00, v8;
	v1 =	vadd.f32 $1.000000000e+00, v1;
	(erf) = vpow2.f32 v6  }
0x19e: {  	v4 =	vld [tilespmem:s16+$0x10C60];
	v6 =	vmul.f32 $-2.000000000e+00, v9;
	(erf) = vpow2.f32 v11;
	v0 =	vpop (erf)  }
0x19f: {  	v7 =	vld [tilespmem:s16+$0x10C10];
	v8 =	vadd.f32 $1.000000000e+00, v0;
	v2 =	vmul.f32 $1.442695020e+00, v2;
	(erf) = vrcp.f32 v5  }
0x1a0: {  	v5 =	vmul.f32 $1.442695020e+00, v6;
	v0 =	vpop (erf);
	(erf) = vrcp.f32 v1  }
0x1a1: {  	v9 =	vmul.f32 $-2.000000000e+00, v3;
	v0 =	vadd.f32 $1.000000000e+00, v0;
	(erf) = vrcp.f32 v8;
	v3 =	vpop (erf)  }
0x1a2: {  	v3 =	vadd.f32 $1.000000000e+00, v3;
	(erf) = vrcp.f32 v10  }
.Ltmp2:
0x1a3: {  	v6 =	vmul.f32 $1.442695020e+00, v9;
	v4 =	vmul.f32 $-2.000000000e+00, v4;
	v8 =	vpop (erf);
	(pc) =	sbr.rel @p0 .LBB2_7-.Ltmp2, $4  }
0x1a4: {  	v10 =	vmul.f32 $-2.000000000e+00, v7;
	v1 =	vpop (erf);
	(erf) = vpow2.f32 v2  }
0x1a5: {  	v9 =	vadd.f32 $1.000000000e+00, v1;
	v1 =	vmul.f32 $1.442695020e+00, v4;
	v2 =	vpop (erf);
	(erf) = vpow2.f32 v5  }
0x1a6: {  	v4 =	vadd.f32 $1.000000000e+00, v8;
	v5 =	vmul.f32 $1.442695020e+00, v10;
	(erf) = vpow2.f32 v6;
	v7 =	vpop (erf)  }
0x1a7: {  	v6 =	vadd.f32 $1.000000000e+00, v2;
	v2 =	vadd.f32 $1.000000000e+00, v7;
	v7 =	vpop (erf);
	(erf) = vrcp.f32 v9  }
0x1a8: {  	(erf) = vrcp.f32 v3  }
0x1a9: {  	v30 =	vpop (erf);
	(erf) = vrcp.f32 v6  }
0x1aa: {  	v31 =	vpop (erf);
	(erf) = vpow2.f32 v5  }
0x1ab: {  	v32 =	vadd.f32 $1.000000000e+00, v7;
	v33 =	vpop (erf);
	(erf) = vrcp.f32 v4  }
0x1ac: {  	v34 =	vpop (erf);
	(erf) = vrcp.f32 v0  }
0x1ad: {  	(erf) = vrcp.f32 v32;
	v35 =	vpop (erf)  }
0x1ae: {  	(erf) = vpow2.f32 v1;
	v36 =	vpop (erf)  }
0x1af: {  	v37 =	vpop (erf)  }
0x1b0: {  	v8 =	vpop (erf)  }
0x1b1: {  	v9 =	vpop (erf)  }
0x1b2: {  	v10 =	vpop (erf)  }
0x1b3: {  	v3 =	vadd.f32 v30, v30;
	v11 =	vpop (erf)  }
0x1b4: {  	v6 =	vadd.f32 v31, v31;
	v1 =	vadd.f32 $1.000000000e+00, v36;
	v38 =	vpop (erf)  }
0x1b5: {  	v3 =	vadd.f32 $-1.000000000e+00, v3;
	v5 =	vadd.f32 $1.000000000e+00, v37;
	(erf) = vrcp.f32 v2;
	v39 =	vpop (erf)  }
0x1b6: {  	v7 =	vadd.f32 v33, v33;
	v0 =	vadd.f32 $1.000000000e+00, v35;
	(erf) = vrcp.f32 v1;
	v40 =	vpop (erf)  }
0x1b7: {  	v4 =	vadd.f32 v34, v34;
	v41 =	vadd.f32 $1.000000000e+00, v11;
	(erf) = vrcp.f32 v5;
	v42 =	vpop (erf)  }
0x1b8: {  	v6 =	vadd.f32 $-1.000000000e+00, v6;
	(erf) = vrcp.f32 v0;
	v11 =	vadd.f32 $1.000000000e+00, v42  }
0x1b9: {  	[tilespmem:s16+$0x10C30] =	vst v3;
	v45 =	vadd.f32 $-1.000000000e+00, v7;
	v44 =	vadd.f32 v9, v9;
	(erf) = vrcp.f32 v41  }
0x1ba: {  	v43 =	vadd.f32 $-1.000000000e+00, v4;
	[tilespmem:s16+$0x10CF0] =	vst v6;
	v46 =	vadd.f32 v10, v10;
	(erf) = vrcp.f32 v11  }
0x1bb: {  	[tilespmem:s16+$0x10C70] =	vst v45;
	v47 =	vadd.f32 v8, v8;
	v3 =	vadd.f32 $-1.000000000e+00, v44  }
0x1bc: {  	[tilespmem:s16+$0x10CE0] =	vst v43;
	v2 =	vadd.f32 v38, v38;
	v48 =	vadd.f32 $-1.000000000e+00, v46  }
0x1bd: {  	v1 =	vadd.f32 v39, v39;
	v0 =	vadd.f32 $-1.000000000e+00, v47;
	[tilespmem:s16+$0x10CC0] =	vst v3  }
0x1be: {  	v5 =	vadd.f32 v40, v40;
	v2 =	vadd.f32 $-1.000000000e+00, v2;
	[tilespmem:s16+$0x10C90] =	vst v48;
	v49 =	vpop (erf)  }
0x1bf: {  	v1 =	vadd.f32 $-1.000000000e+00, v1;
	[tilespmem:s16+$0x10C40] =	vst v0;
	v50 =	vpop (erf);
	v51 =	vadd.f32 v49, v49  }
0x1c0: {  	v5 =	vadd.f32 $-1.000000000e+00, v5;
	[tilespmem:s16+$0x10C50] =	vst v2;
	v52 =	vpop (erf);
	v53 =	vadd.f32 v50, v50  }
0x1c1: {  	[tilespmem:s16+$0x10C00] =	vst v1;
	v54 =	vpop (erf);
	v0 =	vadd.f32 $-1.000000000e+00, v51;
	v3 =	vadd.f32 v52, v52  }
0x1c2: {  	[tilespmem:s16+$0x10C20] =	vst v5;
	v55 =	vadd.f32 v54, v54;
	v2 =	vadd.f32 $-1.000000000e+00, v53;
	v56 =	vpop (erf)  }
0x1c3: {  	s15 =	sadd.s32 $0x1, s15;
	[tilespmem:s16+$0x10CB0] =	vst v0;
	v58 =	vadd.f32 v56, v56;
	v60 =	vadd.f32 $-1.000000000e+00, v3;
	v59 =	vpop (erf)  }
0x1c4: {  	p0 =	sne.s32 s15, $0x8;
	v57 =	vadd.f32 $-1.000000000e+00, v55;
	[tilespmem:s16+$0x10CD0] =	vst v2;
	v61 =	vadd.f32 v59, v59  }
.Ltmp3:
0x1c5: {  	v62 =	vadd.f32 $-1.000000000e+00, v58;
	[tilespmem:s16+$0x10C80] =	vst v60;
	(pc) =	sbr.rel @p0 .LBB2_2-.Ltmp3, $4  }
0x1c6: {  	[tilespmem:s16+$0x10CA0] =	vst v57;
	v63 =	vadd.f32 $-1.000000000e+00, v61  }
0x1c7: {  	[tilespmem:s16+$0x10C10] =	vst v62  }
0x1c8: {  	[tilespmem:s16+$0x10C60] =	vst v63  }
0x1c9: {  	[hbm4b:s17+s3] =	stream.linear.scatter [tilespmem:s10], [sflag:$0x6], $0x8000, $0x38;
	[tilespmem:$0x18C00] =	vst v63  }
0x1ca: {  	s15 =	simm.s32 $0x5  }
0x1cb: {  	_ =	swait.ge [sflag:s15], $0x8000  }
0x1cc: {  	[sflag:s15] =	ssyncset.done $0x0  }
0x1cd: {  	[sflag:s15] =	ssyncadd.s32 $0xFFFF8000  }
0x1ce: {  	_ =	swait.ge [sflag:s1], $0x8000  }
0x1cf: {  	[sflag:s1] =	ssyncset.done $0x0  }
0x1d0: {  	s15 =	simm.s32 $0x0;
	[sflag:s1] =	ssyncadd.s32 $0xFFFF8000  }
0x1d1: {  	v0 =	vld [tilespmem:s15+$0xC30]  }
0x1d2: {  	v1 =	vld [tilespmem:s15+$0xCF0]  }
0x1d3: {  	v2 =	vld [tilespmem:s15+$0xCE0]  }
0x1d4: {  	v3 =	vld [tilespmem:s15+$0xCC0]  }
0x1d5: {  	v6 =	vld [tilespmem:s15+$0xC00];
	_ =	sdelay $0x1  }
0x1d6: {  	v4 =	vld [tilespmem:s15+$0xC70]  }
0x1d7: {  	v0 =	vmul.f32 $-2.000000000e+00, v0;
	v1 =	vmul.f32 $-2.000000000e+00, v1  }
0x1d8: {  	v5 =	vld [tilespmem:s15+$0xC40];
	v2 =	vmul.f32 $-2.000000000e+00, v2;
	v3 =	vmul.f32 $-2.000000000e+00, v3  }
0x1d9: {  	v6 =	vmul.f32 $-2.000000000e+00, v6;
	v0 =	vmul.f32 $1.442695020e+00, v0  }
0x1da: {  	v7 =	vld [tilespmem:s15+$0xC50];
	v1 =	vmul.f32 $1.442695020e+00, v1;
	v2 =	vmul.f32 $1.442695020e+00, v2  }
0x1db: {  	v8 =	vld [tilespmem:s15+$0xC20];
	(erf) = vpow2.f32 v0;
	v0 =	vmul.f32 $-2.000000000e+00, v4  }
0x1dc: {  	(erf) = vpow2.f32 v2;
	v2 =	vmul.f32 $1.442695020e+00, v3;
	v3 =	vld [tilespmem:s15+$0xC90]  }
0x1dd: {  	v4 =	vmul.f32 $-2.000000000e+00, v5;
	v5 =	vld [tilespmem:s15+$0xCB0];
	v0 =	vmul.f32 $1.442695020e+00, v0  }
0x1de: {  	v6 =	vmul.f32 $1.442695020e+00, v6;
	(erf) = vpow2.f32 v1  }
0x1df: {  	v1 =	vmul.f32 $-2.000000000e+00, v7;
	(erf) = vpow2.f32 v0  }
0x1e0: {  	v4 =	vmul.f32 $1.442695020e+00, v4;
	v0 =	vmul.f32 $-2.000000000e+00, v8  }
0x1e1: {  	v1 =	vmul.f32 $1.442695020e+00, v1;
	v3 =	vmul.f32 $-2.000000000e+00, v3  }
0x1e2: {  	(erf) = vpow2.f32 v6;
	v5 =	vmul.f32 $-2.000000000e+00, v5;
	v6 =	vld [tilespmem:s15+$0xCA0]  }
0x1e3: {  	(erf) = vpow2.f32 v2;
	v3 =	vmul.f32 $1.442695020e+00, v3  }
0x1e4: {  	v2 =	vld [tilespmem:s15+$0xCD0];
	v0 =	vmul.f32 $1.442695020e+00, v0;
	(erf) = vpow2.f32 v1  }
0x1e5: {  	v5 =	vmul.f32 $1.442695020e+00, v5;
	(erf) = vpow2.f32 v4;
	v1 =	vpop (erf)  }
0x1e6: {  	v7 =	vld [tilespmem:s15+$0xC80];
	v4 =	vpop (erf);
	(erf) = vpow2.f32 v3  }
0x1e7: {  	v1 =	vadd.f32 $1.000000000e+00, v1;
	(erf) = vpow2.f32 v5;
	v5 =	vmul.f32 $-2.000000000e+00, v6;
	v6 =	vld [tilespmem:s15+$0xC60];
	v3 =	vpop (erf)  }
0x1e8: {  	(erf) = vpow2.f32 v0;
	v3 =	vadd.f32 $1.000000000e+00, v3;
	v0 =	vpop (erf)  }
0x1e9: {  	v8 =	vld [tilespmem:s15+$0xC10];
	v2 =	vmul.f32 $-2.000000000e+00, v2;
	(erf) = vrcp.f32 v1;
	v0 =	vadd.f32 $1.000000000e+00, v0  }
0x1ea: {  	v1 =	vadd.f32 $1.000000000e+00, v4;
	v4 =	vmul.f32 $1.442695020e+00, v5;
	(erf) = vrcp.f32 v3  }
0x1eb: {  	v5 =	vmul.f32 $-2.000000000e+00, v7;
	(erf) = vrcp.f32 v0  }
0x1ec: {  	v3 =	vpop (erf);
	(erf) = vrcp.f32 v1;
	v1 =	vmul.f32 $-2.000000000e+00, v6  }
0x1ed: {  	v7 =	vmul.f32 $1.442695020e+00, v2;
	v2 =	vpop (erf)  }
0x1ee: {  	v6 =	vmul.f32 $1.442695020e+00, v5;
	v5 =	vmul.f32 $-2.000000000e+00, v8;
	v9 =	vpop (erf)  }
0x1ef: {  	v0 =	vadd.f32 $1.000000000e+00, v3;
	(erf) = vpow2.f32 v4;
	v3 =	vadd.f32 $1.000000000e+00, v2;
	v2 =	vpop (erf)  }
0x1f0: {  	(erf) = vpow2.f32 v7;
	v8 =	vadd.f32 $1.000000000e+00, v2;
	v2 =	vmul.f32 $1.442695020e+00, v1;
	v1 =	vpop (erf)  }
0x1f1: {  	v5 =	vmul.f32 $1.442695020e+00, v5;
	v4 =	vadd.f32 $1.000000000e+00, v9;
	(erf) = vpow2.f32 v6;
	v7 =	vpop (erf)  }
0x1f2: {  	s16 =	simm.s32 $0x400;
	v6 =	vadd.f32 $1.000000000e+00, v1;
	v1 =	vadd.f32 $1.000000000e+00, v7;
	v7 =	vpop (erf);
	(erf) = vrcp.f32 v8  }
.LBB2_10:
0x1f3: {  	p0 =	sne.s32 s16, $0x1FC00;
	v7 =	vadd.f32 $1.000000000e+00, v7;
	v8 =	vpop (erf);
	(erf) = vrcp.f32 v3;
	s17 =	smov.u32 s16;
	s16 =	sadd.s32 $0x400, s16  }
0x1f4: {  	v3 =	vadd.f32 v8, v8;
	(erf) = vrcp.f32 v6;
	v6 =	vpop (erf)  }
0x1f5: {  	(erf) = vpow2.f32 v5;
	v5 =	vpop (erf)  }
0x1f6: {  	v3 =	vadd.f32 $-1.000000000e+00, v3;
	(erf) = vrcp.f32 v4;
	v4 =	vpop (erf)  }
0x1f7: {  	v8 =	vadd.f32 v6, v6;
	v4 =	vadd.f32 v4, v4;
	(erf) = vrcp.f32 v0  }
0x1f8: {  	[tilespmem:s15+$0xC30] =	vst v3;
	(erf) = vrcp.f32 v7;
	v0 =	vpop (erf)  }
0x1f9: {  	v3 =	vadd.f32 v5, v5;
	v7 =	vadd.f32 $-1.000000000e+00, v8;
	(erf) = vpow2.f32 v2;
	v2 =	vpop (erf)  }
0x1fa: {  	v4 =	vadd.f32 $-1.000000000e+00, v4;
	v2 =	vadd.f32 $1.000000000e+00, v2;
	v6 =	vpop (erf)  }
0x1fb: {  	v8 =	vadd.f32 $-1.000000000e+00, v3;
	v9 =	vadd.f32 $1.000000000e+00, v6;
	[tilespmem:s15+$0xCF0] =	vst v7;
	v5 =	vpop (erf);
	(erf) = vrcp.f32 v1  }
0x1fc: {  	s17 =	sshra.s32 s17, $0x2;
	v0 =	vadd.f32 $1.000000000e+00, v0;
	[tilespmem:s15+$0xCE0] =	vst v4;
	v1 =	vpop (erf);
	(erf) = vrcp.f32 v2  }
0x1fd: {  	v2 =	vld [tilespmem:s17+$0xC30];
	[tilespmem:s15+$0xC70] =	vst v8;
	v1 =	vadd.f32 v1, v1;
	(erf) = vrcp.f32 v9;
	v3 =	vpop (erf)  }
0x1fe: {  	v5 =	vadd.f32 v5, v5;
	v4 =	vld [tilespmem:s17+$0xCF0];
	v3 =	vadd.f32 v3, v3;
	v6 =	vpop (erf);
	(erf) = vrcp.f32 v0  }
0x1ff: {  	v0 =	vld [tilespmem:s17+$0xCE0];
	v6 =	vadd.f32 $1.000000000e+00, v6;
	v10 =	vadd.f32 $-1.000000000e+00, v1;
	v7 =	vpop (erf)  }
0x200: {  	v7 =	vadd.f32 v7, v7;
	v11 =	vadd.f32 $-1.000000000e+00, v3;
	v8 =	vpop (erf)  }
0x201: {  	v5 =	vadd.f32 $-1.000000000e+00, v5;
	v9 =	vld [tilespmem:s17+$0xC70];
	v8 =	vadd.f32 v8, v8;
	[tilespmem:s15+$0xCC0] =	vst v10;
	(erf) = vrcp.f32 v6;
	v1 =	vpop (erf)  }
0x202: {  	v2 =	vmul.f32 $-2.000000000e+00, v2;
	v6 =	vld [tilespmem:s17+$0xCC0];
	v1 =	vadd.f32 v1, v1;
	v12 =	vadd.f32 $-1.000000000e+00, v7;
	[tilespmem:s15+$0xC90] =	vst v11;
	v3 =	vpop (erf)  }
0x203: {  	v10 =	vld [tilespmem:s17+$0xC90];
	v4 =	vmul.f32 $-2.000000000e+00, v4;
	v8 =	vadd.f32 $-1.000000000e+00, v8;
	[tilespmem:s15+$0xC40] =	vst v5;
	v13 =	vadd.f32 $1.000000000e+00, v3  }
0x204: {  	v2 =	vmul.f32 $1.442695020e+00, v2;
	v5 =	vld [tilespmem:s17+$0xC40];
	v0 =	vmul.f32 $-2.000000000e+00, v0;
	v1 =	vadd.f32 $-1.000000000e+00, v1;
	[tilespmem:s15+$0xC50] =	vst v12;
	v7 =	vpop (erf)  }
0x205: {  	v11 =	vld [tilespmem:s17+$0xC50];
	v4 =	vmul.f32 $1.442695020e+00, v4;
	[tilespmem:s15+$0xC00] =	vst v8;
	v14 =	vadd.f32 v7, v7;
	(erf) = vrcp.f32 v13;
	v3 =	vpop (erf)  }
0x206: {  	v8 =	vld [tilespmem:s17+$0xC00];
	v0 =	vmul.f32 $1.442695020e+00, v0;
	[tilespmem:s15+$0xC20] =	vst v1;
	v1 =	vadd.f32 v3, v3;
	v3 =	vpop (erf)  }
0x207: {  	v12 =	vld [tilespmem:s17+$0xC20];
	v6 =	vmul.f32 $-2.000000000e+00, v6;
	(erf) = vpow2.f32 v2;
	v2 =	vadd.f32 $-1.000000000e+00, v14;
	v7 =	vpop (erf)  }
0x208: {  	v13 =	vmul.f32 $-2.000000000e+00, v9;
	(erf) = vpow2.f32 v0;
	v0 =	vadd.f32 v3, v3  }
0x209: {  	v1 =	vadd.f32 $-1.000000000e+00, v1;
	v3 =	vmul.f32 $1.442695020e+00, v6;
	v6 =	vadd.f32 v7, v7;
	[tilespmem:s15+$0xCB0] =	vst v2  }
0x20a: {  	v2 =	vmul.f32 $-2.000000000e+00, v5;
	v5 =	vmul.f32 $1.442695020e+00, v13;
	v7 =	vld [tilespmem:s17+$0xCB0];
	v9 =	vpop (erf)  }
0x20b: {  	v8 =	vmul.f32 $-2.000000000e+00, v8;
	(erf) = vpow2.f32 v4;
	v4 =	vadd.f32 $-1.000000000e+00, v6;
	[tilespmem:s15+$0xCD0] =	vst v1  }
0x20c: {  	v6 =	vmul.f32 $-2.000000000e+00, v11;
	v11 =	vadd.f32 $-1.000000000e+00, v0;
	v1 =	vmul.f32 $-2.000000000e+00, v12  }
0x20d: {  	v8 =	vmul.f32 $1.442695020e+00, v8;
	(erf) = vpow2.f32 v5;
	v5 =	vadd.f32 v9, v9;
	[tilespmem:s15+$0xCA0] =	vst v4  }
0x20e: {  	v2 =	vmul.f32 $1.442695020e+00, v2;
	v4 =	vmul.f32 $1.442695020e+00, v6;
	[tilespmem:s15+$0xC80] =	vst v11;
	v0 =	vpop (erf)  }
0x20f: {  	v6 =	vmul.f32 $-2.000000000e+00, v7;
	(erf) = vpow2.f32 v8;
	v0 =	vadd.f32 v0, v0  }
0x210: {  	v7 =	vmul.f32 $-2.000000000e+00, v10;
	v8 =	vld [tilespmem:s17+$0xCA0];
	v9 =	vpop (erf);
	(erf) = vpow2.f32 v3;
	v3 =	vadd.f32 $-1.000000000e+00, v5  }
0x211: {  	v5 =	vadd.f32 $1.000000000e+00, v9;
	v6 =	vmul.f32 $1.442695020e+00, v6;
	v9 =	vld [tilespmem:s17+$0xCD0];
	v10 =	vpop (erf);
	v0 =	vadd.f32 $-1.000000000e+00, v0  }
0x212: {  	v7 =	vmul.f32 $1.442695020e+00, v7;
	v10 =	vadd.f32 $1.000000000e+00, v10;
	(erf) = vpow2.f32 v4;
	[tilespmem:s15+$0xC10] =	vst v3  }
0x213: {  	v3 =	vld [tilespmem:s17+$0xC80];
	(erf) = vpow2.f32 v2;
	[tilespmem:s15+$0xC60] =	vst v0;
	s15 =	smov.u32 s17  }
0x214: {  	v11 =	vmul.f32 $1.442695020e+00, v1;
	(erf) = vpow2.f32 v7;
	v1 =	vpop (erf)  }
0x215: {  	v2 =	vmul.f32 $-2.000000000e+00, v8;
	v1 =	vadd.f32 $1.000000000e+00, v1;
	(erf) = vpow2.f32 v6  }
0x216: {  	v4 =	vld [tilespmem:s15+$0xC60];
	v6 =	vmul.f32 $-2.000000000e+00, v9;
	(erf) = vpow2.f32 v11;
	v0 =	vpop (erf)  }
0x217: {  	v7 =	vld [tilespmem:s15+$0xC10];
	v8 =	vadd.f32 $1.000000000e+00, v0;
	v2 =	vmul.f32 $1.442695020e+00, v2;
	(erf) = vrcp.f32 v5  }
0x218: {  	v5 =	vmul.f32 $1.442695020e+00, v6;
	v0 =	vpop (erf);
	(erf) = vrcp.f32 v1  }
0x219: {  	v1 =	vmul.f32 $-2.000000000e+00, v3;
	v0 =	vadd.f32 $1.000000000e+00, v0;
	(erf) = vrcp.f32 v8;
	v3 =	vpop (erf)  }
0x21a: {  	v3 =	vadd.f32 $1.000000000e+00, v3;
	(erf) = vrcp.f32 v10  }
.Ltmp4:
0x21b: {  	v10 =	vmul.f32 $1.442695020e+00, v1;
	v4 =	vmul.f32 $-2.000000000e+00, v4;
	v6 =	vpop (erf);
	(pc) =	sbr.rel @p0 .LBB2_10-.Ltmp4, $4  }
0x21c: {  	v11 =	vmul.f32 $-2.000000000e+00, v7;
	v8 =	vpop (erf);
	(erf) = vpow2.f32 v2  }
0x21d: {  	v8 =	vadd.f32 $1.000000000e+00, v8;
	v2 =	vmul.f32 $1.442695020e+00, v4;
	v9 =	vpop (erf);
	(erf) = vpow2.f32 v5  }
0x21e: {  	v4 =	vadd.f32 $1.000000000e+00, v6;
	v5 =	vmul.f32 $1.442695020e+00, v11;
	(erf) = vpow2.f32 v10;
	v1 =	vpop (erf)  }
0x21f: {  	v6 =	vadd.f32 $1.000000000e+00, v9;
	v1 =	vadd.f32 $1.000000000e+00, v1;
	v7 =	vpop (erf);
	(erf) = vrcp.f32 v8  }
0x220: {  	(erf) = vrcp.f32 v3  }
0x221: {  	v30 =	vpop (erf);
	(erf) = vrcp.f32 v6  }
0x222: {  	v31 =	vpop (erf);
	(erf) = vpow2.f32 v5  }
0x223: {  	v32 =	vadd.f32 $1.000000000e+00, v7;
	v33 =	vpop (erf);
	(erf) = vrcp.f32 v4  }
0x224: {  	v34 =	vpop (erf);
	(erf) = vrcp.f32 v0  }
0x225: {  	(erf) = vrcp.f32 v32;
	v35 =	vpop (erf)  }
0x226: {  	(erf) = vpow2.f32 v2;
	v36 =	vpop (erf)  }
0x227: {  	v37 =	vpop (erf)  }
0x228: {  	v8 =	vpop (erf)  }
0x229: {  	v9 =	vpop (erf)  }
0x22a: {  	v10 =	vpop (erf)  }
0x22b: {  	v3 =	vadd.f32 v30, v30;
	v11 =	vpop (erf)  }
0x22c: {  	v6 =	vadd.f32 v31, v31;
	v2 =	vadd.f32 $1.000000000e+00, v36;
	v38 =	vpop (erf)  }
0x22d: {  	v3 =	vadd.f32 $-1.000000000e+00, v3;
	v5 =	vadd.f32 $1.000000000e+00, v37;
	(erf) = vrcp.f32 v1;
	v39 =	vpop (erf)  }
0x22e: {  	v7 =	vadd.f32 v33, v33;
	v0 =	vadd.f32 $1.000000000e+00, v35;
	(erf) = vrcp.f32 v2;
	v40 =	vpop (erf)  }
0x22f: {  	v4 =	vadd.f32 v34, v34;
	v41 =	vadd.f32 $1.000000000e+00, v11;
	(erf) = vrcp.f32 v5;
	v42 =	vpop (erf)  }
0x230: {  	v6 =	vadd.f32 $-1.000000000e+00, v6;
	(erf) = vrcp.f32 v0;
	v11 =	vadd.f32 $1.000000000e+00, v42  }
0x231: {  	[tilespmem:s15+$0xC30] =	vst v3;
	v45 =	vadd.f32 $-1.000000000e+00, v7;
	v44 =	vadd.f32 v9, v9;
	(erf) = vrcp.f32 v41  }
0x232: {  	v43 =	vadd.f32 $-1.000000000e+00, v4;
	[tilespmem:s15+$0xCF0] =	vst v6;
	v46 =	vadd.f32 v10, v10;
	(erf) = vrcp.f32 v11  }
0x233: {  	[tilespmem:s15+$0xC70] =	vst v45;
	v47 =	vadd.f32 v8, v8;
	v3 =	vadd.f32 $-1.000000000e+00, v44  }
0x234: {  	[tilespmem:s15+$0xCE0] =	vst v43;
	v1 =	vadd.f32 v38, v38;
	v48 =	vadd.f32 $-1.000000000e+00, v46  }
0x235: {  	v2 =	vadd.f32 v39, v39;
	v0 =	vadd.f32 $-1.000000000e+00, v47;
	[tilespmem:s15+$0xCC0] =	vst v3  }
0x236: {  	v5 =	vadd.f32 v40, v40;
	v1 =	vadd.f32 $-1.000000000e+00, v1;
	[tilespmem:s15+$0xC90] =	vst v48;
	v49 =	vpop (erf)  }
0x237: {  	v2 =	vadd.f32 $-1.000000000e+00, v2;
	[tilespmem:s15+$0xC40] =	vst v0;
	v50 =	vpop (erf);
	v51 =	vadd.f32 v49, v49  }
0x238: {  	v5 =	vadd.f32 $-1.000000000e+00, v5;
	[tilespmem:s15+$0xC50] =	vst v1;
	v52 =	vpop (erf);
	v53 =	vadd.f32 v50, v50  }
0x239: {  	[tilespmem:s15+$0xC00] =	vst v2;
	v54 =	vpop (erf);
	v0 =	vadd.f32 $-1.000000000e+00, v51;
	v3 =	vadd.f32 v52, v52  }
0x23a: {  	[tilespmem:s15+$0xC20] =	vst v5;
	v55 =	vadd.f32 v54, v54;
	v1 =	vadd.f32 $-1.000000000e+00, v53;
	v56 =	vpop (erf)  }
0x23b: {  	[tilespmem:s15+$0xCB0] =	vst v0;
	v58 =	vadd.f32 v56, v56;
	v60 =	vadd.f32 $-1.000000000e+00, v3;
	v59 =	vpop (erf)  }
0x23c: {  	v57 =	vadd.f32 $-1.000000000e+00, v55;
	[tilespmem:s15+$0xCD0] =	vst v1;
	v61 =	vadd.f32 v59, v59  }
0x23d: {  	v62 =	vadd.f32 $-1.000000000e+00, v58;
	[tilespmem:s15+$0xC80] =	vst v60  }
0x23e: {  	[tilespmem:s15+$0xCA0] =	vst v57;
	v63 =	vadd.f32 $-1.000000000e+00, v61  }
0x23f: {  	[tilespmem:s15+$0xC10] =	vst v62  }
0x240: {  	s19 =	rddreg [dreg:$0x4];
	s20 =	simm.s32 $0x6;
	[tilespmem:s15+$0xC60] =	vst v63  }
0x241: {  	[hbm4b:s19+s3] =	stream.linear.scatter [tilespmem:s14], [sflag:$0x4], $0x8000, $0x38;
	[tilespmem:$0x18C00] =	vst v63  }
0x242: {  	_ =	swait.ge [sflag:s20], $0x8000  }
0x243: {  	[sflag:s20] =	ssyncset.done $0x0  }
0x244: {  	[sflag:s20] =	ssyncadd.s32 $0xFFFF8000  }
0x245: {  	_ =	swait.ge [sflag:s11], $0x8000  }
0x246: {  	s16 =	rddreg [dreg:$0x6]  }
0x247: {  	s21 =	rddreg [dreg:$0x5];
	s16 =	sadd.s32 $0x1, s16  }
0x248: {  	p0 =	sne.s32 s16, s21  }
.Ltmp5:
0x249: {  	_ = 	snop;
	(pc) =	sbr.rel @p0 .LBB2_1-.Ltmp5, $3  }
0x24a: {  	_ =	sdelay $0x1  }
0x24b: {  	[sflag:s11] =	ssyncset.done $0x0  }
0x24c: {  	[sflag:s11] =	ssyncadd.s32 $0xFFFF8000  }
0x24d: {  	_ =	sfence.sel $0x180000  }
0x24e: {  	[bflag:$0x0] =	sbarrier.arrive $0xFFFF  }
0x24f: {  	_ =	strace $0x90000047  }
0x250: {  	s0 =	stileid.u32;
	[bflag:$0x2] =	sbarrier.arrive $0xFFFF  }
0x251: {  	p0 =	sne.s32 s0, $0x0;
	s0 =	rddreg [dreg:$0x2]  }
0x252: {  	s0 =	sadd.s32 @!p0 $0x100000, s0  }
0x253: {  	[sflag:s0] =	ssyncadd.tile.s32 @!p0 $0x1;
	_ =	shalt  }
.Lfunc_end2:
_tile_overlayer_lowered:
.L_overlay_start_2:
0x254: {  	(tag) =	ssettag $0x2  }
0x255: {  	s0 =	rddreg [dreg:$0x0];
	s2 =	stileid.u32  }
0x256: {  	s1 =	rddreg [dreg:$0x1];
	p0 =	sne.s32 s2, $0x0  }
0x257: {  	s3 =	rddreg [dreg:$0x2];
	[bflag:$0x3] =	sbarrier.arrive $0xFFFF;
	s2 =	simm.s32 @!p0 $0x1C07  }
0x258: {  	[timem:s3], [sflag:s2] =	dma.local @!p0 [hbm:s0], s1  }
0x259: {  	s0 =	simm.s32 @!p0 $0x7  }
0x25a: {  	_ =	swait.ge @!p0 [sflag:s0], s1  }
0x25b: {  	s1 =	ssub.s32 @!p0 $0x0, s1;
	[sflag:s0] =	ssyncset.done @!p0 $0x0  }
0x25c: {  	[sflag:s0] =	ssyncadd.s32 @!p0 s1  }
0x25d: {  	[bflag:$0x3] =	sbarrier.arrive $0xFFFF  }
0x25e: {  	_ =	shalt  }

</sc_bundles>
